<compile_context>
chip_gen: v7x
topology: tpu7x:2x2x1
jax: 0.10.2.dev20260603
libtpu: 0.0.44.dev20260713+nightly
codegen_flags: <defaults>
</compile_context>

<pallas_src>
import functools

import jax
import jax.numpy as jnp
from jax import lax
from jax.experimental import pallas as pl
from jax.experimental.pallas import tpu as pltpu
from jax.experimental.pallas import tpu_sc as plsc

N_NODES = 10000
N_EDGES = 320000
D_EDGE = 16
N_PAD = 10240

NC = 2
NS = 16
NW = NC * NS

ET = 128
T_TOTAL = N_EDGES // ET
TQ = 10
CHUNK_E = TQ * ET
N_CHUNKS = T_TOTAL // TQ
MAX_ROUNDS = -(-N_CHUNKS // NW)
RPS = N_PAD // NS

_mesh = plsc.VectorSubcoreMesh(core_axis_name="c", subcore_axis_name="s")


@functools.partial(
    pl.kernel,
    out_type=jax.ShapeDtypeStruct((NC, N_PAD, D_EDGE), jnp.float32),
    mesh=_mesh,
    compiler_params=pltpu.CompilerParams(use_tc_tiling_on_sc=False,
                                         needs_layout_passes=False),
    scratch_types=[
        pltpu.VMEM((TQ, ET), jnp.int32),
        pltpu.VMEM((TQ, ET), jnp.int32),
        pltpu.VMEM((TQ, 8, ET), jnp.float32),
        pltpu.VMEM((TQ, 8, ET), jnp.float32),
        pltpu.VMEM((TQ, 8, ET), jnp.float32),
        pltpu.VMEM((TQ, 8, ET), jnp.float32),
        pltpu.VMEM((CHUNK_E, D_EDGE), jnp.float32),
        pltpu.VMEM((CHUNK_E, D_EDGE), jnp.float32),
        pltpu.VMEM((RPS, D_EDGE), jnp.float32),
        pltpu.VMEM_SHARED((N_PAD, D_EDGE), jnp.float32),
        pltpu.SemaphoreType.DMA,
        pltpu.SemaphoreType.DMA,
        pltpu.SemaphoreType.DMA,
    ],
)
def _scatter_partials(eidx, att, partials, idx_v0, idx_v1, sa0, sa1, sb0, sb1,
                      tb0, tb1, zbuf, acc, sem_l0, sem_l1, sem_s):
    c = lax.axis_index("c")
    s = lax.axis_index("s")
    w = s * NC + c
    sem_l = (sem_l0, sem_l1)
    idx_v = (idx_v0, idx_v1)
    slab = ((sa0, sb0), (sa1, sb1))
    tbuf = (tb0, tb1)

    zero16 = jnp.zeros((D_EDGE,), jnp.float32)

    def _zero(i, carry):
        zbuf[i, :] = zero16
        return carry

    lax.fori_loop(0, RPS, _zero, 0)
    pltpu.sync_copy(zbuf, acc.at[pl.ds(s * RPS, RPS), :])
    plsc.subcore_barrier()

    iota16 = lax.iota(jnp.int32, 16)

    def _fire_loads(rnd, buf):
        t = rnd * NW + w

        @pl.when(t < N_CHUNKS)
        def _():
            t0 = t * TQ
            pltpu.async_copy(eidx.at[1, pl.ds(t0, TQ), :], idx_v[buf],
                             sem_l[buf])
            pltpu.async_copy(att.at[pl.ds(t0, TQ), :, :],
                             slab[buf][0], sem_l[buf])
            pltpu.async_copy(att.at[pl.ds(T_TOTAL + t0, TQ), :, :],
                             slab[buf][1], sem_l[buf])

    def _wait_loads(buf):
        pltpu.make_async_copy(eidx.at[1, pl.ds(0, TQ), :],
                              idx_v[buf], sem_l[buf]).wait()
        pltpu.make_async_copy(att.at[pl.ds(0, TQ), :, :],
                              slab[buf][0], sem_l[buf]).wait()
        pltpu.make_async_copy(att.at[pl.ds(0, TQ), :, :],
                              slab[buf][1], sem_l[buf]).wait()

    def _detile(buf):
        for a in range(2):
            sl = slab[buf][a]
            tb = tbuf[buf]

            def _blk(u, carry):
                t = u // 8
                b = u - t * 8
                fcol = jnp.full((16,), 8 * a + b, jnp.int32)
                for k in range(8):
                    v = sl[t, b, pl.ds(k * 16, 16)]
                    rows = iota16 + (t * ET + k * 16)
                    plsc.store_scatter(tb, [rows, fcol], v)
                return carry

            lax.fori_loop(0, TQ * 8, _blk, 0)

    def _fire_scatters(buf):
        def _scat(q, carry):
            pltpu.async_copy(tbuf[buf].at[pl.ds(q * ET, ET), :],
                             acc.at[idx_v[buf].at[q]], sem_s, add=True)
            return carry

        lax.fori_loop(0, TQ, _scat, 0)

    def _drain_scatters(buf):
        pltpu.make_async_copy(att.at[pl.ds(0, TQ), :, :],
                              tbuf[buf], sem_s).wait()

    _fire_loads(0, 0)
    for rnd in range(MAX_ROUNDS):
        b = rnd % 2
        t = rnd * NW + w

        @pl.when(t < N_CHUNKS)
        def _():
            _wait_loads(b)
            _detile(b)

        if rnd > 0:
            tp = (rnd - 1) * NW + w

            @pl.when(tp < N_CHUNKS)
            def _():
                _drain_scatters(1 - b)

        if rnd + 1 < MAX_ROUNDS:
            _fire_loads(rnd + 1, 1 - b)

        @pl.when(t < N_CHUNKS)
        def _():
            _fire_scatters(b)

    tl = (MAX_ROUNDS - 1) * NW + w

    @pl.when(tl < N_CHUNKS)
    def _():
        _drain_scatters((MAX_ROUNDS - 1) % 2)

    plsc.subcore_barrier()
    pltpu.sync_copy(acc.at[pl.ds(s * RPS, RPS), :],
                    partials.at[c, pl.ds(s * RPS, RPS), :])


CW = 25
CR = N_NODES // CW


@functools.partial(
    pl.kernel,
    out_type=jax.ShapeDtypeStruct((N_NODES, D_EDGE), jnp.float32),
    mesh=_mesh,
    compiler_params=pltpu.CompilerParams(use_tc_tiling_on_sc=False),
    scratch_types=[
        pltpu.VMEM((CR, D_EDGE), jnp.float32),
        pltpu.VMEM((CR, D_EDGE), jnp.float32),
        pltpu.SemaphoreType.DMA,
    ],
)
def _combine(partials, out, a_v, b_v, sem):
    c = lax.axis_index("c")
    s = lax.axis_index("s")
    w = s * NC + c

    @pl.when(w < CW)
    def _():
        r0 = w * CR
        pltpu.async_copy(partials.at[0, pl.ds(r0, CR), :], a_v, sem)
        pltpu.async_copy(partials.at[1, pl.ds(r0, CR), :], b_v, sem)
        pltpu.make_async_copy(partials.at[0, pl.ds(r0, CR), :], a_v, sem).wait()
        pltpu.make_async_copy(partials.at[1, pl.ds(r0, CR), :], b_v, sem).wait()

        def _add(i, carry):
            a_v[i, :] = a_v[i, :] + b_v[i, :]
            return carry

        lax.fori_loop(0, CR, _add, 0)
        pltpu.sync_copy(a_v, out.at[pl.ds(r0, CR), :])


def kernel(x, edge_index, edge_attr, u, batch):
    eidx = edge_index.astype(jnp.int32).reshape(2, T_TOTAL, ET)
    att = (edge_attr.T.reshape(2, 8, T_TOTAL, ET)
           .transpose(0, 2, 1, 3).reshape(2 * T_TOTAL, 8, ET))
    partials = _scatter_partials(eidx, att)
    return _combine(partials)

# --- scband reference (transcript-rebuilt; emitter-appended) ---
"""Pipeline reference for scband-node-update-63668595196292 (READ-ONLY COPY).

The authoritative reference and input builder live on the scoring server;
editing this copy changes nothing except your own understanding.
"""

import jax, jax.numpy as jnp
import numpy as np

N_NODES = 10000
N_EDGES = 320000
D_FEAT = 128
D_EDGE = 16
N_GRAPHS = 64

def setup_inputs(seed: int = 0) -> dict:
    key = jax.random.key(seed)
    k1, k2, k3, k4, k5 = jax.random.split(key, 5)
    x = jax.random.normal(k1, (N_NODES, D_FEAT), dtype=jnp.float32)
    edge_index = jax.random.randint(k2, (2, N_EDGES), 0, N_NODES, dtype=jnp.int64)
    edge_attr = jax.random.normal(k3, (N_EDGES, D_EDGE), dtype=jnp.float32)
    u = jax.random.normal(k4, (N_GRAPHS, D_FEAT), dtype=jnp.float32)
    batch = jnp.sort(jax.random.randint(k5, (N_NODES,), 0, N_GRAPHS, dtype=jnp.int64))
    return {"x": x, "edge_index": edge_index, "edge_attr": edge_attr, "u": u, "batch": batch}

def reference(x, edge_index, edge_attr, u, batch):
    # NodeUpdate.forward: col = edge_index[1]; scatter-sum edge_attr by col over dim 0.
    # Output has one row per destination node (num_segments fixed to N = x.shape[0]).
    col = edge_index[1]
    out = jnp.zeros((x.shape[0], edge_attr.shape[1]), dtype=edge_attr.dtype).at[col].add(edge_attr)
    return out

if __name__ == "__main__":
    import jax
    _d = setup_inputs()
    print(jax.jit(kernel)(*tuple(_d.values())))

</pallas_src>

<mosaic_0001>
#map = affine_map<(d0, d1) -> (0, 0, 0)>
#map1 = affine_map<(d0, d1) -> (0, 0)>
module attributes {stable_mosaic.version = 14 : i64} {
  func.func @_combine(%arg0: i32, %arg1: i32, %arg2: memref<2x10240x16xf32, #tpu.memory_space<hbm>>, %arg3: memref<10000x16xf32, #tpu.memory_space<hbm>>, %arg4: memref<400x16xf32, #tpu.memory_space<vmem>>, %arg5: memref<400x16xf32, #tpu.memory_space<vmem>>, %arg6: memref<!tpu.dma_semaphore, #tpu.memory_space<semaphore_mem>>) attributes {dimension_semantics = [#tpu.dimension_semantics<core_parallel>, #tpu.dimension_semantics<subcore_parallel>], iteration_bounds = array<i64: 2, 16>, scalar_prefetch = 0 : i64, scratch_operands = 3 : i64, tpu.core_type = #tpu.core_type<sc_vector_subcore>, window_params = [{transform_indices = #map}, {transform_indices = #map1}]} {
    %mul3A = arith.constant 2 : i32
    %mul3A_0 = arith.muli %arg1, %mul3A : i32
    %add3A = arith.addi %mul3A_0, %arg0 : i32
    %lt3A = arith.constant 25 : i32
    %lt3A_1 = arith.cmpi slt, %add3A, %lt3A : i32
    %convert_element_type3A = arith.extui %lt3A_1 : i1 to i32
    %cond3A = arith.constant 0 : i32
    %cond3A_2 = arith.cmpi ne, %convert_element_type3A, %cond3A : i32
    scf.if %cond3A_2 {
      %mul3A_3 = arith.constant 400 : i32
      %mul3A_4 = arith.muli %add3A, %mul3A_3 : i32
      %dma_start3A = arith.constant 0 : i32
      %dma_start3A_5 = arith.constant 0 : i32
      %dma_start3A_6 = tpu.memref_slice %arg2[%dma_start3A, %mul3A_4, %dma_start3A_5] : memref<2x10240x16xf32, #tpu.memory_space<hbm>> -> memref<1x400x16xf32, #tpu.memory_space<hbm>>
      %dma_start3A_7 = tpu.memref_squeeze %dma_start3A_6 : memref<1x400x16xf32, #tpu.memory_space<hbm>> -> memref<400x16xf32, #tpu.memory_space<hbm>>
      %dma_start3A_8 = arith.constant 0 : i32
      %dma_start3A_9 = tpu.memref_slice %arg2[%dma_start3A, %mul3A_4, %dma_start3A_8] : memref<2x10240x16xf32, #tpu.memory_space<hbm>> -> memref<1x400x16xf32, #tpu.memory_space<hbm>>
      %dma_start3A_10 = tpu.memref_squeeze %dma_start3A_9 : memref<1x400x16xf32, #tpu.memory_space<hbm>> -> memref<400x16xf32, #tpu.memory_space<hbm>>
      tpu.enqueue_dma source(%dma_start3A_10 : memref<400x16xf32, #tpu.memory_space<hbm>>) target(%arg4 : memref<400x16xf32, #tpu.memory_space<vmem>>) target_semaphore(%arg6 : memref<!tpu.dma_semaphore, #tpu.memory_space<semaphore_mem>>)
      %dma_start3A_11 = arith.constant 1 : i32
      %dma_start3A_12 = arith.constant 0 : i32
      %dma_start3A_13 = tpu.memref_slice %arg2[%dma_start3A_11, %mul3A_4, %dma_start3A_12] : memref<2x10240x16xf32, #tpu.memory_space<hbm>> -> memref<1x400x16xf32, #tpu.memory_space<hbm>>
      %dma_start3A_14 = tpu.memref_squeeze %dma_start3A_13 : memref<1x400x16xf32, #tpu.memory_space<hbm>> -> memref<400x16xf32, #tpu.memory_space<hbm>>
      %dma_start3A_15 = arith.constant 0 : i32
      %dma_start3A_16 = tpu.memref_slice %arg2[%dma_start3A_11, %mul3A_4, %dma_start3A_15] : memref<2x10240x16xf32, #tpu.memory_space<hbm>> -> memref<1x400x16xf32, #tpu.memory_space<hbm>>
      %dma_start3A_17 = tpu.memref_squeeze %dma_start3A_16 : memref<1x400x16xf32, #tpu.memory_space<hbm>> -> memref<400x16xf32, #tpu.memory_space<hbm>>
      tpu.enqueue_dma source(%dma_start3A_17 : memref<400x16xf32, #tpu.memory_space<hbm>>) target(%arg5 : memref<400x16xf32, #tpu.memory_space<vmem>>) target_semaphore(%arg6 : memref<!tpu.dma_semaphore, #tpu.memory_space<semaphore_mem>>)
      %dma_wait3A = arith.constant 0 : i32
      %dma_wait3A_18 = arith.constant 0 : i32
      %dma_wait3A_19 = tpu.memref_slice %arg2[%dma_wait3A, %mul3A_4, %dma_wait3A_18] : memref<2x10240x16xf32, #tpu.memory_space<hbm>> -> memref<1x400x16xf32, #tpu.memory_space<hbm>>
      %dma_wait3A_20 = tpu.memref_squeeze %dma_wait3A_19 : memref<1x400x16xf32, #tpu.memory_space<hbm>> -> memref<400x16xf32, #tpu.memory_space<hbm>>
      %dma_wait3A_21 = arith.constant 0 : i32
      %dma_wait3A_22 = tpu.memref_slice %arg2[%dma_wait3A, %mul3A_4, %dma_wait3A_21] : memref<2x10240x16xf32, #tpu.memory_space<hbm>> -> memref<1x400x16xf32, #tpu.memory_space<hbm>>
      %dma_wait3A_23 = tpu.memref_squeeze %dma_wait3A_22 : memref<1x400x16xf32, #tpu.memory_space<hbm>> -> memref<400x16xf32, #tpu.memory_space<hbm>>
      tpu.wait_dma2 semaphore(%arg6 : memref<!tpu.dma_semaphore, #tpu.memory_space<semaphore_mem>>) src(%dma_wait3A_23 : memref<400x16xf32, #tpu.memory_space<hbm>>) dst(%arg4 : memref<400x16xf32, #tpu.memory_space<vmem>>)
      %dma_wait3A_24 = arith.constant 1 : i32
      %dma_wait3A_25 = arith.constant 0 : i32
      %dma_wait3A_26 = tpu.memref_slice %arg2[%dma_wait3A_24, %mul3A_4, %dma_wait3A_25] : memref<2x10240x16xf32, #tpu.memory_space<hbm>> -> memref<1x400x16xf32, #tpu.memory_space<hbm>>
      %dma_wait3A_27 = tpu.memref_squeeze %dma_wait3A_26 : memref<1x400x16xf32, #tpu.memory_space<hbm>> -> memref<400x16xf32, #tpu.memory_space<hbm>>
      %dma_wait3A_28 = arith.constant 0 : i32
      %dma_wait3A_29 = tpu.memref_slice %arg2[%dma_wait3A_24, %mul3A_4, %dma_wait3A_28] : memref<2x10240x16xf32, #tpu.memory_space<hbm>> -> memref<1x400x16xf32, #tpu.memory_space<hbm>>
      %dma_wait3A_30 = tpu.memref_squeeze %dma_wait3A_29 : memref<1x400x16xf32, #tpu.memory_space<hbm>> -> memref<400x16xf32, #tpu.memory_space<hbm>>
      tpu.wait_dma2 semaphore(%arg6 : memref<!tpu.dma_semaphore, #tpu.memory_space<semaphore_mem>>) src(%dma_wait3A_30 : memref<400x16xf32, #tpu.memory_space<hbm>>) dst(%arg5 : memref<400x16xf32, #tpu.memory_space<vmem>>)
      %scan3A = arith.constant 0 : i32
      %scan3A_31 = arith.constant 0 : i32
      %scan3A_32 = arith.constant 400 : i32
      %scan3A_33 = arith.addi %scan3A_31, %scan3A_32 : i32
      %scan3A_34 = arith.constant 1 : i32
      scf.for %scan3A_36 = %scan3A_31 to %scan3A_33 step %scan3A_34  : i32 {
        %get3A = arith.index_cast %scan3A_36 : i32 to index
        %get3A_37 = arith.constant 0 : index
        %get3A_38 = tpu.vector_load %arg4[%get3A, %get3A_37] {strides = array<i32>} : memref<400x16xf32, #tpu.memory_space<vmem>>, vector<1x16xf32>,
        %get3A_39 = vector.shape_cast %get3A_38 : vector<1x16xf32> to vector<16xf32>
        %get3A_40 = arith.index_cast %scan3A_36 : i32 to index
        %get3A_41 = arith.constant 0 : index
        %get3A_42 = tpu.vector_load %arg5[%get3A_40, %get3A_41] {strides = array<i32>} : memref<400x16xf32, #tpu.memory_space<vmem>>, vector<1x16xf32>,
        %get3A_43 = vector.shape_cast %get3A_42 : vector<1x16xf32> to vector<16xf32>
        %add3A_44 = arith.addf %get3A_39, %get3A_43 : vector<16xf32>
        %swap3A = arith.index_cast %scan3A_36 : i32 to index
        %swap3A_45 = arith.constant 0 : index
        %swap3A_46 = tpu.vector_load %arg4[%swap3A, %swap3A_45] {strides = array<i32>} : memref<400x16xf32, #tpu.memory_space<vmem>>, vector<1x16xf32>,
        %swap3A_47 = vector.shape_cast %swap3A_46 : vector<1x16xf32> to vector<16xf32>
        %swap3A_48 = vector.shape_cast %add3A_44 : vector<16xf32> to vector<1x16xf32>
        tpu.vector_store %arg4[%swap3A, %swap3A_45], %swap3A_48 {strides = array<i32>} : memref<400x16xf32, #tpu.memory_space<vmem>>, vector<1x16xf32>,
      }
      %scan3A_35 = arith.constant 400 : i32
      "tpu.region"() ({
        %run_scoped3A = tpu.sem_alloc : memref<!tpu.dma_semaphore, #tpu.memory_space<semaphore_mem>>
        %dma_start3A_36 = arith.constant 0 : i32
        %dma_start3A_37 = tpu.memref_slice %arg3[%mul3A_4, %dma_start3A_36] : memref<10000x16xf32, #tpu.memory_space<hbm>> -> memref<400x16xf32, #tpu.memory_space<hbm>>
        %dma_start3A_38 = arith.constant 0 : i32
        %dma_start3A_39 = tpu.memref_slice %arg3[%mul3A_4, %dma_start3A_38] : memref<10000x16xf32, #tpu.memory_space<hbm>> -> memref<400x16xf32, #tpu.memory_space<hbm>>
        tpu.enqueue_dma source(%arg4 : memref<400x16xf32, #tpu.memory_space<vmem>>) target(%dma_start3A_39 : memref<400x16xf32, #tpu.memory_space<hbm>>) target_semaphore(%run_scoped3A : memref<!tpu.dma_semaphore, #tpu.memory_space<semaphore_mem>>)
        %dma_wait3A_40 = arith.constant 0 : i32
        %dma_wait3A_41 = tpu.memref_slice %arg3[%mul3A_4, %dma_wait3A_40] : memref<10000x16xf32, #tpu.memory_space<hbm>> -> memref<400x16xf32, #tpu.memory_space<hbm>>
        %dma_wait3A_42 = arith.constant 0 : i32
        %dma_wait3A_43 = tpu.memref_slice %arg3[%mul3A_4, %dma_wait3A_42] : memref<10000x16xf32, #tpu.memory_space<hbm>> -> memref<400x16xf32, #tpu.memory_space<hbm>>
        tpu.wait_dma2 semaphore(%run_scoped3A : memref<!tpu.dma_semaphore, #tpu.memory_space<semaphore_mem>>) src(%arg4 : memref<400x16xf32, #tpu.memory_space<vmem>>) dst(%dma_wait3A_43 : memref<400x16xf32, #tpu.memory_space<hbm>>)
        tpu.yield
      }) : () -> ()
    } else {
    }
    return
  }
}

#map = affine_map<(d0, d1) -> (0, 0, 0)>
module attributes {stable_mosaic.version = 14 : i64} {
  func.func @_scatter_partials(%arg0: i32, %arg1: i32, %arg2: memref<2x2500x128xi32, #tpu.memory_space<hbm>>, %arg3: memref<5000x8x128xf32, #tpu.memory_space<hbm>>, %arg4: memref<2x10240x16xf32, #tpu.memory_space<hbm>>, %arg5: memref<10x128xi32, #tpu.memory_space<vmem>>, %arg6: memref<10x128xi32, #tpu.memory_space<vmem>>, %arg7: memref<10x8x128xf32, #tpu.memory_space<vmem>>, %arg8: memref<10x8x128xf32, #tpu.memory_space<vmem>>, %arg9: memref<10x8x128xf32, #tpu.memory_space<vmem>>, %arg10: memref<10x8x128xf32, #tpu.memory_space<vmem>>, %arg11: memref<1280x16xf32, #tpu.memory_space<vmem>>, %arg12: memref<1280x16xf32, #tpu.memory_space<vmem>>, %arg13: memref<640x16xf32, #tpu.memory_space<vmem>>, %arg14: memref<10240x16xf32, #tpu.memory_space<vmem_shared>>, %arg15: memref<!tpu.dma_semaphore, #tpu.memory_space<semaphore_mem>>, %arg16: memref<!tpu.dma_semaphore, #tpu.memory_space<semaphore_mem>>, %arg17: memref<!tpu.dma_semaphore, #tpu.memory_space<semaphore_mem>>) attributes {dimension_semantics = [#tpu.dimension_semantics<core_parallel>, #tpu.dimension_semantics<subcore_parallel>], iteration_bounds = array<i64: 2, 16>, scalar_prefetch = 0 : i64, scratch_operands = 13 : i64, tpu.core_type = #tpu.core_type<sc_vector_subcore>, window_params = [{transform_indices = #map}, {transform_indices = #map}, {transform_indices = #map}]} {
    %mul3A = arith.constant 2 : i32
    %mul3A_0 = arith.muli %arg1, %mul3A : i32
    %add3A = arith.addi %mul3A_0, %arg0 : i32
    %broadcast_in_dim3A = arith.constant 0.000000e+00 : f32
    %broadcast_in_dim3A_1 = vector.broadcast %broadcast_in_dim3A : f32 to vector<16xf32>
    %scan3A = arith.constant 0 : i32
    %scan3A_2 = arith.constant 0 : i32
    %scan3A_3 = arith.constant 640 : i32
    %scan3A_4 = arith.addi %scan3A_2, %scan3A_3 : i32
    %scan3A_5 = arith.constant 1 : i32
    scf.for %scan3A_219 = %scan3A_2 to %scan3A_4 step %scan3A_5  : i32 {
      %swap3A = arith.index_cast %scan3A_219 : i32 to index
      %swap3A_220 = arith.constant 0 : index
      %swap3A_221 = tpu.vector_load %arg13[%swap3A, %swap3A_220] {strides = array<i32>} : memref<640x16xf32, #tpu.memory_space<vmem>>, vector<16xf32>,
      tpu.vector_store %arg13[%swap3A, %swap3A_220], %broadcast_in_dim3A_1 {strides = array<i32>} : memref<640x16xf32, #tpu.memory_space<vmem>>, vector<16xf32>,
    }
    %scan3A_6 = arith.constant 640 : i32
    %mul3A_7 = arith.constant 640 : i32
    %mul3A_8 = arith.muli %arg1, %mul3A_7 : i32
    "tpu.region"() ({
      %run_scoped3A = tpu.sem_alloc : memref<!tpu.dma_semaphore, #tpu.memory_space<semaphore_mem>>
      %dma_start3A = arith.constant 0 : i32
      %dma_start3A_219 = tpu.memref_slice %arg14[%mul3A_8, %dma_start3A] : memref<10240x16xf32, #tpu.memory_space<vmem_shared>> -> memref<640x16xf32, #tpu.memory_space<vmem_shared>>
      %dma_start3A_220 = arith.constant 0 : i32
      %dma_start3A_221 = tpu.memref_slice %arg14[%mul3A_8, %dma_start3A_220] : memref<10240x16xf32, #tpu.memory_space<vmem_shared>> -> memref<640x16xf32, #tpu.memory_space<vmem_shared>>
      tpu.enqueue_dma source(%arg13 : memref<640x16xf32, #tpu.memory_space<vmem>>) target(%dma_start3A_221 : memref<640x16xf32, #tpu.memory_space<vmem_shared>>) target_semaphore(%run_scoped3A : memref<!tpu.dma_semaphore, #tpu.memory_space<semaphore_mem>>)
      %dma_wait3A = arith.constant 0 : i32
      %dma_wait3A_222 = tpu.memref_slice %arg14[%mul3A_8, %dma_wait3A] : memref<10240x16xf32, #tpu.memory_space<vmem_shared>> -> memref<640x16xf32, #tpu.memory_space<vmem_shared>>
      %dma_wait3A_223 = arith.constant 0 : i32
      %dma_wait3A_224 = tpu.memref_slice %arg14[%mul3A_8, %dma_wait3A_223] : memref<10240x16xf32, #tpu.memory_space<vmem_shared>> -> memref<640x16xf32, #tpu.memory_space<vmem_shared>>
      tpu.wait_dma2 semaphore(%run_scoped3A : memref<!tpu.dma_semaphore, #tpu.memory_space<semaphore_mem>>) src(%arg13 : memref<640x16xf32, #tpu.memory_space<vmem>>) dst(%dma_wait3A_224 : memref<640x16xf32, #tpu.memory_space<vmem_shared>>)
      tpu.yield
    }) : () -> ()
    %barrier3A = arith.constant 0 : index
    tpu.barrier barrier_id(%barrier3A)
    %iota3A = tpu.iota {dimensions = array<i32: 0>} : vector<16xi32>
    %add3A_9 = arith.constant 0 : i32
    %add3A_10 = arith.addi %add3A_9, %add3A : i32
    %lt3A = arith.constant 250 : i32
    %lt3A_11 = arith.cmpi slt, %add3A_10, %lt3A : i32
    %convert_element_type3A = arith.extui %lt3A_11 : i1 to i32
    %cond3A = arith.constant 0 : i32
    %cond3A_12 = arith.cmpi ne, %convert_element_type3A, %cond3A : i32
    scf.if %cond3A_12 {
      %mul3A_219 = arith.constant 10 : i32
      %mul3A_220 = arith.muli %add3A_10, %mul3A_219 : i32
      %dma_start3A = arith.constant 1 : i32
      %dma_start3A_221 = arith.constant 0 : i32
      %dma_start3A_222 = tpu.memref_slice %arg2[%dma_start3A, %mul3A_220, %dma_start3A_221] : memref<2x2500x128xi32, #tpu.memory_space<hbm>> -> memref<1x10x128xi32, #tpu.memory_space<hbm>>
      %dma_start3A_223 = tpu.memref_squeeze %dma_start3A_222 : memref<1x10x128xi32, #tpu.memory_space<hbm>> -> memref<10x128xi32, #tpu.memory_space<hbm>>
      %dma_start3A_224 = arith.constant 0 : i32
      %dma_start3A_225 = tpu.memref_slice %arg2[%dma_start3A, %mul3A_220, %dma_start3A_224] : memref<2x2500x128xi32, #tpu.memory_space<hbm>> -> memref<1x10x128xi32, #tpu.memory_space<hbm>>
      %dma_start3A_226 = tpu.memref_squeeze %dma_start3A_225 : memref<1x10x128xi32, #tpu.memory_space<hbm>> -> memref<10x128xi32, #tpu.memory_space<hbm>>
      tpu.enqueue_dma source(%dma_start3A_226 : memref<10x128xi32, #tpu.memory_space<hbm>>) target(%arg5 : memref<10x128xi32, #tpu.memory_space<vmem>>) target_semaphore(%arg15 : memref<!tpu.dma_semaphore, #tpu.memory_space<semaphore_mem>>)
      %dma_start3A_227 = arith.constant 0 : i32
      %dma_start3A_228 = arith.constant 0 : i32
      %dma_start3A_229 = tpu.memref_slice %arg3[%mul3A_220, %dma_start3A_227, %dma_start3A_228] : memref<5000x8x128xf32, #tpu.memory_space<hbm>> -> memref<10x8x128xf32, #tpu.memory_space<hbm>>
      %dma_start3A_230 = arith.constant 0 : i32
      %dma_start3A_231 = arith.constant 0 : i32
      %dma_start3A_232 = tpu.memref_slice %arg3[%mul3A_220, %dma_start3A_230, %dma_start3A_231] : memref<5000x8x128xf32, #tpu.memory_space<hbm>> -> memref<10x8x128xf32, #tpu.memory_space<hbm>>
      tpu.enqueue_dma source(%dma_start3A_232 : memref<10x8x128xf32, #tpu.memory_space<hbm>>) target(%arg7 : memref<10x8x128xf32, #tpu.memory_space<vmem>>) target_semaphore(%arg15 : memref<!tpu.dma_semaphore, #tpu.memory_space<semaphore_mem>>)
      %add3A_233 = arith.constant 2500 : i32
      %add3A_234 = arith.addi %add3A_233, %mul3A_220 : i32
      %dma_start3A_235 = arith.constant 0 : i32
      %dma_start3A_236 = arith.constant 0 : i32
      %dma_start3A_237 = tpu.memref_slice %arg3[%add3A_234, %dma_start3A_235, %dma_start3A_236] : memref<5000x8x128xf32, #tpu.memory_space<hbm>> -> memref<10x8x128xf32, #tpu.memory_space<hbm>>
      %dma_start3A_238 = arith.constant 0 : i32
      %dma_start3A_239 = arith.constant 0 : i32
      %dma_start3A_240 = tpu.memref_slice %arg3[%add3A_234, %dma_start3A_238, %dma_start3A_239] : memref<5000x8x128xf32, #tpu.memory_space<hbm>> -> memref<10x8x128xf32, #tpu.memory_space<hbm>>
      tpu.enqueue_dma source(%dma_start3A_240 : memref<10x8x128xf32, #tpu.memory_space<hbm>>) target(%arg9 : memref<10x8x128xf32, #tpu.memory_space<vmem>>) target_semaphore(%arg15 : memref<!tpu.dma_semaphore, #tpu.memory_space<semaphore_mem>>)
    } else {
    }
    %add3A_13 = arith.constant 0 : i32
    %add3A_14 = arith.addi %add3A_13, %add3A : i32
    %lt3A_15 = arith.constant 250 : i32
    %lt3A_16 = arith.cmpi slt, %add3A_14, %lt3A_15 : i32
    %convert_element_type3A_17 = arith.extui %lt3A_16 : i1 to i32
    %cond3A_18 = arith.constant 0 : i32
    %cond3A_19 = arith.cmpi ne, %convert_element_type3A_17, %cond3A_18 : i32
    scf.if %cond3A_19 {
      %dma_wait3A = arith.constant 1 : i32
      %dma_wait3A_219 = arith.constant 0 : i32
      %dma_wait3A_220 = arith.constant 0 : i32
      %dma_wait3A_221 = tpu.memref_slice %arg2[%dma_wait3A, %dma_wait3A_219, %dma_wait3A_220] : memref<2x2500x128xi32, #tpu.memory_space<hbm>> -> memref<1x10x128xi32, #tpu.memory_space<hbm>>
      %dma_wait3A_222 = tpu.memref_squeeze %dma_wait3A_221 : memref<1x10x128xi32, #tpu.memory_space<hbm>> -> memref<10x128xi32, #tpu.memory_space<hbm>>
      %dma_wait3A_223 = arith.constant 0 : i32
      %dma_wait3A_224 = arith.constant 0 : i32
      %dma_wait3A_225 = tpu.memref_slice %arg2[%dma_wait3A, %dma_wait3A_223, %dma_wait3A_224] : memref<2x2500x128xi32, #tpu.memory_space<hbm>> -> memref<1x10x128xi32, #tpu.memory_space<hbm>>
      %dma_wait3A_226 = tpu.memref_squeeze %dma_wait3A_225 : memref<1x10x128xi32, #tpu.memory_space<hbm>> -> memref<10x128xi32, #tpu.memory_space<hbm>>
      tpu.wait_dma2 semaphore(%arg15 : memref<!tpu.dma_semaphore, #tpu.memory_space<semaphore_mem>>) src(%dma_wait3A_226 : memref<10x128xi32, #tpu.memory_space<hbm>>) dst(%arg5 : memref<10x128xi32, #tpu.memory_space<vmem>>)
      %dma_wait3A_227 = arith.constant 0 : i32
      %dma_wait3A_228 = arith.constant 0 : i32
      %dma_wait3A_229 = arith.constant 0 : i32
      %dma_wait3A_230 = tpu.memref_slice %arg3[%dma_wait3A_227, %dma_wait3A_228, %dma_wait3A_229] : memref<5000x8x128xf32, #tpu.memory_space<hbm>> -> memref<10x8x128xf32, #tpu.memory_space<hbm>>
      %dma_wait3A_231 = arith.constant 0 : i32
      %dma_wait3A_232 = arith.constant 0 : i32
      %dma_wait3A_233 = arith.constant 0 : i32
      %dma_wait3A_234 = tpu.memref_slice %arg3[%dma_wait3A_231, %dma_wait3A_232, %dma_wait3A_233] : memref<5000x8x128xf32, #tpu.memory_space<hbm>> -> memref<10x8x128xf32, #tpu.memory_space<hbm>>
      tpu.wait_dma2 semaphore(%arg15 : memref<!tpu.dma_semaphore, #tpu.memory_space<semaphore_mem>>) src(%dma_wait3A_234 : memref<10x8x128xf32, #tpu.memory_space<hbm>>) dst(%arg7 : memref<10x8x128xf32, #tpu.memory_space<vmem>>)
      %dma_wait3A_235 = arith.constant 0 : i32
      %dma_wait3A_236 = arith.constant 0 : i32
      %dma_wait3A_237 = arith.constant 0 : i32
      %dma_wait3A_238 = tpu.memref_slice %arg3[%dma_wait3A_235, %dma_wait3A_236, %dma_wait3A_237] : memref<5000x8x128xf32, #tpu.memory_space<hbm>> -> memref<10x8x128xf32, #tpu.memory_space<hbm>>
      %dma_wait3A_239 = arith.constant 0 : i32
      %dma_wait3A_240 = arith.constant 0 : i32
      %dma_wait3A_241 = arith.constant 0 : i32
      %dma_wait3A_242 = tpu.memref_slice %arg3[%dma_wait3A_239, %dma_wait3A_240, %dma_wait3A_241] : memref<5000x8x128xf32, #tpu.memory_space<hbm>> -> memref<10x8x128xf32, #tpu.memory_space<hbm>>
      tpu.wait_dma2 semaphore(%arg15 : memref<!tpu.dma_semaphore, #tpu.memory_space<semaphore_mem>>) src(%dma_wait3A_242 : memref<10x8x128xf32, #tpu.memory_space<hbm>>) dst(%arg9 : memref<10x8x128xf32, #tpu.memory_space<vmem>>)
      %scan3A_243 = arith.constant 0 : i32
      %scan3A_244 = arith.constant 0 : i32
      %scan3A_245 = arith.constant 80 : i32
      %scan3A_246 = arith.addi %scan3A_244, %scan3A_245 : i32
      %scan3A_247 = arith.constant 1 : i32
      scf.for %scan3A_255 = %scan3A_244 to %scan3A_246 step %scan3A_247  : i32 {
        %jit3A = arith.constant 8 : i32
        %div3A = arith.divsi %scan3A_255, %jit3A : i32
        %sign3A = arith.constant 0 : i32
        %sign3A_256 = arith.cmpi sgt, %scan3A_255, %sign3A : i32
        %sign3A_257 = arith.extui %sign3A_256 : i1 to i32
        %sign3A_258 = arith.constant 0 : i32
        %sign3A_259 = arith.cmpi slt, %scan3A_255, %sign3A_258 : i32
        %sign3A_260 = arith.extui %sign3A_259 : i1 to i32
        %sign3A_261 = arith.subi %sign3A_257, %sign3A_260 : i32
        %sign3A_262 = arith.constant 0 : i32
        %sign3A_263 = arith.cmpi sgt, %jit3A, %sign3A_262 : i32
        %sign3A_264 = arith.extui %sign3A_263 : i1 to i32
        %sign3A_265 = arith.constant 0 : i32
        %sign3A_266 = arith.cmpi slt, %jit3A, %sign3A_265 : i32
        %sign3A_267 = arith.extui %sign3A_266 : i1 to i32
        %sign3A_268 = arith.subi %sign3A_264, %sign3A_267 : i32
        %ne3A = arith.cmpi ne, %sign3A_261, %sign3A_268 : i32
        %rem3A = arith.remsi %scan3A_255, %jit3A : i32
        %ne3A_269 = arith.constant 0 : i32
        %ne3A_270 = arith.cmpi ne, %rem3A, %ne3A_269 : i32
        %and3A = arith.andi %ne3A, %ne3A_270 : i1
        %sub3A = arith.constant 1 : i32
        %sub3A_271 = arith.subi %div3A, %sub3A : i32
        %select_n3A = arith.select %and3A, %sub3A_271, %div3A : i32
        %mul3A_272 = arith.constant 8 : i32
        %mul3A_273 = arith.muli %select_n3A, %mul3A_272 : i32
        %sub3A_274 = arith.subi %scan3A_255, %mul3A_273 : i32
        %add3A_275 = arith.constant 0 : i32
        %add3A_276 = arith.addi %add3A_275, %sub3A_274 : i32
        %broadcast_in_dim3A_277 = vector.broadcast %add3A_276 : i32 to vector<16xi32>
        %get3A = arith.index_cast %select_n3A : i32 to index
        %get3A_278 = arith.index_cast %sub3A_274 : i32 to index
        %get3A_279 = arith.constant 0 : index
        %get3A_280 = tpu.vector_load %arg7[%get3A, %get3A_278, %get3A_279] {strides = array<i32>} : memref<10x8x128xf32, #tpu.memory_space<vmem>>, vector<16xf32>,
        %mul3A_281 = arith.constant 128 : i32
        %mul3A_282 = arith.muli %select_n3A, %mul3A_281 : i32
        %add3A_283 = arith.constant 0 : i32
        %add3A_284 = arith.addi %mul3A_282, %add3A_283 : i32
        %add3A_285 = vector.broadcast %add3A_284 : i32 to vector<16xi32>
        %add3A_286 = arith.addi %iota3A, %add3A_285 : vector<16xi32>
        tpu.vector_store_idx %arg11[%add3A_286, %broadcast_in_dim3A_277], %get3A_280 : memref<1280x16xf32, #tpu.memory_space<vmem>>[vector<16xi32>, vector<16xi32>], vector<16xf32>,
        %get3A_287 = arith.index_cast %select_n3A : i32 to index
        %get3A_288 = arith.index_cast %sub3A_274 : i32 to index
        %get3A_289 = arith.constant 16 : index
        %get3A_290 = tpu.vector_load %arg7[%get3A_287, %get3A_288, %get3A_289] {strides = array<i32>} : memref<10x8x128xf32, #tpu.memory_space<vmem>>, vector<16xf32>,
        %mul3A_291 = arith.constant 128 : i32
        %mul3A_292 = arith.muli %select_n3A, %mul3A_291 : i32
        %add3A_293 = arith.constant 16 : i32
        %add3A_294 = arith.addi %mul3A_292, %add3A_293 : i32
        %add3A_295 = vector.broadcast %add3A_294 : i32 to vector<16xi32>
        %add3A_296 = arith.addi %iota3A, %add3A_295 : vector<16xi32>
        tpu.vector_store_idx %arg11[%add3A_296, %broadcast_in_dim3A_277], %get3A_290 : memref<1280x16xf32, #tpu.memory_space<vmem>>[vector<16xi32>, vector<16xi32>], vector<16xf32>,
        %get3A_297 = arith.index_cast %select_n3A : i32 to index
        %get3A_298 = arith.index_cast %sub3A_274 : i32 to index
        %get3A_299 = arith.constant 32 : index
        %get3A_300 = tpu.vector_load %arg7[%get3A_297, %get3A_298, %get3A_299] {strides = array<i32>} : memref<10x8x128xf32, #tpu.memory_space<vmem>>, vector<16xf32>,
        %mul3A_301 = arith.constant 128 : i32
        %mul3A_302 = arith.muli %select_n3A, %mul3A_301 : i32
        %add3A_303 = arith.constant 32 : i32
        %add3A_304 = arith.addi %mul3A_302, %add3A_303 : i32
        %add3A_305 = vector.broadcast %add3A_304 : i32 to vector<16xi32>
        %add3A_306 = arith.addi %iota3A, %add3A_305 : vector<16xi32>
        tpu.vector_store_idx %arg11[%add3A_306, %broadcast_in_dim3A_277], %get3A_300 : memref<1280x16xf32, #tpu.memory_space<vmem>>[vector<16xi32>, vector<16xi32>], vector<16xf32>,
        %get3A_307 = arith.index_cast %select_n3A : i32 to index
        %get3A_308 = arith.index_cast %sub3A_274 : i32 to index
        %get3A_309 = arith.constant 48 : index
        %get3A_310 = tpu.vector_load %arg7[%get3A_307, %get3A_308, %get3A_309] {strides = array<i32>} : memref<10x8x128xf32, #tpu.memory_space<vmem>>, vector<16xf32>,
        %mul3A_311 = arith.constant 128 : i32
        %mul3A_312 = arith.muli %select_n3A, %mul3A_311 : i32
        %add3A_313 = arith.constant 48 : i32
        %add3A_314 = arith.addi %mul3A_312, %add3A_313 : i32
        %add3A_315 = vector.broadcast %add3A_314 : i32 to vector<16xi32>
        %add3A_316 = arith.addi %iota3A, %add3A_315 : vector<16xi32>
        tpu.vector_store_idx %arg11[%add3A_316, %broadcast_in_dim3A_277], %get3A_310 : memref<1280x16xf32, #tpu.memory_space<vmem>>[vector<16xi32>, vector<16xi32>], vector<16xf32>,
        %get3A_317 = arith.index_cast %select_n3A : i32 to index
        %get3A_318 = arith.index_cast %sub3A_274 : i32 to index
        %get3A_319 = arith.constant 64 : index
        %get3A_320 = tpu.vector_load %arg7[%get3A_317, %get3A_318, %get3A_319] {strides = array<i32>} : memref<10x8x128xf32, #tpu.memory_space<vmem>>, vector<16xf32>,
        %mul3A_321 = arith.constant 128 : i32
        %mul3A_322 = arith.muli %select_n3A, %mul3A_321 : i32
        %add3A_323 = arith.constant 64 : i32
        %add3A_324 = arith.addi %mul3A_322, %add3A_323 : i32
        %add3A_325 = vector.broadcast %add3A_324 : i32 to vector<16xi32>
        %add3A_326 = arith.addi %iota3A, %add3A_325 : vector<16xi32>
        tpu.vector_store_idx %arg11[%add3A_326, %broadcast_in_dim3A_277], %get3A_320 : memref<1280x16xf32, #tpu.memory_space<vmem>>[vector<16xi32>, vector<16xi32>], vector<16xf32>,
        %get3A_327 = arith.index_cast %select_n3A : i32 to index
        %get3A_328 = arith.index_cast %sub3A_274 : i32 to index
        %get3A_329 = arith.constant 80 : index
        %get3A_330 = tpu.vector_load %arg7[%get3A_327, %get3A_328, %get3A_329] {strides = array<i32>} : memref<10x8x128xf32, #tpu.memory_space<vmem>>, vector<16xf32>,
        %mul3A_331 = arith.constant 128 : i32
        %mul3A_332 = arith.muli %select_n3A, %mul3A_331 : i32
        %add3A_333 = arith.constant 80 : i32
        %add3A_334 = arith.addi %mul3A_332, %add3A_333 : i32
        %add3A_335 = vector.broadcast %add3A_334 : i32 to vector<16xi32>
        %add3A_336 = arith.addi %iota3A, %add3A_335 : vector<16xi32>
        tpu.vector_store_idx %arg11[%add3A_336, %broadcast_in_dim3A_277], %get3A_330 : memref<1280x16xf32, #tpu.memory_space<vmem>>[vector<16xi32>, vector<16xi32>], vector<16xf32>,
        %get3A_337 = arith.index_cast %select_n3A : i32 to index
        %get3A_338 = arith.index_cast %sub3A_274 : i32 to index
        %get3A_339 = arith.constant 96 : index
        %get3A_340 = tpu.vector_load %arg7[%get3A_337, %get3A_338, %get3A_339] {strides = array<i32>} : memref<10x8x128xf32, #tpu.memory_space<vmem>>, vector<16xf32>,
        %mul3A_341 = arith.constant 128 : i32
        %mul3A_342 = arith.muli %select_n3A, %mul3A_341 : i32
        %add3A_343 = arith.constant 96 : i32
        %add3A_344 = arith.addi %mul3A_342, %add3A_343 : i32
        %add3A_345 = vector.broadcast %add3A_344 : i32 to vector<16xi32>
        %add3A_346 = arith.addi %iota3A, %add3A_345 : vector<16xi32>
        tpu.vector_store_idx %arg11[%add3A_346, %broadcast_in_dim3A_277], %get3A_340 : memref<1280x16xf32, #tpu.memory_space<vmem>>[vector<16xi32>, vector<16xi32>], vector<16xf32>,
        %get3A_347 = arith.index_cast %select_n3A : i32 to index
        %get3A_348 = arith.index_cast %sub3A_274 : i32 to index
        %get3A_349 = arith.constant 112 : index
        %get3A_350 = tpu.vector_load %arg7[%get3A_347, %get3A_348, %get3A_349] {strides = array<i32>} : memref<10x8x128xf32, #tpu.memory_space<vmem>>, vector<16xf32>,
        %mul3A_351 = arith.constant 128 : i32
        %mul3A_352 = arith.muli %select_n3A, %mul3A_351 : i32
        %add3A_353 = arith.constant 112 : i32
        %add3A_354 = arith.addi %mul3A_352, %add3A_353 : i32
        %add3A_355 = vector.broadcast %add3A_354 : i32 to vector<16xi32>
        %add3A_356 = arith.addi %iota3A, %add3A_355 : vector<16xi32>
        tpu.vector_store_idx %arg11[%add3A_356, %broadcast_in_dim3A_277], %get3A_350 : memref<1280x16xf32, #tpu.memory_space<vmem>>[vector<16xi32>, vector<16xi32>], vector<16xf32>,
      }
      %scan3A_248 = arith.constant 80 : i32
      %scan3A_249 = arith.constant 0 : i32
      %scan3A_250 = arith.constant 0 : i32
      %scan3A_251 = arith.constant 80 : i32
      %scan3A_252 = arith.addi %scan3A_250, %scan3A_251 : i32
      %scan3A_253 = arith.constant 1 : i32
      scf.for %scan3A_255 = %scan3A_250 to %scan3A_252 step %scan3A_253  : i32 {
        %jit3A = arith.constant 8 : i32
        %div3A = arith.divsi %scan3A_255, %jit3A : i32
        %sign3A = arith.constant 0 : i32
        %sign3A_256 = arith.cmpi sgt, %scan3A_255, %sign3A : i32
        %sign3A_257 = arith.extui %sign3A_256 : i1 to i32
        %sign3A_258 = arith.constant 0 : i32
        %sign3A_259 = arith.cmpi slt, %scan3A_255, %sign3A_258 : i32
        %sign3A_260 = arith.extui %sign3A_259 : i1 to i32
        %sign3A_261 = arith.subi %sign3A_257, %sign3A_260 : i32
        %sign3A_262 = arith.constant 0 : i32
        %sign3A_263 = arith.cmpi sgt, %jit3A, %sign3A_262 : i32
        %sign3A_264 = arith.extui %sign3A_263 : i1 to i32
        %sign3A_265 = arith.constant 0 : i32
        %sign3A_266 = arith.cmpi slt, %jit3A, %sign3A_265 : i32
        %sign3A_267 = arith.extui %sign3A_266 : i1 to i32
        %sign3A_268 = arith.subi %sign3A_264, %sign3A_267 : i32
        %ne3A = arith.cmpi ne, %sign3A_261, %sign3A_268 : i32
        %rem3A = arith.remsi %scan3A_255, %jit3A : i32
        %ne3A_269 = arith.constant 0 : i32
        %ne3A_270 = arith.cmpi ne, %rem3A, %ne3A_269 : i32
        %and3A = arith.andi %ne3A, %ne3A_270 : i1
        %sub3A = arith.constant 1 : i32
        %sub3A_271 = arith.subi %div3A, %sub3A : i32
        %select_n3A = arith.select %and3A, %sub3A_271, %div3A : i32
        %mul3A_272 = arith.constant 8 : i32
        %mul3A_273 = arith.muli %select_n3A, %mul3A_272 : i32
        %sub3A_274 = arith.subi %scan3A_255, %mul3A_273 : i32
        %add3A_275 = arith.constant 8 : i32
        %add3A_276 = arith.addi %add3A_275, %sub3A_274 : i32
        %broadcast_in_dim3A_277 = vector.broadcast %add3A_276 : i32 to vector<16xi32>
        %get3A = arith.index_cast %select_n3A : i32 to index
        %get3A_278 = arith.index_cast %sub3A_274 : i32 to index
        %get3A_279 = arith.constant 0 : index
        %get3A_280 = tpu.vector_load %arg9[%get3A, %get3A_278, %get3A_279] {strides = array<i32>} : memref<10x8x128xf32, #tpu.memory_space<vmem>>, vector<16xf32>,
        %mul3A_281 = arith.constant 128 : i32
        %mul3A_282 = arith.muli %select_n3A, %mul3A_281 : i32
        %add3A_283 = arith.constant 0 : i32
        %add3A_284 = arith.addi %mul3A_282, %add3A_283 : i32
        %add3A_285 = vector.broadcast %add3A_284 : i32 to vector<16xi32>
        %add3A_286 = arith.addi %iota3A, %add3A_285 : vector<16xi32>
        tpu.vector_store_idx %arg11[%add3A_286, %broadcast_in_dim3A_277], %get3A_280 : memref<1280x16xf32, #tpu.memory_space<vmem>>[vector<16xi32>, vector<16xi32>], vector<16xf32>,
        %get3A_287 = arith.index_cast %select_n3A : i32 to index
        %get3A_288 = arith.index_cast %sub3A_274 : i32 to index
        %get3A_289 = arith.constant 16 : index
        %get3A_290 = tpu.vector_load %arg9[%get3A_287, %get3A_288, %get3A_289] {strides = array<i32>} : memref<10x8x128xf32, #tpu.memory_space<vmem>>, vector<16xf32>,
        %mul3A_291 = arith.constant 128 : i32
        %mul3A_292 = arith.muli %select_n3A, %mul3A_291 : i32
        %add3A_293 = arith.constant 16 : i32
        %add3A_294 = arith.addi %mul3A_292, %add3A_293 : i32
        %add3A_295 = vector.broadcast %add3A_294 : i32 to vector<16xi32>
        %add3A_296 = arith.addi %iota3A, %add3A_295 : vector<16xi32>
        tpu.vector_store_idx %arg11[%add3A_296, %broadcast_in_dim3A_277], %get3A_290 : memref<1280x16xf32, #tpu.memory_space<vmem>>[vector<16xi32>, vector<16xi32>], vector<16xf32>,
        %get3A_297 = arith.index_cast %select_n3A : i32 to index
        %get3A_298 = arith.index_cast %sub3A_274 : i32 to index
        %get3A_299 = arith.constant 32 : index
        %get3A_300 = tpu.vector_load %arg9[%get3A_297, %get3A_298, %get3A_299] {strides = array<i32>} : memref<10x8x128xf32, #tpu.memory_space<vmem>>, vector<16xf32>,
        %mul3A_301 = arith.constant 128 : i32
        %mul3A_302 = arith.muli %select_n3A, %mul3A_301 : i32
        %add3A_303 = arith.constant 32 : i32
        %add3A_304 = arith.addi %mul3A_302, %add3A_303 : i32
        %add3A_305 = vector.broadcast %add3A_304 : i32 to vector<16xi32>
        %add3A_306 = arith.addi %iota3A, %add3A_305 : vector<16xi32>
        tpu.vector_store_idx %arg11[%add3A_306, %broadcast_in_dim3A_277], %get3A_300 : memref<1280x16xf32, #tpu.memory_space<vmem>>[vector<16xi32>, vector<16xi32>], vector<16xf32>,
        %get3A_307 = arith.index_cast %select_n3A : i32 to index
        %get3A_308 = arith.index_cast %sub3A_274 : i32 to index
        %get3A_309 = arith.constant 48 : index
        %get3A_310 = tpu.vector_load %arg9[%get3A_307, %get3A_308, %get3A_309] {strides = array<i32>} : memref<10x8x128xf32, #tpu.memory_space<vmem>>, vector<16xf32>,
        %mul3A_311 = arith.constant 128 : i32
        %mul3A_312 = arith.muli %select_n3A, %mul3A_311 : i32
        %add3A_313 = arith.constant 48 : i32
        %add3A_314 = arith.addi %mul3A_312, %add3A_313 : i32
        %add3A_315 = vector.broadcast %add3A_314 : i32 to vector<16xi32>
        %add3A_316 = arith.addi %iota3A, %add3A_315 : vector<16xi32>
        tpu.vector_store_idx %arg11[%add3A_316, %broadcast_in_dim3A_277], %get3A_310 : memref<1280x16xf32, #tpu.memory_space<vmem>>[vector<16xi32>, vector<16xi32>], vector<16xf32>,
        %get3A_317 = arith.index_cast %select_n3A : i32 to index
        %get3A_318 = arith.index_cast %sub3A_274 : i32 to index
        %get3A_319 = arith.constant 64 : index
        %get3A_320 = tpu.vector_load %arg9[%get3A_317, %get3A_318, %get3A_319] {strides = array<i32>} : memref<10x8x128xf32, #tpu.memory_space<vmem>>, vector<16xf32>,
        %mul3A_321 = arith.constant 128 : i32
        %mul3A_322 = arith.muli %select_n3A, %mul3A_321 : i32
        %add3A_323 = arith.constant 64 : i32
        %add3A_324 = arith.addi %mul3A_322, %add3A_323 : i32
        %add3A_325 = vector.broadcast %add3A_324 : i32 to vector<16xi32>
        %add3A_326 = arith.addi %iota3A, %add3A_325 : vector<16xi32>
        tpu.vector_store_idx %arg11[%add3A_326, %broadcast_in_dim3A_277], %get3A_320 : memref<1280x16xf32, #tpu.memory_space<vmem>>[vector<16xi32>, vector<16xi32>], vector<16xf32>,
        %get3A_327 = arith.index_cast %select_n3A : i32 to index
        %get3A_328 = arith.index_cast %sub3A_274 : i32 to index
        %get3A_329 = arith.constant 80 : index
        %get3A_330 = tpu.vector_load %arg9[%get3A_327, %get3A_328, %get3A_329] {strides = array<i32>} : memref<10x8x128xf32, #tpu.memory_space<vmem>>, vector<16xf32>,
        %mul3A_331 = arith.constant 128 : i32
        %mul3A_332 = arith.muli %select_n3A, %mul3A_331 : i32
        %add3A_333 = arith.constant 80 : i32
        %add3A_334 = arith.addi %mul3A_332, %add3A_333 : i32
        %add3A_335 = vector.broadcast %add3A_334 : i32 to vector<16xi32>
        %add3A_336 = arith.addi %iota3A, %add3A_335 : vector<16xi32>
        tpu.vector_store_idx %arg11[%add3A_336, %broadcast_in_dim3A_277], %get3A_330 : memref<1280x16xf32, #tpu.memory_space<vmem>>[vector<16xi32>, vector<16xi32>], vector<16xf32>,
        %get3A_337 = arith.index_cast %select_n3A : i32 to index
        %get3A_338 = arith.index_cast %sub3A_274 : i32 to index
        %get3A_339 = arith.constant 96 : index
        %get3A_340 = tpu.vector_load %arg9[%get3A_337, %get3A_338, %get3A_339] {strides = array<i32>} : memref<10x8x128xf32, #tpu.memory_space<vmem>>, vector<16xf32>,
        %mul3A_341 = arith.constant 128 : i32
        %mul3A_342 = arith.muli %select_n3A, %mul3A_341 : i32
        %add3A_343 = arith.constant 96 : i32
        %add3A_344 = arith.addi %mul3A_342, %add3A_343 : i32
        %add3A_345 = vector.broadcast %add3A_344 : i32 to vector<16xi32>
        %add3A_346 = arith.addi %iota3A, %add3A_345 : vector<16xi32>
        tpu.vector_store_idx %arg11[%add3A_346, %broadcast_in_dim3A_277], %get3A_340 : memref<1280x16xf32, #tpu.memory_space<vmem>>[vector<16xi32>, vector<16xi32>], vector<16xf32>,
        %get3A_347 = arith.index_cast %select_n3A : i32 to index
        %get3A_348 = arith.index_cast %sub3A_274 : i32 to index
        %get3A_349 = arith.constant 112 : index
        %get3A_350 = tpu.vector_load %arg9[%get3A_347, %get3A_348, %get3A_349] {strides = array<i32>} : memref<10x8x128xf32, #tpu.memory_space<vmem>>, vector<16xf32>,
        %mul3A_351 = arith.constant 128 : i32
        %mul3A_352 = arith.muli %select_n3A, %mul3A_351 : i32
        %add3A_353 = arith.constant 112 : i32
        %add3A_354 = arith.addi %mul3A_352, %add3A_353 : i32
        %add3A_355 = vector.broadcast %add3A_354 : i32 to vector<16xi32>
        %add3A_356 = arith.addi %iota3A, %add3A_355 : vector<16xi32>
        tpu.vector_store_idx %arg11[%add3A_356, %broadcast_in_dim3A_277], %get3A_350 : memref<1280x16xf32, #tpu.memory_space<vmem>>[vector<16xi32>, vector<16xi32>], vector<16xf32>,
      }
      %scan3A_254 = arith.constant 80 : i32
    } else {
    }
    %add3A_20 = arith.constant 32 : i32
    %add3A_21 = arith.addi %add3A_20, %add3A : i32
    %lt3A_22 = arith.constant 250 : i32
    %lt3A_23 = arith.cmpi slt, %add3A_21, %lt3A_22 : i32
    %convert_element_type3A_24 = arith.extui %lt3A_23 : i1 to i32
    %cond3A_25 = arith.constant 0 : i32
    %cond3A_26 = arith.cmpi ne, %convert_element_type3A_24, %cond3A_25 : i32
    scf.if %cond3A_26 {
      %mul3A_219 = arith.constant 10 : i32
      %mul3A_220 = arith.muli %add3A_21, %mul3A_219 : i32
      %dma_start3A = arith.constant 1 : i32
      %dma_start3A_221 = arith.constant 0 : i32
      %dma_start3A_222 = tpu.memref_slice %arg2[%dma_start3A, %mul3A_220, %dma_start3A_221] : memref<2x2500x128xi32, #tpu.memory_space<hbm>> -> memref<1x10x128xi32, #tpu.memory_space<hbm>>
      %dma_start3A_223 = tpu.memref_squeeze %dma_start3A_222 : memref<1x10x128xi32, #tpu.memory_space<hbm>> -> memref<10x128xi32, #tpu.memory_space<hbm>>
      %dma_start3A_224 = arith.constant 0 : i32
      %dma_start3A_225 = tpu.memref_slice %arg2[%dma_start3A, %mul3A_220, %dma_start3A_224] : memref<2x2500x128xi32, #tpu.memory_space<hbm>> -> memref<1x10x128xi32, #tpu.memory_space<hbm>>
      %dma_start3A_226 = tpu.memref_squeeze %dma_start3A_225 : memref<1x10x128xi32, #tpu.memory_space<hbm>> -> memref<10x128xi32, #tpu.memory_space<hbm>>
      tpu.enqueue_dma source(%dma_start3A_226 : memref<10x128xi32, #tpu.memory_space<hbm>>) target(%arg6 : memref<10x128xi32, #tpu.memory_space<vmem>>) target_semaphore(%arg16 : memref<!tpu.dma_semaphore, #tpu.memory_space<semaphore_mem>>)
      %dma_start3A_227 = arith.constant 0 : i32
      %dma_start3A_228 = arith.constant 0 : i32
      %dma_start3A_229 = tpu.memref_slice %arg3[%mul3A_220, %dma_start3A_227, %dma_start3A_228] : memref<5000x8x128xf32, #tpu.memory_space<hbm>> -> memref<10x8x128xf32, #tpu.memory_space<hbm>>
      %dma_start3A_230 = arith.constant 0 : i32
      %dma_start3A_231 = arith.constant 0 : i32
      %dma_start3A_232 = tpu.memref_slice %arg3[%mul3A_220, %dma_start3A_230, %dma_start3A_231] : memref<5000x8x128xf32, #tpu.memory_space<hbm>> -> memref<10x8x128xf32, #tpu.memory_space<hbm>>
      tpu.enqueue_dma source(%dma_start3A_232 : memref<10x8x128xf32, #tpu.memory_space<hbm>>) target(%arg8 : memref<10x8x128xf32, #tpu.memory_space<vmem>>) target_semaphore(%arg16 : memref<!tpu.dma_semaphore, #tpu.memory_space<semaphore_mem>>)
      %add3A_233 = arith.constant 2500 : i32
      %add3A_234 = arith.addi %add3A_233, %mul3A_220 : i32
      %dma_start3A_235 = arith.constant 0 : i32
      %dma_start3A_236 = arith.constant 0 : i32
      %dma_start3A_237 = tpu.memref_slice %arg3[%add3A_234, %dma_start3A_235, %dma_start3A_236] : memref<5000x8x128xf32, #tpu.memory_space<hbm>> -> memref<10x8x128xf32, #tpu.memory_space<hbm>>
      %dma_start3A_238 = arith.constant 0 : i32
      %dma_start3A_239 = arith.constant 0 : i32
      %dma_start3A_240 = tpu.memref_slice %arg3[%add3A_234, %dma_start3A_238, %dma_start3A_239] : memref<5000x8x128xf32, #tpu.memory_space<hbm>> -> memref<10x8x128xf32, #tpu.memory_space<hbm>>
      tpu.enqueue_dma source(%dma_start3A_240 : memref<10x8x128xf32, #tpu.memory_space<hbm>>) target(%arg10 : memref<10x8x128xf32, #tpu.memory_space<vmem>>) target_semaphore(%arg16 : memref<!tpu.dma_semaphore, #tpu.memory_space<semaphore_mem>>)
    } else {
    }
    %lt3A_27 = arith.constant 250 : i32
    %lt3A_28 = arith.cmpi slt, %add3A_14, %lt3A_27 : i32
    %convert_element_type3A_29 = arith.extui %lt3A_28 : i1 to i32
    %cond3A_30 = arith.constant 0 : i32
    %cond3A_31 = arith.cmpi ne, %convert_element_type3A_29, %cond3A_30 : i32
    scf.if %cond3A_31 {
      %scan3A_219 = arith.constant 0 : i32
      %scan3A_220 = arith.constant 0 : i32
      %scan3A_221 = arith.constant 10 : i32
      %scan3A_222 = arith.addi %scan3A_220, %scan3A_221 : i32
      %scan3A_223 = arith.constant 1 : i32
      scf.for %scan3A_225 = %scan3A_220 to %scan3A_222 step %scan3A_223  : i32 {
        %mul3A_226 = arith.constant 128 : i32
        %mul3A_227 = arith.muli %scan3A_225, %mul3A_226 : i32
        %dma_start3A = arith.constant 0 : i32
        %dma_start3A_228 = tpu.memref_slice %arg11[%mul3A_227, %dma_start3A] : memref<1280x16xf32, #tpu.memory_space<vmem>> -> memref<128x16xf32, #tpu.memory_space<vmem>>
        %dma_start3A_229 = arith.constant 0 : i32
        %dma_start3A_230 = tpu.memref_slice %arg5[%scan3A_225, %dma_start3A_229] : memref<10x128xi32, #tpu.memory_space<vmem>> -> memref<1x128xi32, #tpu.memory_space<vmem>>
        %dma_start3A_231 = tpu.memref_squeeze %dma_start3A_230 : memref<1x128xi32, #tpu.memory_space<vmem>> -> memref<128xi32, #tpu.memory_space<vmem>>
        %dma_start3A_232 = arith.constant 0 : i32
        %dma_start3A_233 = arith.constant 0 : i32
        %dma_start3A_234 = tpu.memref_slice %arg14[%dma_start3A_232, %dma_start3A_233] : memref<10240x16xf32, #tpu.memory_space<vmem_shared>> -> memref<10240x16xf32, #tpu.memory_space<vmem_shared>>
        tpu.enqueue_indirect_dma source(%dma_start3A_228 : memref<128x16xf32, #tpu.memory_space<vmem>>) target(%dma_start3A_234 : memref<10240x16xf32, #tpu.memory_space<vmem_shared>>) offsets(%dma_start3A_231 : memref<128xi32, #tpu.memory_space<vmem>>) semaphore(%arg17 : memref<!tpu.dma_semaphore, #tpu.memory_space<semaphore_mem>>) {add = true}
      }
      %scan3A_224 = arith.constant 10 : i32
    } else {
    }
    %add3A_32 = arith.constant 32 : i32
    %add3A_33 = arith.addi %add3A_32, %add3A : i32
    %lt3A_34 = arith.constant 250 : i32
    %lt3A_35 = arith.cmpi slt, %add3A_33, %lt3A_34 : i32
    %convert_element_type3A_36 = arith.extui %lt3A_35 : i1 to i32
    %cond3A_37 = arith.constant 0 : i32
    %cond3A_38 = arith.cmpi ne, %convert_element_type3A_36, %cond3A_37 : i32
    scf.if %cond3A_38 {
      %dma_wait3A = arith.constant 1 : i32
      %dma_wait3A_219 = arith.constant 0 : i32
      %dma_wait3A_220 = arith.constant 0 : i32
      %dma_wait3A_221 = tpu.memref_slice %arg2[%dma_wait3A, %dma_wait3A_219, %dma_wait3A_220] : memref<2x2500x128xi32, #tpu.memory_space<hbm>> -> memref<1x10x128xi32, #tpu.memory_space<hbm>>
      %dma_wait3A_222 = tpu.memref_squeeze %dma_wait3A_221 : memref<1x10x128xi32, #tpu.memory_space<hbm>> -> memref<10x128xi32, #tpu.memory_space<hbm>>
      %dma_wait3A_223 = arith.constant 0 : i32
      %dma_wait3A_224 = arith.constant 0 : i32
      %dma_wait3A_225 = tpu.memref_slice %arg2[%dma_wait3A, %dma_wait3A_223, %dma_wait3A_224] : memref<2x2500x128xi32, #tpu.memory_space<hbm>> -> memref<1x10x128xi32, #tpu.memory_space<hbm>>
      %dma_wait3A_226 = tpu.memref_squeeze %dma_wait3A_225 : memref<1x10x128xi32, #tpu.memory_space<hbm>> -> memref<10x128xi32, #tpu.memory_space<hbm>>
      tpu.wait_dma2 semaphore(%arg16 : memref<!tpu.dma_semaphore, #tpu.memory_space<semaphore_mem>>) src(%dma_wait3A_226 : memref<10x128xi32, #tpu.memory_space<hbm>>) dst(%arg6 : memref<10x128xi32, #tpu.memory_space<vmem>>)
      %dma_wait3A_227 = arith.constant 0 : i32
      %dma_wait3A_228 = arith.constant 0 : i32
      %dma_wait3A_229 = arith.constant 0 : i32
      %dma_wait3A_230 = tpu.memref_slice %arg3[%dma_wait3A_227, %dma_wait3A_228, %dma_wait3A_229] : memref<5000x8x128xf32, #tpu.memory_space<hbm>> -> memref<10x8x128xf32, #tpu.memory_space<hbm>>
      %dma_wait3A_231 = arith.constant 0 : i32
      %dma_wait3A_232 = arith.constant 0 : i32
      %dma_wait3A_233 = arith.constant 0 : i32
      %dma_wait3A_234 = tpu.memref_slice %arg3[%dma_wait3A_231, %dma_wait3A_232, %dma_wait3A_233] : memref<5000x8x128xf32, #tpu.memory_space<hbm>> -> memref<10x8x128xf32, #tpu.memory_space<hbm>>
      tpu.wait_dma2 semaphore(%arg16 : memref<!tpu.dma_semaphore, #tpu.memory_space<semaphore_mem>>) src(%dma_wait3A_234 : memref<10x8x128xf32, #tpu.memory_space<hbm>>) dst(%arg8 : memref<10x8x128xf32, #tpu.memory_space<vmem>>)
      %dma_wait3A_235 = arith.constant 0 : i32
      %dma_wait3A_236 = arith.constant 0 : i32
      %dma_wait3A_237 = arith.constant 0 : i32
      %dma_wait3A_238 = tpu.memref_slice %arg3[%dma_wait3A_235, %dma_wait3A_236, %dma_wait3A_237] : memref<5000x8x128xf32, #tpu.memory_space<hbm>> -> memref<10x8x128xf32, #tpu.memory_space<hbm>>
      %dma_wait3A_239 = arith.constant 0 : i32
      %dma_wait3A_240 = arith.constant 0 : i32
      %dma_wait3A_241 = arith.constant 0 : i32
      %dma_wait3A_242 = tpu.memref_slice %arg3[%dma_wait3A_239, %dma_wait3A_240, %dma_wait3A_241] : memref<5000x8x128xf32, #tpu.memory_space<hbm>> -> memref<10x8x128xf32, #tpu.memory_space<hbm>>
      tpu.wait_dma2 semaphore(%arg16 : memref<!tpu.dma_semaphore, #tpu.memory_space<semaphore_mem>>) src(%dma_wait3A_242 : memref<10x8x128xf32, #tpu.memory_space<hbm>>) dst(%arg10 : memref<10x8x128xf32, #tpu.memory_space<vmem>>)
      %scan3A_243 = arith.constant 0 : i32
      %scan3A_244 = arith.constant 0 : i32
      %scan3A_245 = arith.constant 80 : i32
      %scan3A_246 = arith.addi %scan3A_244, %scan3A_245 : i32
      %scan3A_247 = arith.constant 1 : i32
      scf.for %scan3A_255 = %scan3A_244 to %scan3A_246 step %scan3A_247  : i32 {
        %jit3A = arith.constant 8 : i32
        %div3A = arith.divsi %scan3A_255, %jit3A : i32
        %sign3A = arith.constant 0 : i32
        %sign3A_256 = arith.cmpi sgt, %scan3A_255, %sign3A : i32
        %sign3A_257 = arith.extui %sign3A_256 : i1 to i32
        %sign3A_258 = arith.constant 0 : i32
        %sign3A_259 = arith.cmpi slt, %scan3A_255, %sign3A_258 : i32
        %sign3A_260 = arith.extui %sign3A_259 : i1 to i32
        %sign3A_261 = arith.subi %sign3A_257, %sign3A_260 : i32
        %sign3A_262 = arith.constant 0 : i32
        %sign3A_263 = arith.cmpi sgt, %jit3A, %sign3A_262 : i32
        %sign3A_264 = arith.extui %sign3A_263 : i1 to i32
        %sign3A_265 = arith.constant 0 : i32
        %sign3A_266 = arith.cmpi slt, %jit3A, %sign3A_265 : i32
        %sign3A_267 = arith.extui %sign3A_266 : i1 to i32
        %sign3A_268 = arith.subi %sign3A_264, %sign3A_267 : i32
        %ne3A = arith.cmpi ne, %sign3A_261, %sign3A_268 : i32
        %rem3A = arith.remsi %scan3A_255, %jit3A : i32
        %ne3A_269 = arith.constant 0 : i32
        %ne3A_270 = arith.cmpi ne, %rem3A, %ne3A_269 : i32
        %and3A = arith.andi %ne3A, %ne3A_270 : i1
        %sub3A = arith.constant 1 : i32
        %sub3A_271 = arith.subi %div3A, %sub3A : i32
        %select_n3A = arith.select %and3A, %sub3A_271, %div3A : i32
        %mul3A_272 = arith.constant 8 : i32
        %mul3A_273 = arith.muli %select_n3A, %mul3A_272 : i32
        %sub3A_274 = arith.subi %scan3A_255, %mul3A_273 : i32
        %add3A_275 = arith.constant 0 : i32
        %add3A_276 = arith.addi %add3A_275, %sub3A_274 : i32
        %broadcast_in_dim3A_277 = vector.broadcast %add3A_276 : i32 to vector<16xi32>
        %get3A = arith.index_cast %select_n3A : i32 to index
        %get3A_278 = arith.index_cast %sub3A_274 : i32 to index
        %get3A_279 = arith.constant 0 : index
        %get3A_280 = tpu.vector_load %arg8[%get3A, %get3A_278, %get3A_279] {strides = array<i32>} : memref<10x8x128xf32, #tpu.memory_space<vmem>>, vector<16xf32>,
        %mul3A_281 = arith.constant 128 : i32
        %mul3A_282 = arith.muli %select_n3A, %mul3A_281 : i32
        %add3A_283 = arith.constant 0 : i32
        %add3A_284 = arith.addi %mul3A_282, %add3A_283 : i32
        %add3A_285 = vector.broadcast %add3A_284 : i32 to vector<16xi32>
        %add3A_286 = arith.addi %iota3A, %add3A_285 : vector<16xi32>
        tpu.vector_store_idx %arg12[%add3A_286, %broadcast_in_dim3A_277], %get3A_280 : memref<1280x16xf32, #tpu.memory_space<vmem>>[vector<16xi32>, vector<16xi32>], vector<16xf32>,
        %get3A_287 = arith.index_cast %select_n3A : i32 to index
        %get3A_288 = arith.index_cast %sub3A_274 : i32 to index
        %get3A_289 = arith.constant 16 : index
        %get3A_290 = tpu.vector_load %arg8[%get3A_287, %get3A_288, %get3A_289] {strides = array<i32>} : memref<10x8x128xf32, #tpu.memory_space<vmem>>, vector<16xf32>,
        %mul3A_291 = arith.constant 128 : i32
        %mul3A_292 = arith.muli %select_n3A, %mul3A_291 : i32
        %add3A_293 = arith.constant 16 : i32
        %add3A_294 = arith.addi %mul3A_292, %add3A_293 : i32
        %add3A_295 = vector.broadcast %add3A_294 : i32 to vector<16xi32>
        %add3A_296 = arith.addi %iota3A, %add3A_295 : vector<16xi32>
        tpu.vector_store_idx %arg12[%add3A_296, %broadcast_in_dim3A_277], %get3A_290 : memref<1280x16xf32, #tpu.memory_space<vmem>>[vector<16xi32>, vector<16xi32>], vector<16xf32>,
        %get3A_297 = arith.index_cast %select_n3A : i32 to index
        %get3A_298 = arith.index_cast %sub3A_274 : i32 to index
        %get3A_299 = arith.constant 32 : index
        %get3A_300 = tpu.vector_load %arg8[%get3A_297, %get3A_298, %get3A_299] {strides = array<i32>} : memref<10x8x128xf32, #tpu.memory_space<vmem>>, vector<16xf32>,
        %mul3A_301 = arith.constant 128 : i32
        %mul3A_302 = arith.muli %select_n3A, %mul3A_301 : i32
        %add3A_303 = arith.constant 32 : i32
        %add3A_304 = arith.addi %mul3A_302, %add3A_303 : i32
        %add3A_305 = vector.broadcast %add3A_304 : i32 to vector<16xi32>
        %add3A_306 = arith.addi %iota3A, %add3A_305 : vector<16xi32>
        tpu.vector_store_idx %arg12[%add3A_306, %broadcast_in_dim3A_277], %get3A_300 : memref<1280x16xf32, #tpu.memory_space<vmem>>[vector<16xi32>, vector<16xi32>], vector<16xf32>,
        %get3A_307 = arith.index_cast %select_n3A : i32 to index
        %get3A_308 = arith.index_cast %sub3A_274 : i32 to index
        %get3A_309 = arith.constant 48 : index
        %get3A_310 = tpu.vector_load %arg8[%get3A_307, %get3A_308, %get3A_309] {strides = array<i32>} : memref<10x8x128xf32, #tpu.memory_space<vmem>>, vector<16xf32>,
        %mul3A_311 = arith.constant 128 : i32
        %mul3A_312 = arith.muli %select_n3A, %mul3A_311 : i32
        %add3A_313 = arith.constant 48 : i32
        %add3A_314 = arith.addi %mul3A_312, %add3A_313 : i32
        %add3A_315 = vector.broadcast %add3A_314 : i32 to vector<16xi32>
        %add3A_316 = arith.addi %iota3A, %add3A_315 : vector<16xi32>
        tpu.vector_store_idx %arg12[%add3A_316, %broadcast_in_dim3A_277], %get3A_310 : memref<1280x16xf32, #tpu.memory_space<vmem>>[vector<16xi32>, vector<16xi32>], vector<16xf32>,
        %get3A_317 = arith.index_cast %select_n3A : i32 to index
        %get3A_318 = arith.index_cast %sub3A_274 : i32 to index
        %get3A_319 = arith.constant 64 : index
        %get3A_320 = tpu.vector_load %arg8[%get3A_317, %get3A_318, %get3A_319] {strides = array<i32>} : memref<10x8x128xf32, #tpu.memory_space<vmem>>, vector<16xf32>,
        %mul3A_321 = arith.constant 128 : i32
        %mul3A_322 = arith.muli %select_n3A, %mul3A_321 : i32
        %add3A_323 = arith.constant 64 : i32
        %add3A_324 = arith.addi %mul3A_322, %add3A_323 : i32
        %add3A_325 = vector.broadcast %add3A_324 : i32 to vector<16xi32>
        %add3A_326 = arith.addi %iota3A, %add3A_325 : vector<16xi32>
        tpu.vector_store_idx %arg12[%add3A_326, %broadcast_in_dim3A_277], %get3A_320 : memref<1280x16xf32, #tpu.memory_space<vmem>>[vector<16xi32>, vector<16xi32>], vector<16xf32>,
        %get3A_327 = arith.index_cast %select_n3A : i32 to index
        %get3A_328 = arith.index_cast %sub3A_274 : i32 to index
        %get3A_329 = arith.constant 80 : index
        %get3A_330 = tpu.vector_load %arg8[%get3A_327, %get3A_328, %get3A_329] {strides = array<i32>} : memref<10x8x128xf32, #tpu.memory_space<vmem>>, vector<16xf32>,
        %mul3A_331 = arith.constant 128 : i32
        %mul3A_332 = arith.muli %select_n3A, %mul3A_331 : i32
        %add3A_333 = arith.constant 80 : i32
        %add3A_334 = arith.addi %mul3A_332, %add3A_333 : i32
        %add3A_335 = vector.broadcast %add3A_334 : i32 to vector<16xi32>
        %add3A_336 = arith.addi %iota3A, %add3A_335 : vector<16xi32>
        tpu.vector_store_idx %arg12[%add3A_336, %broadcast_in_dim3A_277], %get3A_330 : memref<1280x16xf32, #tpu.memory_space<vmem>>[vector<16xi32>, vector<16xi32>], vector<16xf32>,
        %get3A_337 = arith.index_cast %select_n3A : i32 to index
        %get3A_338 = arith.index_cast %sub3A_274 : i32 to index
        %get3A_339 = arith.constant 96 : index
        %get3A_340 = tpu.vector_load %arg8[%get3A_337, %get3A_338, %get3A_339] {strides = array<i32>} : memref<10x8x128xf32, #tpu.memory_space<vmem>>, vector<16xf32>,
        %mul3A_341 = arith.constant 128 : i32
        %mul3A_342 = arith.muli %select_n3A, %mul3A_341 : i32
        %add3A_343 = arith.constant 96 : i32
        %add3A_344 = arith.addi %mul3A_342, %add3A_343 : i32
        %add3A_345 = vector.broadcast %add3A_344 : i32 to vector<16xi32>
        %add3A_346 = arith.addi %iota3A, %add3A_345 : vector<16xi32>
        tpu.vector_store_idx %arg12[%add3A_346, %broadcast_in_dim3A_277], %get3A_340 : memref<1280x16xf32, #tpu.memory_space<vmem>>[vector<16xi32>, vector<16xi32>], vector<16xf32>,
        %get3A_347 = arith.index_cast %select_n3A : i32 to index
        %get3A_348 = arith.index_cast %sub3A_274 : i32 to index
        %get3A_349 = arith.constant 112 : index
        %get3A_350 = tpu.vector_load %arg8[%get3A_347, %get3A_348, %get3A_349] {strides = array<i32>} : memref<10x8x128xf32, #tpu.memory_space<vmem>>, vector<16xf32>,
        %mul3A_351 = arith.constant 128 : i32
        %mul3A_352 = arith.muli %select_n3A, %mul3A_351 : i32
        %add3A_353 = arith.constant 112 : i32
        %add3A_354 = arith.addi %mul3A_352, %add3A_353 : i32
        %add3A_355 = vector.broadcast %add3A_354 : i32 to vector<16xi32>
        %add3A_356 = arith.addi %iota3A, %add3A_355 : vector<16xi32>
        tpu.vector_store_idx %arg12[%add3A_356, %broadcast_in_dim3A_277], %get3A_350 : memref<1280x16xf32, #tpu.memory_space<vmem>>[vector<16xi32>, vector<16xi32>], vector<16xf32>,
      }
      %scan3A_248 = arith.constant 80 : i32
      %scan3A_249 = arith.constant 0 : i32
      %scan3A_250 = arith.constant 0 : i32
      %scan3A_251 = arith.constant 80 : i32
      %scan3A_252 = arith.addi %scan3A_250, %scan3A_251 : i32
      %scan3A_253 = arith.constant 1 : i32
      scf.for %scan3A_255 = %scan3A_250 to %scan3A_252 step %scan3A_253  : i32 {
        %jit3A = arith.constant 8 : i32
        %div3A = arith.divsi %scan3A_255, %jit3A : i32
        %sign3A = arith.constant 0 : i32
        %sign3A_256 = arith.cmpi sgt, %scan3A_255, %sign3A : i32
        %sign3A_257 = arith.extui %sign3A_256 : i1 to i32
        %sign3A_258 = arith.constant 0 : i32
        %sign3A_259 = arith.cmpi slt, %scan3A_255, %sign3A_258 : i32
        %sign3A_260 = arith.extui %sign3A_259 : i1 to i32
        %sign3A_261 = arith.subi %sign3A_257, %sign3A_260 : i32
        %sign3A_262 = arith.constant 0 : i32
        %sign3A_263 = arith.cmpi sgt, %jit3A, %sign3A_262 : i32
        %sign3A_264 = arith.extui %sign3A_263 : i1 to i32
        %sign3A_265 = arith.constant 0 : i32
        %sign3A_266 = arith.cmpi slt, %jit3A, %sign3A_265 : i32
        %sign3A_267 = arith.extui %sign3A_266 : i1 to i32
        %sign3A_268 = arith.subi %sign3A_264, %sign3A_267 : i32
        %ne3A = arith.cmpi ne, %sign3A_261, %sign3A_268 : i32
        %rem3A = arith.remsi %scan3A_255, %jit3A : i32
        %ne3A_269 = arith.constant 0 : i32
        %ne3A_270 = arith.cmpi ne, %rem3A, %ne3A_269 : i32
        %and3A = arith.andi %ne3A, %ne3A_270 : i1
        %sub3A = arith.constant 1 : i32
        %sub3A_271 = arith.subi %div3A, %sub3A : i32
        %select_n3A = arith.select %and3A, %sub3A_271, %div3A : i32
        %mul3A_272 = arith.constant 8 : i32
        %mul3A_273 = arith.muli %select_n3A, %mul3A_272 : i32
        %sub3A_274 = arith.subi %scan3A_255, %mul3A_273 : i32
        %add3A_275 = arith.constant 8 : i32
        %add3A_276 = arith.addi %add3A_275, %sub3A_274 : i32
        %broadcast_in_dim3A_277 = vector.broadcast %add3A_276 : i32 to vector<16xi32>
        %get3A = arith.index_cast %select_n3A : i32 to index
        %get3A_278 = arith.index_cast %sub3A_274 : i32 to index
        %get3A_279 = arith.constant 0 : index
        %get3A_280 = tpu.vector_load %arg10[%get3A, %get3A_278, %get3A_279] {strides = array<i32>} : memref<10x8x128xf32, #tpu.memory_space<vmem>>, vector<16xf32>,
        %mul3A_281 = arith.constant 128 : i32
        %mul3A_282 = arith.muli %select_n3A, %mul3A_281 : i32
        %add3A_283 = arith.constant 0 : i32
        %add3A_284 = arith.addi %mul3A_282, %add3A_283 : i32
        %add3A_285 = vector.broadcast %add3A_284 : i32 to vector<16xi32>
        %add3A_286 = arith.addi %iota3A, %add3A_285 : vector<16xi32>
        tpu.vector_store_idx %arg12[%add3A_286, %broadcast_in_dim3A_277], %get3A_280 : memref<1280x16xf32, #tpu.memory_space<vmem>>[vector<16xi32>, vector<16xi32>], vector<16xf32>,
        %get3A_287 = arith.index_cast %select_n3A : i32 to index
        %get3A_288 = arith.index_cast %sub3A_274 : i32 to index
        %get3A_289 = arith.constant 16 : index
        %get3A_290 = tpu.vector_load %arg10[%get3A_287, %get3A_288, %get3A_289] {strides = array<i32>} : memref<10x8x128xf32, #tpu.memory_space<vmem>>, vector<16xf32>,
        %mul3A_291 = arith.constant 128 : i32
        %mul3A_292 = arith.muli %select_n3A, %mul3A_291 : i32
        %add3A_293 = arith.constant 16 : i32
        %add3A_294 = arith.addi %mul3A_292, %add3A_293 : i32
        %add3A_295 = vector.broadcast %add3A_294 : i32 to vector<16xi32>
        %add3A_296 = arith.addi %iota3A, %add3A_295 : vector<16xi32>
        tpu.vector_store_idx %arg12[%add3A_296, %broadcast_in_dim3A_277], %get3A_290 : memref<1280x16xf32, #tpu.memory_space<vmem>>[vector<16xi32>, vector<16xi32>], vector<16xf32>,
        %get3A_297 = arith.index_cast %select_n3A : i32 to index
        %get3A_298 = arith.index_cast %sub3A_274 : i32 to index
        %get3A_299 = arith.constant 32 : index
        %get3A_300 = tpu.vector_load %arg10[%get3A_297, %get3A_298, %get3A_299] {strides = array<i32>} : memref<10x8x128xf32, #tpu.memory_space<vmem>>, vector<16xf32>,
        %mul3A_301 = arith.constant 128 : i32
        %mul3A_302 = arith.muli %select_n3A, %mul3A_301 : i32
        %add3A_303 = arith.constant 32 : i32
        %add3A_304 = arith.addi %mul3A_302, %add3A_303 : i32
        %add3A_305 = vector.broadcast %add3A_304 : i32 to vector<16xi32>
        %add3A_306 = arith.addi %iota3A, %add3A_305 : vector<16xi32>
        tpu.vector_store_idx %arg12[%add3A_306, %broadcast_in_dim3A_277], %get3A_300 : memref<1280x16xf32, #tpu.memory_space<vmem>>[vector<16xi32>, vector<16xi32>], vector<16xf32>,
        %get3A_307 = arith.index_cast %select_n3A : i32 to index
        %get3A_308 = arith.index_cast %sub3A_274 : i32 to index
        %get3A_309 = arith.constant 48 : index
        %get3A_310 = tpu.vector_load %arg10[%get3A_307, %get3A_308, %get3A_309] {strides = array<i32>} : memref<10x8x128xf32, #tpu.memory_space<vmem>>, vector<16xf32>,
        %mul3A_311 = arith.constant 128 : i32
        %mul3A_312 = arith.muli %select_n3A, %mul3A_311 : i32
        %add3A_313 = arith.constant 48 : i32
        %add3A_314 = arith.addi %mul3A_312, %add3A_313 : i32
        %add3A_315 = vector.broadcast %add3A_314 : i32 to vector<16xi32>
        %add3A_316 = arith.addi %iota3A, %add3A_315 : vector<16xi32>
        tpu.vector_store_idx %arg12[%add3A_316, %broadcast_in_dim3A_277], %get3A_310 : memref<1280x16xf32, #tpu.memory_space<vmem>>[vector<16xi32>, vector<16xi32>], vector<16xf32>,
        %get3A_317 = arith.index_cast %select_n3A : i32 to index
        %get3A_318 = arith.index_cast %sub3A_274 : i32 to index
        %get3A_319 = arith.constant 64 : index
        %get3A_320 = tpu.vector_load %arg10[%get3A_317, %get3A_318, %get3A_319] {strides = array<i32>} : memref<10x8x128xf32, #tpu.memory_space<vmem>>, vector<16xf32>,
        %mul3A_321 = arith.constant 128 : i32
        %mul3A_322 = arith.muli %select_n3A, %mul3A_321 : i32
        %add3A_323 = arith.constant 64 : i32
        %add3A_324 = arith.addi %mul3A_322, %add3A_323 : i32
        %add3A_325 = vector.broadcast %add3A_324 : i32 to vector<16xi32>
        %add3A_326 = arith.addi %iota3A, %add3A_325 : vector<16xi32>
        tpu.vector_store_idx %arg12[%add3A_326, %broadcast_in_dim3A_277], %get3A_320 : memref<1280x16xf32, #tpu.memory_space<vmem>>[vector<16xi32>, vector<16xi32>], vector<16xf32>,
        %get3A_327 = arith.index_cast %select_n3A : i32 to index
        %get3A_328 = arith.index_cast %sub3A_274 : i32 to index
        %get3A_329 = arith.constant 80 : index
        %get3A_330 = tpu.vector_load %arg10[%get3A_327, %get3A_328, %get3A_329] {strides = array<i32>} : memref<10x8x128xf32, #tpu.memory_space<vmem>>, vector<16xf32>,
        %mul3A_331 = arith.constant 128 : i32
        %mul3A_332 = arith.muli %select_n3A, %mul3A_331 : i32
        %add3A_333 = arith.constant 80 : i32
        %add3A_334 = arith.addi %mul3A_332, %add3A_333 : i32
        %add3A_335 = vector.broadcast %add3A_334 : i32 to vector<16xi32>
        %add3A_336 = arith.addi %iota3A, %add3A_335 : vector<16xi32>
        tpu.vector_store_idx %arg12[%add3A_336, %broadcast_in_dim3A_277], %get3A_330 : memref<1280x16xf32, #tpu.memory_space<vmem>>[vector<16xi32>, vector<16xi32>], vector<16xf32>,
        %get3A_337 = arith.index_cast %select_n3A : i32 to index
        %get3A_338 = arith.index_cast %sub3A_274 : i32 to index
        %get3A_339 = arith.constant 96 : index
        %get3A_340 = tpu.vector_load %arg10[%get3A_337, %get3A_338, %get3A_339] {strides = array<i32>} : memref<10x8x128xf32, #tpu.memory_space<vmem>>, vector<16xf32>,
        %mul3A_341 = arith.constant 128 : i32
        %mul3A_342 = arith.muli %select_n3A, %mul3A_341 : i32
        %add3A_343 = arith.constant 96 : i32
        %add3A_344 = arith.addi %mul3A_342, %add3A_343 : i32
        %add3A_345 = vector.broadcast %add3A_344 : i32 to vector<16xi32>
        %add3A_346 = arith.addi %iota3A, %add3A_345 : vector<16xi32>
        tpu.vector_store_idx %arg12[%add3A_346, %broadcast_in_dim3A_277], %get3A_340 : memref<1280x16xf32, #tpu.memory_space<vmem>>[vector<16xi32>, vector<16xi32>], vector<16xf32>,
        %get3A_347 = arith.index_cast %select_n3A : i32 to index
        %get3A_348 = arith.index_cast %sub3A_274 : i32 to index
        %get3A_349 = arith.constant 112 : index
        %get3A_350 = tpu.vector_load %arg10[%get3A_347, %get3A_348, %get3A_349] {strides = array<i32>} : memref<10x8x128xf32, #tpu.memory_space<vmem>>, vector<16xf32>,
        %mul3A_351 = arith.constant 128 : i32
        %mul3A_352 = arith.muli %select_n3A, %mul3A_351 : i32
        %add3A_353 = arith.constant 112 : i32
        %add3A_354 = arith.addi %mul3A_352, %add3A_353 : i32
        %add3A_355 = vector.broadcast %add3A_354 : i32 to vector<16xi32>
        %add3A_356 = arith.addi %iota3A, %add3A_355 : vector<16xi32>
        tpu.vector_store_idx %arg12[%add3A_356, %broadcast_in_dim3A_277], %get3A_350 : memref<1280x16xf32, #tpu.memory_space<vmem>>[vector<16xi32>, vector<16xi32>], vector<16xf32>,
      }
      %scan3A_254 = arith.constant 80 : i32
    } else {
    }
    %add3A_39 = arith.constant 0 : i32
    %add3A_40 = arith.addi %add3A_39, %add3A : i32
    %lt3A_41 = arith.constant 250 : i32
    %lt3A_42 = arith.cmpi slt, %add3A_40, %lt3A_41 : i32
    %convert_element_type3A_43 = arith.extui %lt3A_42 : i1 to i32
    %cond3A_44 = arith.constant 0 : i32
    %cond3A_45 = arith.cmpi ne, %convert_element_type3A_43, %cond3A_44 : i32
    scf.if %cond3A_45 {
      %dma_wait3A = arith.constant 0 : i32
      %dma_wait3A_219 = arith.constant 0 : i32
      %dma_wait3A_220 = arith.constant 0 : i32
      %dma_wait3A_221 = tpu.memref_slice %arg3[%dma_wait3A, %dma_wait3A_219, %dma_wait3A_220] : memref<5000x8x128xf32, #tpu.memory_space<hbm>> -> memref<10x8x128xf32, #tpu.memory_space<hbm>>
      %dma_wait3A_222 = arith.constant 0 : i32
      %dma_wait3A_223 = arith.constant 0 : i32
      %dma_wait3A_224 = arith.constant 0 : i32
      %dma_wait3A_225 = tpu.memref_slice %arg3[%dma_wait3A_222, %dma_wait3A_223, %dma_wait3A_224] : memref<5000x8x128xf32, #tpu.memory_space<hbm>> -> memref<10x8x128xf32, #tpu.memory_space<hbm>>
      tpu.wait_dma2 semaphore(%arg17 : memref<!tpu.dma_semaphore, #tpu.memory_space<semaphore_mem>>) src(%dma_wait3A_225 : memref<10x8x128xf32, #tpu.memory_space<hbm>>) dst(%arg11 : memref<1280x16xf32, #tpu.memory_space<vmem>>)
    } else {
    }
    %add3A_46 = arith.constant 64 : i32
    %add3A_47 = arith.addi %add3A_46, %add3A : i32
    %lt3A_48 = arith.constant 250 : i32
    %lt3A_49 = arith.cmpi slt, %add3A_47, %lt3A_48 : i32
    %convert_element_type3A_50 = arith.extui %lt3A_49 : i1 to i32
    %cond3A_51 = arith.constant 0 : i32
    %cond3A_52 = arith.cmpi ne, %convert_element_type3A_50, %cond3A_51 : i32
    scf.if %cond3A_52 {
      %mul3A_219 = arith.constant 10 : i32
      %mul3A_220 = arith.muli %add3A_47, %mul3A_219 : i32
      %dma_start3A = arith.constant 1 : i32
      %dma_start3A_221 = arith.constant 0 : i32
      %dma_start3A_222 = tpu.memref_slice %arg2[%dma_start3A, %mul3A_220, %dma_start3A_221] : memref<2x2500x128xi32, #tpu.memory_space<hbm>> -> memref<1x10x128xi32, #tpu.memory_space<hbm>>
      %dma_start3A_223 = tpu.memref_squeeze %dma_start3A_222 : memref<1x10x128xi32, #tpu.memory_space<hbm>> -> memref<10x128xi32, #tpu.memory_space<hbm>>
      %dma_start3A_224 = arith.constant 0 : i32
      %dma_start3A_225 = tpu.memref_slice %arg2[%dma_start3A, %mul3A_220, %dma_start3A_224] : memref<2x2500x128xi32, #tpu.memory_space<hbm>> -> memref<1x10x128xi32, #tpu.memory_space<hbm>>
      %dma_start3A_226 = tpu.memref_squeeze %dma_start3A_225 : memref<1x10x128xi32, #tpu.memory_space<hbm>> -> memref<10x128xi32, #tpu.memory_space<hbm>>
      tpu.enqueue_dma source(%dma_start3A_226 : memref<10x128xi32, #tpu.memory_space<hbm>>) target(%arg5 : memref<10x128xi32, #tpu.memory_space<vmem>>) target_semaphore(%arg15 : memref<!tpu.dma_semaphore, #tpu.memory_space<semaphore_mem>>)
      %dma_start3A_227 = arith.constant 0 : i32
      %dma_start3A_228 = arith.constant 0 : i32
      %dma_start3A_229 = tpu.memref_slice %arg3[%mul3A_220, %dma_start3A_227, %dma_start3A_228] : memref<5000x8x128xf32, #tpu.memory_space<hbm>> -> memref<10x8x128xf32, #tpu.memory_space<hbm>>
      %dma_start3A_230 = arith.constant 0 : i32
      %dma_start3A_231 = arith.constant 0 : i32
      %dma_start3A_232 = tpu.memref_slice %arg3[%mul3A_220, %dma_start3A_230, %dma_start3A_231] : memref<5000x8x128xf32, #tpu.memory_space<hbm>> -> memref<10x8x128xf32, #tpu.memory_space<hbm>>
      tpu.enqueue_dma source(%dma_start3A_232 : memref<10x8x128xf32, #tpu.memory_space<hbm>>) target(%arg7 : memref<10x8x128xf32, #tpu.memory_space<vmem>>) target_semaphore(%arg15 : memref<!tpu.dma_semaphore, #tpu.memory_space<semaphore_mem>>)
      %add3A_233 = arith.constant 2500 : i32
      %add3A_234 = arith.addi %add3A_233, %mul3A_220 : i32
      %dma_start3A_235 = arith.constant 0 : i32
      %dma_start3A_236 = arith.constant 0 : i32
      %dma_start3A_237 = tpu.memref_slice %arg3[%add3A_234, %dma_start3A_235, %dma_start3A_236] : memref<5000x8x128xf32, #tpu.memory_space<hbm>> -> memref<10x8x128xf32, #tpu.memory_space<hbm>>
      %dma_start3A_238 = arith.constant 0 : i32
      %dma_start3A_239 = arith.constant 0 : i32
      %dma_start3A_240 = tpu.memref_slice %arg3[%add3A_234, %dma_start3A_238, %dma_start3A_239] : memref<5000x8x128xf32, #tpu.memory_space<hbm>> -> memref<10x8x128xf32, #tpu.memory_space<hbm>>
      tpu.enqueue_dma source(%dma_start3A_240 : memref<10x8x128xf32, #tpu.memory_space<hbm>>) target(%arg9 : memref<10x8x128xf32, #tpu.memory_space<vmem>>) target_semaphore(%arg15 : memref<!tpu.dma_semaphore, #tpu.memory_space<semaphore_mem>>)
    } else {
    }
    %lt3A_53 = arith.constant 250 : i32
    %lt3A_54 = arith.cmpi slt, %add3A_33, %lt3A_53 : i32
    %convert_element_type3A_55 = arith.extui %lt3A_54 : i1 to i32
    %cond3A_56 = arith.constant 0 : i32
    %cond3A_57 = arith.cmpi ne, %convert_element_type3A_55, %cond3A_56 : i32
    scf.if %cond3A_57 {
      %scan3A_219 = arith.constant 0 : i32
      %scan3A_220 = arith.constant 0 : i32
      %scan3A_221 = arith.constant 10 : i32
      %scan3A_222 = arith.addi %scan3A_220, %scan3A_221 : i32
      %scan3A_223 = arith.constant 1 : i32
      scf.for %scan3A_225 = %scan3A_220 to %scan3A_222 step %scan3A_223  : i32 {
        %mul3A_226 = arith.constant 128 : i32
        %mul3A_227 = arith.muli %scan3A_225, %mul3A_226 : i32
        %dma_start3A = arith.constant 0 : i32
        %dma_start3A_228 = tpu.memref_slice %arg12[%mul3A_227, %dma_start3A] : memref<1280x16xf32, #tpu.memory_space<vmem>> -> memref<128x16xf32, #tpu.memory_space<vmem>>
        %dma_start3A_229 = arith.constant 0 : i32
        %dma_start3A_230 = tpu.memref_slice %arg6[%scan3A_225, %dma_start3A_229] : memref<10x128xi32, #tpu.memory_space<vmem>> -> memref<1x128xi32, #tpu.memory_space<vmem>>
        %dma_start3A_231 = tpu.memref_squeeze %dma_start3A_230 : memref<1x128xi32, #tpu.memory_space<vmem>> -> memref<128xi32, #tpu.memory_space<vmem>>
        %dma_start3A_232 = arith.constant 0 : i32
        %dma_start3A_233 = arith.constant 0 : i32
        %dma_start3A_234 = tpu.memref_slice %arg14[%dma_start3A_232, %dma_start3A_233] : memref<10240x16xf32, #tpu.memory_space<vmem_shared>> -> memref<10240x16xf32, #tpu.memory_space<vmem_shared>>
        tpu.enqueue_indirect_dma source(%dma_start3A_228 : memref<128x16xf32, #tpu.memory_space<vmem>>) target(%dma_start3A_234 : memref<10240x16xf32, #tpu.memory_space<vmem_shared>>) offsets(%dma_start3A_231 : memref<128xi32, #tpu.memory_space<vmem>>) semaphore(%arg17 : memref<!tpu.dma_semaphore, #tpu.memory_space<semaphore_mem>>) {add = true}
      }
      %scan3A_224 = arith.constant 10 : i32
    } else {
    }
    %add3A_58 = arith.constant 64 : i32
    %add3A_59 = arith.addi %add3A_58, %add3A : i32
    %lt3A_60 = arith.constant 250 : i32
    %lt3A_61 = arith.cmpi slt, %add3A_59, %lt3A_60 : i32
    %convert_element_type3A_62 = arith.extui %lt3A_61 : i1 to i32
    %cond3A_63 = arith.constant 0 : i32
    %cond3A_64 = arith.cmpi ne, %convert_element_type3A_62, %cond3A_63 : i32
    scf.if %cond3A_64 {
      %dma_wait3A = arith.constant 1 : i32
      %dma_wait3A_219 = arith.constant 0 : i32
      %dma_wait3A_220 = arith.constant 0 : i32
      %dma_wait3A_221 = tpu.memref_slice %arg2[%dma_wait3A, %dma_wait3A_219, %dma_wait3A_220] : memref<2x2500x128xi32, #tpu.memory_space<hbm>> -> memref<1x10x128xi32, #tpu.memory_space<hbm>>
      %dma_wait3A_222 = tpu.memref_squeeze %dma_wait3A_221 : memref<1x10x128xi32, #tpu.memory_space<hbm>> -> memref<10x128xi32, #tpu.memory_space<hbm>>
      %dma_wait3A_223 = arith.constant 0 : i32
      %dma_wait3A_224 = arith.constant 0 : i32
      %dma_wait3A_225 = tpu.memref_slice %arg2[%dma_wait3A, %dma_wait3A_223, %dma_wait3A_224] : memref<2x2500x128xi32, #tpu.memory_space<hbm>> -> memref<1x10x128xi32, #tpu.memory_space<hbm>>
      %dma_wait3A_226 = tpu.memref_squeeze %dma_wait3A_225 : memref<1x10x128xi32, #tpu.memory_space<hbm>> -> memref<10x128xi32, #tpu.memory_space<hbm>>
      tpu.wait_dma2 semaphore(%arg15 : memref<!tpu.dma_semaphore, #tpu.memory_space<semaphore_mem>>) src(%dma_wait3A_226 : memref<10x128xi32, #tpu.memory_space<hbm>>) dst(%arg5 : memref<10x128xi32, #tpu.memory_space<vmem>>)
      %dma_wait3A_227 = arith.constant 0 : i32
      %dma_wait3A_228 = arith.constant 0 : i32
      %dma_wait3A_229 = arith.constant 0 : i32
      %dma_wait3A_230 = tpu.memref_slice %arg3[%dma_wait3A_227, %dma_wait3A_228, %dma_wait3A_229] : memref<5000x8x128xf32, #tpu.memory_space<hbm>> -> memref<10x8x128xf32, #tpu.memory_space<hbm>>
      %dma_wait3A_231 = arith.constant 0 : i32
      %dma_wait3A_232 = arith.constant 0 : i32
      %dma_wait3A_233 = arith.constant 0 : i32
      %dma_wait3A_234 = tpu.memref_slice %arg3[%dma_wait3A_231, %dma_wait3A_232, %dma_wait3A_233] : memref<5000x8x128xf32, #tpu.memory_space<hbm>> -> memref<10x8x128xf32, #tpu.memory_space<hbm>>
      tpu.wait_dma2 semaphore(%arg15 : memref<!tpu.dma_semaphore, #tpu.memory_space<semaphore_mem>>) src(%dma_wait3A_234 : memref<10x8x128xf32, #tpu.memory_space<hbm>>) dst(%arg7 : memref<10x8x128xf32, #tpu.memory_space<vmem>>)
      %dma_wait3A_235 = arith.constant 0 : i32
      %dma_wait3A_236 = arith.constant 0 : i32
      %dma_wait3A_237 = arith.constant 0 : i32
      %dma_wait3A_238 = tpu.memref_slice %arg3[%dma_wait3A_235, %dma_wait3A_236, %dma_wait3A_237] : memref<5000x8x128xf32, #tpu.memory_space<hbm>> -> memref<10x8x128xf32, #tpu.memory_space<hbm>>
      %dma_wait3A_239 = arith.constant 0 : i32
      %dma_wait3A_240 = arith.constant 0 : i32
      %dma_wait3A_241 = arith.constant 0 : i32
      %dma_wait3A_242 = tpu.memref_slice %arg3[%dma_wait3A_239, %dma_wait3A_240, %dma_wait3A_241] : memref<5000x8x128xf32, #tpu.memory_space<hbm>> -> memref<10x8x128xf32, #tpu.memory_space<hbm>>
      tpu.wait_dma2 semaphore(%arg15 : memref<!tpu.dma_semaphore, #tpu.memory_space<semaphore_mem>>) src(%dma_wait3A_242 : memref<10x8x128xf32, #tpu.memory_space<hbm>>) dst(%arg9 : memref<10x8x128xf32, #tpu.memory_space<vmem>>)
      %scan3A_243 = arith.constant 0 : i32
      %scan3A_244 = arith.constant 0 : i32
      %scan3A_245 = arith.constant 80 : i32
      %scan3A_246 = arith.addi %scan3A_244, %scan3A_245 : i32
      %scan3A_247 = arith.constant 1 : i32
      scf.for %scan3A_255 = %scan3A_244 to %scan3A_246 step %scan3A_247  : i32 {
        %jit3A = arith.constant 8 : i32
        %div3A = arith.divsi %scan3A_255, %jit3A : i32
        %sign3A = arith.constant 0 : i32
        %sign3A_256 = arith.cmpi sgt, %scan3A_255, %sign3A : i32
        %sign3A_257 = arith.extui %sign3A_256 : i1 to i32
        %sign3A_258 = arith.constant 0 : i32
        %sign3A_259 = arith.cmpi slt, %scan3A_255, %sign3A_258 : i32
        %sign3A_260 = arith.extui %sign3A_259 : i1 to i32
        %sign3A_261 = arith.subi %sign3A_257, %sign3A_260 : i32
        %sign3A_262 = arith.constant 0 : i32
        %sign3A_263 = arith.cmpi sgt, %jit3A, %sign3A_262 : i32
        %sign3A_264 = arith.extui %sign3A_263 : i1 to i32
        %sign3A_265 = arith.constant 0 : i32
        %sign3A_266 = arith.cmpi slt, %jit3A, %sign3A_265 : i32
        %sign3A_267 = arith.extui %sign3A_266 : i1 to i32
        %sign3A_268 = arith.subi %sign3A_264, %sign3A_267 : i32
        %ne3A = arith.cmpi ne, %sign3A_261, %sign3A_268 : i32
        %rem3A = arith.remsi %scan3A_255, %jit3A : i32
        %ne3A_269 = arith.constant 0 : i32
        %ne3A_270 = arith.cmpi ne, %rem3A, %ne3A_269 : i32
        %and3A = arith.andi %ne3A, %ne3A_270 : i1
        %sub3A = arith.constant 1 : i32
        %sub3A_271 = arith.subi %div3A, %sub3A : i32
        %select_n3A = arith.select %and3A, %sub3A_271, %div3A : i32
        %mul3A_272 = arith.constant 8 : i32
        %mul3A_273 = arith.muli %select_n3A, %mul3A_272 : i32
        %sub3A_274 = arith.subi %scan3A_255, %mul3A_273 : i32
        %add3A_275 = arith.constant 0 : i32
        %add3A_276 = arith.addi %add3A_275, %sub3A_274 : i32
        %broadcast_in_dim3A_277 = vector.broadcast %add3A_276 : i32 to vector<16xi32>
        %get3A = arith.index_cast %select_n3A : i32 to index
        %get3A_278 = arith.index_cast %sub3A_274 : i32 to index
        %get3A_279 = arith.constant 0 : index
        %get3A_280 = tpu.vector_load %arg7[%get3A, %get3A_278, %get3A_279] {strides = array<i32>} : memref<10x8x128xf32, #tpu.memory_space<vmem>>, vector<16xf32>,
        %mul3A_281 = arith.constant 128 : i32
        %mul3A_282 = arith.muli %select_n3A, %mul3A_281 : i32
        %add3A_283 = arith.constant 0 : i32
        %add3A_284 = arith.addi %mul3A_282, %add3A_283 : i32
        %add3A_285 = vector.broadcast %add3A_284 : i32 to vector<16xi32>
        %add3A_286 = arith.addi %iota3A, %add3A_285 : vector<16xi32>
        tpu.vector_store_idx %arg11[%add3A_286, %broadcast_in_dim3A_277], %get3A_280 : memref<1280x16xf32, #tpu.memory_space<vmem>>[vector<16xi32>, vector<16xi32>], vector<16xf32>,
        %get3A_287 = arith.index_cast %select_n3A : i32 to index
        %get3A_288 = arith.index_cast %sub3A_274 : i32 to index
        %get3A_289 = arith.constant 16 : index
        %get3A_290 = tpu.vector_load %arg7[%get3A_287, %get3A_288, %get3A_289] {strides = array<i32>} : memref<10x8x128xf32, #tpu.memory_space<vmem>>, vector<16xf32>,
        %mul3A_291 = arith.constant 128 : i32
        %mul3A_292 = arith.muli %select_n3A, %mul3A_291 : i32
        %add3A_293 = arith.constant 16 : i32
        %add3A_294 = arith.addi %mul3A_292, %add3A_293 : i32
        %add3A_295 = vector.broadcast %add3A_294 : i32 to vector<16xi32>
        %add3A_296 = arith.addi %iota3A, %add3A_295 : vector<16xi32>
        tpu.vector_store_idx %arg11[%add3A_296, %broadcast_in_dim3A_277], %get3A_290 : memref<1280x16xf32, #tpu.memory_space<vmem>>[vector<16xi32>, vector<16xi32>], vector<16xf32>,
        %get3A_297 = arith.index_cast %select_n3A : i32 to index
        %get3A_298 = arith.index_cast %sub3A_274 : i32 to index
        %get3A_299 = arith.constant 32 : index
        %get3A_300 = tpu.vector_load %arg7[%get3A_297, %get3A_298, %get3A_299] {strides = array<i32>} : memref<10x8x128xf32, #tpu.memory_space<vmem>>, vector<16xf32>,
        %mul3A_301 = arith.constant 128 : i32
        %mul3A_302 = arith.muli %select_n3A, %mul3A_301 : i32
        %add3A_303 = arith.constant 32 : i32
        %add3A_304 = arith.addi %mul3A_302, %add3A_303 : i32
        %add3A_305 = vector.broadcast %add3A_304 : i32 to vector<16xi32>
        %add3A_306 = arith.addi %iota3A, %add3A_305 : vector<16xi32>
        tpu.vector_store_idx %arg11[%add3A_306, %broadcast_in_dim3A_277], %get3A_300 : memref<1280x16xf32, #tpu.memory_space<vmem>>[vector<16xi32>, vector<16xi32>], vector<16xf32>,
        %get3A_307 = arith.index_cast %select_n3A : i32 to index
        %get3A_308 = arith.index_cast %sub3A_274 : i32 to index
        %get3A_309 = arith.constant 48 : index
        %get3A_310 = tpu.vector_load %arg7[%get3A_307, %get3A_308, %get3A_309] {strides = array<i32>} : memref<10x8x128xf32, #tpu.memory_space<vmem>>, vector<16xf32>,
        %mul3A_311 = arith.constant 128 : i32
        %mul3A_312 = arith.muli %select_n3A, %mul3A_311 : i32
        %add3A_313 = arith.constant 48 : i32
        %add3A_314 = arith.addi %mul3A_312, %add3A_313 : i32
        %add3A_315 = vector.broadcast %add3A_314 : i32 to vector<16xi32>
        %add3A_316 = arith.addi %iota3A, %add3A_315 : vector<16xi32>
        tpu.vector_store_idx %arg11[%add3A_316, %broadcast_in_dim3A_277], %get3A_310 : memref<1280x16xf32, #tpu.memory_space<vmem>>[vector<16xi32>, vector<16xi32>], vector<16xf32>,
        %get3A_317 = arith.index_cast %select_n3A : i32 to index
        %get3A_318 = arith.index_cast %sub3A_274 : i32 to index
        %get3A_319 = arith.constant 64 : index
        %get3A_320 = tpu.vector_load %arg7[%get3A_317, %get3A_318, %get3A_319] {strides = array<i32>} : memref<10x8x128xf32, #tpu.memory_space<vmem>>, vector<16xf32>,
        %mul3A_321 = arith.constant 128 : i32
        %mul3A_322 = arith.muli %select_n3A, %mul3A_321 : i32
        %add3A_323 = arith.constant 64 : i32
        %add3A_324 = arith.addi %mul3A_322, %add3A_323 : i32
        %add3A_325 = vector.broadcast %add3A_324 : i32 to vector<16xi32>
        %add3A_326 = arith.addi %iota3A, %add3A_325 : vector<16xi32>
        tpu.vector_store_idx %arg11[%add3A_326, %broadcast_in_dim3A_277], %get3A_320 : memref<1280x16xf32, #tpu.memory_space<vmem>>[vector<16xi32>, vector<16xi32>], vector<16xf32>,
        %get3A_327 = arith.index_cast %select_n3A : i32 to index
        %get3A_328 = arith.index_cast %sub3A_274 : i32 to index
        %get3A_329 = arith.constant 80 : index
        %get3A_330 = tpu.vector_load %arg7[%get3A_327, %get3A_328, %get3A_329] {strides = array<i32>} : memref<10x8x128xf32, #tpu.memory_space<vmem>>, vector<16xf32>,
        %mul3A_331 = arith.constant 128 : i32
        %mul3A_332 = arith.muli %select_n3A, %mul3A_331 : i32
        %add3A_333 = arith.constant 80 : i32
        %add3A_334 = arith.addi %mul3A_332, %add3A_333 : i32
        %add3A_335 = vector.broadcast %add3A_334 : i32 to vector<16xi32>
        %add3A_336 = arith.addi %iota3A, %add3A_335 : vector<16xi32>
        tpu.vector_store_idx %arg11[%add3A_336, %broadcast_in_dim3A_277], %get3A_330 : memref<1280x16xf32, #tpu.memory_space<vmem>>[vector<16xi32>, vector<16xi32>], vector<16xf32>,
        %get3A_337 = arith.index_cast %select_n3A : i32 to index
        %get3A_338 = arith.index_cast %sub3A_274 : i32 to index
        %get3A_339 = arith.constant 96 : index
        %get3A_340 = tpu.vector_load %arg7[%get3A_337, %get3A_338, %get3A_339] {strides = array<i32>} : memref<10x8x128xf32, #tpu.memory_space<vmem>>, vector<16xf32>,
        %mul3A_341 = arith.constant 128 : i32
        %mul3A_342 = arith.muli %select_n3A, %mul3A_341 : i32
        %add3A_343 = arith.constant 96 : i32
        %add3A_344 = arith.addi %mul3A_342, %add3A_343 : i32
        %add3A_345 = vector.broadcast %add3A_344 : i32 to vector<16xi32>
        %add3A_346 = arith.addi %iota3A, %add3A_345 : vector<16xi32>
        tpu.vector_store_idx %arg11[%add3A_346, %broadcast_in_dim3A_277], %get3A_340 : memref<1280x16xf32, #tpu.memory_space<vmem>>[vector<16xi32>, vector<16xi32>], vector<16xf32>,
        %get3A_347 = arith.index_cast %select_n3A : i32 to index
        %get3A_348 = arith.index_cast %sub3A_274 : i32 to index
        %get3A_349 = arith.constant 112 : index
        %get3A_350 = tpu.vector_load %arg7[%get3A_347, %get3A_348, %get3A_349] {strides = array<i32>} : memref<10x8x128xf32, #tpu.memory_space<vmem>>, vector<16xf32>,
        %mul3A_351 = arith.constant 128 : i32
        %mul3A_352 = arith.muli %select_n3A, %mul3A_351 : i32
        %add3A_353 = arith.constant 112 : i32
        %add3A_354 = arith.addi %mul3A_352, %add3A_353 : i32
        %add3A_355 = vector.broadcast %add3A_354 : i32 to vector<16xi32>
        %add3A_356 = arith.addi %iota3A, %add3A_355 : vector<16xi32>
        tpu.vector_store_idx %arg11[%add3A_356, %broadcast_in_dim3A_277], %get3A_350 : memref<1280x16xf32, #tpu.memory_space<vmem>>[vector<16xi32>, vector<16xi32>], vector<16xf32>,
      }
      %scan3A_248 = arith.constant 80 : i32
      %scan3A_249 = arith.constant 0 : i32
      %scan3A_250 = arith.constant 0 : i32
      %scan3A_251 = arith.constant 80 : i32
      %scan3A_252 = arith.addi %scan3A_250, %scan3A_251 : i32
      %scan3A_253 = arith.constant 1 : i32
      scf.for %scan3A_255 = %scan3A_250 to %scan3A_252 step %scan3A_253  : i32 {
        %jit3A = arith.constant 8 : i32
        %div3A = arith.divsi %scan3A_255, %jit3A : i32
        %sign3A = arith.constant 0 : i32
        %sign3A_256 = arith.cmpi sgt, %scan3A_255, %sign3A : i32
        %sign3A_257 = arith.extui %sign3A_256 : i1 to i32
        %sign3A_258 = arith.constant 0 : i32
        %sign3A_259 = arith.cmpi slt, %scan3A_255, %sign3A_258 : i32
        %sign3A_260 = arith.extui %sign3A_259 : i1 to i32
        %sign3A_261 = arith.subi %sign3A_257, %sign3A_260 : i32
        %sign3A_262 = arith.constant 0 : i32
        %sign3A_263 = arith.cmpi sgt, %jit3A, %sign3A_262 : i32
        %sign3A_264 = arith.extui %sign3A_263 : i1 to i32
        %sign3A_265 = arith.constant 0 : i32
        %sign3A_266 = arith.cmpi slt, %jit3A, %sign3A_265 : i32
        %sign3A_267 = arith.extui %sign3A_266 : i1 to i32
        %sign3A_268 = arith.subi %sign3A_264, %sign3A_267 : i32
        %ne3A = arith.cmpi ne, %sign3A_261, %sign3A_268 : i32
        %rem3A = arith.remsi %scan3A_255, %jit3A : i32
        %ne3A_269 = arith.constant 0 : i32
        %ne3A_270 = arith.cmpi ne, %rem3A, %ne3A_269 : i32
        %and3A = arith.andi %ne3A, %ne3A_270 : i1
        %sub3A = arith.constant 1 : i32
        %sub3A_271 = arith.subi %div3A, %sub3A : i32
        %select_n3A = arith.select %and3A, %sub3A_271, %div3A : i32
        %mul3A_272 = arith.constant 8 : i32
        %mul3A_273 = arith.muli %select_n3A, %mul3A_272 : i32
        %sub3A_274 = arith.subi %scan3A_255, %mul3A_273 : i32
        %add3A_275 = arith.constant 8 : i32
        %add3A_276 = arith.addi %add3A_275, %sub3A_274 : i32
        %broadcast_in_dim3A_277 = vector.broadcast %add3A_276 : i32 to vector<16xi32>
        %get3A = arith.index_cast %select_n3A : i32 to index
        %get3A_278 = arith.index_cast %sub3A_274 : i32 to index
        %get3A_279 = arith.constant 0 : index
        %get3A_280 = tpu.vector_load %arg9[%get3A, %get3A_278, %get3A_279] {strides = array<i32>} : memref<10x8x128xf32, #tpu.memory_space<vmem>>, vector<16xf32>,
        %mul3A_281 = arith.constant 128 : i32
        %mul3A_282 = arith.muli %select_n3A, %mul3A_281 : i32
        %add3A_283 = arith.constant 0 : i32
        %add3A_284 = arith.addi %mul3A_282, %add3A_283 : i32
        %add3A_285 = vector.broadcast %add3A_284 : i32 to vector<16xi32>
        %add3A_286 = arith.addi %iota3A, %add3A_285 : vector<16xi32>
        tpu.vector_store_idx %arg11[%add3A_286, %broadcast_in_dim3A_277], %get3A_280 : memref<1280x16xf32, #tpu.memory_space<vmem>>[vector<16xi32>, vector<16xi32>], vector<16xf32>,
        %get3A_287 = arith.index_cast %select_n3A : i32 to index
        %get3A_288 = arith.index_cast %sub3A_274 : i32 to index
        %get3A_289 = arith.constant 16 : index
        %get3A_290 = tpu.vector_load %arg9[%get3A_287, %get3A_288, %get3A_289] {strides = array<i32>} : memref<10x8x128xf32, #tpu.memory_space<vmem>>, vector<16xf32>,
        %mul3A_291 = arith.constant 128 : i32
        %mul3A_292 = arith.muli %select_n3A, %mul3A_291 : i32
        %add3A_293 = arith.constant 16 : i32
        %add3A_294 = arith.addi %mul3A_292, %add3A_293 : i32
        %add3A_295 = vector.broadcast %add3A_294 : i32 to vector<16xi32>
        %add3A_296 = arith.addi %iota3A, %add3A_295 : vector<16xi32>
        tpu.vector_store_idx %arg11[%add3A_296, %broadcast_in_dim3A_277], %get3A_290 : memref<1280x16xf32, #tpu.memory_space<vmem>>[vector<16xi32>, vector<16xi32>], vector<16xf32>,
        %get3A_297 = arith.index_cast %select_n3A : i32 to index
        %get3A_298 = arith.index_cast %sub3A_274 : i32 to index
        %get3A_299 = arith.constant 32 : index
        %get3A_300 = tpu.vector_load %arg9[%get3A_297, %get3A_298, %get3A_299] {strides = array<i32>} : memref<10x8x128xf32, #tpu.memory_space<vmem>>, vector<16xf32>,
        %mul3A_301 = arith.constant 128 : i32
        %mul3A_302 = arith.muli %select_n3A, %mul3A_301 : i32
        %add3A_303 = arith.constant 32 : i32
        %add3A_304 = arith.addi %mul3A_302, %add3A_303 : i32
        %add3A_305 = vector.broadcast %add3A_304 : i32 to vector<16xi32>
        %add3A_306 = arith.addi %iota3A, %add3A_305 : vector<16xi32>
        tpu.vector_store_idx %arg11[%add3A_306, %broadcast_in_dim3A_277], %get3A_300 : memref<1280x16xf32, #tpu.memory_space<vmem>>[vector<16xi32>, vector<16xi32>], vector<16xf32>,
        %get3A_307 = arith.index_cast %select_n3A : i32 to index
        %get3A_308 = arith.index_cast %sub3A_274 : i32 to index
        %get3A_309 = arith.constant 48 : index
        %get3A_310 = tpu.vector_load %arg9[%get3A_307, %get3A_308, %get3A_309] {strides = array<i32>} : memref<10x8x128xf32, #tpu.memory_space<vmem>>, vector<16xf32>,
        %mul3A_311 = arith.constant 128 : i32
        %mul3A_312 = arith.muli %select_n3A, %mul3A_311 : i32
        %add3A_313 = arith.constant 48 : i32
        %add3A_314 = arith.addi %mul3A_312, %add3A_313 : i32
        %add3A_315 = vector.broadcast %add3A_314 : i32 to vector<16xi32>
        %add3A_316 = arith.addi %iota3A, %add3A_315 : vector<16xi32>
        tpu.vector_store_idx %arg11[%add3A_316, %broadcast_in_dim3A_277], %get3A_310 : memref<1280x16xf32, #tpu.memory_space<vmem>>[vector<16xi32>, vector<16xi32>], vector<16xf32>,
        %get3A_317 = arith.index_cast %select_n3A : i32 to index
        %get3A_318 = arith.index_cast %sub3A_274 : i32 to index
        %get3A_319 = arith.constant 64 : index
        %get3A_320 = tpu.vector_load %arg9[%get3A_317, %get3A_318, %get3A_319] {strides = array<i32>} : memref<10x8x128xf32, #tpu.memory_space<vmem>>, vector<16xf32>,
        %mul3A_321 = arith.constant 128 : i32
        %mul3A_322 = arith.muli %select_n3A, %mul3A_321 : i32
        %add3A_323 = arith.constant 64 : i32
        %add3A_324 = arith.addi %mul3A_322, %add3A_323 : i32
        %add3A_325 = vector.broadcast %add3A_324 : i32 to vector<16xi32>
        %add3A_326 = arith.addi %iota3A, %add3A_325 : vector<16xi32>
        tpu.vector_store_idx %arg11[%add3A_326, %broadcast_in_dim3A_277], %get3A_320 : memref<1280x16xf32, #tpu.memory_space<vmem>>[vector<16xi32>, vector<16xi32>], vector<16xf32>,
        %get3A_327 = arith.index_cast %select_n3A : i32 to index
        %get3A_328 = arith.index_cast %sub3A_274 : i32 to index
        %get3A_329 = arith.constant 80 : index
        %get3A_330 = tpu.vector_load %arg9[%get3A_327, %get3A_328, %get3A_329] {strides = array<i32>} : memref<10x8x128xf32, #tpu.memory_space<vmem>>, vector<16xf32>,
        %mul3A_331 = arith.constant 128 : i32
        %mul3A_332 = arith.muli %select_n3A, %mul3A_331 : i32
        %add3A_333 = arith.constant 80 : i32
        %add3A_334 = arith.addi %mul3A_332, %add3A_333 : i32
        %add3A_335 = vector.broadcast %add3A_334 : i32 to vector<16xi32>
        %add3A_336 = arith.addi %iota3A, %add3A_335 : vector<16xi32>
        tpu.vector_store_idx %arg11[%add3A_336, %broadcast_in_dim3A_277], %get3A_330 : memref<1280x16xf32, #tpu.memory_space<vmem>>[vector<16xi32>, vector<16xi32>], vector<16xf32>,
        %get3A_337 = arith.index_cast %select_n3A : i32 to index
        %get3A_338 = arith.index_cast %sub3A_274 : i32 to index
        %get3A_339 = arith.constant 96 : index
        %get3A_340 = tpu.vector_load %arg9[%get3A_337, %get3A_338, %get3A_339] {strides = array<i32>} : memref<10x8x128xf32, #tpu.memory_space<vmem>>, vector<16xf32>,
        %mul3A_341 = arith.constant 128 : i32
        %mul3A_342 = arith.muli %select_n3A, %mul3A_341 : i32
        %add3A_343 = arith.constant 96 : i32
        %add3A_344 = arith.addi %mul3A_342, %add3A_343 : i32
        %add3A_345 = vector.broadcast %add3A_344 : i32 to vector<16xi32>
        %add3A_346 = arith.addi %iota3A, %add3A_345 : vector<16xi32>
        tpu.vector_store_idx %arg11[%add3A_346, %broadcast_in_dim3A_277], %get3A_340 : memref<1280x16xf32, #tpu.memory_space<vmem>>[vector<16xi32>, vector<16xi32>], vector<16xf32>,
        %get3A_347 = arith.index_cast %select_n3A : i32 to index
        %get3A_348 = arith.index_cast %sub3A_274 : i32 to index
        %get3A_349 = arith.constant 112 : index
        %get3A_350 = tpu.vector_load %arg9[%get3A_347, %get3A_348, %get3A_349] {strides = array<i32>} : memref<10x8x128xf32, #tpu.memory_space<vmem>>, vector<16xf32>,
        %mul3A_351 = arith.constant 128 : i32
        %mul3A_352 = arith.muli %select_n3A, %mul3A_351 : i32
        %add3A_353 = arith.constant 112 : i32
        %add3A_354 = arith.addi %mul3A_352, %add3A_353 : i32
        %add3A_355 = vector.broadcast %add3A_354 : i32 to vector<16xi32>
        %add3A_356 = arith.addi %iota3A, %add3A_355 : vector<16xi32>
        tpu.vector_store_idx %arg11[%add3A_356, %broadcast_in_dim3A_277], %get3A_350 : memref<1280x16xf32, #tpu.memory_space<vmem>>[vector<16xi32>, vector<16xi32>], vector<16xf32>,
      }
      %scan3A_254 = arith.constant 80 : i32
    } else {
    }
    %add3A_65 = arith.constant 32 : i32
    %add3A_66 = arith.addi %add3A_65, %add3A : i32
    %lt3A_67 = arith.constant 250 : i32
    %lt3A_68 = arith.cmpi slt, %add3A_66, %lt3A_67 : i32
    %convert_element_type3A_69 = arith.extui %lt3A_68 : i1 to i32
    %cond3A_70 = arith.constant 0 : i32
    %cond3A_71 = arith.cmpi ne, %convert_element_type3A_69, %cond3A_70 : i32
    scf.if %cond3A_71 {
      %dma_wait3A = arith.constant 0 : i32
      %dma_wait3A_219 = arith.constant 0 : i32
      %dma_wait3A_220 = arith.constant 0 : i32
      %dma_wait3A_221 = tpu.memref_slice %arg3[%dma_wait3A, %dma_wait3A_219, %dma_wait3A_220] : memref<5000x8x128xf32, #tpu.memory_space<hbm>> -> memref<10x8x128xf32, #tpu.memory_space<hbm>>
      %dma_wait3A_222 = arith.constant 0 : i32
      %dma_wait3A_223 = arith.constant 0 : i32
      %dma_wait3A_224 = arith.constant 0 : i32
      %dma_wait3A_225 = tpu.memref_slice %arg3[%dma_wait3A_222, %dma_wait3A_223, %dma_wait3A_224] : memref<5000x8x128xf32, #tpu.memory_space<hbm>> -> memref<10x8x128xf32, #tpu.memory_space<hbm>>
      tpu.wait_dma2 semaphore(%arg17 : memref<!tpu.dma_semaphore, #tpu.memory_space<semaphore_mem>>) src(%dma_wait3A_225 : memref<10x8x128xf32, #tpu.memory_space<hbm>>) dst(%arg12 : memref<1280x16xf32, #tpu.memory_space<vmem>>)
    } else {
    }
    %add3A_72 = arith.constant 96 : i32
    %add3A_73 = arith.addi %add3A_72, %add3A : i32
    %lt3A_74 = arith.constant 250 : i32
    %lt3A_75 = arith.cmpi slt, %add3A_73, %lt3A_74 : i32
    %convert_element_type3A_76 = arith.extui %lt3A_75 : i1 to i32
    %cond3A_77 = arith.constant 0 : i32
    %cond3A_78 = arith.cmpi ne, %convert_element_type3A_76, %cond3A_77 : i32
    scf.if %cond3A_78 {
      %mul3A_219 = arith.constant 10 : i32
      %mul3A_220 = arith.muli %add3A_73, %mul3A_219 : i32
      %dma_start3A = arith.constant 1 : i32
      %dma_start3A_221 = arith.constant 0 : i32
      %dma_start3A_222 = tpu.memref_slice %arg2[%dma_start3A, %mul3A_220, %dma_start3A_221] : memref<2x2500x128xi32, #tpu.memory_space<hbm>> -> memref<1x10x128xi32, #tpu.memory_space<hbm>>
      %dma_start3A_223 = tpu.memref_squeeze %dma_start3A_222 : memref<1x10x128xi32, #tpu.memory_space<hbm>> -> memref<10x128xi32, #tpu.memory_space<hbm>>
      %dma_start3A_224 = arith.constant 0 : i32
      %dma_start3A_225 = tpu.memref_slice %arg2[%dma_start3A, %mul3A_220, %dma_start3A_224] : memref<2x2500x128xi32, #tpu.memory_space<hbm>> -> memref<1x10x128xi32, #tpu.memory_space<hbm>>
      %dma_start3A_226 = tpu.memref_squeeze %dma_start3A_225 : memref<1x10x128xi32, #tpu.memory_space<hbm>> -> memref<10x128xi32, #tpu.memory_space<hbm>>
      tpu.enqueue_dma source(%dma_start3A_226 : memref<10x128xi32, #tpu.memory_space<hbm>>) target(%arg6 : memref<10x128xi32, #tpu.memory_space<vmem>>) target_semaphore(%arg16 : memref<!tpu.dma_semaphore, #tpu.memory_space<semaphore_mem>>)
      %dma_start3A_227 = arith.constant 0 : i32
      %dma_start3A_228 = arith.constant 0 : i32
      %dma_start3A_229 = tpu.memref_slice %arg3[%mul3A_220, %dma_start3A_227, %dma_start3A_228] : memref<5000x8x128xf32, #tpu.memory_space<hbm>> -> memref<10x8x128xf32, #tpu.memory_space<hbm>>
      %dma_start3A_230 = arith.constant 0 : i32
      %dma_start3A_231 = arith.constant 0 : i32
      %dma_start3A_232 = tpu.memref_slice %arg3[%mul3A_220, %dma_start3A_230, %dma_start3A_231] : memref<5000x8x128xf32, #tpu.memory_space<hbm>> -> memref<10x8x128xf32, #tpu.memory_space<hbm>>
      tpu.enqueue_dma source(%dma_start3A_232 : memref<10x8x128xf32, #tpu.memory_space<hbm>>) target(%arg8 : memref<10x8x128xf32, #tpu.memory_space<vmem>>) target_semaphore(%arg16 : memref<!tpu.dma_semaphore, #tpu.memory_space<semaphore_mem>>)
      %add3A_233 = arith.constant 2500 : i32
      %add3A_234 = arith.addi %add3A_233, %mul3A_220 : i32
      %dma_start3A_235 = arith.constant 0 : i32
      %dma_start3A_236 = arith.constant 0 : i32
      %dma_start3A_237 = tpu.memref_slice %arg3[%add3A_234, %dma_start3A_235, %dma_start3A_236] : memref<5000x8x128xf32, #tpu.memory_space<hbm>> -> memref<10x8x128xf32, #tpu.memory_space<hbm>>
      %dma_start3A_238 = arith.constant 0 : i32
      %dma_start3A_239 = arith.constant 0 : i32
      %dma_start3A_240 = tpu.memref_slice %arg3[%add3A_234, %dma_start3A_238, %dma_start3A_239] : memref<5000x8x128xf32, #tpu.memory_space<hbm>> -> memref<10x8x128xf32, #tpu.memory_space<hbm>>
      tpu.enqueue_dma source(%dma_start3A_240 : memref<10x8x128xf32, #tpu.memory_space<hbm>>) target(%arg10 : memref<10x8x128xf32, #tpu.memory_space<vmem>>) target_semaphore(%arg16 : memref<!tpu.dma_semaphore, #tpu.memory_space<semaphore_mem>>)
    } else {
    }
    %lt3A_79 = arith.constant 250 : i32
    %lt3A_80 = arith.cmpi slt, %add3A_59, %lt3A_79 : i32
    %convert_element_type3A_81 = arith.extui %lt3A_80 : i1 to i32
    %cond3A_82 = arith.constant 0 : i32
    %cond3A_83 = arith.cmpi ne, %convert_element_type3A_81, %cond3A_82 : i32
    scf.if %cond3A_83 {
      %scan3A_219 = arith.constant 0 : i32
      %scan3A_220 = arith.constant 0 : i32
      %scan3A_221 = arith.constant 10 : i32
      %scan3A_222 = arith.addi %scan3A_220, %scan3A_221 : i32
      %scan3A_223 = arith.constant 1 : i32
      scf.for %scan3A_225 = %scan3A_220 to %scan3A_222 step %scan3A_223  : i32 {
        %mul3A_226 = arith.constant 128 : i32
        %mul3A_227 = arith.muli %scan3A_225, %mul3A_226 : i32
        %dma_start3A = arith.constant 0 : i32
        %dma_start3A_228 = tpu.memref_slice %arg11[%mul3A_227, %dma_start3A] : memref<1280x16xf32, #tpu.memory_space<vmem>> -> memref<128x16xf32, #tpu.memory_space<vmem>>
        %dma_start3A_229 = arith.constant 0 : i32
        %dma_start3A_230 = tpu.memref_slice %arg5[%scan3A_225, %dma_start3A_229] : memref<10x128xi32, #tpu.memory_space<vmem>> -> memref<1x128xi32, #tpu.memory_space<vmem>>
        %dma_start3A_231 = tpu.memref_squeeze %dma_start3A_230 : memref<1x128xi32, #tpu.memory_space<vmem>> -> memref<128xi32, #tpu.memory_space<vmem>>
        %dma_start3A_232 = arith.constant 0 : i32
        %dma_start3A_233 = arith.constant 0 : i32
        %dma_start3A_234 = tpu.memref_slice %arg14[%dma_start3A_232, %dma_start3A_233] : memref<10240x16xf32, #tpu.memory_space<vmem_shared>> -> memref<10240x16xf32, #tpu.memory_space<vmem_shared>>
        tpu.enqueue_indirect_dma source(%dma_start3A_228 : memref<128x16xf32, #tpu.memory_space<vmem>>) target(%dma_start3A_234 : memref<10240x16xf32, #tpu.memory_space<vmem_shared>>) offsets(%dma_start3A_231 : memref<128xi32, #tpu.memory_space<vmem>>) semaphore(%arg17 : memref<!tpu.dma_semaphore, #tpu.memory_space<semaphore_mem>>) {add = true}
      }
      %scan3A_224 = arith.constant 10 : i32
    } else {
    }
    %add3A_84 = arith.constant 96 : i32
    %add3A_85 = arith.addi %add3A_84, %add3A : i32
    %lt3A_86 = arith.constant 250 : i32
    %lt3A_87 = arith.cmpi slt, %add3A_85, %lt3A_86 : i32
    %convert_element_type3A_88 = arith.extui %lt3A_87 : i1 to i32
    %cond3A_89 = arith.constant 0 : i32
    %cond3A_90 = arith.cmpi ne, %convert_element_type3A_88, %cond3A_89 : i32
    scf.if %cond3A_90 {
      %dma_wait3A = arith.constant 1 : i32
      %dma_wait3A_219 = arith.constant 0 : i32
      %dma_wait3A_220 = arith.constant 0 : i32
      %dma_wait3A_221 = tpu.memref_slice %arg2[%dma_wait3A, %dma_wait3A_219, %dma_wait3A_220] : memref<2x2500x128xi32, #tpu.memory_space<hbm>> -> memref<1x10x128xi32, #tpu.memory_space<hbm>>
      %dma_wait3A_222 = tpu.memref_squeeze %dma_wait3A_221 : memref<1x10x128xi32, #tpu.memory_space<hbm>> -> memref<10x128xi32, #tpu.memory_space<hbm>>
      %dma_wait3A_223 = arith.constant 0 : i32
      %dma_wait3A_224 = arith.constant 0 : i32
      %dma_wait3A_225 = tpu.memref_slice %arg2[%dma_wait3A, %dma_wait3A_223, %dma_wait3A_224] : memref<2x2500x128xi32, #tpu.memory_space<hbm>> -> memref<1x10x128xi32, #tpu.memory_space<hbm>>
      %dma_wait3A_226 = tpu.memref_squeeze %dma_wait3A_225 : memref<1x10x128xi32, #tpu.memory_space<hbm>> -> memref<10x128xi32, #tpu.memory_space<hbm>>
      tpu.wait_dma2 semaphore(%arg16 : memref<!tpu.dma_semaphore, #tpu.memory_space<semaphore_mem>>) src(%dma_wait3A_226 : memref<10x128xi32, #tpu.memory_space<hbm>>) dst(%arg6 : memref<10x128xi32, #tpu.memory_space<vmem>>)
      %dma_wait3A_227 = arith.constant 0 : i32
      %dma_wait3A_228 = arith.constant 0 : i32
      %dma_wait3A_229 = arith.constant 0 : i32
      %dma_wait3A_230 = tpu.memref_slice %arg3[%dma_wait3A_227, %dma_wait3A_228, %dma_wait3A_229] : memref<5000x8x128xf32, #tpu.memory_space<hbm>> -> memref<10x8x128xf32, #tpu.memory_space<hbm>>
      %dma_wait3A_231 = arith.constant 0 : i32
      %dma_wait3A_232 = arith.constant 0 : i32
      %dma_wait3A_233 = arith.constant 0 : i32
      %dma_wait3A_234 = tpu.memref_slice %arg3[%dma_wait3A_231, %dma_wait3A_232, %dma_wait3A_233] : memref<5000x8x128xf32, #tpu.memory_space<hbm>> -> memref<10x8x128xf32, #tpu.memory_space<hbm>>
      tpu.wait_dma2 semaphore(%arg16 : memref<!tpu.dma_semaphore, #tpu.memory_space<semaphore_mem>>) src(%dma_wait3A_234 : memref<10x8x128xf32, #tpu.memory_space<hbm>>) dst(%arg8 : memref<10x8x128xf32, #tpu.memory_space<vmem>>)
      %dma_wait3A_235 = arith.constant 0 : i32
      %dma_wait3A_236 = arith.constant 0 : i32
      %dma_wait3A_237 = arith.constant 0 : i32
      %dma_wait3A_238 = tpu.memref_slice %arg3[%dma_wait3A_235, %dma_wait3A_236, %dma_wait3A_237] : memref<5000x8x128xf32, #tpu.memory_space<hbm>> -> memref<10x8x128xf32, #tpu.memory_space<hbm>>
      %dma_wait3A_239 = arith.constant 0 : i32
      %dma_wait3A_240 = arith.constant 0 : i32
      %dma_wait3A_241 = arith.constant 0 : i32
      %dma_wait3A_242 = tpu.memref_slice %arg3[%dma_wait3A_239, %dma_wait3A_240, %dma_wait3A_241] : memref<5000x8x128xf32, #tpu.memory_space<hbm>> -> memref<10x8x128xf32, #tpu.memory_space<hbm>>
      tpu.wait_dma2 semaphore(%arg16 : memref<!tpu.dma_semaphore, #tpu.memory_space<semaphore_mem>>) src(%dma_wait3A_242 : memref<10x8x128xf32, #tpu.memory_space<hbm>>) dst(%arg10 : memref<10x8x128xf32, #tpu.memory_space<vmem>>)
      %scan3A_243 = arith.constant 0 : i32
      %scan3A_244 = arith.constant 0 : i32
      %scan3A_245 = arith.constant 80 : i32
      %scan3A_246 = arith.addi %scan3A_244, %scan3A_245 : i32
      %scan3A_247 = arith.constant 1 : i32
      scf.for %scan3A_255 = %scan3A_244 to %scan3A_246 step %scan3A_247  : i32 {
        %jit3A = arith.constant 8 : i32
        %div3A = arith.divsi %scan3A_255, %jit3A : i32
        %sign3A = arith.constant 0 : i32
        %sign3A_256 = arith.cmpi sgt, %scan3A_255, %sign3A : i32
        %sign3A_257 = arith.extui %sign3A_256 : i1 to i32
        %sign3A_258 = arith.constant 0 : i32
        %sign3A_259 = arith.cmpi slt, %scan3A_255, %sign3A_258 : i32
        %sign3A_260 = arith.extui %sign3A_259 : i1 to i32
        %sign3A_261 = arith.subi %sign3A_257, %sign3A_260 : i32
        %sign3A_262 = arith.constant 0 : i32
        %sign3A_263 = arith.cmpi sgt, %jit3A, %sign3A_262 : i32
        %sign3A_264 = arith.extui %sign3A_263 : i1 to i32
        %sign3A_265 = arith.constant 0 : i32
        %sign3A_266 = arith.cmpi slt, %jit3A, %sign3A_265 : i32
        %sign3A_267 = arith.extui %sign3A_266 : i1 to i32
        %sign3A_268 = arith.subi %sign3A_264, %sign3A_267 : i32
        %ne3A = arith.cmpi ne, %sign3A_261, %sign3A_268 : i32
        %rem3A = arith.remsi %scan3A_255, %jit3A : i32
        %ne3A_269 = arith.constant 0 : i32
        %ne3A_270 = arith.cmpi ne, %rem3A, %ne3A_269 : i32
        %and3A = arith.andi %ne3A, %ne3A_270 : i1
        %sub3A = arith.constant 1 : i32
        %sub3A_271 = arith.subi %div3A, %sub3A : i32
        %select_n3A = arith.select %and3A, %sub3A_271, %div3A : i32
        %mul3A_272 = arith.constant 8 : i32
        %mul3A_273 = arith.muli %select_n3A, %mul3A_272 : i32
        %sub3A_274 = arith.subi %scan3A_255, %mul3A_273 : i32
        %add3A_275 = arith.constant 0 : i32
        %add3A_276 = arith.addi %add3A_275, %sub3A_274 : i32
        %broadcast_in_dim3A_277 = vector.broadcast %add3A_276 : i32 to vector<16xi32>
        %get3A = arith.index_cast %select_n3A : i32 to index
        %get3A_278 = arith.index_cast %sub3A_274 : i32 to index
        %get3A_279 = arith.constant 0 : index
        %get3A_280 = tpu.vector_load %arg8[%get3A, %get3A_278, %get3A_279] {strides = array<i32>} : memref<10x8x128xf32, #tpu.memory_space<vmem>>, vector<16xf32>,
        %mul3A_281 = arith.constant 128 : i32
        %mul3A_282 = arith.muli %select_n3A, %mul3A_281 : i32
        %add3A_283 = arith.constant 0 : i32
        %add3A_284 = arith.addi %mul3A_282, %add3A_283 : i32
        %add3A_285 = vector.broadcast %add3A_284 : i32 to vector<16xi32>
        %add3A_286 = arith.addi %iota3A, %add3A_285 : vector<16xi32>
        tpu.vector_store_idx %arg12[%add3A_286, %broadcast_in_dim3A_277], %get3A_280 : memref<1280x16xf32, #tpu.memory_space<vmem>>[vector<16xi32>, vector<16xi32>], vector<16xf32>,
        %get3A_287 = arith.index_cast %select_n3A : i32 to index
        %get3A_288 = arith.index_cast %sub3A_274 : i32 to index
        %get3A_289 = arith.constant 16 : index
        %get3A_290 = tpu.vector_load %arg8[%get3A_287, %get3A_288, %get3A_289] {strides = array<i32>} : memref<10x8x128xf32, #tpu.memory_space<vmem>>, vector<16xf32>,
        %mul3A_291 = arith.constant 128 : i32
        %mul3A_292 = arith.muli %select_n3A, %mul3A_291 : i32
        %add3A_293 = arith.constant 16 : i32
        %add3A_294 = arith.addi %mul3A_292, %add3A_293 : i32
        %add3A_295 = vector.broadcast %add3A_294 : i32 to vector<16xi32>
        %add3A_296 = arith.addi %iota3A, %add3A_295 : vector<16xi32>
        tpu.vector_store_idx %arg12[%add3A_296, %broadcast_in_dim3A_277], %get3A_290 : memref<1280x16xf32, #tpu.memory_space<vmem>>[vector<16xi32>, vector<16xi32>], vector<16xf32>,
        %get3A_297 = arith.index_cast %select_n3A : i32 to index
        %get3A_298 = arith.index_cast %sub3A_274 : i32 to index
        %get3A_299 = arith.constant 32 : index
        %get3A_300 = tpu.vector_load %arg8[%get3A_297, %get3A_298, %get3A_299] {strides = array<i32>} : memref<10x8x128xf32, #tpu.memory_space<vmem>>, vector<16xf32>,
        %mul3A_301 = arith.constant 128 : i32
        %mul3A_302 = arith.muli %select_n3A, %mul3A_301 : i32
        %add3A_303 = arith.constant 32 : i32
        %add3A_304 = arith.addi %mul3A_302, %add3A_303 : i32
        %add3A_305 = vector.broadcast %add3A_304 : i32 to vector<16xi32>
        %add3A_306 = arith.addi %iota3A, %add3A_305 : vector<16xi32>
        tpu.vector_store_idx %arg12[%add3A_306, %broadcast_in_dim3A_277], %get3A_300 : memref<1280x16xf32, #tpu.memory_space<vmem>>[vector<16xi32>, vector<16xi32>], vector<16xf32>,
        %get3A_307 = arith.index_cast %select_n3A : i32 to index
        %get3A_308 = arith.index_cast %sub3A_274 : i32 to index
        %get3A_309 = arith.constant 48 : index
        %get3A_310 = tpu.vector_load %arg8[%get3A_307, %get3A_308, %get3A_309] {strides = array<i32>} : memref<10x8x128xf32, #tpu.memory_space<vmem>>, vector<16xf32>,
        %mul3A_311 = arith.constant 128 : i32
        %mul3A_312 = arith.muli %select_n3A, %mul3A_311 : i32
        %add3A_313 = arith.constant 48 : i32
        %add3A_314 = arith.addi %mul3A_312, %add3A_313 : i32
        %add3A_315 = vector.broadcast %add3A_314 : i32 to vector<16xi32>
        %add3A_316 = arith.addi %iota3A, %add3A_315 : vector<16xi32>
        tpu.vector_store_idx %arg12[%add3A_316, %broadcast_in_dim3A_277], %get3A_310 : memref<1280x16xf32, #tpu.memory_space<vmem>>[vector<16xi32>, vector<16xi32>], vector<16xf32>,
        %get3A_317 = arith.index_cast %select_n3A : i32 to index
        %get3A_318 = arith.index_cast %sub3A_274 : i32 to index
        %get3A_319 = arith.constant 64 : index
        %get3A_320 = tpu.vector_load %arg8[%get3A_317, %get3A_318, %get3A_319] {strides = array<i32>} : memref<10x8x128xf32, #tpu.memory_space<vmem>>, vector<16xf32>,
        %mul3A_321 = arith.constant 128 : i32
        %mul3A_322 = arith.muli %select_n3A, %mul3A_321 : i32
        %add3A_323 = arith.constant 64 : i32
        %add3A_324 = arith.addi %mul3A_322, %add3A_323 : i32
        %add3A_325 = vector.broadcast %add3A_324 : i32 to vector<16xi32>
        %add3A_326 = arith.addi %iota3A, %add3A_325 : vector<16xi32>
        tpu.vector_store_idx %arg12[%add3A_326, %broadcast_in_dim3A_277], %get3A_320 : memref<1280x16xf32, #tpu.memory_space<vmem>>[vector<16xi32>, vector<16xi32>], vector<16xf32>,
        %get3A_327 = arith.index_cast %select_n3A : i32 to index
        %get3A_328 = arith.index_cast %sub3A_274 : i32 to index
        %get3A_329 = arith.constant 80 : index
        %get3A_330 = tpu.vector_load %arg8[%get3A_327, %get3A_328, %get3A_329] {strides = array<i32>} : memref<10x8x128xf32, #tpu.memory_space<vmem>>, vector<16xf32>,
        %mul3A_331 = arith.constant 128 : i32
        %mul3A_332 = arith.muli %select_n3A, %mul3A_331 : i32
        %add3A_333 = arith.constant 80 : i32
        %add3A_334 = arith.addi %mul3A_332, %add3A_333 : i32
        %add3A_335 = vector.broadcast %add3A_334 : i32 to vector<16xi32>
        %add3A_336 = arith.addi %iota3A, %add3A_335 : vector<16xi32>
        tpu.vector_store_idx %arg12[%add3A_336, %broadcast_in_dim3A_277], %get3A_330 : memref<1280x16xf32, #tpu.memory_space<vmem>>[vector<16xi32>, vector<16xi32>], vector<16xf32>,
        %get3A_337 = arith.index_cast %select_n3A : i32 to index
        %get3A_338 = arith.index_cast %sub3A_274 : i32 to index
        %get3A_339 = arith.constant 96 : index
        %get3A_340 = tpu.vector_load %arg8[%get3A_337, %get3A_338, %get3A_339] {strides = array<i32>} : memref<10x8x128xf32, #tpu.memory_space<vmem>>, vector<16xf32>,
        %mul3A_341 = arith.constant 128 : i32
        %mul3A_342 = arith.muli %select_n3A, %mul3A_341 : i32
        %add3A_343 = arith.constant 96 : i32
        %add3A_344 = arith.addi %mul3A_342, %add3A_343 : i32
        %add3A_345 = vector.broadcast %add3A_344 : i32 to vector<16xi32>
        %add3A_346 = arith.addi %iota3A, %add3A_345 : vector<16xi32>
        tpu.vector_store_idx %arg12[%add3A_346, %broadcast_in_dim3A_277], %get3A_340 : memref<1280x16xf32, #tpu.memory_space<vmem>>[vector<16xi32>, vector<16xi32>], vector<16xf32>,
        %get3A_347 = arith.index_cast %select_n3A : i32 to index
        %get3A_348 = arith.index_cast %sub3A_274 : i32 to index
        %get3A_349 = arith.constant 112 : index
        %get3A_350 = tpu.vector_load %arg8[%get3A_347, %get3A_348, %get3A_349] {strides = array<i32>} : memref<10x8x128xf32, #tpu.memory_space<vmem>>, vector<16xf32>,
        %mul3A_351 = arith.constant 128 : i32
        %mul3A_352 = arith.muli %select_n3A, %mul3A_351 : i32
        %add3A_353 = arith.constant 112 : i32
        %add3A_354 = arith.addi %mul3A_352, %add3A_353 : i32
        %add3A_355 = vector.broadcast %add3A_354 : i32 to vector<16xi32>
        %add3A_356 = arith.addi %iota3A, %add3A_355 : vector<16xi32>
        tpu.vector_store_idx %arg12[%add3A_356, %broadcast_in_dim3A_277], %get3A_350 : memref<1280x16xf32, #tpu.memory_space<vmem>>[vector<16xi32>, vector<16xi32>], vector<16xf32>,
      }
      %scan3A_248 = arith.constant 80 : i32
      %scan3A_249 = arith.constant 0 : i32
      %scan3A_250 = arith.constant 0 : i32
      %scan3A_251 = arith.constant 80 : i32
      %scan3A_252 = arith.addi %scan3A_250, %scan3A_251 : i32
      %scan3A_253 = arith.constant 1 : i32
      scf.for %scan3A_255 = %scan3A_250 to %scan3A_252 step %scan3A_253  : i32 {
        %jit3A = arith.constant 8 : i32
        %div3A = arith.divsi %scan3A_255, %jit3A : i32
        %sign3A = arith.constant 0 : i32
        %sign3A_256 = arith.cmpi sgt, %scan3A_255, %sign3A : i32
        %sign3A_257 = arith.extui %sign3A_256 : i1 to i32
        %sign3A_258 = arith.constant 0 : i32
        %sign3A_259 = arith.cmpi slt, %scan3A_255, %sign3A_258 : i32
        %sign3A_260 = arith.extui %sign3A_259 : i1 to i32
        %sign3A_261 = arith.subi %sign3A_257, %sign3A_260 : i32
        %sign3A_262 = arith.constant 0 : i32
        %sign3A_263 = arith.cmpi sgt, %jit3A, %sign3A_262 : i32
        %sign3A_264 = arith.extui %sign3A_263 : i1 to i32
        %sign3A_265 = arith.constant 0 : i32
        %sign3A_266 = arith.cmpi slt, %jit3A, %sign3A_265 : i32
        %sign3A_267 = arith.extui %sign3A_266 : i1 to i32
        %sign3A_268 = arith.subi %sign3A_264, %sign3A_267 : i32
        %ne3A = arith.cmpi ne, %sign3A_261, %sign3A_268 : i32
        %rem3A = arith.remsi %scan3A_255, %jit3A : i32
        %ne3A_269 = arith.constant 0 : i32
        %ne3A_270 = arith.cmpi ne, %rem3A, %ne3A_269 : i32
        %and3A = arith.andi %ne3A, %ne3A_270 : i1
        %sub3A = arith.constant 1 : i32
        %sub3A_271 = arith.subi %div3A, %sub3A : i32
        %select_n3A = arith.select %and3A, %sub3A_271, %div3A : i32
        %mul3A_272 = arith.constant 8 : i32
        %mul3A_273 = arith.muli %select_n3A, %mul3A_272 : i32
        %sub3A_274 = arith.subi %scan3A_255, %mul3A_273 : i32
        %add3A_275 = arith.constant 8 : i32
        %add3A_276 = arith.addi %add3A_275, %sub3A_274 : i32
        %broadcast_in_dim3A_277 = vector.broadcast %add3A_276 : i32 to vector<16xi32>
        %get3A = arith.index_cast %select_n3A : i32 to index
        %get3A_278 = arith.index_cast %sub3A_274 : i32 to index
        %get3A_279 = arith.constant 0 : index
        %get3A_280 = tpu.vector_load %arg10[%get3A, %get3A_278, %get3A_279] {strides = array<i32>} : memref<10x8x128xf32, #tpu.memory_space<vmem>>, vector<16xf32>,
        %mul3A_281 = arith.constant 128 : i32
        %mul3A_282 = arith.muli %select_n3A, %mul3A_281 : i32
        %add3A_283 = arith.constant 0 : i32
        %add3A_284 = arith.addi %mul3A_282, %add3A_283 : i32
        %add3A_285 = vector.broadcast %add3A_284 : i32 to vector<16xi32>
        %add3A_286 = arith.addi %iota3A, %add3A_285 : vector<16xi32>
        tpu.vector_store_idx %arg12[%add3A_286, %broadcast_in_dim3A_277], %get3A_280 : memref<1280x16xf32, #tpu.memory_space<vmem>>[vector<16xi32>, vector<16xi32>], vector<16xf32>,
        %get3A_287 = arith.index_cast %select_n3A : i32 to index
        %get3A_288 = arith.index_cast %sub3A_274 : i32 to index
        %get3A_289 = arith.constant 16 : index
        %get3A_290 = tpu.vector_load %arg10[%get3A_287, %get3A_288, %get3A_289] {strides = array<i32>} : memref<10x8x128xf32, #tpu.memory_space<vmem>>, vector<16xf32>,
        %mul3A_291 = arith.constant 128 : i32
        %mul3A_292 = arith.muli %select_n3A, %mul3A_291 : i32
        %add3A_293 = arith.constant 16 : i32
        %add3A_294 = arith.addi %mul3A_292, %add3A_293 : i32
        %add3A_295 = vector.broadcast %add3A_294 : i32 to vector<16xi32>
        %add3A_296 = arith.addi %iota3A, %add3A_295 : vector<16xi32>
        tpu.vector_store_idx %arg12[%add3A_296, %broadcast_in_dim3A_277], %get3A_290 : memref<1280x16xf32, #tpu.memory_space<vmem>>[vector<16xi32>, vector<16xi32>], vector<16xf32>,
        %get3A_297 = arith.index_cast %select_n3A : i32 to index
        %get3A_298 = arith.index_cast %sub3A_274 : i32 to index
        %get3A_299 = arith.constant 32 : index
        %get3A_300 = tpu.vector_load %arg10[%get3A_297, %get3A_298, %get3A_299] {strides = array<i32>} : memref<10x8x128xf32, #tpu.memory_space<vmem>>, vector<16xf32>,
        %mul3A_301 = arith.constant 128 : i32
        %mul3A_302 = arith.muli %select_n3A, %mul3A_301 : i32
        %add3A_303 = arith.constant 32 : i32
        %add3A_304 = arith.addi %mul3A_302, %add3A_303 : i32
        %add3A_305 = vector.broadcast %add3A_304 : i32 to vector<16xi32>
        %add3A_306 = arith.addi %iota3A, %add3A_305 : vector<16xi32>
        tpu.vector_store_idx %arg12[%add3A_306, %broadcast_in_dim3A_277], %get3A_300 : memref<1280x16xf32, #tpu.memory_space<vmem>>[vector<16xi32>, vector<16xi32>], vector<16xf32>,
        %get3A_307 = arith.index_cast %select_n3A : i32 to index
        %get3A_308 = arith.index_cast %sub3A_274 : i32 to index
        %get3A_309 = arith.constant 48 : index
        %get3A_310 = tpu.vector_load %arg10[%get3A_307, %get3A_308, %get3A_309] {strides = array<i32>} : memref<10x8x128xf32, #tpu.memory_space<vmem>>, vector<16xf32>,
        %mul3A_311 = arith.constant 128 : i32
        %mul3A_312 = arith.muli %select_n3A, %mul3A_311 : i32
        %add3A_313 = arith.constant 48 : i32
        %add3A_314 = arith.addi %mul3A_312, %add3A_313 : i32
        %add3A_315 = vector.broadcast %add3A_314 : i32 to vector<16xi32>
        %add3A_316 = arith.addi %iota3A, %add3A_315 : vector<16xi32>
        tpu.vector_store_idx %arg12[%add3A_316, %broadcast_in_dim3A_277], %get3A_310 : memref<1280x16xf32, #tpu.memory_space<vmem>>[vector<16xi32>, vector<16xi32>], vector<16xf32>,
        %get3A_317 = arith.index_cast %select_n3A : i32 to index
        %get3A_318 = arith.index_cast %sub3A_274 : i32 to index
        %get3A_319 = arith.constant 64 : index
        %get3A_320 = tpu.vector_load %arg10[%get3A_317, %get3A_318, %get3A_319] {strides = array<i32>} : memref<10x8x128xf32, #tpu.memory_space<vmem>>, vector<16xf32>,
        %mul3A_321 = arith.constant 128 : i32
        %mul3A_322 = arith.muli %select_n3A, %mul3A_321 : i32
        %add3A_323 = arith.constant 64 : i32
        %add3A_324 = arith.addi %mul3A_322, %add3A_323 : i32
        %add3A_325 = vector.broadcast %add3A_324 : i32 to vector<16xi32>
        %add3A_326 = arith.addi %iota3A, %add3A_325 : vector<16xi32>
        tpu.vector_store_idx %arg12[%add3A_326, %broadcast_in_dim3A_277], %get3A_320 : memref<1280x16xf32, #tpu.memory_space<vmem>>[vector<16xi32>, vector<16xi32>], vector<16xf32>,
        %get3A_327 = arith.index_cast %select_n3A : i32 to index
        %get3A_328 = arith.index_cast %sub3A_274 : i32 to index
        %get3A_329 = arith.constant 80 : index
        %get3A_330 = tpu.vector_load %arg10[%get3A_327, %get3A_328, %get3A_329] {strides = array<i32>} : memref<10x8x128xf32, #tpu.memory_space<vmem>>, vector<16xf32>,
        %mul3A_331 = arith.constant 128 : i32
        %mul3A_332 = arith.muli %select_n3A, %mul3A_331 : i32
        %add3A_333 = arith.constant 80 : i32
        %add3A_334 = arith.addi %mul3A_332, %add3A_333 : i32
        %add3A_335 = vector.broadcast %add3A_334 : i32 to vector<16xi32>
        %add3A_336 = arith.addi %iota3A, %add3A_335 : vector<16xi32>
        tpu.vector_store_idx %arg12[%add3A_336, %broadcast_in_dim3A_277], %get3A_330 : memref<1280x16xf32, #tpu.memory_space<vmem>>[vector<16xi32>, vector<16xi32>], vector<16xf32>,
        %get3A_337 = arith.index_cast %select_n3A : i32 to index
        %get3A_338 = arith.index_cast %sub3A_274 : i32 to index
        %get3A_339 = arith.constant 96 : index
        %get3A_340 = tpu.vector_load %arg10[%get3A_337, %get3A_338, %get3A_339] {strides = array<i32>} : memref<10x8x128xf32, #tpu.memory_space<vmem>>, vector<16xf32>,
        %mul3A_341 = arith.constant 128 : i32
        %mul3A_342 = arith.muli %select_n3A, %mul3A_341 : i32
        %add3A_343 = arith.constant 96 : i32
        %add3A_344 = arith.addi %mul3A_342, %add3A_343 : i32
        %add3A_345 = vector.broadcast %add3A_344 : i32 to vector<16xi32>
        %add3A_346 = arith.addi %iota3A, %add3A_345 : vector<16xi32>
        tpu.vector_store_idx %arg12[%add3A_346, %broadcast_in_dim3A_277], %get3A_340 : memref<1280x16xf32, #tpu.memory_space<vmem>>[vector<16xi32>, vector<16xi32>], vector<16xf32>,
        %get3A_347 = arith.index_cast %select_n3A : i32 to index
        %get3A_348 = arith.index_cast %sub3A_274 : i32 to index
        %get3A_349 = arith.constant 112 : index
        %get3A_350 = tpu.vector_load %arg10[%get3A_347, %get3A_348, %get3A_349] {strides = array<i32>} : memref<10x8x128xf32, #tpu.memory_space<vmem>>, vector<16xf32>,
        %mul3A_351 = arith.constant 128 : i32
        %mul3A_352 = arith.muli %select_n3A, %mul3A_351 : i32
        %add3A_353 = arith.constant 112 : i32
        %add3A_354 = arith.addi %mul3A_352, %add3A_353 : i32
        %add3A_355 = vector.broadcast %add3A_354 : i32 to vector<16xi32>
        %add3A_356 = arith.addi %iota3A, %add3A_355 : vector<16xi32>
        tpu.vector_store_idx %arg12[%add3A_356, %broadcast_in_dim3A_277], %get3A_350 : memref<1280x16xf32, #tpu.memory_space<vmem>>[vector<16xi32>, vector<16xi32>], vector<16xf32>,
      }
      %scan3A_254 = arith.constant 80 : i32
    } else {
    }
    %add3A_91 = arith.constant 64 : i32
    %add3A_92 = arith.addi %add3A_91, %add3A : i32
    %lt3A_93 = arith.constant 250 : i32
    %lt3A_94 = arith.cmpi slt, %add3A_92, %lt3A_93 : i32
    %convert_element_type3A_95 = arith.extui %lt3A_94 : i1 to i32
    %cond3A_96 = arith.constant 0 : i32
    %cond3A_97 = arith.cmpi ne, %convert_element_type3A_95, %cond3A_96 : i32
    scf.if %cond3A_97 {
      %dma_wait3A = arith.constant 0 : i32
      %dma_wait3A_219 = arith.constant 0 : i32
      %dma_wait3A_220 = arith.constant 0 : i32
      %dma_wait3A_221 = tpu.memref_slice %arg3[%dma_wait3A, %dma_wait3A_219, %dma_wait3A_220] : memref<5000x8x128xf32, #tpu.memory_space<hbm>> -> memref<10x8x128xf32, #tpu.memory_space<hbm>>
      %dma_wait3A_222 = arith.constant 0 : i32
      %dma_wait3A_223 = arith.constant 0 : i32
      %dma_wait3A_224 = arith.constant 0 : i32
      %dma_wait3A_225 = tpu.memref_slice %arg3[%dma_wait3A_222, %dma_wait3A_223, %dma_wait3A_224] : memref<5000x8x128xf32, #tpu.memory_space<hbm>> -> memref<10x8x128xf32, #tpu.memory_space<hbm>>
      tpu.wait_dma2 semaphore(%arg17 : memref<!tpu.dma_semaphore, #tpu.memory_space<semaphore_mem>>) src(%dma_wait3A_225 : memref<10x8x128xf32, #tpu.memory_space<hbm>>) dst(%arg11 : memref<1280x16xf32, #tpu.memory_space<vmem>>)
    } else {
    }
    %add3A_98 = arith.constant 128 : i32
    %add3A_99 = arith.addi %add3A_98, %add3A : i32
    %lt3A_100 = arith.constant 250 : i32
    %lt3A_101 = arith.cmpi slt, %add3A_99, %lt3A_100 : i32
    %convert_element_type3A_102 = arith.extui %lt3A_101 : i1 to i32
    %cond3A_103 = arith.constant 0 : i32
    %cond3A_104 = arith.cmpi ne, %convert_element_type3A_102, %cond3A_103 : i32
    scf.if %cond3A_104 {
      %mul3A_219 = arith.constant 10 : i32
      %mul3A_220 = arith.muli %add3A_99, %mul3A_219 : i32
      %dma_start3A = arith.constant 1 : i32
      %dma_start3A_221 = arith.constant 0 : i32
      %dma_start3A_222 = tpu.memref_slice %arg2[%dma_start3A, %mul3A_220, %dma_start3A_221] : memref<2x2500x128xi32, #tpu.memory_space<hbm>> -> memref<1x10x128xi32, #tpu.memory_space<hbm>>
      %dma_start3A_223 = tpu.memref_squeeze %dma_start3A_222 : memref<1x10x128xi32, #tpu.memory_space<hbm>> -> memref<10x128xi32, #tpu.memory_space<hbm>>
      %dma_start3A_224 = arith.constant 0 : i32
      %dma_start3A_225 = tpu.memref_slice %arg2[%dma_start3A, %mul3A_220, %dma_start3A_224] : memref<2x2500x128xi32, #tpu.memory_space<hbm>> -> memref<1x10x128xi32, #tpu.memory_space<hbm>>
      %dma_start3A_226 = tpu.memref_squeeze %dma_start3A_225 : memref<1x10x128xi32, #tpu.memory_space<hbm>> -> memref<10x128xi32, #tpu.memory_space<hbm>>
      tpu.enqueue_dma source(%dma_start3A_226 : memref<10x128xi32, #tpu.memory_space<hbm>>) target(%arg5 : memref<10x128xi32, #tpu.memory_space<vmem>>) target_semaphore(%arg15 : memref<!tpu.dma_semaphore, #tpu.memory_space<semaphore_mem>>)
      %dma_start3A_227 = arith.constant 0 : i32
      %dma_start3A_228 = arith.constant 0 : i32
      %dma_start3A_229 = tpu.memref_slice %arg3[%mul3A_220, %dma_start3A_227, %dma_start3A_228] : memref<5000x8x128xf32, #tpu.memory_space<hbm>> -> memref<10x8x128xf32, #tpu.memory_space<hbm>>
      %dma_start3A_230 = arith.constant 0 : i32
      %dma_start3A_231 = arith.constant 0 : i32
      %dma_start3A_232 = tpu.memref_slice %arg3[%mul3A_220, %dma_start3A_230, %dma_start3A_231] : memref<5000x8x128xf32, #tpu.memory_space<hbm>> -> memref<10x8x128xf32, #tpu.memory_space<hbm>>
      tpu.enqueue_dma source(%dma_start3A_232 : memref<10x8x128xf32, #tpu.memory_space<hbm>>) target(%arg7 : memref<10x8x128xf32, #tpu.memory_space<vmem>>) target_semaphore(%arg15 : memref<!tpu.dma_semaphore, #tpu.memory_space<semaphore_mem>>)
      %add3A_233 = arith.constant 2500 : i32
      %add3A_234 = arith.addi %add3A_233, %mul3A_220 : i32
      %dma_start3A_235 = arith.constant 0 : i32
      %dma_start3A_236 = arith.constant 0 : i32
      %dma_start3A_237 = tpu.memref_slice %arg3[%add3A_234, %dma_start3A_235, %dma_start3A_236] : memref<5000x8x128xf32, #tpu.memory_space<hbm>> -> memref<10x8x128xf32, #tpu.memory_space<hbm>>
      %dma_start3A_238 = arith.constant 0 : i32
      %dma_start3A_239 = arith.constant 0 : i32
      %dma_start3A_240 = tpu.memref_slice %arg3[%add3A_234, %dma_start3A_238, %dma_start3A_239] : memref<5000x8x128xf32, #tpu.memory_space<hbm>> -> memref<10x8x128xf32, #tpu.memory_space<hbm>>
      tpu.enqueue_dma source(%dma_start3A_240 : memref<10x8x128xf32, #tpu.memory_space<hbm>>) target(%arg9 : memref<10x8x128xf32, #tpu.memory_space<vmem>>) target_semaphore(%arg15 : memref<!tpu.dma_semaphore, #tpu.memory_space<semaphore_mem>>)
    } else {
    }
    %lt3A_105 = arith.constant 250 : i32
    %lt3A_106 = arith.cmpi slt, %add3A_85, %lt3A_105 : i32
    %convert_element_type3A_107 = arith.extui %lt3A_106 : i1 to i32
    %cond3A_108 = arith.constant 0 : i32
    %cond3A_109 = arith.cmpi ne, %convert_element_type3A_107, %cond3A_108 : i32
    scf.if %cond3A_109 {
      %scan3A_219 = arith.constant 0 : i32
      %scan3A_220 = arith.constant 0 : i32
      %scan3A_221 = arith.constant 10 : i32
      %scan3A_222 = arith.addi %scan3A_220, %scan3A_221 : i32
      %scan3A_223 = arith.constant 1 : i32
      scf.for %scan3A_225 = %scan3A_220 to %scan3A_222 step %scan3A_223  : i32 {
        %mul3A_226 = arith.constant 128 : i32
        %mul3A_227 = arith.muli %scan3A_225, %mul3A_226 : i32
        %dma_start3A = arith.constant 0 : i32
        %dma_start3A_228 = tpu.memref_slice %arg12[%mul3A_227, %dma_start3A] : memref<1280x16xf32, #tpu.memory_space<vmem>> -> memref<128x16xf32, #tpu.memory_space<vmem>>
        %dma_start3A_229 = arith.constant 0 : i32
        %dma_start3A_230 = tpu.memref_slice %arg6[%scan3A_225, %dma_start3A_229] : memref<10x128xi32, #tpu.memory_space<vmem>> -> memref<1x128xi32, #tpu.memory_space<vmem>>
        %dma_start3A_231 = tpu.memref_squeeze %dma_start3A_230 : memref<1x128xi32, #tpu.memory_space<vmem>> -> memref<128xi32, #tpu.memory_space<vmem>>
        %dma_start3A_232 = arith.constant 0 : i32
        %dma_start3A_233 = arith.constant 0 : i32
        %dma_start3A_234 = tpu.memref_slice %arg14[%dma_start3A_232, %dma_start3A_233] : memref<10240x16xf32, #tpu.memory_space<vmem_shared>> -> memref<10240x16xf32, #tpu.memory_space<vmem_shared>>
        tpu.enqueue_indirect_dma source(%dma_start3A_228 : memref<128x16xf32, #tpu.memory_space<vmem>>) target(%dma_start3A_234 : memref<10240x16xf32, #tpu.memory_space<vmem_shared>>) offsets(%dma_start3A_231 : memref<128xi32, #tpu.memory_space<vmem>>) semaphore(%arg17 : memref<!tpu.dma_semaphore, #tpu.memory_space<semaphore_mem>>) {add = true}
      }
      %scan3A_224 = arith.constant 10 : i32
    } else {
    }
    %add3A_110 = arith.constant 128 : i32
    %add3A_111 = arith.addi %add3A_110, %add3A : i32
    %lt3A_112 = arith.constant 250 : i32
    %lt3A_113 = arith.cmpi slt, %add3A_111, %lt3A_112 : i32
    %convert_element_type3A_114 = arith.extui %lt3A_113 : i1 to i32
    %cond3A_115 = arith.constant 0 : i32
    %cond3A_116 = arith.cmpi ne, %convert_element_type3A_114, %cond3A_115 : i32
    scf.if %cond3A_116 {
      %dma_wait3A = arith.constant 1 : i32
      %dma_wait3A_219 = arith.constant 0 : i32
      %dma_wait3A_220 = arith.constant 0 : i32
      %dma_wait3A_221 = tpu.memref_slice %arg2[%dma_wait3A, %dma_wait3A_219, %dma_wait3A_220] : memref<2x2500x128xi32, #tpu.memory_space<hbm>> -> memref<1x10x128xi32, #tpu.memory_space<hbm>>
      %dma_wait3A_222 = tpu.memref_squeeze %dma_wait3A_221 : memref<1x10x128xi32, #tpu.memory_space<hbm>> -> memref<10x128xi32, #tpu.memory_space<hbm>>
      %dma_wait3A_223 = arith.constant 0 : i32
      %dma_wait3A_224 = arith.constant 0 : i32
      %dma_wait3A_225 = tpu.memref_slice %arg2[%dma_wait3A, %dma_wait3A_223, %dma_wait3A_224] : memref<2x2500x128xi32, #tpu.memory_space<hbm>> -> memref<1x10x128xi32, #tpu.memory_space<hbm>>
      %dma_wait3A_226 = tpu.memref_squeeze %dma_wait3A_225 : memref<1x10x128xi32, #tpu.memory_space<hbm>> -> memref<10x128xi32, #tpu.memory_space<hbm>>
      tpu.wait_dma2 semaphore(%arg15 : memref<!tpu.dma_semaphore, #tpu.memory_space<semaphore_mem>>) src(%dma_wait3A_226 : memref<10x128xi32, #tpu.memory_space<hbm>>) dst(%arg5 : memref<10x128xi32, #tpu.memory_space<vmem>>)
      %dma_wait3A_227 = arith.constant 0 : i32
      %dma_wait3A_228 = arith.constant 0 : i32
      %dma_wait3A_229 = arith.constant 0 : i32
      %dma_wait3A_230 = tpu.memref_slice %arg3[%dma_wait3A_227, %dma_wait3A_228, %dma_wait3A_229] : memref<5000x8x128xf32, #tpu.memory_space<hbm>> -> memref<10x8x128xf32, #tpu.memory_space<hbm>>
      %dma_wait3A_231 = arith.constant 0 : i32
      %dma_wait3A_232 = arith.constant 0 : i32
      %dma_wait3A_233 = arith.constant 0 : i32
      %dma_wait3A_234 = tpu.memref_slice %arg3[%dma_wait3A_231, %dma_wait3A_232, %dma_wait3A_233] : memref<5000x8x128xf32, #tpu.memory_space<hbm>> -> memref<10x8x128xf32, #tpu.memory_space<hbm>>
      tpu.wait_dma2 semaphore(%arg15 : memref<!tpu.dma_semaphore, #tpu.memory_space<semaphore_mem>>) src(%dma_wait3A_234 : memref<10x8x128xf32, #tpu.memory_space<hbm>>) dst(%arg7 : memref<10x8x128xf32, #tpu.memory_space<vmem>>)
      %dma_wait3A_235 = arith.constant 0 : i32
      %dma_wait3A_236 = arith.constant 0 : i32
      %dma_wait3A_237 = arith.constant 0 : i32
      %dma_wait3A_238 = tpu.memref_slice %arg3[%dma_wait3A_235, %dma_wait3A_236, %dma_wait3A_237] : memref<5000x8x128xf32, #tpu.memory_space<hbm>> -> memref<10x8x128xf32, #tpu.memory_space<hbm>>
      %dma_wait3A_239 = arith.constant 0 : i32
      %dma_wait3A_240 = arith.constant 0 : i32
      %dma_wait3A_241 = arith.constant 0 : i32
      %dma_wait3A_242 = tpu.memref_slice %arg3[%dma_wait3A_239, %dma_wait3A_240, %dma_wait3A_241] : memref<5000x8x128xf32, #tpu.memory_space<hbm>> -> memref<10x8x128xf32, #tpu.memory_space<hbm>>
      tpu.wait_dma2 semaphore(%arg15 : memref<!tpu.dma_semaphore, #tpu.memory_space<semaphore_mem>>) src(%dma_wait3A_242 : memref<10x8x128xf32, #tpu.memory_space<hbm>>) dst(%arg9 : memref<10x8x128xf32, #tpu.memory_space<vmem>>)
      %scan3A_243 = arith.constant 0 : i32
      %scan3A_244 = arith.constant 0 : i32
      %scan3A_245 = arith.constant 80 : i32
      %scan3A_246 = arith.addi %scan3A_244, %scan3A_245 : i32
      %scan3A_247 = arith.constant 1 : i32
      scf.for %scan3A_255 = %scan3A_244 to %scan3A_246 step %scan3A_247  : i32 {
        %jit3A = arith.constant 8 : i32
        %div3A = arith.divsi %scan3A_255, %jit3A : i32
        %sign3A = arith.constant 0 : i32
        %sign3A_256 = arith.cmpi sgt, %scan3A_255, %sign3A : i32
        %sign3A_257 = arith.extui %sign3A_256 : i1 to i32
        %sign3A_258 = arith.constant 0 : i32
        %sign3A_259 = arith.cmpi slt, %scan3A_255, %sign3A_258 : i32
        %sign3A_260 = arith.extui %sign3A_259 : i1 to i32
        %sign3A_261 = arith.subi %sign3A_257, %sign3A_260 : i32
        %sign3A_262 = arith.constant 0 : i32
        %sign3A_263 = arith.cmpi sgt, %jit3A, %sign3A_262 : i32
        %sign3A_264 = arith.extui %sign3A_263 : i1 to i32
        %sign3A_265 = arith.constant 0 : i32
        %sign3A_266 = arith.cmpi slt, %jit3A, %sign3A_265 : i32
        %sign3A_267 = arith.extui %sign3A_266 : i1 to i32
        %sign3A_268 = arith.subi %sign3A_264, %sign3A_267 : i32
        %ne3A = arith.cmpi ne, %sign3A_261, %sign3A_268 : i32
        %rem3A = arith.remsi %scan3A_255, %jit3A : i32
        %ne3A_269 = arith.constant 0 : i32
        %ne3A_270 = arith.cmpi ne, %rem3A, %ne3A_269 : i32
        %and3A = arith.andi %ne3A, %ne3A_270 : i1
        %sub3A = arith.constant 1 : i32
        %sub3A_271 = arith.subi %div3A, %sub3A : i32
        %select_n3A = arith.select %and3A, %sub3A_271, %div3A : i32
        %mul3A_272 = arith.constant 8 : i32
        %mul3A_273 = arith.muli %select_n3A, %mul3A_272 : i32
        %sub3A_274 = arith.subi %scan3A_255, %mul3A_273 : i32
        %add3A_275 = arith.constant 0 : i32
        %add3A_276 = arith.addi %add3A_275, %sub3A_274 : i32
        %broadcast_in_dim3A_277 = vector.broadcast %add3A_276 : i32 to vector<16xi32>
        %get3A = arith.index_cast %select_n3A : i32 to index
        %get3A_278 = arith.index_cast %sub3A_274 : i32 to index
        %get3A_279 = arith.constant 0 : index
        %get3A_280 = tpu.vector_load %arg7[%get3A, %get3A_278, %get3A_279] {strides = array<i32>} : memref<10x8x128xf32, #tpu.memory_space<vmem>>, vector<16xf32>,
        %mul3A_281 = arith.constant 128 : i32
        %mul3A_282 = arith.muli %select_n3A, %mul3A_281 : i32
        %add3A_283 = arith.constant 0 : i32
        %add3A_284 = arith.addi %mul3A_282, %add3A_283 : i32
        %add3A_285 = vector.broadcast %add3A_284 : i32 to vector<16xi32>
        %add3A_286 = arith.addi %iota3A, %add3A_285 : vector<16xi32>
        tpu.vector_store_idx %arg11[%add3A_286, %broadcast_in_dim3A_277], %get3A_280 : memref<1280x16xf32, #tpu.memory_space<vmem>>[vector<16xi32>, vector<16xi32>], vector<16xf32>,
        %get3A_287 = arith.index_cast %select_n3A : i32 to index
        %get3A_288 = arith.index_cast %sub3A_274 : i32 to index
        %get3A_289 = arith.constant 16 : index
        %get3A_290 = tpu.vector_load %arg7[%get3A_287, %get3A_288, %get3A_289] {strides = array<i32>} : memref<10x8x128xf32, #tpu.memory_space<vmem>>, vector<16xf32>,
        %mul3A_291 = arith.constant 128 : i32
        %mul3A_292 = arith.muli %select_n3A, %mul3A_291 : i32
        %add3A_293 = arith.constant 16 : i32
        %add3A_294 = arith.addi %mul3A_292, %add3A_293 : i32
        %add3A_295 = vector.broadcast %add3A_294 : i32 to vector<16xi32>
        %add3A_296 = arith.addi %iota3A, %add3A_295 : vector<16xi32>
        tpu.vector_store_idx %arg11[%add3A_296, %broadcast_in_dim3A_277], %get3A_290 : memref<1280x16xf32, #tpu.memory_space<vmem>>[vector<16xi32>, vector<16xi32>], vector<16xf32>,
        %get3A_297 = arith.index_cast %select_n3A : i32 to index
        %get3A_298 = arith.index_cast %sub3A_274 : i32 to index
        %get3A_299 = arith.constant 32 : index
        %get3A_300 = tpu.vector_load %arg7[%get3A_297, %get3A_298, %get3A_299] {strides = array<i32>} : memref<10x8x128xf32, #tpu.memory_space<vmem>>, vector<16xf32>,
        %mul3A_301 = arith.constant 128 : i32
        %mul3A_302 = arith.muli %select_n3A, %mul3A_301 : i32
        %add3A_303 = arith.constant 32 : i32
        %add3A_304 = arith.addi %mul3A_302, %add3A_303 : i32
        %add3A_305 = vector.broadcast %add3A_304 : i32 to vector<16xi32>
        %add3A_306 = arith.addi %iota3A, %add3A_305 : vector<16xi32>
        tpu.vector_store_idx %arg11[%add3A_306, %broadcast_in_dim3A_277], %get3A_300 : memref<1280x16xf32, #tpu.memory_space<vmem>>[vector<16xi32>, vector<16xi32>], vector<16xf32>,
        %get3A_307 = arith.index_cast %select_n3A : i32 to index
        %get3A_308 = arith.index_cast %sub3A_274 : i32 to index
        %get3A_309 = arith.constant 48 : index
        %get3A_310 = tpu.vector_load %arg7[%get3A_307, %get3A_308, %get3A_309] {strides = array<i32>} : memref<10x8x128xf32, #tpu.memory_space<vmem>>, vector<16xf32>,
        %mul3A_311 = arith.constant 128 : i32
        %mul3A_312 = arith.muli %select_n3A, %mul3A_311 : i32
        %add3A_313 = arith.constant 48 : i32
        %add3A_314 = arith.addi %mul3A_312, %add3A_313 : i32
        %add3A_315 = vector.broadcast %add3A_314 : i32 to vector<16xi32>
        %add3A_316 = arith.addi %iota3A, %add3A_315 : vector<16xi32>
        tpu.vector_store_idx %arg11[%add3A_316, %broadcast_in_dim3A_277], %get3A_310 : memref<1280x16xf32, #tpu.memory_space<vmem>>[vector<16xi32>, vector<16xi32>], vector<16xf32>,
        %get3A_317 = arith.index_cast %select_n3A : i32 to index
        %get3A_318 = arith.index_cast %sub3A_274 : i32 to index
        %get3A_319 = arith.constant 64 : index
        %get3A_320 = tpu.vector_load %arg7[%get3A_317, %get3A_318, %get3A_319] {strides = array<i32>} : memref<10x8x128xf32, #tpu.memory_space<vmem>>, vector<16xf32>,
        %mul3A_321 = arith.constant 128 : i32
        %mul3A_322 = arith.muli %select_n3A, %mul3A_321 : i32
        %add3A_323 = arith.constant 64 : i32
        %add3A_324 = arith.addi %mul3A_322, %add3A_323 : i32
        %add3A_325 = vector.broadcast %add3A_324 : i32 to vector<16xi32>
        %add3A_326 = arith.addi %iota3A, %add3A_325 : vector<16xi32>
        tpu.vector_store_idx %arg11[%add3A_326, %broadcast_in_dim3A_277], %get3A_320 : memref<1280x16xf32, #tpu.memory_space<vmem>>[vector<16xi32>, vector<16xi32>], vector<16xf32>,
        %get3A_327 = arith.index_cast %select_n3A : i32 to index
        %get3A_328 = arith.index_cast %sub3A_274 : i32 to index
        %get3A_329 = arith.constant 80 : index
        %get3A_330 = tpu.vector_load %arg7[%get3A_327, %get3A_328, %get3A_329] {strides = array<i32>} : memref<10x8x128xf32, #tpu.memory_space<vmem>>, vector<16xf32>,
        %mul3A_331 = arith.constant 128 : i32
        %mul3A_332 = arith.muli %select_n3A, %mul3A_331 : i32
        %add3A_333 = arith.constant 80 : i32
        %add3A_334 = arith.addi %mul3A_332, %add3A_333 : i32
        %add3A_335 = vector.broadcast %add3A_334 : i32 to vector<16xi32>
        %add3A_336 = arith.addi %iota3A, %add3A_335 : vector<16xi32>
        tpu.vector_store_idx %arg11[%add3A_336, %broadcast_in_dim3A_277], %get3A_330 : memref<1280x16xf32, #tpu.memory_space<vmem>>[vector<16xi32>, vector<16xi32>], vector<16xf32>,
        %get3A_337 = arith.index_cast %select_n3A : i32 to index
        %get3A_338 = arith.index_cast %sub3A_274 : i32 to index
        %get3A_339 = arith.constant 96 : index
        %get3A_340 = tpu.vector_load %arg7[%get3A_337, %get3A_338, %get3A_339] {strides = array<i32>} : memref<10x8x128xf32, #tpu.memory_space<vmem>>, vector<16xf32>,
        %mul3A_341 = arith.constant 128 : i32
        %mul3A_342 = arith.muli %select_n3A, %mul3A_341 : i32
        %add3A_343 = arith.constant 96 : i32
        %add3A_344 = arith.addi %mul3A_342, %add3A_343 : i32
        %add3A_345 = vector.broadcast %add3A_344 : i32 to vector<16xi32>
        %add3A_346 = arith.addi %iota3A, %add3A_345 : vector<16xi32>
        tpu.vector_store_idx %arg11[%add3A_346, %broadcast_in_dim3A_277], %get3A_340 : memref<1280x16xf32, #tpu.memory_space<vmem>>[vector<16xi32>, vector<16xi32>], vector<16xf32>,
        %get3A_347 = arith.index_cast %select_n3A : i32 to index
        %get3A_348 = arith.index_cast %sub3A_274 : i32 to index
        %get3A_349 = arith.constant 112 : index
        %get3A_350 = tpu.vector_load %arg7[%get3A_347, %get3A_348, %get3A_349] {strides = array<i32>} : memref<10x8x128xf32, #tpu.memory_space<vmem>>, vector<16xf32>,
        %mul3A_351 = arith.constant 128 : i32
        %mul3A_352 = arith.muli %select_n3A, %mul3A_351 : i32
        %add3A_353 = arith.constant 112 : i32
        %add3A_354 = arith.addi %mul3A_352, %add3A_353 : i32
        %add3A_355 = vector.broadcast %add3A_354 : i32 to vector<16xi32>
        %add3A_356 = arith.addi %iota3A, %add3A_355 : vector<16xi32>
        tpu.vector_store_idx %arg11[%add3A_356, %broadcast_in_dim3A_277], %get3A_350 : memref<1280x16xf32, #tpu.memory_space<vmem>>[vector<16xi32>, vector<16xi32>], vector<16xf32>,
      }
      %scan3A_248 = arith.constant 80 : i32
      %scan3A_249 = arith.constant 0 : i32
      %scan3A_250 = arith.constant 0 : i32
      %scan3A_251 = arith.constant 80 : i32
      %scan3A_252 = arith.addi %scan3A_250, %scan3A_251 : i32
      %scan3A_253 = arith.constant 1 : i32
      scf.for %scan3A_255 = %scan3A_250 to %scan3A_252 step %scan3A_253  : i32 {
        %jit3A = arith.constant 8 : i32
        %div3A = arith.divsi %scan3A_255, %jit3A : i32
        %sign3A = arith.constant 0 : i32
        %sign3A_256 = arith.cmpi sgt, %scan3A_255, %sign3A : i32
        %sign3A_257 = arith.extui %sign3A_256 : i1 to i32
        %sign3A_258 = arith.constant 0 : i32
        %sign3A_259 = arith.cmpi slt, %scan3A_255, %sign3A_258 : i32
        %sign3A_260 = arith.extui %sign3A_259 : i1 to i32
        %sign3A_261 = arith.subi %sign3A_257, %sign3A_260 : i32
        %sign3A_262 = arith.constant 0 : i32
        %sign3A_263 = arith.cmpi sgt, %jit3A, %sign3A_262 : i32
        %sign3A_264 = arith.extui %sign3A_263 : i1 to i32
        %sign3A_265 = arith.constant 0 : i32
        %sign3A_266 = arith.cmpi slt, %jit3A, %sign3A_265 : i32
        %sign3A_267 = arith.extui %sign3A_266 : i1 to i32
        %sign3A_268 = arith.subi %sign3A_264, %sign3A_267 : i32
        %ne3A = arith.cmpi ne, %sign3A_261, %sign3A_268 : i32
        %rem3A = arith.remsi %scan3A_255, %jit3A : i32
        %ne3A_269 = arith.constant 0 : i32
        %ne3A_270 = arith.cmpi ne, %rem3A, %ne3A_269 : i32
        %and3A = arith.andi %ne3A, %ne3A_270 : i1
        %sub3A = arith.constant 1 : i32
        %sub3A_271 = arith.subi %div3A, %sub3A : i32
        %select_n3A = arith.select %and3A, %sub3A_271, %div3A : i32
        %mul3A_272 = arith.constant 8 : i32
        %mul3A_273 = arith.muli %select_n3A, %mul3A_272 : i32
        %sub3A_274 = arith.subi %scan3A_255, %mul3A_273 : i32
        %add3A_275 = arith.constant 8 : i32
        %add3A_276 = arith.addi %add3A_275, %sub3A_274 : i32
        %broadcast_in_dim3A_277 = vector.broadcast %add3A_276 : i32 to vector<16xi32>
        %get3A = arith.index_cast %select_n3A : i32 to index
        %get3A_278 = arith.index_cast %sub3A_274 : i32 to index
        %get3A_279 = arith.constant 0 : index
        %get3A_280 = tpu.vector_load %arg9[%get3A, %get3A_278, %get3A_279] {strides = array<i32>} : memref<10x8x128xf32, #tpu.memory_space<vmem>>, vector<16xf32>,
        %mul3A_281 = arith.constant 128 : i32
        %mul3A_282 = arith.muli %select_n3A, %mul3A_281 : i32
        %add3A_283 = arith.constant 0 : i32
        %add3A_284 = arith.addi %mul3A_282, %add3A_283 : i32
        %add3A_285 = vector.broadcast %add3A_284 : i32 to vector<16xi32>
        %add3A_286 = arith.addi %iota3A, %add3A_285 : vector<16xi32>
        tpu.vector_store_idx %arg11[%add3A_286, %broadcast_in_dim3A_277], %get3A_280 : memref<1280x16xf32, #tpu.memory_space<vmem>>[vector<16xi32>, vector<16xi32>], vector<16xf32>,
        %get3A_287 = arith.index_cast %select_n3A : i32 to index
        %get3A_288 = arith.index_cast %sub3A_274 : i32 to index
        %get3A_289 = arith.constant 16 : index
        %get3A_290 = tpu.vector_load %arg9[%get3A_287, %get3A_288, %get3A_289] {strides = array<i32>} : memref<10x8x128xf32, #tpu.memory_space<vmem>>, vector<16xf32>,
        %mul3A_291 = arith.constant 128 : i32
        %mul3A_292 = arith.muli %select_n3A, %mul3A_291 : i32
        %add3A_293 = arith.constant 16 : i32
        %add3A_294 = arith.addi %mul3A_292, %add3A_293 : i32
        %add3A_295 = vector.broadcast %add3A_294 : i32 to vector<16xi32>
        %add3A_296 = arith.addi %iota3A, %add3A_295 : vector<16xi32>
        tpu.vector_store_idx %arg11[%add3A_296, %broadcast_in_dim3A_277], %get3A_290 : memref<1280x16xf32, #tpu.memory_space<vmem>>[vector<16xi32>, vector<16xi32>], vector<16xf32>,
        %get3A_297 = arith.index_cast %select_n3A : i32 to index
        %get3A_298 = arith.index_cast %sub3A_274 : i32 to index
        %get3A_299 = arith.constant 32 : index
        %get3A_300 = tpu.vector_load %arg9[%get3A_297, %get3A_298, %get3A_299] {strides = array<i32>} : memref<10x8x128xf32, #tpu.memory_space<vmem>>, vector<16xf32>,
        %mul3A_301 = arith.constant 128 : i32
        %mul3A_302 = arith.muli %select_n3A, %mul3A_301 : i32
        %add3A_303 = arith.constant 32 : i32
        %add3A_304 = arith.addi %mul3A_302, %add3A_303 : i32
        %add3A_305 = vector.broadcast %add3A_304 : i32 to vector<16xi32>
        %add3A_306 = arith.addi %iota3A, %add3A_305 : vector<16xi32>
        tpu.vector_store_idx %arg11[%add3A_306, %broadcast_in_dim3A_277], %get3A_300 : memref<1280x16xf32, #tpu.memory_space<vmem>>[vector<16xi32>, vector<16xi32>], vector<16xf32>,
        %get3A_307 = arith.index_cast %select_n3A : i32 to index
        %get3A_308 = arith.index_cast %sub3A_274 : i32 to index
        %get3A_309 = arith.constant 48 : index
        %get3A_310 = tpu.vector_load %arg9[%get3A_307, %get3A_308, %get3A_309] {strides = array<i32>} : memref<10x8x128xf32, #tpu.memory_space<vmem>>, vector<16xf32>,
        %mul3A_311 = arith.constant 128 : i32
        %mul3A_312 = arith.muli %select_n3A, %mul3A_311 : i32
        %add3A_313 = arith.constant 48 : i32
        %add3A_314 = arith.addi %mul3A_312, %add3A_313 : i32
        %add3A_315 = vector.broadcast %add3A_314 : i32 to vector<16xi32>
        %add3A_316 = arith.addi %iota3A, %add3A_315 : vector<16xi32>
        tpu.vector_store_idx %arg11[%add3A_316, %broadcast_in_dim3A_277], %get3A_310 : memref<1280x16xf32, #tpu.memory_space<vmem>>[vector<16xi32>, vector<16xi32>], vector<16xf32>,
        %get3A_317 = arith.index_cast %select_n3A : i32 to index
        %get3A_318 = arith.index_cast %sub3A_274 : i32 to index
        %get3A_319 = arith.constant 64 : index
        %get3A_320 = tpu.vector_load %arg9[%get3A_317, %get3A_318, %get3A_319] {strides = array<i32>} : memref<10x8x128xf32, #tpu.memory_space<vmem>>, vector<16xf32>,
        %mul3A_321 = arith.constant 128 : i32
        %mul3A_322 = arith.muli %select_n3A, %mul3A_321 : i32
        %add3A_323 = arith.constant 64 : i32
        %add3A_324 = arith.addi %mul3A_322, %add3A_323 : i32
        %add3A_325 = vector.broadcast %add3A_324 : i32 to vector<16xi32>
        %add3A_326 = arith.addi %iota3A, %add3A_325 : vector<16xi32>
        tpu.vector_store_idx %arg11[%add3A_326, %broadcast_in_dim3A_277], %get3A_320 : memref<1280x16xf32, #tpu.memory_space<vmem>>[vector<16xi32>, vector<16xi32>], vector<16xf32>,
        %get3A_327 = arith.index_cast %select_n3A : i32 to index
        %get3A_328 = arith.index_cast %sub3A_274 : i32 to index
        %get3A_329 = arith.constant 80 : index
        %get3A_330 = tpu.vector_load %arg9[%get3A_327, %get3A_328, %get3A_329] {strides = array<i32>} : memref<10x8x128xf32, #tpu.memory_space<vmem>>, vector<16xf32>,
        %mul3A_331 = arith.constant 128 : i32
        %mul3A_332 = arith.muli %select_n3A, %mul3A_331 : i32
        %add3A_333 = arith.constant 80 : i32
        %add3A_334 = arith.addi %mul3A_332, %add3A_333 : i32
        %add3A_335 = vector.broadcast %add3A_334 : i32 to vector<16xi32>
        %add3A_336 = arith.addi %iota3A, %add3A_335 : vector<16xi32>
        tpu.vector_store_idx %arg11[%add3A_336, %broadcast_in_dim3A_277], %get3A_330 : memref<1280x16xf32, #tpu.memory_space<vmem>>[vector<16xi32>, vector<16xi32>], vector<16xf32>,
        %get3A_337 = arith.index_cast %select_n3A : i32 to index
        %get3A_338 = arith.index_cast %sub3A_274 : i32 to index
        %get3A_339 = arith.constant 96 : index
        %get3A_340 = tpu.vector_load %arg9[%get3A_337, %get3A_338, %get3A_339] {strides = array<i32>} : memref<10x8x128xf32, #tpu.memory_space<vmem>>, vector<16xf32>,
        %mul3A_341 = arith.constant 128 : i32
        %mul3A_342 = arith.muli %select_n3A, %mul3A_341 : i32
        %add3A_343 = arith.constant 96 : i32
        %add3A_344 = arith.addi %mul3A_342, %add3A_343 : i32
        %add3A_345 = vector.broadcast %add3A_344 : i32 to vector<16xi32>
        %add3A_346 = arith.addi %iota3A, %add3A_345 : vector<16xi32>
        tpu.vector_store_idx %arg11[%add3A_346, %broadcast_in_dim3A_277], %get3A_340 : memref<1280x16xf32, #tpu.memory_space<vmem>>[vector<16xi32>, vector<16xi32>], vector<16xf32>,
        %get3A_347 = arith.index_cast %select_n3A : i32 to index
        %get3A_348 = arith.index_cast %sub3A_274 : i32 to index
        %get3A_349 = arith.constant 112 : index
        %get3A_350 = tpu.vector_load %arg9[%get3A_347, %get3A_348, %get3A_349] {strides = array<i32>} : memref<10x8x128xf32, #tpu.memory_space<vmem>>, vector<16xf32>,
        %mul3A_351 = arith.constant 128 : i32
        %mul3A_352 = arith.muli %select_n3A, %mul3A_351 : i32
        %add3A_353 = arith.constant 112 : i32
        %add3A_354 = arith.addi %mul3A_352, %add3A_353 : i32
        %add3A_355 = vector.broadcast %add3A_354 : i32 to vector<16xi32>
        %add3A_356 = arith.addi %iota3A, %add3A_355 : vector<16xi32>
        tpu.vector_store_idx %arg11[%add3A_356, %broadcast_in_dim3A_277], %get3A_350 : memref<1280x16xf32, #tpu.memory_space<vmem>>[vector<16xi32>, vector<16xi32>], vector<16xf32>,
      }
      %scan3A_254 = arith.constant 80 : i32
    } else {
    }
    %add3A_117 = arith.constant 96 : i32
    %add3A_118 = arith.addi %add3A_117, %add3A : i32
    %lt3A_119 = arith.constant 250 : i32
    %lt3A_120 = arith.cmpi slt, %add3A_118, %lt3A_119 : i32
    %convert_element_type3A_121 = arith.extui %lt3A_120 : i1 to i32
    %cond3A_122 = arith.constant 0 : i32
    %cond3A_123 = arith.cmpi ne, %convert_element_type3A_121, %cond3A_122 : i32
    scf.if %cond3A_123 {
      %dma_wait3A = arith.constant 0 : i32
      %dma_wait3A_219 = arith.constant 0 : i32
      %dma_wait3A_220 = arith.constant 0 : i32
      %dma_wait3A_221 = tpu.memref_slice %arg3[%dma_wait3A, %dma_wait3A_219, %dma_wait3A_220] : memref<5000x8x128xf32, #tpu.memory_space<hbm>> -> memref<10x8x128xf32, #tpu.memory_space<hbm>>
      %dma_wait3A_222 = arith.constant 0 : i32
      %dma_wait3A_223 = arith.constant 0 : i32
      %dma_wait3A_224 = arith.constant 0 : i32
      %dma_wait3A_225 = tpu.memref_slice %arg3[%dma_wait3A_222, %dma_wait3A_223, %dma_wait3A_224] : memref<5000x8x128xf32, #tpu.memory_space<hbm>> -> memref<10x8x128xf32, #tpu.memory_space<hbm>>
      tpu.wait_dma2 semaphore(%arg17 : memref<!tpu.dma_semaphore, #tpu.memory_space<semaphore_mem>>) src(%dma_wait3A_225 : memref<10x8x128xf32, #tpu.memory_space<hbm>>) dst(%arg12 : memref<1280x16xf32, #tpu.memory_space<vmem>>)
    } else {
    }
    %add3A_124 = arith.constant 160 : i32
    %add3A_125 = arith.addi %add3A_124, %add3A : i32
    %lt3A_126 = arith.constant 250 : i32
    %lt3A_127 = arith.cmpi slt, %add3A_125, %lt3A_126 : i32
    %convert_element_type3A_128 = arith.extui %lt3A_127 : i1 to i32
    %cond3A_129 = arith.constant 0 : i32
    %cond3A_130 = arith.cmpi ne, %convert_element_type3A_128, %cond3A_129 : i32
    scf.if %cond3A_130 {
      %mul3A_219 = arith.constant 10 : i32
      %mul3A_220 = arith.muli %add3A_125, %mul3A_219 : i32
      %dma_start3A = arith.constant 1 : i32
      %dma_start3A_221 = arith.constant 0 : i32
      %dma_start3A_222 = tpu.memref_slice %arg2[%dma_start3A, %mul3A_220, %dma_start3A_221] : memref<2x2500x128xi32, #tpu.memory_space<hbm>> -> memref<1x10x128xi32, #tpu.memory_space<hbm>>
      %dma_start3A_223 = tpu.memref_squeeze %dma_start3A_222 : memref<1x10x128xi32, #tpu.memory_space<hbm>> -> memref<10x128xi32, #tpu.memory_space<hbm>>
      %dma_start3A_224 = arith.constant 0 : i32
      %dma_start3A_225 = tpu.memref_slice %arg2[%dma_start3A, %mul3A_220, %dma_start3A_224] : memref<2x2500x128xi32, #tpu.memory_space<hbm>> -> memref<1x10x128xi32, #tpu.memory_space<hbm>>
      %dma_start3A_226 = tpu.memref_squeeze %dma_start3A_225 : memref<1x10x128xi32, #tpu.memory_space<hbm>> -> memref<10x128xi32, #tpu.memory_space<hbm>>
      tpu.enqueue_dma source(%dma_start3A_226 : memref<10x128xi32, #tpu.memory_space<hbm>>) target(%arg6 : memref<10x128xi32, #tpu.memory_space<vmem>>) target_semaphore(%arg16 : memref<!tpu.dma_semaphore, #tpu.memory_space<semaphore_mem>>)
      %dma_start3A_227 = arith.constant 0 : i32
      %dma_start3A_228 = arith.constant 0 : i32
      %dma_start3A_229 = tpu.memref_slice %arg3[%mul3A_220, %dma_start3A_227, %dma_start3A_228] : memref<5000x8x128xf32, #tpu.memory_space<hbm>> -> memref<10x8x128xf32, #tpu.memory_space<hbm>>
      %dma_start3A_230 = arith.constant 0 : i32
      %dma_start3A_231 = arith.constant 0 : i32
      %dma_start3A_232 = tpu.memref_slice %arg3[%mul3A_220, %dma_start3A_230, %dma_start3A_231] : memref<5000x8x128xf32, #tpu.memory_space<hbm>> -> memref<10x8x128xf32, #tpu.memory_space<hbm>>
      tpu.enqueue_dma source(%dma_start3A_232 : memref<10x8x128xf32, #tpu.memory_space<hbm>>) target(%arg8 : memref<10x8x128xf32, #tpu.memory_space<vmem>>) target_semaphore(%arg16 : memref<!tpu.dma_semaphore, #tpu.memory_space<semaphore_mem>>)
      %add3A_233 = arith.constant 2500 : i32
      %add3A_234 = arith.addi %add3A_233, %mul3A_220 : i32
      %dma_start3A_235 = arith.constant 0 : i32
      %dma_start3A_236 = arith.constant 0 : i32
      %dma_start3A_237 = tpu.memref_slice %arg3[%add3A_234, %dma_start3A_235, %dma_start3A_236] : memref<5000x8x128xf32, #tpu.memory_space<hbm>> -> memref<10x8x128xf32, #tpu.memory_space<hbm>>
      %dma_start3A_238 = arith.constant 0 : i32
      %dma_start3A_239 = arith.constant 0 : i32
      %dma_start3A_240 = tpu.memref_slice %arg3[%add3A_234, %dma_start3A_238, %dma_start3A_239] : memref<5000x8x128xf32, #tpu.memory_space<hbm>> -> memref<10x8x128xf32, #tpu.memory_space<hbm>>
      tpu.enqueue_dma source(%dma_start3A_240 : memref<10x8x128xf32, #tpu.memory_space<hbm>>) target(%arg10 : memref<10x8x128xf32, #tpu.memory_space<vmem>>) target_semaphore(%arg16 : memref<!tpu.dma_semaphore, #tpu.memory_space<semaphore_mem>>)
    } else {
    }
    %lt3A_131 = arith.constant 250 : i32
    %lt3A_132 = arith.cmpi slt, %add3A_111, %lt3A_131 : i32
    %convert_element_type3A_133 = arith.extui %lt3A_132 : i1 to i32
    %cond3A_134 = arith.constant 0 : i32
    %cond3A_135 = arith.cmpi ne, %convert_element_type3A_133, %cond3A_134 : i32
    scf.if %cond3A_135 {
      %scan3A_219 = arith.constant 0 : i32
      %scan3A_220 = arith.constant 0 : i32
      %scan3A_221 = arith.constant 10 : i32
      %scan3A_222 = arith.addi %scan3A_220, %scan3A_221 : i32
      %scan3A_223 = arith.constant 1 : i32
      scf.for %scan3A_225 = %scan3A_220 to %scan3A_222 step %scan3A_223  : i32 {
        %mul3A_226 = arith.constant 128 : i32
        %mul3A_227 = arith.muli %scan3A_225, %mul3A_226 : i32
        %dma_start3A = arith.constant 0 : i32
        %dma_start3A_228 = tpu.memref_slice %arg11[%mul3A_227, %dma_start3A] : memref<1280x16xf32, #tpu.memory_space<vmem>> -> memref<128x16xf32, #tpu.memory_space<vmem>>
        %dma_start3A_229 = arith.constant 0 : i32
        %dma_start3A_230 = tpu.memref_slice %arg5[%scan3A_225, %dma_start3A_229] : memref<10x128xi32, #tpu.memory_space<vmem>> -> memref<1x128xi32, #tpu.memory_space<vmem>>
        %dma_start3A_231 = tpu.memref_squeeze %dma_start3A_230 : memref<1x128xi32, #tpu.memory_space<vmem>> -> memref<128xi32, #tpu.memory_space<vmem>>
        %dma_start3A_232 = arith.constant 0 : i32
        %dma_start3A_233 = arith.constant 0 : i32
        %dma_start3A_234 = tpu.memref_slice %arg14[%dma_start3A_232, %dma_start3A_233] : memref<10240x16xf32, #tpu.memory_space<vmem_shared>> -> memref<10240x16xf32, #tpu.memory_space<vmem_shared>>
        tpu.enqueue_indirect_dma source(%dma_start3A_228 : memref<128x16xf32, #tpu.memory_space<vmem>>) target(%dma_start3A_234 : memref<10240x16xf32, #tpu.memory_space<vmem_shared>>) offsets(%dma_start3A_231 : memref<128xi32, #tpu.memory_space<vmem>>) semaphore(%arg17 : memref<!tpu.dma_semaphore, #tpu.memory_space<semaphore_mem>>) {add = true}
      }
      %scan3A_224 = arith.constant 10 : i32
    } else {
    }
    %add3A_136 = arith.constant 160 : i32
    %add3A_137 = arith.addi %add3A_136, %add3A : i32
    %lt3A_138 = arith.constant 250 : i32
    %lt3A_139 = arith.cmpi slt, %add3A_137, %lt3A_138 : i32
    %convert_element_type3A_140 = arith.extui %lt3A_139 : i1 to i32
    %cond3A_141 = arith.constant 0 : i32
    %cond3A_142 = arith.cmpi ne, %convert_element_type3A_140, %cond3A_141 : i32
    scf.if %cond3A_142 {
      %dma_wait3A = arith.constant 1 : i32
      %dma_wait3A_219 = arith.constant 0 : i32
      %dma_wait3A_220 = arith.constant 0 : i32
      %dma_wait3A_221 = tpu.memref_slice %arg2[%dma_wait3A, %dma_wait3A_219, %dma_wait3A_220] : memref<2x2500x128xi32, #tpu.memory_space<hbm>> -> memref<1x10x128xi32, #tpu.memory_space<hbm>>
      %dma_wait3A_222 = tpu.memref_squeeze %dma_wait3A_221 : memref<1x10x128xi32, #tpu.memory_space<hbm>> -> memref<10x128xi32, #tpu.memory_space<hbm>>
      %dma_wait3A_223 = arith.constant 0 : i32
      %dma_wait3A_224 = arith.constant 0 : i32
      %dma_wait3A_225 = tpu.memref_slice %arg2[%dma_wait3A, %dma_wait3A_223, %dma_wait3A_224] : memref<2x2500x128xi32, #tpu.memory_space<hbm>> -> memref<1x10x128xi32, #tpu.memory_space<hbm>>
      %dma_wait3A_226 = tpu.memref_squeeze %dma_wait3A_225 : memref<1x10x128xi32, #tpu.memory_space<hbm>> -> memref<10x128xi32, #tpu.memory_space<hbm>>
      tpu.wait_dma2 semaphore(%arg16 : memref<!tpu.dma_semaphore, #tpu.memory_space<semaphore_mem>>) src(%dma_wait3A_226 : memref<10x128xi32, #tpu.memory_space<hbm>>) dst(%arg6 : memref<10x128xi32, #tpu.memory_space<vmem>>)
      %dma_wait3A_227 = arith.constant 0 : i32
      %dma_wait3A_228 = arith.constant 0 : i32
      %dma_wait3A_229 = arith.constant 0 : i32
      %dma_wait3A_230 = tpu.memref_slice %arg3[%dma_wait3A_227, %dma_wait3A_228, %dma_wait3A_229] : memref<5000x8x128xf32, #tpu.memory_space<hbm>> -> memref<10x8x128xf32, #tpu.memory_space<hbm>>
      %dma_wait3A_231 = arith.constant 0 : i32
      %dma_wait3A_232 = arith.constant 0 : i32
      %dma_wait3A_233 = arith.constant 0 : i32
      %dma_wait3A_234 = tpu.memref_slice %arg3[%dma_wait3A_231, %dma_wait3A_232, %dma_wait3A_233] : memref<5000x8x128xf32, #tpu.memory_space<hbm>> -> memref<10x8x128xf32, #tpu.memory_space<hbm>>
      tpu.wait_dma2 semaphore(%arg16 : memref<!tpu.dma_semaphore, #tpu.memory_space<semaphore_mem>>) src(%dma_wait3A_234 : memref<10x8x128xf32, #tpu.memory_space<hbm>>) dst(%arg8 : memref<10x8x128xf32, #tpu.memory_space<vmem>>)
      %dma_wait3A_235 = arith.constant 0 : i32
      %dma_wait3A_236 = arith.constant 0 : i32
      %dma_wait3A_237 = arith.constant 0 : i32
      %dma_wait3A_238 = tpu.memref_slice %arg3[%dma_wait3A_235, %dma_wait3A_236, %dma_wait3A_237] : memref<5000x8x128xf32, #tpu.memory_space<hbm>> -> memref<10x8x128xf32, #tpu.memory_space<hbm>>
      %dma_wait3A_239 = arith.constant 0 : i32
      %dma_wait3A_240 = arith.constant 0 : i32
      %dma_wait3A_241 = arith.constant 0 : i32
      %dma_wait3A_242 = tpu.memref_slice %arg3[%dma_wait3A_239, %dma_wait3A_240, %dma_wait3A_241] : memref<5000x8x128xf32, #tpu.memory_space<hbm>> -> memref<10x8x128xf32, #tpu.memory_space<hbm>>
      tpu.wait_dma2 semaphore(%arg16 : memref<!tpu.dma_semaphore, #tpu.memory_space<semaphore_mem>>) src(%dma_wait3A_242 : memref<10x8x128xf32, #tpu.memory_space<hbm>>) dst(%arg10 : memref<10x8x128xf32, #tpu.memory_space<vmem>>)
      %scan3A_243 = arith.constant 0 : i32
      %scan3A_244 = arith.constant 0 : i32
      %scan3A_245 = arith.constant 80 : i32
      %scan3A_246 = arith.addi %scan3A_244, %scan3A_245 : i32
      %scan3A_247 = arith.constant 1 : i32
      scf.for %scan3A_255 = %scan3A_244 to %scan3A_246 step %scan3A_247  : i32 {
        %jit3A = arith.constant 8 : i32
        %div3A = arith.divsi %scan3A_255, %jit3A : i32
        %sign3A = arith.constant 0 : i32
        %sign3A_256 = arith.cmpi sgt, %scan3A_255, %sign3A : i32
        %sign3A_257 = arith.extui %sign3A_256 : i1 to i32
        %sign3A_258 = arith.constant 0 : i32
        %sign3A_259 = arith.cmpi slt, %scan3A_255, %sign3A_258 : i32
        %sign3A_260 = arith.extui %sign3A_259 : i1 to i32
        %sign3A_261 = arith.subi %sign3A_257, %sign3A_260 : i32
        %sign3A_262 = arith.constant 0 : i32
        %sign3A_263 = arith.cmpi sgt, %jit3A, %sign3A_262 : i32
        %sign3A_264 = arith.extui %sign3A_263 : i1 to i32
        %sign3A_265 = arith.constant 0 : i32
        %sign3A_266 = arith.cmpi slt, %jit3A, %sign3A_265 : i32
        %sign3A_267 = arith.extui %sign3A_266 : i1 to i32
        %sign3A_268 = arith.subi %sign3A_264, %sign3A_267 : i32
        %ne3A = arith.cmpi ne, %sign3A_261, %sign3A_268 : i32
        %rem3A = arith.remsi %scan3A_255, %jit3A : i32
        %ne3A_269 = arith.constant 0 : i32
        %ne3A_270 = arith.cmpi ne, %rem3A, %ne3A_269 : i32
        %and3A = arith.andi %ne3A, %ne3A_270 : i1
        %sub3A = arith.constant 1 : i32
        %sub3A_271 = arith.subi %div3A, %sub3A : i32
        %select_n3A = arith.select %and3A, %sub3A_271, %div3A : i32
        %mul3A_272 = arith.constant 8 : i32
        %mul3A_273 = arith.muli %select_n3A, %mul3A_272 : i32
        %sub3A_274 = arith.subi %scan3A_255, %mul3A_273 : i32
        %add3A_275 = arith.constant 0 : i32
        %add3A_276 = arith.addi %add3A_275, %sub3A_274 : i32
        %broadcast_in_dim3A_277 = vector.broadcast %add3A_276 : i32 to vector<16xi32>
        %get3A = arith.index_cast %select_n3A : i32 to index
        %get3A_278 = arith.index_cast %sub3A_274 : i32 to index
        %get3A_279 = arith.constant 0 : index
        %get3A_280 = tpu.vector_load %arg8[%get3A, %get3A_278, %get3A_279] {strides = array<i32>} : memref<10x8x128xf32, #tpu.memory_space<vmem>>, vector<16xf32>,
        %mul3A_281 = arith.constant 128 : i32
        %mul3A_282 = arith.muli %select_n3A, %mul3A_281 : i32
        %add3A_283 = arith.constant 0 : i32
        %add3A_284 = arith.addi %mul3A_282, %add3A_283 : i32
        %add3A_285 = vector.broadcast %add3A_284 : i32 to vector<16xi32>
        %add3A_286 = arith.addi %iota3A, %add3A_285 : vector<16xi32>
        tpu.vector_store_idx %arg12[%add3A_286, %broadcast_in_dim3A_277], %get3A_280 : memref<1280x16xf32, #tpu.memory_space<vmem>>[vector<16xi32>, vector<16xi32>], vector<16xf32>,
        %get3A_287 = arith.index_cast %select_n3A : i32 to index
        %get3A_288 = arith.index_cast %sub3A_274 : i32 to index
        %get3A_289 = arith.constant 16 : index
        %get3A_290 = tpu.vector_load %arg8[%get3A_287, %get3A_288, %get3A_289] {strides = array<i32>} : memref<10x8x128xf32, #tpu.memory_space<vmem>>, vector<16xf32>,
        %mul3A_291 = arith.constant 128 : i32
        %mul3A_292 = arith.muli %select_n3A, %mul3A_291 : i32
        %add3A_293 = arith.constant 16 : i32
        %add3A_294 = arith.addi %mul3A_292, %add3A_293 : i32
        %add3A_295 = vector.broadcast %add3A_294 : i32 to vector<16xi32>
        %add3A_296 = arith.addi %iota3A, %add3A_295 : vector<16xi32>
        tpu.vector_store_idx %arg12[%add3A_296, %broadcast_in_dim3A_277], %get3A_290 : memref<1280x16xf32, #tpu.memory_space<vmem>>[vector<16xi32>, vector<16xi32>], vector<16xf32>,
        %get3A_297 = arith.index_cast %select_n3A : i32 to index
        %get3A_298 = arith.index_cast %sub3A_274 : i32 to index
        %get3A_299 = arith.constant 32 : index
        %get3A_300 = tpu.vector_load %arg8[%get3A_297, %get3A_298, %get3A_299] {strides = array<i32>} : memref<10x8x128xf32, #tpu.memory_space<vmem>>, vector<16xf32>,
        %mul3A_301 = arith.constant 128 : i32
        %mul3A_302 = arith.muli %select_n3A, %mul3A_301 : i32
        %add3A_303 = arith.constant 32 : i32
        %add3A_304 = arith.addi %mul3A_302, %add3A_303 : i32
        %add3A_305 = vector.broadcast %add3A_304 : i32 to vector<16xi32>
        %add3A_306 = arith.addi %iota3A, %add3A_305 : vector<16xi32>
        tpu.vector_store_idx %arg12[%add3A_306, %broadcast_in_dim3A_277], %get3A_300 : memref<1280x16xf32, #tpu.memory_space<vmem>>[vector<16xi32>, vector<16xi32>], vector<16xf32>,
        %get3A_307 = arith.index_cast %select_n3A : i32 to index
        %get3A_308 = arith.index_cast %sub3A_274 : i32 to index
        %get3A_309 = arith.constant 48 : index
        %get3A_310 = tpu.vector_load %arg8[%get3A_307, %get3A_308, %get3A_309] {strides = array<i32>} : memref<10x8x128xf32, #tpu.memory_space<vmem>>, vector<16xf32>,
        %mul3A_311 = arith.constant 128 : i32
        %mul3A_312 = arith.muli %select_n3A, %mul3A_311 : i32
        %add3A_313 = arith.constant 48 : i32
        %add3A_314 = arith.addi %mul3A_312, %add3A_313 : i32
        %add3A_315 = vector.broadcast %add3A_314 : i32 to vector<16xi32>
        %add3A_316 = arith.addi %iota3A, %add3A_315 : vector<16xi32>
        tpu.vector_store_idx %arg12[%add3A_316, %broadcast_in_dim3A_277], %get3A_310 : memref<1280x16xf32, #tpu.memory_space<vmem>>[vector<16xi32>, vector<16xi32>], vector<16xf32>,
        %get3A_317 = arith.index_cast %select_n3A : i32 to index
        %get3A_318 = arith.index_cast %sub3A_274 : i32 to index
        %get3A_319 = arith.constant 64 : index
        %get3A_320 = tpu.vector_load %arg8[%get3A_317, %get3A_318, %get3A_319] {strides = array<i32>} : memref<10x8x128xf32, #tpu.memory_space<vmem>>, vector<16xf32>,
        %mul3A_321 = arith.constant 128 : i32
        %mul3A_322 = arith.muli %select_n3A, %mul3A_321 : i32
        %add3A_323 = arith.constant 64 : i32
        %add3A_324 = arith.addi %mul3A_322, %add3A_323 : i32
        %add3A_325 = vector.broadcast %add3A_324 : i32 to vector<16xi32>
        %add3A_326 = arith.addi %iota3A, %add3A_325 : vector<16xi32>
        tpu.vector_store_idx %arg12[%add3A_326, %broadcast_in_dim3A_277], %get3A_320 : memref<1280x16xf32, #tpu.memory_space<vmem>>[vector<16xi32>, vector<16xi32>], vector<16xf32>,
        %get3A_327 = arith.index_cast %select_n3A : i32 to index
        %get3A_328 = arith.index_cast %sub3A_274 : i32 to index
        %get3A_329 = arith.constant 80 : index
        %get3A_330 = tpu.vector_load %arg8[%get3A_327, %get3A_328, %get3A_329] {strides = array<i32>} : memref<10x8x128xf32, #tpu.memory_space<vmem>>, vector<16xf32>,
        %mul3A_331 = arith.constant 128 : i32
        %mul3A_332 = arith.muli %select_n3A, %mul3A_331 : i32
        %add3A_333 = arith.constant 80 : i32
        %add3A_334 = arith.addi %mul3A_332, %add3A_333 : i32
        %add3A_335 = vector.broadcast %add3A_334 : i32 to vector<16xi32>
        %add3A_336 = arith.addi %iota3A, %add3A_335 : vector<16xi32>
        tpu.vector_store_idx %arg12[%add3A_336, %broadcast_in_dim3A_277], %get3A_330 : memref<1280x16xf32, #tpu.memory_space<vmem>>[vector<16xi32>, vector<16xi32>], vector<16xf32>,
        %get3A_337 = arith.index_cast %select_n3A : i32 to index
        %get3A_338 = arith.index_cast %sub3A_274 : i32 to index
        %get3A_339 = arith.constant 96 : index
        %get3A_340 = tpu.vector_load %arg8[%get3A_337, %get3A_338, %get3A_339] {strides = array<i32>} : memref<10x8x128xf32, #tpu.memory_space<vmem>>, vector<16xf32>,
        %mul3A_341 = arith.constant 128 : i32
        %mul3A_342 = arith.muli %select_n3A, %mul3A_341 : i32
        %add3A_343 = arith.constant 96 : i32
        %add3A_344 = arith.addi %mul3A_342, %add3A_343 : i32
        %add3A_345 = vector.broadcast %add3A_344 : i32 to vector<16xi32>
        %add3A_346 = arith.addi %iota3A, %add3A_345 : vector<16xi32>
        tpu.vector_store_idx %arg12[%add3A_346, %broadcast_in_dim3A_277], %get3A_340 : memref<1280x16xf32, #tpu.memory_space<vmem>>[vector<16xi32>, vector<16xi32>], vector<16xf32>,
        %get3A_347 = arith.index_cast %select_n3A : i32 to index
        %get3A_348 = arith.index_cast %sub3A_274 : i32 to index
        %get3A_349 = arith.constant 112 : index
        %get3A_350 = tpu.vector_load %arg8[%get3A_347, %get3A_348, %get3A_349] {strides = array<i32>} : memref<10x8x128xf32, #tpu.memory_space<vmem>>, vector<16xf32>,
        %mul3A_351 = arith.constant 128 : i32
        %mul3A_352 = arith.muli %select_n3A, %mul3A_351 : i32
        %add3A_353 = arith.constant 112 : i32
        %add3A_354 = arith.addi %mul3A_352, %add3A_353 : i32
        %add3A_355 = vector.broadcast %add3A_354 : i32 to vector<16xi32>
        %add3A_356 = arith.addi %iota3A, %add3A_355 : vector<16xi32>
        tpu.vector_store_idx %arg12[%add3A_356, %broadcast_in_dim3A_277], %get3A_350 : memref<1280x16xf32, #tpu.memory_space<vmem>>[vector<16xi32>, vector<16xi32>], vector<16xf32>,
      }
      %scan3A_248 = arith.constant 80 : i32
      %scan3A_249 = arith.constant 0 : i32
      %scan3A_250 = arith.constant 0 : i32
      %scan3A_251 = arith.constant 80 : i32
      %scan3A_252 = arith.addi %scan3A_250, %scan3A_251 : i32
      %scan3A_253 = arith.constant 1 : i32
      scf.for %scan3A_255 = %scan3A_250 to %scan3A_252 step %scan3A_253  : i32 {
        %jit3A = arith.constant 8 : i32
        %div3A = arith.divsi %scan3A_255, %jit3A : i32
        %sign3A = arith.constant 0 : i32
        %sign3A_256 = arith.cmpi sgt, %scan3A_255, %sign3A : i32
        %sign3A_257 = arith.extui %sign3A_256 : i1 to i32
        %sign3A_258 = arith.constant 0 : i32
        %sign3A_259 = arith.cmpi slt, %scan3A_255, %sign3A_258 : i32
        %sign3A_260 = arith.extui %sign3A_259 : i1 to i32
        %sign3A_261 = arith.subi %sign3A_257, %sign3A_260 : i32
        %sign3A_262 = arith.constant 0 : i32
        %sign3A_263 = arith.cmpi sgt, %jit3A, %sign3A_262 : i32
        %sign3A_264 = arith.extui %sign3A_263 : i1 to i32
        %sign3A_265 = arith.constant 0 : i32
        %sign3A_266 = arith.cmpi slt, %jit3A, %sign3A_265 : i32
        %sign3A_267 = arith.extui %sign3A_266 : i1 to i32
        %sign3A_268 = arith.subi %sign3A_264, %sign3A_267 : i32
        %ne3A = arith.cmpi ne, %sign3A_261, %sign3A_268 : i32
        %rem3A = arith.remsi %scan3A_255, %jit3A : i32
        %ne3A_269 = arith.constant 0 : i32
        %ne3A_270 = arith.cmpi ne, %rem3A, %ne3A_269 : i32
        %and3A = arith.andi %ne3A, %ne3A_270 : i1
        %sub3A = arith.constant 1 : i32
        %sub3A_271 = arith.subi %div3A, %sub3A : i32
        %select_n3A = arith.select %and3A, %sub3A_271, %div3A : i32
        %mul3A_272 = arith.constant 8 : i32
        %mul3A_273 = arith.muli %select_n3A, %mul3A_272 : i32
        %sub3A_274 = arith.subi %scan3A_255, %mul3A_273 : i32
        %add3A_275 = arith.constant 8 : i32
        %add3A_276 = arith.addi %add3A_275, %sub3A_274 : i32
        %broadcast_in_dim3A_277 = vector.broadcast %add3A_276 : i32 to vector<16xi32>
        %get3A = arith.index_cast %select_n3A : i32 to index
        %get3A_278 = arith.index_cast %sub3A_274 : i32 to index
        %get3A_279 = arith.constant 0 : index
        %get3A_280 = tpu.vector_load %arg10[%get3A, %get3A_278, %get3A_279] {strides = array<i32>} : memref<10x8x128xf32, #tpu.memory_space<vmem>>, vector<16xf32>,
        %mul3A_281 = arith.constant 128 : i32
        %mul3A_282 = arith.muli %select_n3A, %mul3A_281 : i32
        %add3A_283 = arith.constant 0 : i32
        %add3A_284 = arith.addi %mul3A_282, %add3A_283 : i32
        %add3A_285 = vector.broadcast %add3A_284 : i32 to vector<16xi32>
        %add3A_286 = arith.addi %iota3A, %add3A_285 : vector<16xi32>
        tpu.vector_store_idx %arg12[%add3A_286, %broadcast_in_dim3A_277], %get3A_280 : memref<1280x16xf32, #tpu.memory_space<vmem>>[vector<16xi32>, vector<16xi32>], vector<16xf32>,
        %get3A_287 = arith.index_cast %select_n3A : i32 to index
        %get3A_288 = arith.index_cast %sub3A_274 : i32 to index
        %get3A_289 = arith.constant 16 : index
        %get3A_290 = tpu.vector_load %arg10[%get3A_287, %get3A_288, %get3A_289] {strides = array<i32>} : memref<10x8x128xf32, #tpu.memory_space<vmem>>, vector<16xf32>,
        %mul3A_291 = arith.constant 128 : i32
        %mul3A_292 = arith.muli %select_n3A, %mul3A_291 : i32
        %add3A_293 = arith.constant 16 : i32
        %add3A_294 = arith.addi %mul3A_292, %add3A_293 : i32
        %add3A_295 = vector.broadcast %add3A_294 : i32 to vector<16xi32>
        %add3A_296 = arith.addi %iota3A, %add3A_295 : vector<16xi32>
        tpu.vector_store_idx %arg12[%add3A_296, %broadcast_in_dim3A_277], %get3A_290 : memref<1280x16xf32, #tpu.memory_space<vmem>>[vector<16xi32>, vector<16xi32>], vector<16xf32>,
        %get3A_297 = arith.index_cast %select_n3A : i32 to index
        %get3A_298 = arith.index_cast %sub3A_274 : i32 to index
        %get3A_299 = arith.constant 32 : index
        %get3A_300 = tpu.vector_load %arg10[%get3A_297, %get3A_298, %get3A_299] {strides = array<i32>} : memref<10x8x128xf32, #tpu.memory_space<vmem>>, vector<16xf32>,
        %mul3A_301 = arith.constant 128 : i32
        %mul3A_302 = arith.muli %select_n3A, %mul3A_301 : i32
        %add3A_303 = arith.constant 32 : i32
        %add3A_304 = arith.addi %mul3A_302, %add3A_303 : i32
        %add3A_305 = vector.broadcast %add3A_304 : i32 to vector<16xi32>
        %add3A_306 = arith.addi %iota3A, %add3A_305 : vector<16xi32>
        tpu.vector_store_idx %arg12[%add3A_306, %broadcast_in_dim3A_277], %get3A_300 : memref<1280x16xf32, #tpu.memory_space<vmem>>[vector<16xi32>, vector<16xi32>], vector<16xf32>,
        %get3A_307 = arith.index_cast %select_n3A : i32 to index
        %get3A_308 = arith.index_cast %sub3A_274 : i32 to index
        %get3A_309 = arith.constant 48 : index
        %get3A_310 = tpu.vector_load %arg10[%get3A_307, %get3A_308, %get3A_309] {strides = array<i32>} : memref<10x8x128xf32, #tpu.memory_space<vmem>>, vector<16xf32>,
        %mul3A_311 = arith.constant 128 : i32
        %mul3A_312 = arith.muli %select_n3A, %mul3A_311 : i32
        %add3A_313 = arith.constant 48 : i32
        %add3A_314 = arith.addi %mul3A_312, %add3A_313 : i32
        %add3A_315 = vector.broadcast %add3A_314 : i32 to vector<16xi32>
        %add3A_316 = arith.addi %iota3A, %add3A_315 : vector<16xi32>
        tpu.vector_store_idx %arg12[%add3A_316, %broadcast_in_dim3A_277], %get3A_310 : memref<1280x16xf32, #tpu.memory_space<vmem>>[vector<16xi32>, vector<16xi32>], vector<16xf32>,
        %get3A_317 = arith.index_cast %select_n3A : i32 to index
        %get3A_318 = arith.index_cast %sub3A_274 : i32 to index
        %get3A_319 = arith.constant 64 : index
        %get3A_320 = tpu.vector_load %arg10[%get3A_317, %get3A_318, %get3A_319] {strides = array<i32>} : memref<10x8x128xf32, #tpu.memory_space<vmem>>, vector<16xf32>,
        %mul3A_321 = arith.constant 128 : i32
        %mul3A_322 = arith.muli %select_n3A, %mul3A_321 : i32
        %add3A_323 = arith.constant 64 : i32
        %add3A_324 = arith.addi %mul3A_322, %add3A_323 : i32
        %add3A_325 = vector.broadcast %add3A_324 : i32 to vector<16xi32>
        %add3A_326 = arith.addi %iota3A, %add3A_325 : vector<16xi32>
        tpu.vector_store_idx %arg12[%add3A_326, %broadcast_in_dim3A_277], %get3A_320 : memref<1280x16xf32, #tpu.memory_space<vmem>>[vector<16xi32>, vector<16xi32>], vector<16xf32>,
        %get3A_327 = arith.index_cast %select_n3A : i32 to index
        %get3A_328 = arith.index_cast %sub3A_274 : i32 to index
        %get3A_329 = arith.constant 80 : index
        %get3A_330 = tpu.vector_load %arg10[%get3A_327, %get3A_328, %get3A_329] {strides = array<i32>} : memref<10x8x128xf32, #tpu.memory_space<vmem>>, vector<16xf32>,
        %mul3A_331 = arith.constant 128 : i32
        %mul3A_332 = arith.muli %select_n3A, %mul3A_331 : i32
        %add3A_333 = arith.constant 80 : i32
        %add3A_334 = arith.addi %mul3A_332, %add3A_333 : i32
        %add3A_335 = vector.broadcast %add3A_334 : i32 to vector<16xi32>
        %add3A_336 = arith.addi %iota3A, %add3A_335 : vector<16xi32>
        tpu.vector_store_idx %arg12[%add3A_336, %broadcast_in_dim3A_277], %get3A_330 : memref<1280x16xf32, #tpu.memory_space<vmem>>[vector<16xi32>, vector<16xi32>], vector<16xf32>,
        %get3A_337 = arith.index_cast %select_n3A : i32 to index
        %get3A_338 = arith.index_cast %sub3A_274 : i32 to index
        %get3A_339 = arith.constant 96 : index
        %get3A_340 = tpu.vector_load %arg10[%get3A_337, %get3A_338, %get3A_339] {strides = array<i32>} : memref<10x8x128xf32, #tpu.memory_space<vmem>>, vector<16xf32>,
        %mul3A_341 = arith.constant 128 : i32
        %mul3A_342 = arith.muli %select_n3A, %mul3A_341 : i32
        %add3A_343 = arith.constant 96 : i32
        %add3A_344 = arith.addi %mul3A_342, %add3A_343 : i32
        %add3A_345 = vector.broadcast %add3A_344 : i32 to vector<16xi32>
        %add3A_346 = arith.addi %iota3A, %add3A_345 : vector<16xi32>
        tpu.vector_store_idx %arg12[%add3A_346, %broadcast_in_dim3A_277], %get3A_340 : memref<1280x16xf32, #tpu.memory_space<vmem>>[vector<16xi32>, vector<16xi32>], vector<16xf32>,
        %get3A_347 = arith.index_cast %select_n3A : i32 to index
        %get3A_348 = arith.index_cast %sub3A_274 : i32 to index
        %get3A_349 = arith.constant 112 : index
        %get3A_350 = tpu.vector_load %arg10[%get3A_347, %get3A_348, %get3A_349] {strides = array<i32>} : memref<10x8x128xf32, #tpu.memory_space<vmem>>, vector<16xf32>,
        %mul3A_351 = arith.constant 128 : i32
        %mul3A_352 = arith.muli %select_n3A, %mul3A_351 : i32
        %add3A_353 = arith.constant 112 : i32
        %add3A_354 = arith.addi %mul3A_352, %add3A_353 : i32
        %add3A_355 = vector.broadcast %add3A_354 : i32 to vector<16xi32>
        %add3A_356 = arith.addi %iota3A, %add3A_355 : vector<16xi32>
        tpu.vector_store_idx %arg12[%add3A_356, %broadcast_in_dim3A_277], %get3A_350 : memref<1280x16xf32, #tpu.memory_space<vmem>>[vector<16xi32>, vector<16xi32>], vector<16xf32>,
      }
      %scan3A_254 = arith.constant 80 : i32
    } else {
    }
    %add3A_143 = arith.constant 128 : i32
    %add3A_144 = arith.addi %add3A_143, %add3A : i32
    %lt3A_145 = arith.constant 250 : i32
    %lt3A_146 = arith.cmpi slt, %add3A_144, %lt3A_145 : i32
    %convert_element_type3A_147 = arith.extui %lt3A_146 : i1 to i32
    %cond3A_148 = arith.constant 0 : i32
    %cond3A_149 = arith.cmpi ne, %convert_element_type3A_147, %cond3A_148 : i32
    scf.if %cond3A_149 {
      %dma_wait3A = arith.constant 0 : i32
      %dma_wait3A_219 = arith.constant 0 : i32
      %dma_wait3A_220 = arith.constant 0 : i32
      %dma_wait3A_221 = tpu.memref_slice %arg3[%dma_wait3A, %dma_wait3A_219, %dma_wait3A_220] : memref<5000x8x128xf32, #tpu.memory_space<hbm>> -> memref<10x8x128xf32, #tpu.memory_space<hbm>>
      %dma_wait3A_222 = arith.constant 0 : i32
      %dma_wait3A_223 = arith.constant 0 : i32
      %dma_wait3A_224 = arith.constant 0 : i32
      %dma_wait3A_225 = tpu.memref_slice %arg3[%dma_wait3A_222, %dma_wait3A_223, %dma_wait3A_224] : memref<5000x8x128xf32, #tpu.memory_space<hbm>> -> memref<10x8x128xf32, #tpu.memory_space<hbm>>
      tpu.wait_dma2 semaphore(%arg17 : memref<!tpu.dma_semaphore, #tpu.memory_space<semaphore_mem>>) src(%dma_wait3A_225 : memref<10x8x128xf32, #tpu.memory_space<hbm>>) dst(%arg11 : memref<1280x16xf32, #tpu.memory_space<vmem>>)
    } else {
    }
    %add3A_150 = arith.constant 192 : i32
    %add3A_151 = arith.addi %add3A_150, %add3A : i32
    %lt3A_152 = arith.constant 250 : i32
    %lt3A_153 = arith.cmpi slt, %add3A_151, %lt3A_152 : i32
    %convert_element_type3A_154 = arith.extui %lt3A_153 : i1 to i32
    %cond3A_155 = arith.constant 0 : i32
    %cond3A_156 = arith.cmpi ne, %convert_element_type3A_154, %cond3A_155 : i32
    scf.if %cond3A_156 {
      %mul3A_219 = arith.constant 10 : i32
      %mul3A_220 = arith.muli %add3A_151, %mul3A_219 : i32
      %dma_start3A = arith.constant 1 : i32
      %dma_start3A_221 = arith.constant 0 : i32
      %dma_start3A_222 = tpu.memref_slice %arg2[%dma_start3A, %mul3A_220, %dma_start3A_221] : memref<2x2500x128xi32, #tpu.memory_space<hbm>> -> memref<1x10x128xi32, #tpu.memory_space<hbm>>
      %dma_start3A_223 = tpu.memref_squeeze %dma_start3A_222 : memref<1x10x128xi32, #tpu.memory_space<hbm>> -> memref<10x128xi32, #tpu.memory_space<hbm>>
      %dma_start3A_224 = arith.constant 0 : i32
      %dma_start3A_225 = tpu.memref_slice %arg2[%dma_start3A, %mul3A_220, %dma_start3A_224] : memref<2x2500x128xi32, #tpu.memory_space<hbm>> -> memref<1x10x128xi32, #tpu.memory_space<hbm>>
      %dma_start3A_226 = tpu.memref_squeeze %dma_start3A_225 : memref<1x10x128xi32, #tpu.memory_space<hbm>> -> memref<10x128xi32, #tpu.memory_space<hbm>>
      tpu.enqueue_dma source(%dma_start3A_226 : memref<10x128xi32, #tpu.memory_space<hbm>>) target(%arg5 : memref<10x128xi32, #tpu.memory_space<vmem>>) target_semaphore(%arg15 : memref<!tpu.dma_semaphore, #tpu.memory_space<semaphore_mem>>)
      %dma_start3A_227 = arith.constant 0 : i32
      %dma_start3A_228 = arith.constant 0 : i32
      %dma_start3A_229 = tpu.memref_slice %arg3[%mul3A_220, %dma_start3A_227, %dma_start3A_228] : memref<5000x8x128xf32, #tpu.memory_space<hbm>> -> memref<10x8x128xf32, #tpu.memory_space<hbm>>
      %dma_start3A_230 = arith.constant 0 : i32
      %dma_start3A_231 = arith.constant 0 : i32
      %dma_start3A_232 = tpu.memref_slice %arg3[%mul3A_220, %dma_start3A_230, %dma_start3A_231] : memref<5000x8x128xf32, #tpu.memory_space<hbm>> -> memref<10x8x128xf32, #tpu.memory_space<hbm>>
      tpu.enqueue_dma source(%dma_start3A_232 : memref<10x8x128xf32, #tpu.memory_space<hbm>>) target(%arg7 : memref<10x8x128xf32, #tpu.memory_space<vmem>>) target_semaphore(%arg15 : memref<!tpu.dma_semaphore, #tpu.memory_space<semaphore_mem>>)
      %add3A_233 = arith.constant 2500 : i32
      %add3A_234 = arith.addi %add3A_233, %mul3A_220 : i32
      %dma_start3A_235 = arith.constant 0 : i32
      %dma_start3A_236 = arith.constant 0 : i32
      %dma_start3A_237 = tpu.memref_slice %arg3[%add3A_234, %dma_start3A_235, %dma_start3A_236] : memref<5000x8x128xf32, #tpu.memory_space<hbm>> -> memref<10x8x128xf32, #tpu.memory_space<hbm>>
      %dma_start3A_238 = arith.constant 0 : i32
      %dma_start3A_239 = arith.constant 0 : i32
      %dma_start3A_240 = tpu.memref_slice %arg3[%add3A_234, %dma_start3A_238, %dma_start3A_239] : memref<5000x8x128xf32, #tpu.memory_space<hbm>> -> memref<10x8x128xf32, #tpu.memory_space<hbm>>
      tpu.enqueue_dma source(%dma_start3A_240 : memref<10x8x128xf32, #tpu.memory_space<hbm>>) target(%arg9 : memref<10x8x128xf32, #tpu.memory_space<vmem>>) target_semaphore(%arg15 : memref<!tpu.dma_semaphore, #tpu.memory_space<semaphore_mem>>)
    } else {
    }
    %lt3A_157 = arith.constant 250 : i32
    %lt3A_158 = arith.cmpi slt, %add3A_137, %lt3A_157 : i32
    %convert_element_type3A_159 = arith.extui %lt3A_158 : i1 to i32
    %cond3A_160 = arith.constant 0 : i32
    %cond3A_161 = arith.cmpi ne, %convert_element_type3A_159, %cond3A_160 : i32
    scf.if %cond3A_161 {
      %scan3A_219 = arith.constant 0 : i32
      %scan3A_220 = arith.constant 0 : i32
      %scan3A_221 = arith.constant 10 : i32
      %scan3A_222 = arith.addi %scan3A_220, %scan3A_221 : i32
      %scan3A_223 = arith.constant 1 : i32
      scf.for %scan3A_225 = %scan3A_220 to %scan3A_222 step %scan3A_223  : i32 {
        %mul3A_226 = arith.constant 128 : i32
        %mul3A_227 = arith.muli %scan3A_225, %mul3A_226 : i32
        %dma_start3A = arith.constant 0 : i32
        %dma_start3A_228 = tpu.memref_slice %arg12[%mul3A_227, %dma_start3A] : memref<1280x16xf32, #tpu.memory_space<vmem>> -> memref<128x16xf32, #tpu.memory_space<vmem>>
        %dma_start3A_229 = arith.constant 0 : i32
        %dma_start3A_230 = tpu.memref_slice %arg6[%scan3A_225, %dma_start3A_229] : memref<10x128xi32, #tpu.memory_space<vmem>> -> memref<1x128xi32, #tpu.memory_space<vmem>>
        %dma_start3A_231 = tpu.memref_squeeze %dma_start3A_230 : memref<1x128xi32, #tpu.memory_space<vmem>> -> memref<128xi32, #tpu.memory_space<vmem>>
        %dma_start3A_232 = arith.constant 0 : i32
        %dma_start3A_233 = arith.constant 0 : i32
        %dma_start3A_234 = tpu.memref_slice %arg14[%dma_start3A_232, %dma_start3A_233] : memref<10240x16xf32, #tpu.memory_space<vmem_shared>> -> memref<10240x16xf32, #tpu.memory_space<vmem_shared>>
        tpu.enqueue_indirect_dma source(%dma_start3A_228 : memref<128x16xf32, #tpu.memory_space<vmem>>) target(%dma_start3A_234 : memref<10240x16xf32, #tpu.memory_space<vmem_shared>>) offsets(%dma_start3A_231 : memref<128xi32, #tpu.memory_space<vmem>>) semaphore(%arg17 : memref<!tpu.dma_semaphore, #tpu.memory_space<semaphore_mem>>) {add = true}
      }
      %scan3A_224 = arith.constant 10 : i32
    } else {
    }
    %add3A_162 = arith.constant 192 : i32
    %add3A_163 = arith.addi %add3A_162, %add3A : i32
    %lt3A_164 = arith.constant 250 : i32
    %lt3A_165 = arith.cmpi slt, %add3A_163, %lt3A_164 : i32
    %convert_element_type3A_166 = arith.extui %lt3A_165 : i1 to i32
    %cond3A_167 = arith.constant 0 : i32
    %cond3A_168 = arith.cmpi ne, %convert_element_type3A_166, %cond3A_167 : i32
    scf.if %cond3A_168 {
      %dma_wait3A = arith.constant 1 : i32
      %dma_wait3A_219 = arith.constant 0 : i32
      %dma_wait3A_220 = arith.constant 0 : i32
      %dma_wait3A_221 = tpu.memref_slice %arg2[%dma_wait3A, %dma_wait3A_219, %dma_wait3A_220] : memref<2x2500x128xi32, #tpu.memory_space<hbm>> -> memref<1x10x128xi32, #tpu.memory_space<hbm>>
      %dma_wait3A_222 = tpu.memref_squeeze %dma_wait3A_221 : memref<1x10x128xi32, #tpu.memory_space<hbm>> -> memref<10x128xi32, #tpu.memory_space<hbm>>
      %dma_wait3A_223 = arith.constant 0 : i32
      %dma_wait3A_224 = arith.constant 0 : i32
      %dma_wait3A_225 = tpu.memref_slice %arg2[%dma_wait3A, %dma_wait3A_223, %dma_wait3A_224] : memref<2x2500x128xi32, #tpu.memory_space<hbm>> -> memref<1x10x128xi32, #tpu.memory_space<hbm>>
      %dma_wait3A_226 = tpu.memref_squeeze %dma_wait3A_225 : memref<1x10x128xi32, #tpu.memory_space<hbm>> -> memref<10x128xi32, #tpu.memory_space<hbm>>
      tpu.wait_dma2 semaphore(%arg15 : memref<!tpu.dma_semaphore, #tpu.memory_space<semaphore_mem>>) src(%dma_wait3A_226 : memref<10x128xi32, #tpu.memory_space<hbm>>) dst(%arg5 : memref<10x128xi32, #tpu.memory_space<vmem>>)
      %dma_wait3A_227 = arith.constant 0 : i32
      %dma_wait3A_228 = arith.constant 0 : i32
      %dma_wait3A_229 = arith.constant 0 : i32
      %dma_wait3A_230 = tpu.memref_slice %arg3[%dma_wait3A_227, %dma_wait3A_228, %dma_wait3A_229] : memref<5000x8x128xf32, #tpu.memory_space<hbm>> -> memref<10x8x128xf32, #tpu.memory_space<hbm>>
      %dma_wait3A_231 = arith.constant 0 : i32
      %dma_wait3A_232 = arith.constant 0 : i32
      %dma_wait3A_233 = arith.constant 0 : i32
      %dma_wait3A_234 = tpu.memref_slice %arg3[%dma_wait3A_231, %dma_wait3A_232, %dma_wait3A_233] : memref<5000x8x128xf32, #tpu.memory_space<hbm>> -> memref<10x8x128xf32, #tpu.memory_space<hbm>>
      tpu.wait_dma2 semaphore(%arg15 : memref<!tpu.dma_semaphore, #tpu.memory_space<semaphore_mem>>) src(%dma_wait3A_234 : memref<10x8x128xf32, #tpu.memory_space<hbm>>) dst(%arg7 : memref<10x8x128xf32, #tpu.memory_space<vmem>>)
      %dma_wait3A_235 = arith.constant 0 : i32
      %dma_wait3A_236 = arith.constant 0 : i32
      %dma_wait3A_237 = arith.constant 0 : i32
      %dma_wait3A_238 = tpu.memref_slice %arg3[%dma_wait3A_235, %dma_wait3A_236, %dma_wait3A_237] : memref<5000x8x128xf32, #tpu.memory_space<hbm>> -> memref<10x8x128xf32, #tpu.memory_space<hbm>>
      %dma_wait3A_239 = arith.constant 0 : i32
      %dma_wait3A_240 = arith.constant 0 : i32
      %dma_wait3A_241 = arith.constant 0 : i32
      %dma_wait3A_242 = tpu.memref_slice %arg3[%dma_wait3A_239, %dma_wait3A_240, %dma_wait3A_241] : memref<5000x8x128xf32, #tpu.memory_space<hbm>> -> memref<10x8x128xf32, #tpu.memory_space<hbm>>
      tpu.wait_dma2 semaphore(%arg15 : memref<!tpu.dma_semaphore, #tpu.memory_space<semaphore_mem>>) src(%dma_wait3A_242 : memref<10x8x128xf32, #tpu.memory_space<hbm>>) dst(%arg9 : memref<10x8x128xf32, #tpu.memory_space<vmem>>)
      %scan3A_243 = arith.constant 0 : i32
      %scan3A_244 = arith.constant 0 : i32
      %scan3A_245 = arith.constant 80 : i32
      %scan3A_246 = arith.addi %scan3A_244, %scan3A_245 : i32
      %scan3A_247 = arith.constant 1 : i32
      scf.for %scan3A_255 = %scan3A_244 to %scan3A_246 step %scan3A_247  : i32 {
        %jit3A = arith.constant 8 : i32
        %div3A = arith.divsi %scan3A_255, %jit3A : i32
        %sign3A = arith.constant 0 : i32
        %sign3A_256 = arith.cmpi sgt, %scan3A_255, %sign3A : i32
        %sign3A_257 = arith.extui %sign3A_256 : i1 to i32
        %sign3A_258 = arith.constant 0 : i32
        %sign3A_259 = arith.cmpi slt, %scan3A_255, %sign3A_258 : i32
        %sign3A_260 = arith.extui %sign3A_259 : i1 to i32
        %sign3A_261 = arith.subi %sign3A_257, %sign3A_260 : i32
        %sign3A_262 = arith.constant 0 : i32
        %sign3A_263 = arith.cmpi sgt, %jit3A, %sign3A_262 : i32
        %sign3A_264 = arith.extui %sign3A_263 : i1 to i32
        %sign3A_265 = arith.constant 0 : i32
        %sign3A_266 = arith.cmpi slt, %jit3A, %sign3A_265 : i32
        %sign3A_267 = arith.extui %sign3A_266 : i1 to i32
        %sign3A_268 = arith.subi %sign3A_264, %sign3A_267 : i32
        %ne3A = arith.cmpi ne, %sign3A_261, %sign3A_268 : i32
        %rem3A = arith.remsi %scan3A_255, %jit3A : i32
        %ne3A_269 = arith.constant 0 : i32
        %ne3A_270 = arith.cmpi ne, %rem3A, %ne3A_269 : i32
        %and3A = arith.andi %ne3A, %ne3A_270 : i1
        %sub3A = arith.constant 1 : i32
        %sub3A_271 = arith.subi %div3A, %sub3A : i32
        %select_n3A = arith.select %and3A, %sub3A_271, %div3A : i32
        %mul3A_272 = arith.constant 8 : i32
        %mul3A_273 = arith.muli %select_n3A, %mul3A_272 : i32
        %sub3A_274 = arith.subi %scan3A_255, %mul3A_273 : i32
        %add3A_275 = arith.constant 0 : i32
        %add3A_276 = arith.addi %add3A_275, %sub3A_274 : i32
        %broadcast_in_dim3A_277 = vector.broadcast %add3A_276 : i32 to vector<16xi32>
        %get3A = arith.index_cast %select_n3A : i32 to index
        %get3A_278 = arith.index_cast %sub3A_274 : i32 to index
        %get3A_279 = arith.constant 0 : index
        %get3A_280 = tpu.vector_load %arg7[%get3A, %get3A_278, %get3A_279] {strides = array<i32>} : memref<10x8x128xf32, #tpu.memory_space<vmem>>, vector<16xf32>,
        %mul3A_281 = arith.constant 128 : i32
        %mul3A_282 = arith.muli %select_n3A, %mul3A_281 : i32
        %add3A_283 = arith.constant 0 : i32
        %add3A_284 = arith.addi %mul3A_282, %add3A_283 : i32
        %add3A_285 = vector.broadcast %add3A_284 : i32 to vector<16xi32>
        %add3A_286 = arith.addi %iota3A, %add3A_285 : vector<16xi32>
        tpu.vector_store_idx %arg11[%add3A_286, %broadcast_in_dim3A_277], %get3A_280 : memref<1280x16xf32, #tpu.memory_space<vmem>>[vector<16xi32>, vector<16xi32>], vector<16xf32>,
        %get3A_287 = arith.index_cast %select_n3A : i32 to index
        %get3A_288 = arith.index_cast %sub3A_274 : i32 to index
        %get3A_289 = arith.constant 16 : index
        %get3A_290 = tpu.vector_load %arg7[%get3A_287, %get3A_288, %get3A_289] {strides = array<i32>} : memref<10x8x128xf32, #tpu.memory_space<vmem>>, vector<16xf32>,
        %mul3A_291 = arith.constant 128 : i32
        %mul3A_292 = arith.muli %select_n3A, %mul3A_291 : i32
        %add3A_293 = arith.constant 16 : i32
        %add3A_294 = arith.addi %mul3A_292, %add3A_293 : i32
        %add3A_295 = vector.broadcast %add3A_294 : i32 to vector<16xi32>
        %add3A_296 = arith.addi %iota3A, %add3A_295 : vector<16xi32>
        tpu.vector_store_idx %arg11[%add3A_296, %broadcast_in_dim3A_277], %get3A_290 : memref<1280x16xf32, #tpu.memory_space<vmem>>[vector<16xi32>, vector<16xi32>], vector<16xf32>,
        %get3A_297 = arith.index_cast %select_n3A : i32 to index
        %get3A_298 = arith.index_cast %sub3A_274 : i32 to index
        %get3A_299 = arith.constant 32 : index
        %get3A_300 = tpu.vector_load %arg7[%get3A_297, %get3A_298, %get3A_299] {strides = array<i32>} : memref<10x8x128xf32, #tpu.memory_space<vmem>>, vector<16xf32>,
        %mul3A_301 = arith.constant 128 : i32
        %mul3A_302 = arith.muli %select_n3A, %mul3A_301 : i32
        %add3A_303 = arith.constant 32 : i32
        %add3A_304 = arith.addi %mul3A_302, %add3A_303 : i32
        %add3A_305 = vector.broadcast %add3A_304 : i32 to vector<16xi32>
        %add3A_306 = arith.addi %iota3A, %add3A_305 : vector<16xi32>
        tpu.vector_store_idx %arg11[%add3A_306, %broadcast_in_dim3A_277], %get3A_300 : memref<1280x16xf32, #tpu.memory_space<vmem>>[vector<16xi32>, vector<16xi32>], vector<16xf32>,
        %get3A_307 = arith.index_cast %select_n3A : i32 to index
        %get3A_308 = arith.index_cast %sub3A_274 : i32 to index
        %get3A_309 = arith.constant 48 : index
        %get3A_310 = tpu.vector_load %arg7[%get3A_307, %get3A_308, %get3A_309] {strides = array<i32>} : memref<10x8x128xf32, #tpu.memory_space<vmem>>, vector<16xf32>,
        %mul3A_311 = arith.constant 128 : i32
        %mul3A_312 = arith.muli %select_n3A, %mul3A_311 : i32
        %add3A_313 = arith.constant 48 : i32
        %add3A_314 = arith.addi %mul3A_312, %add3A_313 : i32
        %add3A_315 = vector.broadcast %add3A_314 : i32 to vector<16xi32>
        %add3A_316 = arith.addi %iota3A, %add3A_315 : vector<16xi32>
        tpu.vector_store_idx %arg11[%add3A_316, %broadcast_in_dim3A_277], %get3A_310 : memref<1280x16xf32, #tpu.memory_space<vmem>>[vector<16xi32>, vector<16xi32>], vector<16xf32>,
        %get3A_317 = arith.index_cast %select_n3A : i32 to index
        %get3A_318 = arith.index_cast %sub3A_274 : i32 to index
        %get3A_319 = arith.constant 64 : index
        %get3A_320 = tpu.vector_load %arg7[%get3A_317, %get3A_318, %get3A_319] {strides = array<i32>} : memref<10x8x128xf32, #tpu.memory_space<vmem>>, vector<16xf32>,
        %mul3A_321 = arith.constant 128 : i32
        %mul3A_322 = arith.muli %select_n3A, %mul3A_321 : i32
        %add3A_323 = arith.constant 64 : i32
        %add3A_324 = arith.addi %mul3A_322, %add3A_323 : i32
        %add3A_325 = vector.broadcast %add3A_324 : i32 to vector<16xi32>
        %add3A_326 = arith.addi %iota3A, %add3A_325 : vector<16xi32>
        tpu.vector_store_idx %arg11[%add3A_326, %broadcast_in_dim3A_277], %get3A_320 : memref<1280x16xf32, #tpu.memory_space<vmem>>[vector<16xi32>, vector<16xi32>], vector<16xf32>,
        %get3A_327 = arith.index_cast %select_n3A : i32 to index
        %get3A_328 = arith.index_cast %sub3A_274 : i32 to index
        %get3A_329 = arith.constant 80 : index
        %get3A_330 = tpu.vector_load %arg7[%get3A_327, %get3A_328, %get3A_329] {strides = array<i32>} : memref<10x8x128xf32, #tpu.memory_space<vmem>>, vector<16xf32>,
        %mul3A_331 = arith.constant 128 : i32
        %mul3A_332 = arith.muli %select_n3A, %mul3A_331 : i32
        %add3A_333 = arith.constant 80 : i32
        %add3A_334 = arith.addi %mul3A_332, %add3A_333 : i32
        %add3A_335 = vector.broadcast %add3A_334 : i32 to vector<16xi32>
        %add3A_336 = arith.addi %iota3A, %add3A_335 : vector<16xi32>
        tpu.vector_store_idx %arg11[%add3A_336, %broadcast_in_dim3A_277], %get3A_330 : memref<1280x16xf32, #tpu.memory_space<vmem>>[vector<16xi32>, vector<16xi32>], vector<16xf32>,
        %get3A_337 = arith.index_cast %select_n3A : i32 to index
        %get3A_338 = arith.index_cast %sub3A_274 : i32 to index
        %get3A_339 = arith.constant 96 : index
        %get3A_340 = tpu.vector_load %arg7[%get3A_337, %get3A_338, %get3A_339] {strides = array<i32>} : memref<10x8x128xf32, #tpu.memory_space<vmem>>, vector<16xf32>,
        %mul3A_341 = arith.constant 128 : i32
        %mul3A_342 = arith.muli %select_n3A, %mul3A_341 : i32
        %add3A_343 = arith.constant 96 : i32
        %add3A_344 = arith.addi %mul3A_342, %add3A_343 : i32
        %add3A_345 = vector.broadcast %add3A_344 : i32 to vector<16xi32>
        %add3A_346 = arith.addi %iota3A, %add3A_345 : vector<16xi32>
        tpu.vector_store_idx %arg11[%add3A_346, %broadcast_in_dim3A_277], %get3A_340 : memref<1280x16xf32, #tpu.memory_space<vmem>>[vector<16xi32>, vector<16xi32>], vector<16xf32>,
        %get3A_347 = arith.index_cast %select_n3A : i32 to index
        %get3A_348 = arith.index_cast %sub3A_274 : i32 to index
        %get3A_349 = arith.constant 112 : index
        %get3A_350 = tpu.vector_load %arg7[%get3A_347, %get3A_348, %get3A_349] {strides = array<i32>} : memref<10x8x128xf32, #tpu.memory_space<vmem>>, vector<16xf32>,
        %mul3A_351 = arith.constant 128 : i32
        %mul3A_352 = arith.muli %select_n3A, %mul3A_351 : i32
        %add3A_353 = arith.constant 112 : i32
        %add3A_354 = arith.addi %mul3A_352, %add3A_353 : i32
        %add3A_355 = vector.broadcast %add3A_354 : i32 to vector<16xi32>
        %add3A_356 = arith.addi %iota3A, %add3A_355 : vector<16xi32>
        tpu.vector_store_idx %arg11[%add3A_356, %broadcast_in_dim3A_277], %get3A_350 : memref<1280x16xf32, #tpu.memory_space<vmem>>[vector<16xi32>, vector<16xi32>], vector<16xf32>,
      }
      %scan3A_248 = arith.constant 80 : i32
      %scan3A_249 = arith.constant 0 : i32
      %scan3A_250 = arith.constant 0 : i32
      %scan3A_251 = arith.constant 80 : i32
      %scan3A_252 = arith.addi %scan3A_250, %scan3A_251 : i32
      %scan3A_253 = arith.constant 1 : i32
      scf.for %scan3A_255 = %scan3A_250 to %scan3A_252 step %scan3A_253  : i32 {
        %jit3A = arith.constant 8 : i32
        %div3A = arith.divsi %scan3A_255, %jit3A : i32
        %sign3A = arith.constant 0 : i32
        %sign3A_256 = arith.cmpi sgt, %scan3A_255, %sign3A : i32
        %sign3A_257 = arith.extui %sign3A_256 : i1 to i32
        %sign3A_258 = arith.constant 0 : i32
        %sign3A_259 = arith.cmpi slt, %scan3A_255, %sign3A_258 : i32
        %sign3A_260 = arith.extui %sign3A_259 : i1 to i32
        %sign3A_261 = arith.subi %sign3A_257, %sign3A_260 : i32
        %sign3A_262 = arith.constant 0 : i32
        %sign3A_263 = arith.cmpi sgt, %jit3A, %sign3A_262 : i32
        %sign3A_264 = arith.extui %sign3A_263 : i1 to i32
        %sign3A_265 = arith.constant 0 : i32
        %sign3A_266 = arith.cmpi slt, %jit3A, %sign3A_265 : i32
        %sign3A_267 = arith.extui %sign3A_266 : i1 to i32
        %sign3A_268 = arith.subi %sign3A_264, %sign3A_267 : i32
        %ne3A = arith.cmpi ne, %sign3A_261, %sign3A_268 : i32
        %rem3A = arith.remsi %scan3A_255, %jit3A : i32
        %ne3A_269 = arith.constant 0 : i32
        %ne3A_270 = arith.cmpi ne, %rem3A, %ne3A_269 : i32
        %and3A = arith.andi %ne3A, %ne3A_270 : i1
        %sub3A = arith.constant 1 : i32
        %sub3A_271 = arith.subi %div3A, %sub3A : i32
        %select_n3A = arith.select %and3A, %sub3A_271, %div3A : i32
        %mul3A_272 = arith.constant 8 : i32
        %mul3A_273 = arith.muli %select_n3A, %mul3A_272 : i32
        %sub3A_274 = arith.subi %scan3A_255, %mul3A_273 : i32
        %add3A_275 = arith.constant 8 : i32
        %add3A_276 = arith.addi %add3A_275, %sub3A_274 : i32
        %broadcast_in_dim3A_277 = vector.broadcast %add3A_276 : i32 to vector<16xi32>
        %get3A = arith.index_cast %select_n3A : i32 to index
        %get3A_278 = arith.index_cast %sub3A_274 : i32 to index
        %get3A_279 = arith.constant 0 : index
        %get3A_280 = tpu.vector_load %arg9[%get3A, %get3A_278, %get3A_279] {strides = array<i32>} : memref<10x8x128xf32, #tpu.memory_space<vmem>>, vector<16xf32>,
        %mul3A_281 = arith.constant 128 : i32
        %mul3A_282 = arith.muli %select_n3A, %mul3A_281 : i32
        %add3A_283 = arith.constant 0 : i32
        %add3A_284 = arith.addi %mul3A_282, %add3A_283 : i32
        %add3A_285 = vector.broadcast %add3A_284 : i32 to vector<16xi32>
        %add3A_286 = arith.addi %iota3A, %add3A_285 : vector<16xi32>
        tpu.vector_store_idx %arg11[%add3A_286, %broadcast_in_dim3A_277], %get3A_280 : memref<1280x16xf32, #tpu.memory_space<vmem>>[vector<16xi32>, vector<16xi32>], vector<16xf32>,
        %get3A_287 = arith.index_cast %select_n3A : i32 to index
        %get3A_288 = arith.index_cast %sub3A_274 : i32 to index
        %get3A_289 = arith.constant 16 : index
        %get3A_290 = tpu.vector_load %arg9[%get3A_287, %get3A_288, %get3A_289] {strides = array<i32>} : memref<10x8x128xf32, #tpu.memory_space<vmem>>, vector<16xf32>,
        %mul3A_291 = arith.constant 128 : i32
        %mul3A_292 = arith.muli %select_n3A, %mul3A_291 : i32
        %add3A_293 = arith.constant 16 : i32
        %add3A_294 = arith.addi %mul3A_292, %add3A_293 : i32
        %add3A_295 = vector.broadcast %add3A_294 : i32 to vector<16xi32>
        %add3A_296 = arith.addi %iota3A, %add3A_295 : vector<16xi32>
        tpu.vector_store_idx %arg11[%add3A_296, %broadcast_in_dim3A_277], %get3A_290 : memref<1280x16xf32, #tpu.memory_space<vmem>>[vector<16xi32>, vector<16xi32>], vector<16xf32>,
        %get3A_297 = arith.index_cast %select_n3A : i32 to index
        %get3A_298 = arith.index_cast %sub3A_274 : i32 to index
        %get3A_299 = arith.constant 32 : index
        %get3A_300 = tpu.vector_load %arg9[%get3A_297, %get3A_298, %get3A_299] {strides = array<i32>} : memref<10x8x128xf32, #tpu.memory_space<vmem>>, vector<16xf32>,
        %mul3A_301 = arith.constant 128 : i32
        %mul3A_302 = arith.muli %select_n3A, %mul3A_301 : i32
        %add3A_303 = arith.constant 32 : i32
        %add3A_304 = arith.addi %mul3A_302, %add3A_303 : i32
        %add3A_305 = vector.broadcast %add3A_304 : i32 to vector<16xi32>
        %add3A_306 = arith.addi %iota3A, %add3A_305 : vector<16xi32>
        tpu.vector_store_idx %arg11[%add3A_306, %broadcast_in_dim3A_277], %get3A_300 : memref<1280x16xf32, #tpu.memory_space<vmem>>[vector<16xi32>, vector<16xi32>], vector<16xf32>,
        %get3A_307 = arith.index_cast %select_n3A : i32 to index
        %get3A_308 = arith.index_cast %sub3A_274 : i32 to index
        %get3A_309 = arith.constant 48 : index
        %get3A_310 = tpu.vector_load %arg9[%get3A_307, %get3A_308, %get3A_309] {strides = array<i32>} : memref<10x8x128xf32, #tpu.memory_space<vmem>>, vector<16xf32>,
        %mul3A_311 = arith.constant 128 : i32
        %mul3A_312 = arith.muli %select_n3A, %mul3A_311 : i32
        %add3A_313 = arith.constant 48 : i32
        %add3A_314 = arith.addi %mul3A_312, %add3A_313 : i32
        %add3A_315 = vector.broadcast %add3A_314 : i32 to vector<16xi32>
        %add3A_316 = arith.addi %iota3A, %add3A_315 : vector<16xi32>
        tpu.vector_store_idx %arg11[%add3A_316, %broadcast_in_dim3A_277], %get3A_310 : memref<1280x16xf32, #tpu.memory_space<vmem>>[vector<16xi32>, vector<16xi32>], vector<16xf32>,
        %get3A_317 = arith.index_cast %select_n3A : i32 to index
        %get3A_318 = arith.index_cast %sub3A_274 : i32 to index
        %get3A_319 = arith.constant 64 : index
        %get3A_320 = tpu.vector_load %arg9[%get3A_317, %get3A_318, %get3A_319] {strides = array<i32>} : memref<10x8x128xf32, #tpu.memory_space<vmem>>, vector<16xf32>,
        %mul3A_321 = arith.constant 128 : i32
        %mul3A_322 = arith.muli %select_n3A, %mul3A_321 : i32
        %add3A_323 = arith.constant 64 : i32
        %add3A_324 = arith.addi %mul3A_322, %add3A_323 : i32
        %add3A_325 = vector.broadcast %add3A_324 : i32 to vector<16xi32>
        %add3A_326 = arith.addi %iota3A, %add3A_325 : vector<16xi32>
        tpu.vector_store_idx %arg11[%add3A_326, %broadcast_in_dim3A_277], %get3A_320 : memref<1280x16xf32, #tpu.memory_space<vmem>>[vector<16xi32>, vector<16xi32>], vector<16xf32>,
        %get3A_327 = arith.index_cast %select_n3A : i32 to index
        %get3A_328 = arith.index_cast %sub3A_274 : i32 to index
        %get3A_329 = arith.constant 80 : index
        %get3A_330 = tpu.vector_load %arg9[%get3A_327, %get3A_328, %get3A_329] {strides = array<i32>} : memref<10x8x128xf32, #tpu.memory_space<vmem>>, vector<16xf32>,
        %mul3A_331 = arith.constant 128 : i32
        %mul3A_332 = arith.muli %select_n3A, %mul3A_331 : i32
        %add3A_333 = arith.constant 80 : i32
        %add3A_334 = arith.addi %mul3A_332, %add3A_333 : i32
        %add3A_335 = vector.broadcast %add3A_334 : i32 to vector<16xi32>
        %add3A_336 = arith.addi %iota3A, %add3A_335 : vector<16xi32>
        tpu.vector_store_idx %arg11[%add3A_336, %broadcast_in_dim3A_277], %get3A_330 : memref<1280x16xf32, #tpu.memory_space<vmem>>[vector<16xi32>, vector<16xi32>], vector<16xf32>,
        %get3A_337 = arith.index_cast %select_n3A : i32 to index
        %get3A_338 = arith.index_cast %sub3A_274 : i32 to index
        %get3A_339 = arith.constant 96 : index
        %get3A_340 = tpu.vector_load %arg9[%get3A_337, %get3A_338, %get3A_339] {strides = array<i32>} : memref<10x8x128xf32, #tpu.memory_space<vmem>>, vector<16xf32>,
        %mul3A_341 = arith.constant 128 : i32
        %mul3A_342 = arith.muli %select_n3A, %mul3A_341 : i32
        %add3A_343 = arith.constant 96 : i32
        %add3A_344 = arith.addi %mul3A_342, %add3A_343 : i32
        %add3A_345 = vector.broadcast %add3A_344 : i32 to vector<16xi32>
        %add3A_346 = arith.addi %iota3A, %add3A_345 : vector<16xi32>
        tpu.vector_store_idx %arg11[%add3A_346, %broadcast_in_dim3A_277], %get3A_340 : memref<1280x16xf32, #tpu.memory_space<vmem>>[vector<16xi32>, vector<16xi32>], vector<16xf32>,
        %get3A_347 = arith.index_cast %select_n3A : i32 to index
        %get3A_348 = arith.index_cast %sub3A_274 : i32 to index
        %get3A_349 = arith.constant 112 : index
        %get3A_350 = tpu.vector_load %arg9[%get3A_347, %get3A_348, %get3A_349] {strides = array<i32>} : memref<10x8x128xf32, #tpu.memory_space<vmem>>, vector<16xf32>,
        %mul3A_351 = arith.constant 128 : i32
        %mul3A_352 = arith.muli %select_n3A, %mul3A_351 : i32
        %add3A_353 = arith.constant 112 : i32
        %add3A_354 = arith.addi %mul3A_352, %add3A_353 : i32
        %add3A_355 = vector.broadcast %add3A_354 : i32 to vector<16xi32>
        %add3A_356 = arith.addi %iota3A, %add3A_355 : vector<16xi32>
        tpu.vector_store_idx %arg11[%add3A_356, %broadcast_in_dim3A_277], %get3A_350 : memref<1280x16xf32, #tpu.memory_space<vmem>>[vector<16xi32>, vector<16xi32>], vector<16xf32>,
      }
      %scan3A_254 = arith.constant 80 : i32
    } else {
    }
    %add3A_169 = arith.constant 160 : i32
    %add3A_170 = arith.addi %add3A_169, %add3A : i32
    %lt3A_171 = arith.constant 250 : i32
    %lt3A_172 = arith.cmpi slt, %add3A_170, %lt3A_171 : i32
    %convert_element_type3A_173 = arith.extui %lt3A_172 : i1 to i32
    %cond3A_174 = arith.constant 0 : i32
    %cond3A_175 = arith.cmpi ne, %convert_element_type3A_173, %cond3A_174 : i32
    scf.if %cond3A_175 {
      %dma_wait3A = arith.constant 0 : i32
      %dma_wait3A_219 = arith.constant 0 : i32
      %dma_wait3A_220 = arith.constant 0 : i32
      %dma_wait3A_221 = tpu.memref_slice %arg3[%dma_wait3A, %dma_wait3A_219, %dma_wait3A_220] : memref<5000x8x128xf32, #tpu.memory_space<hbm>> -> memref<10x8x128xf32, #tpu.memory_space<hbm>>
      %dma_wait3A_222 = arith.constant 0 : i32
      %dma_wait3A_223 = arith.constant 0 : i32
      %dma_wait3A_224 = arith.constant 0 : i32
      %dma_wait3A_225 = tpu.memref_slice %arg3[%dma_wait3A_222, %dma_wait3A_223, %dma_wait3A_224] : memref<5000x8x128xf32, #tpu.memory_space<hbm>> -> memref<10x8x128xf32, #tpu.memory_space<hbm>>
      tpu.wait_dma2 semaphore(%arg17 : memref<!tpu.dma_semaphore, #tpu.memory_space<semaphore_mem>>) src(%dma_wait3A_225 : memref<10x8x128xf32, #tpu.memory_space<hbm>>) dst(%arg12 : memref<1280x16xf32, #tpu.memory_space<vmem>>)
    } else {
    }
    %add3A_176 = arith.constant 224 : i32
    %add3A_177 = arith.addi %add3A_176, %add3A : i32
    %lt3A_178 = arith.constant 250 : i32
    %lt3A_179 = arith.cmpi slt, %add3A_177, %lt3A_178 : i32
    %convert_element_type3A_180 = arith.extui %lt3A_179 : i1 to i32
    %cond3A_181 = arith.constant 0 : i32
    %cond3A_182 = arith.cmpi ne, %convert_element_type3A_180, %cond3A_181 : i32
    scf.if %cond3A_182 {
      %mul3A_219 = arith.constant 10 : i32
      %mul3A_220 = arith.muli %add3A_177, %mul3A_219 : i32
      %dma_start3A = arith.constant 1 : i32
      %dma_start3A_221 = arith.constant 0 : i32
      %dma_start3A_222 = tpu.memref_slice %arg2[%dma_start3A, %mul3A_220, %dma_start3A_221] : memref<2x2500x128xi32, #tpu.memory_space<hbm>> -> memref<1x10x128xi32, #tpu.memory_space<hbm>>
      %dma_start3A_223 = tpu.memref_squeeze %dma_start3A_222 : memref<1x10x128xi32, #tpu.memory_space<hbm>> -> memref<10x128xi32, #tpu.memory_space<hbm>>
      %dma_start3A_224 = arith.constant 0 : i32
      %dma_start3A_225 = tpu.memref_slice %arg2[%dma_start3A, %mul3A_220, %dma_start3A_224] : memref<2x2500x128xi32, #tpu.memory_space<hbm>> -> memref<1x10x128xi32, #tpu.memory_space<hbm>>
      %dma_start3A_226 = tpu.memref_squeeze %dma_start3A_225 : memref<1x10x128xi32, #tpu.memory_space<hbm>> -> memref<10x128xi32, #tpu.memory_space<hbm>>
      tpu.enqueue_dma source(%dma_start3A_226 : memref<10x128xi32, #tpu.memory_space<hbm>>) target(%arg6 : memref<10x128xi32, #tpu.memory_space<vmem>>) target_semaphore(%arg16 : memref<!tpu.dma_semaphore, #tpu.memory_space<semaphore_mem>>)
      %dma_start3A_227 = arith.constant 0 : i32
      %dma_start3A_228 = arith.constant 0 : i32
      %dma_start3A_229 = tpu.memref_slice %arg3[%mul3A_220, %dma_start3A_227, %dma_start3A_228] : memref<5000x8x128xf32, #tpu.memory_space<hbm>> -> memref<10x8x128xf32, #tpu.memory_space<hbm>>
      %dma_start3A_230 = arith.constant 0 : i32
      %dma_start3A_231 = arith.constant 0 : i32
      %dma_start3A_232 = tpu.memref_slice %arg3[%mul3A_220, %dma_start3A_230, %dma_start3A_231] : memref<5000x8x128xf32, #tpu.memory_space<hbm>> -> memref<10x8x128xf32, #tpu.memory_space<hbm>>
      tpu.enqueue_dma source(%dma_start3A_232 : memref<10x8x128xf32, #tpu.memory_space<hbm>>) target(%arg8 : memref<10x8x128xf32, #tpu.memory_space<vmem>>) target_semaphore(%arg16 : memref<!tpu.dma_semaphore, #tpu.memory_space<semaphore_mem>>)
      %add3A_233 = arith.constant 2500 : i32
      %add3A_234 = arith.addi %add3A_233, %mul3A_220 : i32
      %dma_start3A_235 = arith.constant 0 : i32
      %dma_start3A_236 = arith.constant 0 : i32
      %dma_start3A_237 = tpu.memref_slice %arg3[%add3A_234, %dma_start3A_235, %dma_start3A_236] : memref<5000x8x128xf32, #tpu.memory_space<hbm>> -> memref<10x8x128xf32, #tpu.memory_space<hbm>>
      %dma_start3A_238 = arith.constant 0 : i32
      %dma_start3A_239 = arith.constant 0 : i32
      %dma_start3A_240 = tpu.memref_slice %arg3[%add3A_234, %dma_start3A_238, %dma_start3A_239] : memref<5000x8x128xf32, #tpu.memory_space<hbm>> -> memref<10x8x128xf32, #tpu.memory_space<hbm>>
      tpu.enqueue_dma source(%dma_start3A_240 : memref<10x8x128xf32, #tpu.memory_space<hbm>>) target(%arg10 : memref<10x8x128xf32, #tpu.memory_space<vmem>>) target_semaphore(%arg16 : memref<!tpu.dma_semaphore, #tpu.memory_space<semaphore_mem>>)
    } else {
    }
    %lt3A_183 = arith.constant 250 : i32
    %lt3A_184 = arith.cmpi slt, %add3A_163, %lt3A_183 : i32
    %convert_element_type3A_185 = arith.extui %lt3A_184 : i1 to i32
    %cond3A_186 = arith.constant 0 : i32
    %cond3A_187 = arith.cmpi ne, %convert_element_type3A_185, %cond3A_186 : i32
    scf.if %cond3A_187 {
      %scan3A_219 = arith.constant 0 : i32
      %scan3A_220 = arith.constant 0 : i32
      %scan3A_221 = arith.constant 10 : i32
      %scan3A_222 = arith.addi %scan3A_220, %scan3A_221 : i32
      %scan3A_223 = arith.constant 1 : i32
      scf.for %scan3A_225 = %scan3A_220 to %scan3A_222 step %scan3A_223  : i32 {
        %mul3A_226 = arith.constant 128 : i32
        %mul3A_227 = arith.muli %scan3A_225, %mul3A_226 : i32
        %dma_start3A = arith.constant 0 : i32
        %dma_start3A_228 = tpu.memref_slice %arg11[%mul3A_227, %dma_start3A] : memref<1280x16xf32, #tpu.memory_space<vmem>> -> memref<128x16xf32, #tpu.memory_space<vmem>>
        %dma_start3A_229 = arith.constant 0 : i32
        %dma_start3A_230 = tpu.memref_slice %arg5[%scan3A_225, %dma_start3A_229] : memref<10x128xi32, #tpu.memory_space<vmem>> -> memref<1x128xi32, #tpu.memory_space<vmem>>
        %dma_start3A_231 = tpu.memref_squeeze %dma_start3A_230 : memref<1x128xi32, #tpu.memory_space<vmem>> -> memref<128xi32, #tpu.memory_space<vmem>>
        %dma_start3A_232 = arith.constant 0 : i32
        %dma_start3A_233 = arith.constant 0 : i32
        %dma_start3A_234 = tpu.memref_slice %arg14[%dma_start3A_232, %dma_start3A_233] : memref<10240x16xf32, #tpu.memory_space<vmem_shared>> -> memref<10240x16xf32, #tpu.memory_space<vmem_shared>>
        tpu.enqueue_indirect_dma source(%dma_start3A_228 : memref<128x16xf32, #tpu.memory_space<vmem>>) target(%dma_start3A_234 : memref<10240x16xf32, #tpu.memory_space<vmem_shared>>) offsets(%dma_start3A_231 : memref<128xi32, #tpu.memory_space<vmem>>) semaphore(%arg17 : memref<!tpu.dma_semaphore, #tpu.memory_space<semaphore_mem>>) {add = true}
      }
      %scan3A_224 = arith.constant 10 : i32
    } else {
    }
    %add3A_188 = arith.constant 224 : i32
    %add3A_189 = arith.addi %add3A_188, %add3A : i32
    %lt3A_190 = arith.constant 250 : i32
    %lt3A_191 = arith.cmpi slt, %add3A_189, %lt3A_190 : i32
    %convert_element_type3A_192 = arith.extui %lt3A_191 : i1 to i32
    %cond3A_193 = arith.constant 0 : i32
    %cond3A_194 = arith.cmpi ne, %convert_element_type3A_192, %cond3A_193 : i32
    scf.if %cond3A_194 {
      %dma_wait3A = arith.constant 1 : i32
      %dma_wait3A_219 = arith.constant 0 : i32
      %dma_wait3A_220 = arith.constant 0 : i32
      %dma_wait3A_221 = tpu.memref_slice %arg2[%dma_wait3A, %dma_wait3A_219, %dma_wait3A_220] : memref<2x2500x128xi32, #tpu.memory_space<hbm>> -> memref<1x10x128xi32, #tpu.memory_space<hbm>>
      %dma_wait3A_222 = tpu.memref_squeeze %dma_wait3A_221 : memref<1x10x128xi32, #tpu.memory_space<hbm>> -> memref<10x128xi32, #tpu.memory_space<hbm>>
      %dma_wait3A_223 = arith.constant 0 : i32
      %dma_wait3A_224 = arith.constant 0 : i32
      %dma_wait3A_225 = tpu.memref_slice %arg2[%dma_wait3A, %dma_wait3A_223, %dma_wait3A_224] : memref<2x2500x128xi32, #tpu.memory_space<hbm>> -> memref<1x10x128xi32, #tpu.memory_space<hbm>>
      %dma_wait3A_226 = tpu.memref_squeeze %dma_wait3A_225 : memref<1x10x128xi32, #tpu.memory_space<hbm>> -> memref<10x128xi32, #tpu.memory_space<hbm>>
      tpu.wait_dma2 semaphore(%arg16 : memref<!tpu.dma_semaphore, #tpu.memory_space<semaphore_mem>>) src(%dma_wait3A_226 : memref<10x128xi32, #tpu.memory_space<hbm>>) dst(%arg6 : memref<10x128xi32, #tpu.memory_space<vmem>>)
      %dma_wait3A_227 = arith.constant 0 : i32
      %dma_wait3A_228 = arith.constant 0 : i32
      %dma_wait3A_229 = arith.constant 0 : i32
      %dma_wait3A_230 = tpu.memref_slice %arg3[%dma_wait3A_227, %dma_wait3A_228, %dma_wait3A_229] : memref<5000x8x128xf32, #tpu.memory_space<hbm>> -> memref<10x8x128xf32, #tpu.memory_space<hbm>>
      %dma_wait3A_231 = arith.constant 0 : i32
      %dma_wait3A_232 = arith.constant 0 : i32
      %dma_wait3A_233 = arith.constant 0 : i32
      %dma_wait3A_234 = tpu.memref_slice %arg3[%dma_wait3A_231, %dma_wait3A_232, %dma_wait3A_233] : memref<5000x8x128xf32, #tpu.memory_space<hbm>> -> memref<10x8x128xf32, #tpu.memory_space<hbm>>
      tpu.wait_dma2 semaphore(%arg16 : memref<!tpu.dma_semaphore, #tpu.memory_space<semaphore_mem>>) src(%dma_wait3A_234 : memref<10x8x128xf32, #tpu.memory_space<hbm>>) dst(%arg8 : memref<10x8x128xf32, #tpu.memory_space<vmem>>)
      %dma_wait3A_235 = arith.constant 0 : i32
      %dma_wait3A_236 = arith.constant 0 : i32
      %dma_wait3A_237 = arith.constant 0 : i32
      %dma_wait3A_238 = tpu.memref_slice %arg3[%dma_wait3A_235, %dma_wait3A_236, %dma_wait3A_237] : memref<5000x8x128xf32, #tpu.memory_space<hbm>> -> memref<10x8x128xf32, #tpu.memory_space<hbm>>
      %dma_wait3A_239 = arith.constant 0 : i32
      %dma_wait3A_240 = arith.constant 0 : i32
      %dma_wait3A_241 = arith.constant 0 : i32
      %dma_wait3A_242 = tpu.memref_slice %arg3[%dma_wait3A_239, %dma_wait3A_240, %dma_wait3A_241] : memref<5000x8x128xf32, #tpu.memory_space<hbm>> -> memref<10x8x128xf32, #tpu.memory_space<hbm>>
      tpu.wait_dma2 semaphore(%arg16 : memref<!tpu.dma_semaphore, #tpu.memory_space<semaphore_mem>>) src(%dma_wait3A_242 : memref<10x8x128xf32, #tpu.memory_space<hbm>>) dst(%arg10 : memref<10x8x128xf32, #tpu.memory_space<vmem>>)
      %scan3A_243 = arith.constant 0 : i32
      %scan3A_244 = arith.constant 0 : i32
      %scan3A_245 = arith.constant 80 : i32
      %scan3A_246 = arith.addi %scan3A_244, %scan3A_245 : i32
      %scan3A_247 = arith.constant 1 : i32
      scf.for %scan3A_255 = %scan3A_244 to %scan3A_246 step %scan3A_247  : i32 {
        %jit3A = arith.constant 8 : i32
        %div3A = arith.divsi %scan3A_255, %jit3A : i32
        %sign3A = arith.constant 0 : i32
        %sign3A_256 = arith.cmpi sgt, %scan3A_255, %sign3A : i32
        %sign3A_257 = arith.extui %sign3A_256 : i1 to i32
        %sign3A_258 = arith.constant 0 : i32
        %sign3A_259 = arith.cmpi slt, %scan3A_255, %sign3A_258 : i32
        %sign3A_260 = arith.extui %sign3A_259 : i1 to i32
        %sign3A_261 = arith.subi %sign3A_257, %sign3A_260 : i32
        %sign3A_262 = arith.constant 0 : i32
        %sign3A_263 = arith.cmpi sgt, %jit3A, %sign3A_262 : i32
        %sign3A_264 = arith.extui %sign3A_263 : i1 to i32
        %sign3A_265 = arith.constant 0 : i32
        %sign3A_266 = arith.cmpi slt, %jit3A, %sign3A_265 : i32
        %sign3A_267 = arith.extui %sign3A_266 : i1 to i32
        %sign3A_268 = arith.subi %sign3A_264, %sign3A_267 : i32
        %ne3A = arith.cmpi ne, %sign3A_261, %sign3A_268 : i32
        %rem3A = arith.remsi %scan3A_255, %jit3A : i32
        %ne3A_269 = arith.constant 0 : i32
        %ne3A_270 = arith.cmpi ne, %rem3A, %ne3A_269 : i32
        %and3A = arith.andi %ne3A, %ne3A_270 : i1
        %sub3A = arith.constant 1 : i32
        %sub3A_271 = arith.subi %div3A, %sub3A : i32
        %select_n3A = arith.select %and3A, %sub3A_271, %div3A : i32
        %mul3A_272 = arith.constant 8 : i32
        %mul3A_273 = arith.muli %select_n3A, %mul3A_272 : i32
        %sub3A_274 = arith.subi %scan3A_255, %mul3A_273 : i32
        %add3A_275 = arith.constant 0 : i32
        %add3A_276 = arith.addi %add3A_275, %sub3A_274 : i32
        %broadcast_in_dim3A_277 = vector.broadcast %add3A_276 : i32 to vector<16xi32>
        %get3A = arith.index_cast %select_n3A : i32 to index
        %get3A_278 = arith.index_cast %sub3A_274 : i32 to index
        %get3A_279 = arith.constant 0 : index
        %get3A_280 = tpu.vector_load %arg8[%get3A, %get3A_278, %get3A_279] {strides = array<i32>} : memref<10x8x128xf32, #tpu.memory_space<vmem>>, vector<16xf32>,
        %mul3A_281 = arith.constant 128 : i32
        %mul3A_282 = arith.muli %select_n3A, %mul3A_281 : i32
        %add3A_283 = arith.constant 0 : i32
        %add3A_284 = arith.addi %mul3A_282, %add3A_283 : i32
        %add3A_285 = vector.broadcast %add3A_284 : i32 to vector<16xi32>
        %add3A_286 = arith.addi %iota3A, %add3A_285 : vector<16xi32>
        tpu.vector_store_idx %arg12[%add3A_286, %broadcast_in_dim3A_277], %get3A_280 : memref<1280x16xf32, #tpu.memory_space<vmem>>[vector<16xi32>, vector<16xi32>], vector<16xf32>,
        %get3A_287 = arith.index_cast %select_n3A : i32 to index
        %get3A_288 = arith.index_cast %sub3A_274 : i32 to index
        %get3A_289 = arith.constant 16 : index
        %get3A_290 = tpu.vector_load %arg8[%get3A_287, %get3A_288, %get3A_289] {strides = array<i32>} : memref<10x8x128xf32, #tpu.memory_space<vmem>>, vector<16xf32>,
        %mul3A_291 = arith.constant 128 : i32
        %mul3A_292 = arith.muli %select_n3A, %mul3A_291 : i32
        %add3A_293 = arith.constant 16 : i32
        %add3A_294 = arith.addi %mul3A_292, %add3A_293 : i32
        %add3A_295 = vector.broadcast %add3A_294 : i32 to vector<16xi32>
        %add3A_296 = arith.addi %iota3A, %add3A_295 : vector<16xi32>
        tpu.vector_store_idx %arg12[%add3A_296, %broadcast_in_dim3A_277], %get3A_290 : memref<1280x16xf32, #tpu.memory_space<vmem>>[vector<16xi32>, vector<16xi32>], vector<16xf32>,
        %get3A_297 = arith.index_cast %select_n3A : i32 to index
        %get3A_298 = arith.index_cast %sub3A_274 : i32 to index
        %get3A_299 = arith.constant 32 : index
        %get3A_300 = tpu.vector_load %arg8[%get3A_297, %get3A_298, %get3A_299] {strides = array<i32>} : memref<10x8x128xf32, #tpu.memory_space<vmem>>, vector<16xf32>,
        %mul3A_301 = arith.constant 128 : i32
        %mul3A_302 = arith.muli %select_n3A, %mul3A_301 : i32
        %add3A_303 = arith.constant 32 : i32
        %add3A_304 = arith.addi %mul3A_302, %add3A_303 : i32
        %add3A_305 = vector.broadcast %add3A_304 : i32 to vector<16xi32>
        %add3A_306 = arith.addi %iota3A, %add3A_305 : vector<16xi32>
        tpu.vector_store_idx %arg12[%add3A_306, %broadcast_in_dim3A_277], %get3A_300 : memref<1280x16xf32, #tpu.memory_space<vmem>>[vector<16xi32>, vector<16xi32>], vector<16xf32>,
        %get3A_307 = arith.index_cast %select_n3A : i32 to index
        %get3A_308 = arith.index_cast %sub3A_274 : i32 to index
        %get3A_309 = arith.constant 48 : index
        %get3A_310 = tpu.vector_load %arg8[%get3A_307, %get3A_308, %get3A_309] {strides = array<i32>} : memref<10x8x128xf32, #tpu.memory_space<vmem>>, vector<16xf32>,
        %mul3A_311 = arith.constant 128 : i32
        %mul3A_312 = arith.muli %select_n3A, %mul3A_311 : i32
        %add3A_313 = arith.constant 48 : i32
        %add3A_314 = arith.addi %mul3A_312, %add3A_313 : i32
        %add3A_315 = vector.broadcast %add3A_314 : i32 to vector<16xi32>
        %add3A_316 = arith.addi %iota3A, %add3A_315 : vector<16xi32>
        tpu.vector_store_idx %arg12[%add3A_316, %broadcast_in_dim3A_277], %get3A_310 : memref<1280x16xf32, #tpu.memory_space<vmem>>[vector<16xi32>, vector<16xi32>], vector<16xf32>,
        %get3A_317 = arith.index_cast %select_n3A : i32 to index
        %get3A_318 = arith.index_cast %sub3A_274 : i32 to index
        %get3A_319 = arith.constant 64 : index
        %get3A_320 = tpu.vector_load %arg8[%get3A_317, %get3A_318, %get3A_319] {strides = array<i32>} : memref<10x8x128xf32, #tpu.memory_space<vmem>>, vector<16xf32>,
        %mul3A_321 = arith.constant 128 : i32
        %mul3A_322 = arith.muli %select_n3A, %mul3A_321 : i32
        %add3A_323 = arith.constant 64 : i32
        %add3A_324 = arith.addi %mul3A_322, %add3A_323 : i32
        %add3A_325 = vector.broadcast %add3A_324 : i32 to vector<16xi32>
        %add3A_326 = arith.addi %iota3A, %add3A_325 : vector<16xi32>
        tpu.vector_store_idx %arg12[%add3A_326, %broadcast_in_dim3A_277], %get3A_320 : memref<1280x16xf32, #tpu.memory_space<vmem>>[vector<16xi32>, vector<16xi32>], vector<16xf32>,
        %get3A_327 = arith.index_cast %select_n3A : i32 to index
        %get3A_328 = arith.index_cast %sub3A_274 : i32 to index
        %get3A_329 = arith.constant 80 : index
        %get3A_330 = tpu.vector_load %arg8[%get3A_327, %get3A_328, %get3A_329] {strides = array<i32>} : memref<10x8x128xf32, #tpu.memory_space<vmem>>, vector<16xf32>,
        %mul3A_331 = arith.constant 128 : i32
        %mul3A_332 = arith.muli %select_n3A, %mul3A_331 : i32
        %add3A_333 = arith.constant 80 : i32
        %add3A_334 = arith.addi %mul3A_332, %add3A_333 : i32
        %add3A_335 = vector.broadcast %add3A_334 : i32 to vector<16xi32>
        %add3A_336 = arith.addi %iota3A, %add3A_335 : vector<16xi32>
        tpu.vector_store_idx %arg12[%add3A_336, %broadcast_in_dim3A_277], %get3A_330 : memref<1280x16xf32, #tpu.memory_space<vmem>>[vector<16xi32>, vector<16xi32>], vector<16xf32>,
        %get3A_337 = arith.index_cast %select_n3A : i32 to index
        %get3A_338 = arith.index_cast %sub3A_274 : i32 to index
        %get3A_339 = arith.constant 96 : index
        %get3A_340 = tpu.vector_load %arg8[%get3A_337, %get3A_338, %get3A_339] {strides = array<i32>} : memref<10x8x128xf32, #tpu.memory_space<vmem>>, vector<16xf32>,
        %mul3A_341 = arith.constant 128 : i32
        %mul3A_342 = arith.muli %select_n3A, %mul3A_341 : i32
        %add3A_343 = arith.constant 96 : i32
        %add3A_344 = arith.addi %mul3A_342, %add3A_343 : i32
        %add3A_345 = vector.broadcast %add3A_344 : i32 to vector<16xi32>
        %add3A_346 = arith.addi %iota3A, %add3A_345 : vector<16xi32>
        tpu.vector_store_idx %arg12[%add3A_346, %broadcast_in_dim3A_277], %get3A_340 : memref<1280x16xf32, #tpu.memory_space<vmem>>[vector<16xi32>, vector<16xi32>], vector<16xf32>,
        %get3A_347 = arith.index_cast %select_n3A : i32 to index
        %get3A_348 = arith.index_cast %sub3A_274 : i32 to index
        %get3A_349 = arith.constant 112 : index
        %get3A_350 = tpu.vector_load %arg8[%get3A_347, %get3A_348, %get3A_349] {strides = array<i32>} : memref<10x8x128xf32, #tpu.memory_space<vmem>>, vector<16xf32>,
        %mul3A_351 = arith.constant 128 : i32
        %mul3A_352 = arith.muli %select_n3A, %mul3A_351 : i32
        %add3A_353 = arith.constant 112 : i32
        %add3A_354 = arith.addi %mul3A_352, %add3A_353 : i32
        %add3A_355 = vector.broadcast %add3A_354 : i32 to vector<16xi32>
        %add3A_356 = arith.addi %iota3A, %add3A_355 : vector<16xi32>
        tpu.vector_store_idx %arg12[%add3A_356, %broadcast_in_dim3A_277], %get3A_350 : memref<1280x16xf32, #tpu.memory_space<vmem>>[vector<16xi32>, vector<16xi32>], vector<16xf32>,
      }
      %scan3A_248 = arith.constant 80 : i32
      %scan3A_249 = arith.constant 0 : i32
      %scan3A_250 = arith.constant 0 : i32
      %scan3A_251 = arith.constant 80 : i32
      %scan3A_252 = arith.addi %scan3A_250, %scan3A_251 : i32
      %scan3A_253 = arith.constant 1 : i32
      scf.for %scan3A_255 = %scan3A_250 to %scan3A_252 step %scan3A_253  : i32 {
        %jit3A = arith.constant 8 : i32
        %div3A = arith.divsi %scan3A_255, %jit3A : i32
        %sign3A = arith.constant 0 : i32
        %sign3A_256 = arith.cmpi sgt, %scan3A_255, %sign3A : i32
        %sign3A_257 = arith.extui %sign3A_256 : i1 to i32
        %sign3A_258 = arith.constant 0 : i32
        %sign3A_259 = arith.cmpi slt, %scan3A_255, %sign3A_258 : i32
        %sign3A_260 = arith.extui %sign3A_259 : i1 to i32
        %sign3A_261 = arith.subi %sign3A_257, %sign3A_260 : i32
        %sign3A_262 = arith.constant 0 : i32
        %sign3A_263 = arith.cmpi sgt, %jit3A, %sign3A_262 : i32
        %sign3A_264 = arith.extui %sign3A_263 : i1 to i32
        %sign3A_265 = arith.constant 0 : i32
        %sign3A_266 = arith.cmpi slt, %jit3A, %sign3A_265 : i32
        %sign3A_267 = arith.extui %sign3A_266 : i1 to i32
        %sign3A_268 = arith.subi %sign3A_264, %sign3A_267 : i32
        %ne3A = arith.cmpi ne, %sign3A_261, %sign3A_268 : i32
        %rem3A = arith.remsi %scan3A_255, %jit3A : i32
        %ne3A_269 = arith.constant 0 : i32
        %ne3A_270 = arith.cmpi ne, %rem3A, %ne3A_269 : i32
        %and3A = arith.andi %ne3A, %ne3A_270 : i1
        %sub3A = arith.constant 1 : i32
        %sub3A_271 = arith.subi %div3A, %sub3A : i32
        %select_n3A = arith.select %and3A, %sub3A_271, %div3A : i32
        %mul3A_272 = arith.constant 8 : i32
        %mul3A_273 = arith.muli %select_n3A, %mul3A_272 : i32
        %sub3A_274 = arith.subi %scan3A_255, %mul3A_273 : i32
        %add3A_275 = arith.constant 8 : i32
        %add3A_276 = arith.addi %add3A_275, %sub3A_274 : i32
        %broadcast_in_dim3A_277 = vector.broadcast %add3A_276 : i32 to vector<16xi32>
        %get3A = arith.index_cast %select_n3A : i32 to index
        %get3A_278 = arith.index_cast %sub3A_274 : i32 to index
        %get3A_279 = arith.constant 0 : index
        %get3A_280 = tpu.vector_load %arg10[%get3A, %get3A_278, %get3A_279] {strides = array<i32>} : memref<10x8x128xf32, #tpu.memory_space<vmem>>, vector<16xf32>,
        %mul3A_281 = arith.constant 128 : i32
        %mul3A_282 = arith.muli %select_n3A, %mul3A_281 : i32
        %add3A_283 = arith.constant 0 : i32
        %add3A_284 = arith.addi %mul3A_282, %add3A_283 : i32
        %add3A_285 = vector.broadcast %add3A_284 : i32 to vector<16xi32>
        %add3A_286 = arith.addi %iota3A, %add3A_285 : vector<16xi32>
        tpu.vector_store_idx %arg12[%add3A_286, %broadcast_in_dim3A_277], %get3A_280 : memref<1280x16xf32, #tpu.memory_space<vmem>>[vector<16xi32>, vector<16xi32>], vector<16xf32>,
        %get3A_287 = arith.index_cast %select_n3A : i32 to index
        %get3A_288 = arith.index_cast %sub3A_274 : i32 to index
        %get3A_289 = arith.constant 16 : index
        %get3A_290 = tpu.vector_load %arg10[%get3A_287, %get3A_288, %get3A_289] {strides = array<i32>} : memref<10x8x128xf32, #tpu.memory_space<vmem>>, vector<16xf32>,
        %mul3A_291 = arith.constant 128 : i32
        %mul3A_292 = arith.muli %select_n3A, %mul3A_291 : i32
        %add3A_293 = arith.constant 16 : i32
        %add3A_294 = arith.addi %mul3A_292, %add3A_293 : i32
        %add3A_295 = vector.broadcast %add3A_294 : i32 to vector<16xi32>
        %add3A_296 = arith.addi %iota3A, %add3A_295 : vector<16xi32>
        tpu.vector_store_idx %arg12[%add3A_296, %broadcast_in_dim3A_277], %get3A_290 : memref<1280x16xf32, #tpu.memory_space<vmem>>[vector<16xi32>, vector<16xi32>], vector<16xf32>,
        %get3A_297 = arith.index_cast %select_n3A : i32 to index
        %get3A_298 = arith.index_cast %sub3A_274 : i32 to index
        %get3A_299 = arith.constant 32 : index
        %get3A_300 = tpu.vector_load %arg10[%get3A_297, %get3A_298, %get3A_299] {strides = array<i32>} : memref<10x8x128xf32, #tpu.memory_space<vmem>>, vector<16xf32>,
        %mul3A_301 = arith.constant 128 : i32
        %mul3A_302 = arith.muli %select_n3A, %mul3A_301 : i32
        %add3A_303 = arith.constant 32 : i32
        %add3A_304 = arith.addi %mul3A_302, %add3A_303 : i32
        %add3A_305 = vector.broadcast %add3A_304 : i32 to vector<16xi32>
        %add3A_306 = arith.addi %iota3A, %add3A_305 : vector<16xi32>
        tpu.vector_store_idx %arg12[%add3A_306, %broadcast_in_dim3A_277], %get3A_300 : memref<1280x16xf32, #tpu.memory_space<vmem>>[vector<16xi32>, vector<16xi32>], vector<16xf32>,
        %get3A_307 = arith.index_cast %select_n3A : i32 to index
        %get3A_308 = arith.index_cast %sub3A_274 : i32 to index
        %get3A_309 = arith.constant 48 : index
        %get3A_310 = tpu.vector_load %arg10[%get3A_307, %get3A_308, %get3A_309] {strides = array<i32>} : memref<10x8x128xf32, #tpu.memory_space<vmem>>, vector<16xf32>,
        %mul3A_311 = arith.constant 128 : i32
        %mul3A_312 = arith.muli %select_n3A, %mul3A_311 : i32
        %add3A_313 = arith.constant 48 : i32
        %add3A_314 = arith.addi %mul3A_312, %add3A_313 : i32
        %add3A_315 = vector.broadcast %add3A_314 : i32 to vector<16xi32>
        %add3A_316 = arith.addi %iota3A, %add3A_315 : vector<16xi32>
        tpu.vector_store_idx %arg12[%add3A_316, %broadcast_in_dim3A_277], %get3A_310 : memref<1280x16xf32, #tpu.memory_space<vmem>>[vector<16xi32>, vector<16xi32>], vector<16xf32>,
        %get3A_317 = arith.index_cast %select_n3A : i32 to index
        %get3A_318 = arith.index_cast %sub3A_274 : i32 to index
        %get3A_319 = arith.constant 64 : index
        %get3A_320 = tpu.vector_load %arg10[%get3A_317, %get3A_318, %get3A_319] {strides = array<i32>} : memref<10x8x128xf32, #tpu.memory_space<vmem>>, vector<16xf32>,
        %mul3A_321 = arith.constant 128 : i32
        %mul3A_322 = arith.muli %select_n3A, %mul3A_321 : i32
        %add3A_323 = arith.constant 64 : i32
        %add3A_324 = arith.addi %mul3A_322, %add3A_323 : i32
        %add3A_325 = vector.broadcast %add3A_324 : i32 to vector<16xi32>
        %add3A_326 = arith.addi %iota3A, %add3A_325 : vector<16xi32>
        tpu.vector_store_idx %arg12[%add3A_326, %broadcast_in_dim3A_277], %get3A_320 : memref<1280x16xf32, #tpu.memory_space<vmem>>[vector<16xi32>, vector<16xi32>], vector<16xf32>,
        %get3A_327 = arith.index_cast %select_n3A : i32 to index
        %get3A_328 = arith.index_cast %sub3A_274 : i32 to index
        %get3A_329 = arith.constant 80 : index
        %get3A_330 = tpu.vector_load %arg10[%get3A_327, %get3A_328, %get3A_329] {strides = array<i32>} : memref<10x8x128xf32, #tpu.memory_space<vmem>>, vector<16xf32>,
        %mul3A_331 = arith.constant 128 : i32
        %mul3A_332 = arith.muli %select_n3A, %mul3A_331 : i32
        %add3A_333 = arith.constant 80 : i32
        %add3A_334 = arith.addi %mul3A_332, %add3A_333 : i32
        %add3A_335 = vector.broadcast %add3A_334 : i32 to vector<16xi32>
        %add3A_336 = arith.addi %iota3A, %add3A_335 : vector<16xi32>
        tpu.vector_store_idx %arg12[%add3A_336, %broadcast_in_dim3A_277], %get3A_330 : memref<1280x16xf32, #tpu.memory_space<vmem>>[vector<16xi32>, vector<16xi32>], vector<16xf32>,
        %get3A_337 = arith.index_cast %select_n3A : i32 to index
        %get3A_338 = arith.index_cast %sub3A_274 : i32 to index
        %get3A_339 = arith.constant 96 : index
        %get3A_340 = tpu.vector_load %arg10[%get3A_337, %get3A_338, %get3A_339] {strides = array<i32>} : memref<10x8x128xf32, #tpu.memory_space<vmem>>, vector<16xf32>,
        %mul3A_341 = arith.constant 128 : i32
        %mul3A_342 = arith.muli %select_n3A, %mul3A_341 : i32
        %add3A_343 = arith.constant 96 : i32
        %add3A_344 = arith.addi %mul3A_342, %add3A_343 : i32
        %add3A_345 = vector.broadcast %add3A_344 : i32 to vector<16xi32>
        %add3A_346 = arith.addi %iota3A, %add3A_345 : vector<16xi32>
        tpu.vector_store_idx %arg12[%add3A_346, %broadcast_in_dim3A_277], %get3A_340 : memref<1280x16xf32, #tpu.memory_space<vmem>>[vector<16xi32>, vector<16xi32>], vector<16xf32>,
        %get3A_347 = arith.index_cast %select_n3A : i32 to index
        %get3A_348 = arith.index_cast %sub3A_274 : i32 to index
        %get3A_349 = arith.constant 112 : index
        %get3A_350 = tpu.vector_load %arg10[%get3A_347, %get3A_348, %get3A_349] {strides = array<i32>} : memref<10x8x128xf32, #tpu.memory_space<vmem>>, vector<16xf32>,
        %mul3A_351 = arith.constant 128 : i32
        %mul3A_352 = arith.muli %select_n3A, %mul3A_351 : i32
        %add3A_353 = arith.constant 112 : i32
        %add3A_354 = arith.addi %mul3A_352, %add3A_353 : i32
        %add3A_355 = vector.broadcast %add3A_354 : i32 to vector<16xi32>
        %add3A_356 = arith.addi %iota3A, %add3A_355 : vector<16xi32>
        tpu.vector_store_idx %arg12[%add3A_356, %broadcast_in_dim3A_277], %get3A_350 : memref<1280x16xf32, #tpu.memory_space<vmem>>[vector<16xi32>, vector<16xi32>], vector<16xf32>,
      }
      %scan3A_254 = arith.constant 80 : i32
    } else {
    }
    %add3A_195 = arith.constant 192 : i32
    %add3A_196 = arith.addi %add3A_195, %add3A : i32
    %lt3A_197 = arith.constant 250 : i32
    %lt3A_198 = arith.cmpi slt, %add3A_196, %lt3A_197 : i32
    %convert_element_type3A_199 = arith.extui %lt3A_198 : i1 to i32
    %cond3A_200 = arith.constant 0 : i32
    %cond3A_201 = arith.cmpi ne, %convert_element_type3A_199, %cond3A_200 : i32
    scf.if %cond3A_201 {
      %dma_wait3A = arith.constant 0 : i32
      %dma_wait3A_219 = arith.constant 0 : i32
      %dma_wait3A_220 = arith.constant 0 : i32
      %dma_wait3A_221 = tpu.memref_slice %arg3[%dma_wait3A, %dma_wait3A_219, %dma_wait3A_220] : memref<5000x8x128xf32, #tpu.memory_space<hbm>> -> memref<10x8x128xf32, #tpu.memory_space<hbm>>
      %dma_wait3A_222 = arith.constant 0 : i32
      %dma_wait3A_223 = arith.constant 0 : i32
      %dma_wait3A_224 = arith.constant 0 : i32
      %dma_wait3A_225 = tpu.memref_slice %arg3[%dma_wait3A_222, %dma_wait3A_223, %dma_wait3A_224] : memref<5000x8x128xf32, #tpu.memory_space<hbm>> -> memref<10x8x128xf32, #tpu.memory_space<hbm>>
      tpu.wait_dma2 semaphore(%arg17 : memref<!tpu.dma_semaphore, #tpu.memory_space<semaphore_mem>>) src(%dma_wait3A_225 : memref<10x8x128xf32, #tpu.memory_space<hbm>>) dst(%arg11 : memref<1280x16xf32, #tpu.memory_space<vmem>>)
    } else {
    }
    %lt3A_202 = arith.constant 250 : i32
    %lt3A_203 = arith.cmpi slt, %add3A_189, %lt3A_202 : i32
    %convert_element_type3A_204 = arith.extui %lt3A_203 : i1 to i32
    %cond3A_205 = arith.constant 0 : i32
    %cond3A_206 = arith.cmpi ne, %convert_element_type3A_204, %cond3A_205 : i32
    scf.if %cond3A_206 {
      %scan3A_219 = arith.constant 0 : i32
      %scan3A_220 = arith.constant 0 : i32
      %scan3A_221 = arith.constant 10 : i32
      %scan3A_222 = arith.addi %scan3A_220, %scan3A_221 : i32
      %scan3A_223 = arith.constant 1 : i32
      scf.for %scan3A_225 = %scan3A_220 to %scan3A_222 step %scan3A_223  : i32 {
        %mul3A_226 = arith.constant 128 : i32
        %mul3A_227 = arith.muli %scan3A_225, %mul3A_226 : i32
        %dma_start3A = arith.constant 0 : i32
        %dma_start3A_228 = tpu.memref_slice %arg12[%mul3A_227, %dma_start3A] : memref<1280x16xf32, #tpu.memory_space<vmem>> -> memref<128x16xf32, #tpu.memory_space<vmem>>
        %dma_start3A_229 = arith.constant 0 : i32
        %dma_start3A_230 = tpu.memref_slice %arg6[%scan3A_225, %dma_start3A_229] : memref<10x128xi32, #tpu.memory_space<vmem>> -> memref<1x128xi32, #tpu.memory_space<vmem>>
        %dma_start3A_231 = tpu.memref_squeeze %dma_start3A_230 : memref<1x128xi32, #tpu.memory_space<vmem>> -> memref<128xi32, #tpu.memory_space<vmem>>
        %dma_start3A_232 = arith.constant 0 : i32
        %dma_start3A_233 = arith.constant 0 : i32
        %dma_start3A_234 = tpu.memref_slice %arg14[%dma_start3A_232, %dma_start3A_233] : memref<10240x16xf32, #tpu.memory_space<vmem_shared>> -> memref<10240x16xf32, #tpu.memory_space<vmem_shared>>
        tpu.enqueue_indirect_dma source(%dma_start3A_228 : memref<128x16xf32, #tpu.memory_space<vmem>>) target(%dma_start3A_234 : memref<10240x16xf32, #tpu.memory_space<vmem_shared>>) offsets(%dma_start3A_231 : memref<128xi32, #tpu.memory_space<vmem>>) semaphore(%arg17 : memref<!tpu.dma_semaphore, #tpu.memory_space<semaphore_mem>>) {add = true}
      }
      %scan3A_224 = arith.constant 10 : i32
    } else {
    }
    %add3A_207 = arith.constant 224 : i32
    %add3A_208 = arith.addi %add3A_207, %add3A : i32
    %lt3A_209 = arith.constant 250 : i32
    %lt3A_210 = arith.cmpi slt, %add3A_208, %lt3A_209 : i32
    %convert_element_type3A_211 = arith.extui %lt3A_210 : i1 to i32
    %cond3A_212 = arith.constant 0 : i32
    %cond3A_213 = arith.cmpi ne, %convert_element_type3A_211, %cond3A_212 : i32
    scf.if %cond3A_213 {
      %dma_wait3A = arith.constant 0 : i32
      %dma_wait3A_219 = arith.constant 0 : i32
      %dma_wait3A_220 = arith.constant 0 : i32
      %dma_wait3A_221 = tpu.memref_slice %arg3[%dma_wait3A, %dma_wait3A_219, %dma_wait3A_220] : memref<5000x8x128xf32, #tpu.memory_space<hbm>> -> memref<10x8x128xf32, #tpu.memory_space<hbm>>
      %dma_wait3A_222 = arith.constant 0 : i32
      %dma_wait3A_223 = arith.constant 0 : i32
      %dma_wait3A_224 = arith.constant 0 : i32
      %dma_wait3A_225 = tpu.memref_slice %arg3[%dma_wait3A_222, %dma_wait3A_223, %dma_wait3A_224] : memref<5000x8x128xf32, #tpu.memory_space<hbm>> -> memref<10x8x128xf32, #tpu.memory_space<hbm>>
      tpu.wait_dma2 semaphore(%arg17 : memref<!tpu.dma_semaphore, #tpu.memory_space<semaphore_mem>>) src(%dma_wait3A_225 : memref<10x8x128xf32, #tpu.memory_space<hbm>>) dst(%arg12 : memref<1280x16xf32, #tpu.memory_space<vmem>>)
    } else {
    }
    %barrier3A_214 = arith.constant 0 : index
    tpu.barrier barrier_id(%barrier3A_214)
    %mul3A_215 = arith.constant 640 : i32
    %mul3A_216 = arith.muli %arg1, %mul3A_215 : i32
    %mul3A_217 = arith.constant 640 : i32
    %mul3A_218 = arith.muli %arg1, %mul3A_217 : i32
    "tpu.region"() ({
      %run_scoped3A = tpu.sem_alloc : memref<!tpu.dma_semaphore, #tpu.memory_space<semaphore_mem>>
      %dma_start3A = arith.constant 0 : i32
      %dma_start3A_219 = tpu.memref_slice %arg4[%arg0, %mul3A_218, %dma_start3A] : memref<2x10240x16xf32, #tpu.memory_space<hbm>> -> memref<1x640x16xf32, #tpu.memory_space<hbm>>
      %dma_start3A_220 = tpu.memref_squeeze %dma_start3A_219 : memref<1x640x16xf32, #tpu.memory_space<hbm>> -> memref<640x16xf32, #tpu.memory_space<hbm>>
      %dma_start3A_221 = arith.constant 0 : i32
      %dma_start3A_222 = tpu.memref_slice %arg14[%mul3A_216, %dma_start3A_221] : memref<10240x16xf32, #tpu.memory_space<vmem_shared>> -> memref<640x16xf32, #tpu.memory_space<vmem_shared>>
      tpu.enqueue_dma source(%dma_start3A_222 : memref<640x16xf32, #tpu.memory_space<vmem_shared>>) target(%dma_start3A_220 : memref<640x16xf32, #tpu.memory_space<hbm>>) target_semaphore(%run_scoped3A : memref<!tpu.dma_semaphore, #tpu.memory_space<semaphore_mem>>)
      %dma_wait3A = arith.constant 0 : i32
      %dma_wait3A_223 = tpu.memref_slice %arg4[%arg0, %mul3A_218, %dma_wait3A] : memref<2x10240x16xf32, #tpu.memory_space<hbm>> -> memref<1x640x16xf32, #tpu.memory_space<hbm>>
      %dma_wait3A_224 = tpu.memref_squeeze %dma_wait3A_223 : memref<1x640x16xf32, #tpu.memory_space<hbm>> -> memref<640x16xf32, #tpu.memory_space<hbm>>
      %dma_wait3A_225 = arith.constant 0 : i32
      %dma_wait3A_226 = tpu.memref_slice %arg14[%mul3A_216, %dma_wait3A_225] : memref<10240x16xf32, #tpu.memory_space<vmem_shared>> -> memref<640x16xf32, #tpu.memory_space<vmem_shared>>
      tpu.wait_dma2 semaphore(%run_scoped3A : memref<!tpu.dma_semaphore, #tpu.memory_space<semaphore_mem>>) src(%dma_wait3A_226 : memref<640x16xf32, #tpu.memory_space<vmem_shared>>) dst(%dma_wait3A_224 : memref<640x16xf32, #tpu.memory_space<hbm>>)
      tpu.yield
    }) : () -> ()
    return
  }
}

</mosaic_0001>

<sc_bundles>
// kernel: kernel.4.cloned.1.call-start
scs
__scs_entry_jumppad:
0x0: {  	(pc) =	sbr.rel $0x88, $3  }
0x1: {  	(tag) =	ssettag $0x0;
	lr =	simm.s32 $0x1  }
0x2: {  	[smem:$0x3F9F] =	sst lr;
	_ =	strace $0xD0000000  }
0x3: {  	_ = 	snop  }
0x4: {  	_ = 	snop  }
0x5: {  	_ = 	snop  }
0x6: {  	_ = 	snop  }
0x7: {  	_ = 	snop  }
__scs_overlays_trampoline_lowered:
0x8: {  	[smem:$0x3FAE] =	sst s0  }
0x9: {  	[smem:$0x3FAF] =	sst s1  }
0xa: {  	[smem:$0x3FB0] =	sst s2  }
0xb: {  	[smem:$0x3FB1] =	sst s3  }
0xc: {  	[smem:$0x3FB2] =	sst s4  }
0xd: {  	[smem:$0x3FB3] =	sst s5  }
0xe: {  	[smem:$0x3FB4] =	sst s6  }
0xf: {  	[smem:$0x3FB5] =	sst s7  }
0x10: {  	[smem:$0x3FB6] =	sst s8  }
0x11: {  	[smem:$0x3FB7] =	sst s9;
	s0 =	simm.s32 @!p0 $0x0  }
0x12: {  	s1 =	sld [smem:$0x3F9D];
	s0 =	simm.s32 @p0 $0x1  }
0x13: {  	[smem:$0x3FB8] =	sst s0;
	s0 =	simm.s32 @!p1 $0x0  }
0x14: {  	s2 =	sld [smem:$0x3F9C];
	s0 =	simm.s32 @p1 $0x1  }
0x15: {  	[smem:$0x3FB9] =	sst s0;
	s0 =	simm.s32 @!p2 $0x0  }
0x16: {  	s3 =	sld [smem:$0x3FDB];
	s0 =	simm.s32 @p2 $0x1  }
0x17: {  	s4 =	simm.s32 $0x1BF5;
	[smem:$0x3FBB] =	sst s0  }
0x18: {  	s0 =	sld [smem:$0x3F9E];
	_ =	swait.ge [sflag:s4], $0x0  }
0x19: {  	s7 =	sld [smem:$0x3F9F]  }
0x1a: {  	s8 =	sadd.s32 $0xFFFFE003, lr  }
0x1b: {  	s9 =	sadd.s32 $0xFFFFFEF7, lr;
	s5 =	simm.s32 $0xFFFFFFFF;
	p2 =	slt.u32 s8, $0xFFFFF086  }
0x1c: {  	p1 =	slt.u32 s9, $0xF7A;
	s5 =	simm.s32 @!p2 $0x0  }
0x1d: {  	s5 =	simm.s32 @p1 $0x1;
	p0 =	seq.s32 s7, s2  }
0x1e: {  	s7 =	smul.u32 @!p0 $0xF7A, s2;
	p2 =	seq.s32 @!p0 s5, $0x0  }
0x1f: {  	s9 =	smul.u32 $0xF7A, s1;
	s8 =	simm.s32 @!p0 $0x1BF5;
	p2 =	por !p2, p0  }
0x20: {  	[sflag:s8] =	ssyncset.s32 @!p0 $0xFFFFF086;
	s6 =	sadd.s32 @!p0 s3, s7;
	s7 =	simm.s32 @!p0 $0x108  }
0x21: {  	s3 =	sadd.s32 s3, s9;
	s6 =	sadd.s32 @!p0 $0x88, s6;
	s7 =	simm.s32 @p2 $0x1082  }
0x22: {  	[simem:s7], [sflag:s8] =	dma.local @!p0 [hbm:s6], $0xF7A  }
0x23: {  	s9 =	sor.u32 $0xD0000000, s2;
	s6 =	simm.s32 $0x108;
	_ =	swait.ge @!p0 [sflag:s8], $0x0  }
0x24: {  	s3 =	sadd.s32 $0x88, s3;
	s6 =	simm.s32 @!p1 $0x1082;
	[sflag:s4] =	ssyncset.s32 $0xFFFFF086  }
0x25: {  	[simem:s6], [sflag:s4] =	dma.local [hbm:s3], $0xF7A  }
0x26: {  	[smem:$0x3F9F] =	sst s1;
	(tag) =	ssettag s2;
	_ =	strace s9  }
0x27: {  	s1 =	sld [smem:$0x3FAF]  }
0x28: {  	s2 =	sld [smem:$0x3FB0]  }
0x29: {  	s4 =	sld [smem:$0x3FB2]  }
0x2a: {  	p0 =	seq.s32 s5, $0x0;
	s5 =	sld [smem:$0x3FB3]  }
0x2b: {  	s6 =	sld [smem:$0x3FB4]  }
0x2c: {  	s7 =	sld [smem:$0x3FB5]  }
0x2d: {  	s3 =	simm.s32 $0x108;
	s8 =	sld [smem:$0x3FB6]  }
0x2e: {  	s3 =	simm.s32 @!p0 $0x1082;
	s9 =	sld [smem:$0x3FB7]  }
0x2f: {  	lr =	sadd.s32 s0, s3;
	s0 =	sld [smem:$0x3FAE]  }
0x30: {  	s3 =	sld [smem:$0x3FB1]  }
0x31: {  	[smem:$0x3FBA] =	sst s10  }
0x32: {  	s10 =	sld [smem:$0x3FB8];
	_ =	sdelay $0x3  }
0x33: {  	p0 =	seq.s32 s10, $0x1;
	s10 =	sld [smem:$0x3FBA];
	_ =	sdelay $0x3  }
0x34: {  	[smem:$0x3FBA] =	sst s10  }
0x35: {  	s10 =	sld [smem:$0x3FB9];
	_ =	sdelay $0x3  }
0x36: {  	p1 =	seq.s32 s10, $0x1;
	s10 =	sld [smem:$0x3FBA];
	_ =	sdelay $0x3  }
0x37: {  	[smem:$0x3FBA] =	sst s10  }
0x38: {  	s10 =	sld [smem:$0x3FBB]  }
0x39: {  	_ = 	snop;
	(pc) =	sbr.ind lr, $3  }
0x3a: {  	_ = 	snop  }
0x3b: {  	_ = 	snop  }
0x3c: {  	p2 =	seq.s32 s10, $0x1;
	s10 =	sld [smem:$0x3FBA]  }
0x3d: {  	_ =	shalt  }
0x3e: {  	_ =	shalt  }
0x3f: {  	_ =	shalt  }
0x40: {  	_ =	shalt  }
0x41: {  	_ =	shalt  }
0x42: {  	_ =	shalt  }
0x43: {  	_ =	shalt  }
0x44: {  	_ =	shalt  }
0x45: {  	_ =	shalt  }
0x46: {  	_ =	shalt  }
0x47: {  	_ =	shalt  }
0x48: {  	_ =	shalt  }
0x49: {  	_ =	shalt  }
0x4a: {  	_ =	shalt  }
0x4b: {  	_ =	shalt  }
0x4c: {  	_ =	shalt  }
0x4d: {  	_ =	shalt  }
0x4e: {  	_ =	shalt  }
0x4f: {  	_ =	shalt  }
0x50: {  	_ =	shalt  }
0x51: {  	_ =	shalt  }
0x52: {  	_ =	shalt  }
0x53: {  	_ =	shalt  }
0x54: {  	_ =	shalt  }
0x55: {  	_ =	shalt  }
0x56: {  	_ =	shalt  }
0x57: {  	_ =	shalt  }
0x58: {  	_ =	shalt  }
0x59: {  	_ =	shalt  }
0x5a: {  	_ =	shalt  }
0x5b: {  	_ =	shalt  }
0x5c: {  	_ =	shalt  }
0x5d: {  	_ =	shalt  }
0x5e: {  	_ =	shalt  }
0x5f: {  	_ =	shalt  }
0x60: {  	_ =	shalt  }
0x61: {  	_ =	shalt  }
0x62: {  	_ =	shalt  }
0x63: {  	_ =	shalt  }
0x64: {  	_ =	shalt  }
0x65: {  	_ =	shalt  }
0x66: {  	_ =	shalt  }
0x67: {  	_ =	shalt  }
0x68: {  	_ =	shalt  }
0x69: {  	_ =	shalt  }
0x6a: {  	_ =	shalt  }
0x6b: {  	_ =	shalt  }
0x6c: {  	_ =	shalt  }
0x6d: {  	_ =	shalt  }
0x6e: {  	_ =	shalt  }
0x6f: {  	_ =	shalt  }
0x70: {  	_ =	shalt  }
0x71: {  	_ =	shalt  }
0x72: {  	_ =	shalt  }
0x73: {  	_ =	shalt  }
0x74: {  	_ =	shalt  }
0x75: {  	_ =	shalt  }
0x76: {  	_ =	shalt  }
0x77: {  	_ =	shalt  }
0x78: {  	_ =	shalt  }
0x79: {  	_ =	shalt  }
0x7a: {  	_ =	shalt  }
0x7b: {  	_ =	shalt  }
0x7c: {  	_ =	shalt  }
0x7d: {  	_ =	shalt  }
0x7e: {  	_ =	shalt  }
0x7f: {  	_ =	shalt  }
0x80: {  	_ =	shalt  }
0x81: {  	_ =	shalt  }
0x82: {  	_ =	shalt  }
0x83: {  	_ =	shalt  }
0x84: {  	_ =	shalt  }
0x85: {  	_ =	shalt  }
0x86: {  	_ =	shalt  }
0x87: {  	_ =	shalt  }
.Lfunc_end0:
.L_simem_size_0:
called_computation_lowered:
.L_overlay_start_0:
0x88: {  	s2 =	sld [smem:$0x3FD9]  }
0x89: {  	s3 =	sld [smem:$0x3FFE];
	_ =	sdelay $0x1  }
0x8a: {  	s1 =	srdreg.scid  }
0x8b: {  	s0 =	sand.u32 $0x1, s1  }
0x8c: {  	s17 =	sshll.u32 s0, $0xA;
	s2 =	sadd.s32 s3, s2  }
0x8d: {  	s2 =	sadd.s32 s2, s17  }
0x8e: {  	[smem:$0x3FC6] =	sst s2  }
0x8f: {  	_ = 	snop  }
0x90: {  	s2 =	sld [smem:$0x3FC8];
	(tm) =	ssettm $0x1  }
0x91: {  	s18 =	sld [smem:$0x3FFB];
	_ =	sdelay $0x3  }
0x92: {  	_ =	strace s18  }
0x93: {  	s3 =	sld [smem:$0x3FFC];
	_ =	sdelay $0x3  }
0x94: {  	_ =	strace s3  }
0x95: {  	s3 =	sld [smem:$0x3FFD];
	_ =	sdelay $0x3  }
0x96: {  	_ =	strace s3  }
0x97: {  	_ =	strace $0x8FFFFFFF  }
0x98: {  	s19 =	sld [smem:$0x3FDB];
	_ =	sdelay $0x1  }
0x99: {  	s4 =	simm.s32 $_scs_section_size  }
0x9a: {  	s5 =	simm.s32 $_size__tile_overlayer_lowered;
	s6 =	simm.s32 $_tile_overlayer_lowered  }
0x9b: {  	s22 =	simm.s32 $0x1BFF;
	s21 =	sshll.u32 s6, $0x1;
	s3 =	sadd.s32 s4, s19  }
0x9c: {  	s7 =	simm.s32 $0x0;
	s20 =	sshll.u32 s5, $0x1;
	s5 =	sadd.s32 s21, s3  }
0x9d: {  	[timem:s7], [sflag:s22] =	dma.local [hbm:s5], s20  }
0x9e: {  	_ =	swait.ge [sflag:s22], s20  }
0x9f: {  	s4 =	ssub.s32 $0x0, s20;
	[sflag:s22] =	ssyncset.done $0x0  }
0xa0: {  	[sflag:s22] =	ssyncadd.s32 s4;
	_ =	sdelay $0x1  }
0xa1: {  	s23 =	simm.s32 $0x1B8B  }
0xa2: {  	_ =	swait.ge [sflag:s23], $0x1  }
0xa3: {  	[sflag:s23] =	ssyncset.done $0x0  }
0xa4: {  	s25 =	simm.s32 $0x1B8E;
	s24 =	sld [smem:$0x3FFE];
	[sflag:s23] =	ssyncadd.s32 $0xFFFFFFFF  }
0xa5: {  	s26 =	simm.s32 $execute0_lowered;
	[smem:$0x3FD2] =	sst s25  }
0xa6: {  	s5 =	sshll.u32 s26, $0x1;
	_ =	strace $0x80000046;
	[dreg:$0x1] =	wrdreg $0xFFFFFFFF  }
0xa7: {  	s28 =	simm.s32 $_size_execute0_lowered;
	s3 =	sadd.s32 s3, s5;
	[dreg:$0x0] =	wrdreg $0x0  }
0xa8: {  	s5 =	sshll.u32 s28, $0x1;
	[dreg:$0x2] =	wrdreg s3  }
0xa9: {  	[dreg:$0x3] =	wrdreg s5  }
0xaa: {  	[dreg:$0x4] =	wrdreg $0xC0  }
0xab: {  	_ =	task [dreg:s7], $0x5FFFF  }
0xac: {  	[dreg:$0x1] =	wrdreg $0xFFFFFFFF  }
0xad: {  	[dreg:$0x0] =	wrdreg $0x60  }
0xae: {  	[dreg:$0x2] =	wrdreg s24  }
0xaf: {  	[dreg:$0x3] =	wrdreg s2  }
0xb0: {  	[dreg:$0x4] =	wrdreg $0x172000  }
0xb1: {  	[dreg:$0x5] =	wrdreg $0x9  }
0xb2: {  	_ =	task.clear_ibuf [dreg:s7], $0x6FFFF;
	_ =	strace $0x90000046  }
0xb3: {  	s29 =	simm.s32 $0x9;
	_ =	strace $0x80000048  }
0xb4: {  	_ =	swait.ge [sflag:s29], $0x1  }
0xb5: {  	[sflag:s29] =	ssyncadd.s32 $0xFFFFFFFF  }
0xb6: {  	_ =	strace $0x90000048  }
0xb7: {  	_ =	sfence  }
0xb8: {  	s30 =	sld [smem:$0x0];
	_ =	sdelay $0x2  }
0xb9: {  	s31 =	sshll.u32 s1, $0xD;
	s1 =	sshrl.u32 s1, $0x2  }
0xba: {  	s3 =	sand.u32 $0x4000, s31;
	s1 =	sadd.s32 s1, s30  }
0xbb: {  	s0 =	sor.u32 s3, s0;
	s1 =	sshll.u32 s1, $0x11  }
0xbc: {  	s0 =	sor.u32 s1, s0  }
0xbd: {  	s0 =	sadd.s32 $0x8F2B, s0  }
0xbe: {  	[sflag:s0] =	ssyncadd.remote.s32 $0x1  }
0xbf: {  	_ =	sfence.sel $0xFFFF  }
0xc0: {  	[dreg:$0x0] =	wrdreg $0xFFFFFFFF;
	(pc) =	sbr.abs _section_cstart, $3  }
0xc1: {  	[dreg:$0x1] =	wrdreg $0xFFFFFFFF  }
0xc2: {  	_ =	task.clear_ibuf [dreg:s7], $0x2FFFF;
	_ =	strace $0x9FFFFFFF  }
0xc3: {  	(tm) =	ssettm $0x7FFFFFFF  }
tec
execute0_lowered:
.L_overlay_start_1:
0x0: {  	(tag) =	ssettag $0x1  }
0x1: {  	s0 =	srdreg.scid;
	s29 =	stileid.u32  }
0x2: {  	s1 =	rddreg [dreg:$0x0];
	s4 =	simm.s32 $0x0;
	s30 =	simm.s32 $0xFA00  }
0x3: {  	s0 =	sand.u32 $0x1, s0;
	s2 =	smul.u32 $0x2800, s29;
	s26 =	sshll.u32 s29, $0x1  }
0x4: {  	[smem:$0x7FF] =	sst s4;
	s3 =	smul.u32 $0x28000, s0;
	s4 =	sor.u32 s0, s26  }
0x5: {  	s31 =	simm.s32 $0x3;
	s7 =	smul.u32 $0x500, s4;
	s10 =	sor.u32 $0x40, s4  }
0x6: {  	s5 =	sadd.s32 $0x800, s1;
	s13 =	sor.u32 $0x60, s4;
	s12 =	smul.u32 $0x500, s10  }
0x7: {  	p0 =	sgt.u32 s29, $0xC;
	s15 =	sor.u32 $0x80, s4;
	s14 =	smul.u32 $0x500, s13  }
0x8: {  	s29 =	simm.s32 $0xAA00;
	s18 =	sor.u32 $0xA0, s4;
	s17 =	smul.u32 $0x500, s15  }
0x9: {  	s6 =	ssub.s32 $0x2, s0;
	s20 =	sor.u32 $0xC0, s4;
	s19 =	smul.u32 $0x500, s18  }
0xa: {  	s8 =	sor.u32 $0x20, s4;
	s3 =	sadd.s32 s2, s3;
	s22 =	smul.u32 $0x500, s20  }
0xb: {  	s18 =	smul.u32 $0x2800, s18;
	s3 =	sshrl.u32 s3, $0x3;
	s9 =	sshrl.u32 s7, $0x3  }
0xc: {  	s0 =	sadd.s32 s3, s1;
	s3 =	sshrl.u32 s6, $0x1;
	s16 =	sshrl.u32 s12, $0x3  }
0xd: {  	s21 =	sshrl.u32 s14, $0x3;
	s23 =	sshrl.u32 s17, $0x3;
	s25 =	sshrl.u32 s19, $0x3  }
0xe: {  	s26 =	sshrl.u32 s22, $0x3;
	s1 =	ssub.s32 s6, s3;
	s6 =	smul.u32 $0x500, s8  }
0xf: {  	s3 =	sadd.s32 s5, s9;
	s9 =	smul.u32 $0x2800, s4;
	s4 =	sor.u32 $0xE0, s4  }
0x10: {  	s16 =	sadd.s32 s5, s16;
	s21 =	sadd.s32 s5, s21;
	s24 =	smul.u32 $0x500, s4  }
0x11: {  	s23 =	sadd.s32 s5, s23;
	s25 =	sadd.s32 s5, s25;
	s26 =	sadd.s32 s5, s26  }
0x12: {  	s8 =	smul.u32 $0x2800, s8;
	s11 =	sshrl.u32 s6, $0x3;
	s28 =	sshrl.u32 s24, $0x3  }
0x13: {  	s11 =	sadd.s32 s5, s11;
	s5 =	sadd.s32 s5, s28;
	s28 =	rddreg [dreg:$0x1]  }
0x14: {  	s0 =	sadd.s32 $0x14200, s0;
	s4 =	smul.u32 $0x2800, s4;
	s7 =	sadd.s32 s28, s7  }
0x15: {  	s6 =	sadd.s32 s28, s6;
	[dreg:$0x4] =	wrdreg s7;
	s7 =	sshrl.u32 s9, $0x3  }
0x16: {  	s9 =	smul.u32 $0x2800, s10;
	[dreg:$0x5] =	wrdreg s6;
	s10 =	sshrl.u32 s8, $0x3  }
0x17: {  	s6 =	sadd.s32 s28, s10;
	s10 =	smul.u32 $0x2800, s15;
	s15 =	sadd.s32 s28, s14  }
0x18: {  	s14 =	sadd.s32 s28, s17;
	s17 =	smul.u32 $0x2800, s20;
	[dreg:$0x7] =	wrdreg s15  }
0x19: {  	s20 =	sadd.s32 s28, s24;
	s8 =	sshrl.u32 s9, $0x3;
	[dreg:$0x8] =	wrdreg s14  }
0x1a: {  	s9 =	smul.u32 $0x2800, s13;
	s13 =	sadd.s32 s28, s12;
	[dreg:$0xb] =	wrdreg s20  }
0x1b: {  	s15 =	sshrl.u32 s18, $0x3;
	s18 =	sadd.s32 s28, s19;
	[dreg:$0x6] =	wrdreg s13  }
0x1c: {  	s4 =	sshrl.u32 s4, $0x3;
	s19 =	sadd.s32 s28, s22;
	[dreg:$0x9] =	wrdreg s18  }
0x1d: {  	s7 =	sadd.s32 s28, s7;
	s10 =	sshrl.u32 s10, $0x3;
	[dreg:$0xa] =	wrdreg s19  }
0x1e: {  	s22 =	sadd.s32 $0x9C40, s3;
	s13 =	sadd.s32 s28, s10;
	s10 =	rddreg [dreg:$0x2]  }
0x1f: {  	s24 =	sadd.s32 $0x4E200, s7;
	_ =	strace $0x80000047;
	[dreg:$0xd] =	wrdreg s22  }
0x20: {  	s4 =	sadd.s32 s28, s4;
	s3 =	sadd.s32 $0x9C40, s11;
	[dreg:$0xe] =	wrdreg s24  }
0x21: {  	s7 =	sadd.s32 $0x4E200, s6;
	s11 =	sadd.s32 $0x9C40, s16;
	[dreg:$0xf] =	wrdreg s3  }
0x22: {  	s16 =	sadd.s32 $0x9C40, s21;
	s20 =	sadd.s32 $0x9C40, s25;
	[dreg:$0x10] =	wrdreg s7  }
0x23: {  	s25 =	sadd.s32 $0x4E200, s4;
	s4 =	simm.s32 $0x80;
	[dreg:$0x11] =	wrdreg s11  }
0x24: {  	s8 =	sadd.s32 s28, s8;
	s18 =	sadd.s32 $0x9C40, s23;
	[dreg:$0x13] =	wrdreg s16  }
0x25: {  	s14 =	sadd.s32 s28, s15;
	s12 =	sshrl.u32 s17, $0x3;
	[dreg:$0x15] =	wrdreg s18  }
0x26: {  	s9 =	sshrl.u32 s9, $0x3;
	s12 =	sadd.s32 s28, s12;
	[dreg:$0x17] =	wrdreg s20  }
0x27: {  	s15 =	sadd.s32 $0x4E200, s8;
	s21 =	sadd.s32 $0x4E200, s14;
	[dreg:$0x1c] =	wrdreg s25  }
0x28: {  	s22 =	sadd.s32 $0x9C40, s26;
	s24 =	sadd.s32 $0x9C40, s5;
	[dreg:$0x1d] =	wrdreg s0  }
0x29: {  	s26 =	smax.u32 s1, $0x1;
	s1 =	simm.s32 $0x4;
	s0 =	simm.s32 $0x500  }
0x2a: {  	s14 =	simm.s32 $0x200;
	s16 =	simm.s32 $0x280;
	[dreg:$0x12] =	wrdreg s15  }
0x2b: {  	s18 =	simm.s32 $0x300;
	s20 =	simm.s32 $0x380;
	[dreg:$0x18] =	wrdreg s21  }
0x2c: {  	s25 =	simm.s32 $0xF200;
	s9 =	sadd.s32 s28, s9;
	[dreg:$0x19] =	wrdreg s22  }
0x2d: {  	s2 =	sadd.s32 s2, s10;
	s19 =	sadd.s32 $0x4E200, s13;
	[dreg:$0x1b] =	wrdreg s24  }
0x2e: {  	s23 =	sadd.s32 $0x4E200, s12;
	[dreg:$0x1e] =	wrdreg s26;
	s28 =	simm.s32 $0x1  }
.Ltmp0:
0x2f: {  	s15 =	simm.s32 $0xCA00;
	s21 =	simm.s32 $0xE200;
	(pc) =	sbr.rel .LBB2_1-.Ltmp0, $4  }
0x30: {  	s22 =	simm.s32 $0x400;
	s24 =	simm.s32 $0x480;
	[dreg:$0xc] =	wrdreg s2  }
0x31: {  	s26 =	simm.s32 $0x2;
	s17 =	sadd.s32 $0x4E200, s9;
	[dreg:$0x16] =	wrdreg s19  }
0x32: {  	v1 =	vlaneseq.u32;
	[dreg:$0x1a] =	wrdreg s23;
	s19 =	simm.s32 $0xDA00;
	s23 =	simm.s32 $0xEA00  }
0x33: {  	v0 =	vimm.f32 $0.0e+00;
	v1 =	vmul.u32 $0x10, v1;
	s2 =	simm.s32 $0x0;
	[dreg:$0x14] =	wrdreg s17;
	s17 =	simm.s32 $0xD200  }
.LBB2_37:
0x34: {  	[spmem:s10] =	stream.indirect.scatter.add.f32 [tilespmem:s29], [sflag:$0x3], $0x10, s3, s4, $0xb8;
	[tilespmem:$0x19A00] =	vst v63  }
0x35: {  	s9 =	simm.s32 $0xB200  }
0x36: {  	[spmem:s10] =	stream.indirect.scatter.add.f32 [tilespmem:s9], [sflag:$0x3], $0x10, s4, s4, $0xb8;
	[tilespmem:$0x19A00] =	vst v63  }
0x37: {  	s11 =	simm.s32 $0x100;
	s5 =	simm.s32 $0xBA00  }
0x38: {  	[spmem:s10] =	stream.indirect.scatter.add.f32 [tilespmem:s5], [sflag:$0x3], $0x10, s11, s4, $0xb8;
	[tilespmem:$0x19A00] =	vst v63  }
0x39: {  	s12 =	simm.s32 $0x180;
	s13 =	simm.s32 $0xC200  }
0x3a: {  	[spmem:s10] =	stream.indirect.scatter.add.f32 [tilespmem:s13], [sflag:$0x3], $0x10, s12, s4, $0xb8;
	[tilespmem:$0x19A00] =	vst v63  }
0x3b: {  	_ = 	snop  }
0x3c: {  	[spmem:s10] =	stream.indirect.scatter.add.f32 [tilespmem:s15], [sflag:$0x3], $0x10, s14, s4, $0xb8;
	[tilespmem:$0x19A00] =	vst v63  }
0x3d: {  	_ = 	snop  }
0x3e: {  	[spmem:s10] =	stream.indirect.scatter.add.f32 [tilespmem:s17], [sflag:$0x3], $0x10, s16, s4, $0xb8;
	[tilespmem:$0x19A00] =	vst v63  }
0x3f: {  	_ = 	snop  }
0x40: {  	[spmem:s10] =	stream.indirect.scatter.add.f32 [tilespmem:s19], [sflag:$0x3], $0x10, s18, s4, $0xb8;
	[tilespmem:$0x19A00] =	vst v63  }
0x41: {  	_ = 	snop  }
0x42: {  	[spmem:s10] =	stream.indirect.scatter.add.f32 [tilespmem:s21], [sflag:$0x3], $0x10, s20, s4, $0xb8;
	[tilespmem:$0x19A00] =	vst v63  }
0x43: {  	_ = 	snop  }
0x44: {  	[spmem:s10] =	stream.indirect.scatter.add.f32 [tilespmem:s23], [sflag:$0x3], $0x10, s22, s4, $0xb8;
	[tilespmem:$0x19A00] =	vst v63  }
0x45: {  	_ = 	snop  }
0x46: {  	[spmem:s10] =	stream.indirect.scatter.add.f32 [tilespmem:s25], [sflag:$0x3], $0x10, s24, s4, $0xb8;
	[tilespmem:$0x19A00] =	vst v63  }
.LBB2_38:
0x47: {  	_ =	swait.ge [sflag:s31], $0x5000  }
0x48: {  	[sflag:s31] =	ssyncset.done $0x0  }
0x49: {  	[sflag:s31] =	ssyncadd.s32 $0xFFFFB000  }
0x4a: {  	s3 =	stileid.u32;
	[bflag:$0x0] =	sbarrier.arrive $0xFFFF  }
0x4b: {  	s3 =	sshll.u32 s3, $0x6;
	s5 =	rddreg [dreg:$0xc]  }
0x4c: {  	s3 =	sor.u32 $0x1C04, s3;
	s6 =	rddreg [dreg:$0x1d];
	s5 =	sshrl.u32 s5, $0x3  }
0x4d: {  	[hbm:s6], [sflag:s3] =	dma.local [spmem:s5], $0x500  }
0x4e: {  	_ =	swait.ge [sflag:s1], $0x500  }
0x4f: {  	s2 =	sadd.s32 $0x1, s2;
	s13 =	rddreg [dreg:$0x1e]  }
0x50: {  	p1 =	sne.s32 s2, s13  }
.Ltmp1:
0x51: {  	_ = 	snop;
	(pc) =	sbr.rel @!p1 .LBB2_39-.Ltmp1, $3  }
0x52: {  	_ =	sdelay $0x1  }
0x53: {  	[sflag:s1] =	ssyncset.done $0x0  }
0x54: {  	[sflag:s1] =	ssyncadd.s32 $0xFFFFFB00  }
.LBB2_1:
0x55: {  	s3 =	simm.s32 $0x40;
	s5 =	simm.s32 $0x0  }
.LBB2_2:
0x56: {  	p1 =	sne.s32 s3, $0x9FC0;
	[tilespmem:s5+$0x14A00] =	vst v0;
	s5 =	smov.u32 s3;
	s3 =	sadd.s32 $0x40, s3  }
.Ltmp2:
0x57: {  	(pc) =	sbr.rel @p1 .LBB2_2-.Ltmp2, $2  }
0x58: {  	_ =	sdelay $0x2  }
0x59: {  	s5 =	sshra.s32 s5, $0x2  }
0x5a: {  	[tilespmem:s5+$0x14A00] =	vst v0;
	s3 =	rddreg [dreg:$0xc];
	s9 =	simm.s32 $0x14A00  }
0x5b: {  	[spmem:s3] =	stream.linear.scatter [tilespmem:s9], [sflag:$0x4], $0x2800, $0x38;
	[tilespmem:$0x19A00] =	vst v63  }
0x5c: {  	_ =	swait.ge [sflag:s1], $0x2800  }
0x5d: {  	[sflag:s1] =	ssyncset.done $0x0  }
0x5e: {  	[sflag:s1] =	ssyncadd.s32 $0xFFFFD800  }
0x5f: {  	[bflag:$0x0] =	sbarrier.arrive $0xFFFF  }
0x60: {  	s11 =	simm.s32 $0x0;
	s12 =	rddreg [dreg:$0xd]  }
0x61: {  	[tilespmem:s11], [sflag:$0x1] =	stream.linear.gather [hbm4b:s12+s11], $0x500, $0x38;
	[tilespmem:$0x19A00] =	vst v63  }
0x62: {  	s6 =	simm.s32 $0xA00;
	s13 =	rddreg [dreg:$0x4]  }
0x63: {  	[tilespmem:s6], [sflag:$0x1] =	stream.linear.gather [hbm4b:s13+s11], $0x2800, $0x38;
	[tilespmem:$0x19A00] =	vst v63  }
0x64: {  	s7 =	simm.s32 $0x5A00;
	s6 =	rddreg [dreg:$0xe]  }
0x65: {  	[tilespmem:s7], [sflag:$0x1] =	stream.linear.gather [hbm4b:s6+s11], $0x2800, $0x38;
	[tilespmem:$0x19A00] =	vst v63  }
0x66: {  	_ =	swait.ge [sflag:s28], $0x500  }
0x67: {  	[sflag:s28] =	ssyncset.done $0x0  }
0x68: {  	[sflag:s28] =	ssyncadd.s32 $0xFFFFFB00  }
0x69: {  	_ =	swait.ge [sflag:s28], $0x2800  }
0x6a: {  	s8 =	simm.s32 $0x0;
	[sflag:s28] =	ssyncset.done $0x0  }
0x6b: {  	s5 =	sand.u32 $0xFFFFFF80, s8;
	[sflag:s28] =	ssyncadd.s32 $0xFFFFD800  }
0x6c: {  	s8 =	sand.u32 $0x7, s11;
	s9 =	simm.s32 $0x0;
	v2 =	vmov s5;
	_ =	swait.ge [sflag:s28], $0x2800  }
0x6d: {  	s3 =	sand.u32 $0x3FFFFC00, s9;
	v2 =	vshll.u32 v2, $0x4;
	s11 =	sshll.u32 s8, $0x7;
	[sflag:s28] =	ssyncset.done $0x0  }
0x6e: {  	v2 =	vor.u32 v1, v2;
	s11 =	sor.u32 s11, s3;
	[sflag:s28] =	ssyncadd.s32 $0xFFFFD800  }
0x6f: {  	v2 =	vor.u32 s8, v2;
	v3 =	vld [tilespmem:s11+$0xA00];
	_ =	sdelay $0x1  }
0x70: {  	s12 =	sor.u32 $0x10, s5  }
0x71: {  	v4 =	vmov s12  }
0x72: {  	v4 =	vshll.u32 v4, $0x4  }
0x73: {  	[tilespmem:v2+s29+$0x0] =	vst.idx.msk $0xffff, v3;
	v3 =	vor.u32 v1, v4  }
0x74: {  	v4 =	vld [tilespmem:s11+$0xA10];
	v3 =	vor.u32 s8, v3;
	_ =	sdelay $0x1  }
0x75: {  	s13 =	sor.u32 $0x20, s5  }
0x76: {  	v5 =	vmov s13  }
0x77: {  	v5 =	vshll.u32 v5, $0x4  }
0x78: {  	[tilespmem:v3+s29+$0x0] =	vst.idx.msk $0xffff, v4;
	v4 =	vor.u32 v1, v5  }
0x79: {  	v5 =	vld [tilespmem:s11+$0xA20];
	v4 =	vor.u32 s8, v4;
	_ =	sdelay $0x1  }
0x7a: {  	s6 =	sor.u32 $0x30, s5  }
0x7b: {  	v6 =	vmov s6  }
0x7c: {  	v6 =	vshll.u32 v6, $0x4  }
0x7d: {  	[tilespmem:v4+s29+$0x0] =	vst.idx.msk $0xffff, v5;
	v5 =	vor.u32 v1, v6  }
0x7e: {  	v6 =	vld [tilespmem:s11+$0xA30];
	v5 =	vor.u32 s8, v5;
	_ =	sdelay $0x1  }
0x7f: {  	s7 =	sor.u32 $0x40, s5  }
0x80: {  	v7 =	vmov s7  }
0x81: {  	v7 =	vshll.u32 v7, $0x4  }
0x82: {  	[tilespmem:v5+s29+$0x0] =	vst.idx.msk $0xffff, v6;
	v6 =	vor.u32 v1, v7  }
0x83: {  	v7 =	vld [tilespmem:s11+$0xA40];
	v6 =	vor.u32 s8, v6;
	_ =	sdelay $0x1  }
0x84: {  	s9 =	sor.u32 $0x50, s5  }
0x85: {  	v8 =	vmov s9  }
0x86: {  	v8 =	vshll.u32 v8, $0x4  }
0x87: {  	[tilespmem:v6+s29+$0x0] =	vst.idx.msk $0xffff, v7;
	v7 =	vor.u32 v1, v8  }
0x88: {  	v8 =	vld [tilespmem:s11+$0xA50];
	v7 =	vor.u32 s8, v7;
	_ =	sdelay $0x1  }
0x89: {  	s12 =	sor.u32 $0x60, s5  }
0x8a: {  	v9 =	vmov s12  }
0x8b: {  	v9 =	vshll.u32 v9, $0x4  }
0x8c: {  	[tilespmem:v7+s29+$0x0] =	vst.idx.msk $0xffff, v8;
	v8 =	vor.u32 v1, v9  }
0x8d: {  	v9 =	vld [tilespmem:s11+$0xA60];
	v8 =	vor.u32 s8, v8;
	_ =	sdelay $0x1  }
0x8e: {  	s13 =	sor.u32 $0x70, s5  }
0x8f: {  	v10 =	vmov s13  }
0x90: {  	v10 =	vshll.u32 v10, $0x4  }
0x91: {  	[tilespmem:v8+s29+$0x0] =	vst.idx.msk $0xffff, v9;
	v9 =	vor.u32 v1, v10  }
0x92: {  	s5 =	simm.s32 $0x1;
	v10 =	vld [tilespmem:s11+$0xA70];
	v11 =	vor.u32 s8, v9  }
0x93: {  	s3 =	simm.s32 $0x1;
	s7 =	simm.s32 $0x10;
	s6 =	simm.s32 $0x2  }
.LBB2_4:
0x94: {  	p1 =	sne.s32 s6, $0x4F;
	s7 =	sand.u32 $0xFFFFFF80, s7  }
0x95: {  	s12 =	sand.u32 $0x7, s5;
	s9 =	sshll.u32 s5, $0x7;
	s5 =	smov.u32 s6;
	v12 =	vmov s7  }
0x96: {  	s9 =	sand.u32 $0x3FFFFC00, s9;
	s13 =	sshll.u32 s12, $0x7;
	v12 =	vshll.u32 v12, $0x4  }
0x97: {  	s9 =	sor.u32 s13, s9;
	v12 =	vor.u32 v1, v12;
	[tilespmem:v11+s29+$0x0] =	vst.idx.msk $0xffff, v10  }
0x98: {  	v10 =	vld [tilespmem:s9+$0xA00];
	v11 =	vor.u32 s12, v12;
	_ =	sdelay $0x1  }
0x99: {  	s13 =	sor.u32 $0x10, s7  }
0x9a: {  	v12 =	vmov s13  }
0x9b: {  	v12 =	vshll.u32 v12, $0x4  }
0x9c: {  	[tilespmem:v11+s29+$0x0] =	vst.idx.msk $0xffff, v10;
	v10 =	vor.u32 v1, v12  }
0x9d: {  	v11 =	vld [tilespmem:s9+$0xA10];
	v10 =	vor.u32 s12, v10;
	_ =	sdelay $0x1  }
0x9e: {  	s13 =	sor.u32 $0x20, s7  }
0x9f: {  	v12 =	vmov s13  }
0xa0: {  	v12 =	vshll.u32 v12, $0x4  }
0xa1: {  	[tilespmem:v10+s29+$0x0] =	vst.idx.msk $0xffff, v11;
	v10 =	vor.u32 v1, v12  }
0xa2: {  	v11 =	vld [tilespmem:s9+$0xA20];
	v10 =	vor.u32 s12, v10;
	_ =	sdelay $0x1  }
0xa3: {  	s13 =	sor.u32 $0x30, s7  }
0xa4: {  	v12 =	vmov s13  }
0xa5: {  	v12 =	vshll.u32 v12, $0x4  }
0xa6: {  	[tilespmem:v10+s29+$0x0] =	vst.idx.msk $0xffff, v11;
	v10 =	vor.u32 v1, v12  }
0xa7: {  	v11 =	vld [tilespmem:s9+$0xA30];
	v10 =	vor.u32 s12, v10;
	_ =	sdelay $0x1  }
0xa8: {  	s13 =	sor.u32 $0x40, s7  }
0xa9: {  	v12 =	vmov s13  }
0xaa: {  	v12 =	vshll.u32 v12, $0x4  }
0xab: {  	[tilespmem:v10+s29+$0x0] =	vst.idx.msk $0xffff, v11;
	v10 =	vor.u32 v1, v12  }
0xac: {  	v11 =	vld [tilespmem:s9+$0xA40];
	v10 =	vor.u32 s12, v10;
	_ =	sdelay $0x1  }
0xad: {  	s13 =	sor.u32 $0x50, s7  }
0xae: {  	v12 =	vmov s13  }
0xaf: {  	v12 =	vshll.u32 v12, $0x4  }
0xb0: {  	[tilespmem:v10+s29+$0x0] =	vst.idx.msk $0xffff, v11;
	v10 =	vor.u32 v1, v12  }
0xb1: {  	v11 =	vld [tilespmem:s9+$0xA50];
	v10 =	vor.u32 s12, v10;
	_ =	sdelay $0x1  }
0xb2: {  	s13 =	sor.u32 $0x60, s7  }
0xb3: {  	v12 =	vmov s13  }
0xb4: {  	v12 =	vshll.u32 v12, $0x4  }
0xb5: {  	[tilespmem:v10+s29+$0x0] =	vst.idx.msk $0xffff, v11;
	v10 =	vor.u32 v1, v12  }
0xb6: {  	v11 =	vld [tilespmem:s9+$0xA60];
	v10 =	vor.u32 s12, v10;
	_ =	sdelay $0x1  }
0xb7: {  	s7 =	sor.u32 $0x70, s7  }
.Ltmp3:
0xb8: {  	v12 =	vmov s7;
	(pc) =	sbr.rel @p1 .LBB2_4-.Ltmp3, $4  }
0xb9: {  	v12 =	vshll.u32 v12, $0x4  }
0xba: {  	[tilespmem:v10+s29+$0x0] =	vst.idx.msk $0xffff, v11;
	v11 =	vor.u32 v1, v12  }
0xbb: {  	v10 =	vld [tilespmem:s9+$0xA70];
	v11 =	vor.u32 s12, v11  }
0xbc: {  	s6 =	sadd.s32 $0x1, s6;
	s7 =	sshll.u32 s5, $0x4  }
0xbd: {  	_ = 	snop  }
0xbe: {  	s6 =	sand.u32 $0xFFFFFF80, s7  }
0xbf: {  	s7 =	sand.u32 $0x7, s5;
	s9 =	sshll.u32 s5, $0x7;
	v12 =	vmov s6  }
0xc0: {  	s5 =	sand.u32 $0x3FFFFC00, s9;
	s9 =	sshll.u32 s7, $0x7;
	v12 =	vshll.u32 v12, $0x4  }
0xc1: {  	s5 =	sor.u32 s9, s5;
	v12 =	vor.u32 v1, v12;
	[tilespmem:v11+s29+$0x0] =	vst.idx.msk $0xffff, v10  }
0xc2: {  	v10 =	vld [tilespmem:s5+$0xA00];
	v49 =	vor.u32 s7, v12;
	_ =	sdelay $0x1  }
0xc3: {  	s12 =	sor.u32 $0x10, s6  }
0xc4: {  	v50 =	vmov s12  }
0xc5: {  	v12 =	vshll.u32 v50, $0x4  }
0xc6: {  	v51 =	vor.u32 v1, v12;
	[tilespmem:v49+s29+$0x0] =	vst.idx.msk $0xffff, v10  }
0xc7: {  	v10 =	vor.u32 s7, v51;
	v11 =	vld [tilespmem:s5+$0xA10];
	_ =	sdelay $0x1  }
0xc8: {  	s13 =	sor.u32 $0x20, s6  }
0xc9: {  	v52 =	vmov s13  }
0xca: {  	v12 =	vshll.u32 v52, $0x4  }
0xcb: {  	v53 =	vor.u32 v1, v12;
	[tilespmem:v10+s29+$0x0] =	vst.idx.msk $0xffff, v11  }
0xcc: {  	v10 =	vor.u32 s7, v53;
	v11 =	vld [tilespmem:s5+$0xA20];
	_ =	sdelay $0x1  }
0xcd: {  	s12 =	sor.u32 $0x30, s6  }
0xce: {  	v54 =	vmov s12  }
0xcf: {  	v12 =	vshll.u32 v54, $0x4  }
0xd0: {  	v55 =	vor.u32 v1, v12;
	[tilespmem:v10+s29+$0x0] =	vst.idx.msk $0xffff, v11  }
0xd1: {  	v10 =	vor.u32 s7, v55;
	v11 =	vld [tilespmem:s5+$0xA30];
	_ =	sdelay $0x1  }
0xd2: {  	s13 =	sor.u32 $0x40, s6  }
0xd3: {  	v56 =	vmov s13  }
0xd4: {  	v12 =	vshll.u32 v56, $0x4  }
0xd5: {  	v57 =	vor.u32 v1, v12;
	[tilespmem:v10+s29+$0x0] =	vst.idx.msk $0xffff, v11  }
0xd6: {  	v10 =	vor.u32 s7, v57;
	v11 =	vld [tilespmem:s5+$0xA40];
	_ =	sdelay $0x1  }
0xd7: {  	s12 =	sor.u32 $0x50, s6  }
0xd8: {  	v58 =	vmov s12  }
0xd9: {  	v12 =	vshll.u32 v58, $0x4  }
0xda: {  	v59 =	vor.u32 v1, v12;
	[tilespmem:v10+s29+$0x0] =	vst.idx.msk $0xffff, v11  }
0xdb: {  	v10 =	vor.u32 s7, v59;
	v11 =	vld [tilespmem:s5+$0xA50];
	_ =	sdelay $0x1  }
0xdc: {  	s13 =	sor.u32 $0x60, s6  }
0xdd: {  	v60 =	vmov s13  }
0xde: {  	v12 =	vshll.u32 v60, $0x4  }
0xdf: {  	v61 =	vor.u32 v1, v12;
	[tilespmem:v10+s29+$0x0] =	vst.idx.msk $0xffff, v11  }
0xe0: {  	v10 =	vor.u32 s7, v61;
	v11 =	vld [tilespmem:s5+$0xA60];
	_ =	sdelay $0x1  }
0xe1: {  	s6 =	sor.u32 $0x70, s6  }
0xe2: {  	v62 =	vmov s6  }
0xe3: {  	v12 =	vshll.u32 v62, $0x4  }
0xe4: {  	v63 =	vor.u32 v1, v12;
	[tilespmem:v10+s29+$0x0] =	vst.idx.msk $0xffff, v11  }
0xe5: {  	v10 =	vor.u32 s7, v63;
	v11 =	vld [tilespmem:s5+$0xA70];
	_ =	sdelay $0x4  }
0xe6: {  	[tilespmem:v10+s29+$0x0] =	vst.idx.msk $0xffff, v11  }
0xe7: {  	v2 =	vor.u32 $0x8, v2;
	v10 =	vld [tilespmem:s11+$0x5A00];
	_ =	sdelay $0x4  }
0xe8: {  	[tilespmem:v2+s29+$0x0] =	vst.idx.msk $0xffff, v10  }
0xe9: {  	v3 =	vor.u32 $0x8, v3;
	v2 =	vld [tilespmem:s11+$0x5A10];
	_ =	sdelay $0x4  }
0xea: {  	[tilespmem:v3+s29+$0x0] =	vst.idx.msk $0xffff, v2  }
0xeb: {  	v3 =	vor.u32 $0x8, v4;
	v2 =	vld [tilespmem:s11+$0x5A20];
	_ =	sdelay $0x4  }
0xec: {  	[tilespmem:v3+s29+$0x0] =	vst.idx.msk $0xffff, v2  }
0xed: {  	v3 =	vor.u32 $0x8, v5;
	v2 =	vld [tilespmem:s11+$0x5A30];
	_ =	sdelay $0x4  }
0xee: {  	[tilespmem:v3+s29+$0x0] =	vst.idx.msk $0xffff, v2  }
0xef: {  	v3 =	vor.u32 $0x8, v6;
	v2 =	vld [tilespmem:s11+$0x5A40];
	_ =	sdelay $0x4  }
0xf0: {  	[tilespmem:v3+s29+$0x0] =	vst.idx.msk $0xffff, v2  }
0xf1: {  	v3 =	vor.u32 $0x8, v7;
	v2 =	vld [tilespmem:s11+$0x5A50];
	_ =	sdelay $0x4  }
0xf2: {  	[tilespmem:v3+s29+$0x0] =	vst.idx.msk $0xffff, v2  }
0xf3: {  	v3 =	vor.u32 $0x8, v8;
	v2 =	vld [tilespmem:s11+$0x5A60];
	_ =	sdelay $0x4  }
0xf4: {  	[tilespmem:v3+s29+$0x0] =	vst.idx.msk $0xffff, v2;
	v3 =	vor.u32 s8, v9  }
0xf5: {  	s5 =	simm.s32 $0x10;
	s8 =	simm.s32 $0x2;
	v2 =	vld [tilespmem:s11+$0x5A70];
	v3 =	vor.u32 $0x8, v3  }
.LBB2_6:
0xf6: {  	p1 =	sne.s32 s8, $0x4F;
	s11 =	sand.u32 $0xFFFFFF80, s5  }
0xf7: {  	v4 =	vmov s11  }
0xf8: {  	s5 =	sand.u32 $0x7, s3;
	s6 =	sshll.u32 s3, $0x7;
	s3 =	smov.u32 s8;
	v4 =	vshll.u32 v4, $0x4  }
0xf9: {  	s6 =	sand.u32 $0x3FFFFC00, s6;
	s7 =	sshll.u32 s5, $0x7;
	v4 =	vor.u32 v1, v4  }
0xfa: {  	s6 =	sor.u32 s7, s6;
	v4 =	vor.u32 s5, v4;
	[tilespmem:v3+s29+$0x0] =	vst.idx.msk $0xffff, v2  }
0xfb: {  	v2 =	vld [tilespmem:s6+$0x5A00];
	v3 =	vor.u32 $0x8, v4  }
0xfc: {  	s7 =	sor.u32 $0x10, s11  }
0xfd: {  	v4 =	vmov s7  }
0xfe: {  	v4 =	vshll.u32 v4, $0x4  }
0xff: {  	v4 =	vor.u32 v1, v4  }
0x100: {  	[tilespmem:v3+s29+$0x0] =	vst.idx.msk $0xffff, v2;
	v2 =	vor.u32 s5, v4  }
0x101: {  	v3 =	vld [tilespmem:s6+$0x5A10];
	v2 =	vor.u32 $0x8, v2  }
0x102: {  	s7 =	sor.u32 $0x20, s11  }
0x103: {  	v4 =	vmov s7  }
0x104: {  	v4 =	vshll.u32 v4, $0x4  }
0x105: {  	v4 =	vor.u32 v1, v4  }
0x106: {  	[tilespmem:v2+s29+$0x0] =	vst.idx.msk $0xffff, v3;
	v2 =	vor.u32 s5, v4  }
0x107: {  	v3 =	vld [tilespmem:s6+$0x5A20];
	v2 =	vor.u32 $0x8, v2  }
0x108: {  	s7 =	sor.u32 $0x30, s11  }
0x109: {  	v4 =	vmov s7  }
0x10a: {  	v4 =	vshll.u32 v4, $0x4  }
0x10b: {  	v4 =	vor.u32 v1, v4  }
0x10c: {  	[tilespmem:v2+s29+$0x0] =	vst.idx.msk $0xffff, v3;
	v2 =	vor.u32 s5, v4  }
0x10d: {  	v3 =	vld [tilespmem:s6+$0x5A30];
	v2 =	vor.u32 $0x8, v2  }
0x10e: {  	s7 =	sor.u32 $0x40, s11  }
0x10f: {  	v4 =	vmov s7  }
0x110: {  	v4 =	vshll.u32 v4, $0x4  }
0x111: {  	v4 =	vor.u32 v1, v4  }
0x112: {  	[tilespmem:v2+s29+$0x0] =	vst.idx.msk $0xffff, v3;
	v2 =	vor.u32 s5, v4  }
0x113: {  	v3 =	vld [tilespmem:s6+$0x5A40];
	v2 =	vor.u32 $0x8, v2  }
0x114: {  	s7 =	sor.u32 $0x50, s11  }
0x115: {  	v4 =	vmov s7  }
0x116: {  	v4 =	vshll.u32 v4, $0x4  }
0x117: {  	v4 =	vor.u32 v1, v4  }
0x118: {  	[tilespmem:v2+s29+$0x0] =	vst.idx.msk $0xffff, v3;
	v2 =	vor.u32 s5, v4  }
0x119: {  	v3 =	vld [tilespmem:s6+$0x5A50];
	v2 =	vor.u32 $0x8, v2  }
0x11a: {  	s7 =	sor.u32 $0x60, s11  }
0x11b: {  	v4 =	vmov s7  }
0x11c: {  	v4 =	vshll.u32 v4, $0x4  }
0x11d: {  	v4 =	vor.u32 v1, v4  }
0x11e: {  	[tilespmem:v2+s29+$0x0] =	vst.idx.msk $0xffff, v3;
	v2 =	vor.u32 s5, v4  }
0x11f: {  	v3 =	vld [tilespmem:s6+$0x5A60];
	v2 =	vor.u32 $0x8, v2  }
0x120: {  	s7 =	sor.u32 $0x70, s11  }
.Ltmp4:
0x121: {  	v4 =	vmov s7;
	(pc) =	sbr.rel @p1 .LBB2_6-.Ltmp4, $4  }
0x122: {  	v4 =	vshll.u32 v4, $0x4  }
0x123: {  	v4 =	vor.u32 v1, v4  }
0x124: {  	[tilespmem:v2+s29+$0x0] =	vst.idx.msk $0xffff, v3;
	v3 =	vor.u32 s5, v4  }
0x125: {  	s8 =	sadd.s32 $0x1, s8;
	s5 =	sshll.u32 s3, $0x4;
	v2 =	vld [tilespmem:s6+$0x5A70];
	v3 =	vor.u32 $0x8, v3  }
0x126: {  	s6 =	sand.u32 $0xFFFFFF80, s5  }
0x127: {  	v4 =	vmov s6  }
0x128: {  	s5 =	sand.u32 $0x7, s3;
	s11 =	sshll.u32 s3, $0x7;
	v4 =	vshll.u32 v4, $0x4  }
0x129: {  	s3 =	sand.u32 $0x3FFFFC00, s11;
	s7 =	sshll.u32 s5, $0x7;
	v4 =	vor.u32 v1, v4  }
0x12a: {  	s3 =	sor.u32 s7, s3;
	v4 =	vor.u32 s5, v4;
	[tilespmem:v3+s29+$0x0] =	vst.idx.msk $0xffff, v2  }
0x12b: {  	v2 =	vld [tilespmem:s3+$0x5A00];
	v3 =	vor.u32 $0x8, v4  }
0x12c: {  	s12 =	sor.u32 $0x10, s6  }
0x12d: {  	v4 =	vmov s12  }
0x12e: {  	v4 =	vshll.u32 v4, $0x4  }
0x12f: {  	v4 =	vor.u32 v1, v4  }
0x130: {  	[tilespmem:v3+s29+$0x0] =	vst.idx.msk $0xffff, v2;
	v2 =	vor.u32 s5, v4  }
0x131: {  	v3 =	vld [tilespmem:s3+$0x5A10];
	v2 =	vor.u32 $0x8, v2  }
0x132: {  	s13 =	sor.u32 $0x20, s6  }
0x133: {  	v4 =	vmov s13  }
0x134: {  	v4 =	vshll.u32 v4, $0x4  }
0x135: {  	v4 =	vor.u32 v1, v4  }
0x136: {  	[tilespmem:v2+s29+$0x0] =	vst.idx.msk $0xffff, v3;
	v2 =	vor.u32 s5, v4  }
0x137: {  	v3 =	vld [tilespmem:s3+$0x5A20];
	v2 =	vor.u32 $0x8, v2  }
0x138: {  	s8 =	sor.u32 $0x30, s6  }
0x139: {  	v4 =	vmov s8  }
0x13a: {  	v4 =	vshll.u32 v4, $0x4  }
0x13b: {  	v4 =	vor.u32 v1, v4  }
0x13c: {  	[tilespmem:v2+s29+$0x0] =	vst.idx.msk $0xffff, v3;
	v2 =	vor.u32 s5, v4  }
0x13d: {  	v3 =	vld [tilespmem:s3+$0x5A30];
	v2 =	vor.u32 $0x8, v2  }
0x13e: {  	s9 =	sor.u32 $0x40, s6  }
0x13f: {  	v4 =	vmov s9  }
0x140: {  	v4 =	vshll.u32 v4, $0x4  }
0x141: {  	v4 =	vor.u32 v1, v4  }
0x142: {  	[tilespmem:v2+s29+$0x0] =	vst.idx.msk $0xffff, v3;
	v2 =	vor.u32 s5, v4  }
0x143: {  	v3 =	vld [tilespmem:s3+$0x5A40];
	v2 =	vor.u32 $0x8, v2  }
0x144: {  	s11 =	sor.u32 $0x50, s6  }
0x145: {  	v4 =	vmov s11  }
0x146: {  	v4 =	vshll.u32 v4, $0x4  }
0x147: {  	v4 =	vor.u32 v1, v4  }
0x148: {  	[tilespmem:v2+s29+$0x0] =	vst.idx.msk $0xffff, v3;
	v2 =	vor.u32 s5, v4  }
0x149: {  	v3 =	vld [tilespmem:s3+$0x5A50];
	v2 =	vor.u32 $0x8, v2  }
0x14a: {  	s12 =	sor.u32 $0x60, s6  }
0x14b: {  	v4 =	vmov s12  }
0x14c: {  	v4 =	vshll.u32 v4, $0x4  }
0x14d: {  	v4 =	vor.u32 v1, v4  }
0x14e: {  	[tilespmem:v2+s29+$0x0] =	vst.idx.msk $0xffff, v3;
	v2 =	vor.u32 s5, v4  }
0x14f: {  	v3 =	vld [tilespmem:s3+$0x5A60];
	v2 =	vor.u32 $0x8, v2  }
0x150: {  	s6 =	sor.u32 $0x70, s6  }
0x151: {  	v4 =	vmov s6  }
0x152: {  	v4 =	vshll.u32 v4, $0x4  }
0x153: {  	v4 =	vor.u32 v1, v4  }
0x154: {  	[tilespmem:v2+s29+$0x0] =	vst.idx.msk $0xffff, v3;
	v2 =	vor.u32 s5, v4  }
0x155: {  	v3 =	vld [tilespmem:s3+$0x5A70];
	v2 =	vor.u32 $0x8, v2;
	_ =	sdelay $0x4  }
0x156: {  	s13 =	rddreg [dreg:$0xf];
	s3 =	simm.s32 $0x0;
	[tilespmem:v2+s29+$0x0] =	vst.idx.msk $0xffff, v3  }
0x157: {  	[tilespmem:s0], [sflag:$0x2] =	stream.linear.gather [hbm4b:s13+s3], $0x500, $0x38;
	[tilespmem:$0x19A00] =	vst v63  }
0x158: {  	s7 =	simm.s32 $0x3200;
	s6 =	rddreg [dreg:$0x5]  }
0x159: {  	[tilespmem:s7], [sflag:$0x2] =	stream.linear.gather [hbm4b:s6+s3], $0x2800, $0x38;
	[tilespmem:$0x19A00] =	vst v63  }
0x15a: {  	s8 =	rddreg [dreg:$0x10];
	s9 =	simm.s32 $0x8200  }
0x15b: {  	[tilespmem:s9], [sflag:$0x2] =	stream.linear.gather [hbm4b:s8+s3], $0x2800, $0x38;
	[tilespmem:$0x19A00] =	vst v63  }
0x15c: {  	_ = 	snop  }
0x15d: {  	[spmem:s10] =	stream.indirect.scatter.add.f32 [tilespmem:s29], [sflag:$0x3], $0x10, s3, s4, $0xb8;
	[tilespmem:$0x19A00] =	vst v63  }
0x15e: {  	s11 =	simm.s32 $0xB200  }
0x15f: {  	[spmem:s10] =	stream.indirect.scatter.add.f32 [tilespmem:s11], [sflag:$0x3], $0x10, s4, s4, $0xb8;
	[tilespmem:$0x19A00] =	vst v63  }
0x160: {  	s12 =	simm.s32 $0x100;
	s13 =	simm.s32 $0xBA00  }
0x161: {  	[spmem:s10] =	stream.indirect.scatter.add.f32 [tilespmem:s13], [sflag:$0x3], $0x10, s12, s4, $0xb8;
	[tilespmem:$0x19A00] =	vst v63  }
0x162: {  	s6 =	simm.s32 $0x180;
	s7 =	simm.s32 $0xC200  }
0x163: {  	[spmem:s10] =	stream.indirect.scatter.add.f32 [tilespmem:s7], [sflag:$0x3], $0x10, s6, s4, $0xb8;
	[tilespmem:$0x19A00] =	vst v63  }
0x164: {  	_ = 	snop  }
0x165: {  	[spmem:s10] =	stream.indirect.scatter.add.f32 [tilespmem:s15], [sflag:$0x3], $0x10, s14, s4, $0xb8;
	[tilespmem:$0x19A00] =	vst v63  }
0x166: {  	_ = 	snop  }
0x167: {  	[spmem:s10] =	stream.indirect.scatter.add.f32 [tilespmem:s17], [sflag:$0x3], $0x10, s16, s4, $0xb8;
	[tilespmem:$0x19A00] =	vst v63  }
0x168: {  	_ = 	snop  }
0x169: {  	[spmem:s10] =	stream.indirect.scatter.add.f32 [tilespmem:s19], [sflag:$0x3], $0x10, s18, s4, $0xb8;
	[tilespmem:$0x19A00] =	vst v63  }
0x16a: {  	_ = 	snop  }
0x16b: {  	[spmem:s10] =	stream.indirect.scatter.add.f32 [tilespmem:s21], [sflag:$0x3], $0x10, s20, s4, $0xb8;
	[tilespmem:$0x19A00] =	vst v63  }
0x16c: {  	_ = 	snop  }
0x16d: {  	[spmem:s10] =	stream.indirect.scatter.add.f32 [tilespmem:s23], [sflag:$0x3], $0x10, s22, s4, $0xb8;
	[tilespmem:$0x19A00] =	vst v63  }
0x16e: {  	_ = 	snop  }
0x16f: {  	[spmem:s10] =	stream.indirect.scatter.add.f32 [tilespmem:s25], [sflag:$0x3], $0x10, s24, s4, $0xb8;
	[tilespmem:$0x19A00] =	vst v63  }
0x170: {  	_ =	swait.ge [sflag:s26], $0x500  }
0x171: {  	[sflag:s26] =	ssyncset.done $0x0  }
0x172: {  	[sflag:s26] =	ssyncadd.s32 $0xFFFFFB00  }
0x173: {  	_ =	swait.ge [sflag:s26], $0x2800  }
0x174: {  	s8 =	simm.s32 $0x0;
	[sflag:s26] =	ssyncset.done $0x0  }
0x175: {  	s5 =	sand.u32 $0xFFFFFF80, s8;
	[sflag:s26] =	ssyncadd.s32 $0xFFFFD800  }
0x176: {  	s9 =	simm.s32 $0x0;
	s8 =	sand.u32 $0x7, s3;
	v2 =	vmov s5;
	_ =	swait.ge [sflag:s26], $0x2800  }
0x177: {  	s3 =	sand.u32 $0x3FFFFC00, s9;
	v2 =	vshll.u32 v2, $0x4;
	s11 =	sshll.u32 s8, $0x7;
	[sflag:s26] =	ssyncset.done $0x0  }
0x178: {  	v2 =	vor.u32 v1, v2;
	s11 =	sor.u32 s11, s3;
	[sflag:s26] =	ssyncadd.s32 $0xFFFFD800  }
0x179: {  	v2 =	vor.u32 s8, v2;
	v3 =	vld [tilespmem:s11+$0x3200];
	_ =	sdelay $0x1  }
0x17a: {  	s12 =	sor.u32 $0x10, s5  }
0x17b: {  	v4 =	vmov s12  }
0x17c: {  	v4 =	vshll.u32 v4, $0x4  }
0x17d: {  	[tilespmem:v2+s30+$0x0] =	vst.idx.msk $0xffff, v3;
	v3 =	vor.u32 v1, v4  }
0x17e: {  	v4 =	vld [tilespmem:s11+$0x3210];
	v3 =	vor.u32 s8, v3;
	_ =	sdelay $0x1  }
0x17f: {  	s13 =	sor.u32 $0x20, s5  }
0x180: {  	v5 =	vmov s13  }
0x181: {  	v5 =	vshll.u32 v5, $0x4  }
0x182: {  	[tilespmem:v3+s30+$0x0] =	vst.idx.msk $0xffff, v4;
	v4 =	vor.u32 v1, v5  }
0x183: {  	v5 =	vld [tilespmem:s11+$0x3220];
	v4 =	vor.u32 s8, v4;
	_ =	sdelay $0x1  }
0x184: {  	s6 =	sor.u32 $0x30, s5  }
0x185: {  	v6 =	vmov s6  }
0x186: {  	v6 =	vshll.u32 v6, $0x4  }
0x187: {  	[tilespmem:v4+s30+$0x0] =	vst.idx.msk $0xffff, v5;
	v5 =	vor.u32 v1, v6  }
0x188: {  	v6 =	vld [tilespmem:s11+$0x3230];
	v5 =	vor.u32 s8, v5;
	_ =	sdelay $0x1  }
0x189: {  	s7 =	sor.u32 $0x40, s5  }
0x18a: {  	v7 =	vmov s7  }
0x18b: {  	v7 =	vshll.u32 v7, $0x4  }
0x18c: {  	[tilespmem:v5+s30+$0x0] =	vst.idx.msk $0xffff, v6;
	v6 =	vor.u32 v1, v7  }
0x18d: {  	v7 =	vld [tilespmem:s11+$0x3240];
	v6 =	vor.u32 s8, v6;
	_ =	sdelay $0x1  }
0x18e: {  	s9 =	sor.u32 $0x50, s5  }
0x18f: {  	v8 =	vmov s9  }
0x190: {  	v8 =	vshll.u32 v8, $0x4  }
0x191: {  	[tilespmem:v6+s30+$0x0] =	vst.idx.msk $0xffff, v7;
	v7 =	vor.u32 v1, v8  }
0x192: {  	v8 =	vld [tilespmem:s11+$0x3250];
	v7 =	vor.u32 s8, v7;
	_ =	sdelay $0x1  }
0x193: {  	s12 =	sor.u32 $0x60, s5  }
0x194: {  	v9 =	vmov s12  }
0x195: {  	v9 =	vshll.u32 v9, $0x4  }
0x196: {  	[tilespmem:v7+s30+$0x0] =	vst.idx.msk $0xffff, v8;
	v8 =	vor.u32 v1, v9  }
0x197: {  	v9 =	vld [tilespmem:s11+$0x3260];
	v8 =	vor.u32 s8, v8;
	_ =	sdelay $0x1  }
0x198: {  	s13 =	sor.u32 $0x70, s5  }
0x199: {  	v10 =	vmov s13  }
0x19a: {  	v10 =	vshll.u32 v10, $0x4  }
0x19b: {  	[tilespmem:v8+s30+$0x0] =	vst.idx.msk $0xffff, v9;
	v9 =	vor.u32 v1, v10  }
0x19c: {  	s3 =	simm.s32 $0x1;
	v10 =	vld [tilespmem:s11+$0x3270];
	v11 =	vor.u32 s8, v9  }
0x19d: {  	s5 =	simm.s32 $0x1;
	s7 =	simm.s32 $0x10;
	s6 =	simm.s32 $0x2  }
.LBB2_8:
0x19e: {  	p1 =	sne.s32 s6, $0x4F;
	s7 =	sand.u32 $0xFFFFFF80, s7  }
0x19f: {  	s12 =	sand.u32 $0x7, s5;
	s9 =	sshll.u32 s5, $0x7;
	s5 =	smov.u32 s6;
	v12 =	vmov s7  }
0x1a0: {  	s9 =	sand.u32 $0x3FFFFC00, s9;
	s13 =	sshll.u32 s12, $0x7;
	v12 =	vshll.u32 v12, $0x4  }
0x1a1: {  	s9 =	sor.u32 s13, s9;
	v12 =	vor.u32 v1, v12;
	[tilespmem:v11+s30+$0x0] =	vst.idx.msk $0xffff, v10  }
0x1a2: {  	v10 =	vld [tilespmem:s9+$0x3200];
	v11 =	vor.u32 s12, v12;
	_ =	sdelay $0x1  }
0x1a3: {  	s13 =	sor.u32 $0x10, s7  }
0x1a4: {  	v12 =	vmov s13  }
0x1a5: {  	v12 =	vshll.u32 v12, $0x4  }
0x1a6: {  	[tilespmem:v11+s30+$0x0] =	vst.idx.msk $0xffff, v10;
	v10 =	vor.u32 v1, v12  }
0x1a7: {  	v11 =	vld [tilespmem:s9+$0x3210];
	v10 =	vor.u32 s12, v10;
	_ =	sdelay $0x1  }
0x1a8: {  	s13 =	sor.u32 $0x20, s7  }
0x1a9: {  	v12 =	vmov s13  }
0x1aa: {  	v12 =	vshll.u32 v12, $0x4  }
0x1ab: {  	[tilespmem:v10+s30+$0x0] =	vst.idx.msk $0xffff, v11;
	v10 =	vor.u32 v1, v12  }
0x1ac: {  	v11 =	vld [tilespmem:s9+$0x3220];
	v10 =	vor.u32 s12, v10;
	_ =	sdelay $0x1  }
0x1ad: {  	s13 =	sor.u32 $0x30, s7  }
0x1ae: {  	v12 =	vmov s13  }
0x1af: {  	v12 =	vshll.u32 v12, $0x4  }
0x1b0: {  	[tilespmem:v10+s30+$0x0] =	vst.idx.msk $0xffff, v11;
	v10 =	vor.u32 v1, v12  }
0x1b1: {  	v11 =	vld [tilespmem:s9+$0x3230];
	v10 =	vor.u32 s12, v10;
	_ =	sdelay $0x1  }
0x1b2: {  	s13 =	sor.u32 $0x40, s7  }
0x1b3: {  	v12 =	vmov s13  }
0x1b4: {  	v12 =	vshll.u32 v12, $0x4  }
0x1b5: {  	[tilespmem:v10+s30+$0x0] =	vst.idx.msk $0xffff, v11;
	v10 =	vor.u32 v1, v12  }
0x1b6: {  	v11 =	vld [tilespmem:s9+$0x3240];
	v10 =	vor.u32 s12, v10;
	_ =	sdelay $0x1  }
0x1b7: {  	s13 =	sor.u32 $0x50, s7  }
0x1b8: {  	v12 =	vmov s13  }
0x1b9: {  	v12 =	vshll.u32 v12, $0x4  }
0x1ba: {  	[tilespmem:v10+s30+$0x0] =	vst.idx.msk $0xffff, v11;
	v10 =	vor.u32 v1, v12  }
0x1bb: {  	v11 =	vld [tilespmem:s9+$0x3250];
	v10 =	vor.u32 s12, v10;
	_ =	sdelay $0x1  }
0x1bc: {  	s13 =	sor.u32 $0x60, s7  }
0x1bd: {  	v12 =	vmov s13  }
0x1be: {  	v12 =	vshll.u32 v12, $0x4  }
0x1bf: {  	[tilespmem:v10+s30+$0x0] =	vst.idx.msk $0xffff, v11;
	v10 =	vor.u32 v1, v12  }
0x1c0: {  	v11 =	vld [tilespmem:s9+$0x3260];
	v10 =	vor.u32 s12, v10;
	_ =	sdelay $0x1  }
0x1c1: {  	s7 =	sor.u32 $0x70, s7  }
.Ltmp5:
0x1c2: {  	v12 =	vmov s7;
	(pc) =	sbr.rel @p1 .LBB2_8-.Ltmp5, $4  }
0x1c3: {  	v12 =	vshll.u32 v12, $0x4  }
0x1c4: {  	[tilespmem:v10+s30+$0x0] =	vst.idx.msk $0xffff, v11;
	v11 =	vor.u32 v1, v12  }
0x1c5: {  	v10 =	vld [tilespmem:s9+$0x3270];
	v11 =	vor.u32 s12, v11  }
0x1c6: {  	s6 =	sadd.s32 $0x1, s6;
	s7 =	sshll.u32 s5, $0x4  }
0x1c7: {  	_ = 	snop  }
0x1c8: {  	s6 =	sand.u32 $0xFFFFFF80, s7  }
0x1c9: {  	s7 =	sand.u32 $0x7, s5;
	s9 =	sshll.u32 s5, $0x7;
	v12 =	vmov s6  }
0x1ca: {  	s5 =	sand.u32 $0x3FFFFC00, s9;
	s9 =	sshll.u32 s7, $0x7;
	v12 =	vshll.u32 v12, $0x4  }
0x1cb: {  	s5 =	sor.u32 s9, s5;
	v12 =	vor.u32 v1, v12;
	[tilespmem:v11+s30+$0x0] =	vst.idx.msk $0xffff, v10  }
0x1cc: {  	v10 =	vld [tilespmem:s5+$0x3200];
	v49 =	vor.u32 s7, v12;
	_ =	sdelay $0x1  }
0x1cd: {  	s12 =	sor.u32 $0x10, s6  }
0x1ce: {  	v50 =	vmov s12  }
0x1cf: {  	v12 =	vshll.u32 v50, $0x4  }
0x1d0: {  	v51 =	vor.u32 v1, v12;
	[tilespmem:v49+s30+$0x0] =	vst.idx.msk $0xffff, v10  }
0x1d1: {  	v10 =	vor.u32 s7, v51;
	v11 =	vld [tilespmem:s5+$0x3210];
	_ =	sdelay $0x1  }
0x1d2: {  	s13 =	sor.u32 $0x20, s6  }
0x1d3: {  	v52 =	vmov s13  }
0x1d4: {  	v12 =	vshll.u32 v52, $0x4  }
0x1d5: {  	v53 =	vor.u32 v1, v12;
	[tilespmem:v10+s30+$0x0] =	vst.idx.msk $0xffff, v11  }
0x1d6: {  	v10 =	vor.u32 s7, v53;
	v11 =	vld [tilespmem:s5+$0x3220];
	_ =	sdelay $0x1  }
0x1d7: {  	s12 =	sor.u32 $0x30, s6  }
0x1d8: {  	v54 =	vmov s12  }
0x1d9: {  	v12 =	vshll.u32 v54, $0x4  }
0x1da: {  	v55 =	vor.u32 v1, v12;
	[tilespmem:v10+s30+$0x0] =	vst.idx.msk $0xffff, v11  }
0x1db: {  	v10 =	vor.u32 s7, v55;
	v11 =	vld [tilespmem:s5+$0x3230];
	_ =	sdelay $0x1  }
0x1dc: {  	s13 =	sor.u32 $0x40, s6  }
0x1dd: {  	v56 =	vmov s13  }
0x1de: {  	v12 =	vshll.u32 v56, $0x4  }
0x1df: {  	v57 =	vor.u32 v1, v12;
	[tilespmem:v10+s30+$0x0] =	vst.idx.msk $0xffff, v11  }
0x1e0: {  	v10 =	vor.u32 s7, v57;
	v11 =	vld [tilespmem:s5+$0x3240];
	_ =	sdelay $0x1  }
0x1e1: {  	s12 =	sor.u32 $0x50, s6  }
0x1e2: {  	v58 =	vmov s12  }
0x1e3: {  	v12 =	vshll.u32 v58, $0x4  }
0x1e4: {  	v59 =	vor.u32 v1, v12;
	[tilespmem:v10+s30+$0x0] =	vst.idx.msk $0xffff, v11  }
0x1e5: {  	v10 =	vor.u32 s7, v59;
	v11 =	vld [tilespmem:s5+$0x3250];
	_ =	sdelay $0x1  }
0x1e6: {  	s13 =	sor.u32 $0x60, s6  }
0x1e7: {  	v60 =	vmov s13  }
0x1e8: {  	v12 =	vshll.u32 v60, $0x4  }
0x1e9: {  	v61 =	vor.u32 v1, v12;
	[tilespmem:v10+s30+$0x0] =	vst.idx.msk $0xffff, v11  }
0x1ea: {  	v10 =	vor.u32 s7, v61;
	v11 =	vld [tilespmem:s5+$0x3260];
	_ =	sdelay $0x1  }
0x1eb: {  	s6 =	sor.u32 $0x70, s6  }
0x1ec: {  	v62 =	vmov s6  }
0x1ed: {  	v12 =	vshll.u32 v62, $0x4  }
0x1ee: {  	v63 =	vor.u32 v1, v12;
	[tilespmem:v10+s30+$0x0] =	vst.idx.msk $0xffff, v11  }
0x1ef: {  	v10 =	vor.u32 s7, v63;
	v11 =	vld [tilespmem:s5+$0x3270];
	_ =	sdelay $0x4  }
0x1f0: {  	[tilespmem:v10+s30+$0x0] =	vst.idx.msk $0xffff, v11  }
0x1f1: {  	v2 =	vor.u32 $0x8, v2;
	v10 =	vld [tilespmem:s11+$0x8200];
	_ =	sdelay $0x4  }
0x1f2: {  	[tilespmem:v2+s30+$0x0] =	vst.idx.msk $0xffff, v10  }
0x1f3: {  	v3 =	vor.u32 $0x8, v3;
	v2 =	vld [tilespmem:s11+$0x8210];
	_ =	sdelay $0x4  }
0x1f4: {  	[tilespmem:v3+s30+$0x0] =	vst.idx.msk $0xffff, v2  }
0x1f5: {  	v3 =	vor.u32 $0x8, v4;
	v2 =	vld [tilespmem:s11+$0x8220];
	_ =	sdelay $0x4  }
0x1f6: {  	[tilespmem:v3+s30+$0x0] =	vst.idx.msk $0xffff, v2  }
0x1f7: {  	v3 =	vor.u32 $0x8, v5;
	v2 =	vld [tilespmem:s11+$0x8230];
	_ =	sdelay $0x4  }
0x1f8: {  	[tilespmem:v3+s30+$0x0] =	vst.idx.msk $0xffff, v2  }
0x1f9: {  	v3 =	vor.u32 $0x8, v6;
	v2 =	vld [tilespmem:s11+$0x8240];
	_ =	sdelay $0x4  }
0x1fa: {  	[tilespmem:v3+s30+$0x0] =	vst.idx.msk $0xffff, v2  }
0x1fb: {  	v3 =	vor.u32 $0x8, v7;
	v2 =	vld [tilespmem:s11+$0x8250];
	_ =	sdelay $0x4  }
0x1fc: {  	[tilespmem:v3+s30+$0x0] =	vst.idx.msk $0xffff, v2  }
0x1fd: {  	v3 =	vor.u32 $0x8, v8;
	v2 =	vld [tilespmem:s11+$0x8260];
	_ =	sdelay $0x4  }
0x1fe: {  	[tilespmem:v3+s30+$0x0] =	vst.idx.msk $0xffff, v2;
	v3 =	vor.u32 s8, v9  }
0x1ff: {  	s5 =	simm.s32 $0x10;
	s8 =	simm.s32 $0x2;
	v2 =	vld [tilespmem:s11+$0x8270];
	v3 =	vor.u32 $0x8, v3  }
.LBB2_10:
0x200: {  	p1 =	sne.s32 s8, $0x4F;
	s11 =	sand.u32 $0xFFFFFF80, s5  }
0x201: {  	v4 =	vmov s11  }
0x202: {  	s5 =	sand.u32 $0x7, s3;
	s6 =	sshll.u32 s3, $0x7;
	s3 =	smov.u32 s8;
	v4 =	vshll.u32 v4, $0x4  }
0x203: {  	s6 =	sand.u32 $0x3FFFFC00, s6;
	s7 =	sshll.u32 s5, $0x7;
	v4 =	vor.u32 v1, v4  }
0x204: {  	s6 =	sor.u32 s7, s6;
	v4 =	vor.u32 s5, v4;
	[tilespmem:v3+s30+$0x0] =	vst.idx.msk $0xffff, v2  }
0x205: {  	v2 =	vld [tilespmem:s6+$0x8200];
	v3 =	vor.u32 $0x8, v4  }
0x206: {  	s7 =	sor.u32 $0x10, s11  }
0x207: {  	v4 =	vmov s7  }
0x208: {  	v4 =	vshll.u32 v4, $0x4  }
0x209: {  	v4 =	vor.u32 v1, v4  }
0x20a: {  	[tilespmem:v3+s30+$0x0] =	vst.idx.msk $0xffff, v2;
	v2 =	vor.u32 s5, v4  }
0x20b: {  	v3 =	vld [tilespmem:s6+$0x8210];
	v2 =	vor.u32 $0x8, v2  }
0x20c: {  	s7 =	sor.u32 $0x20, s11  }
0x20d: {  	v4 =	vmov s7  }
0x20e: {  	v4 =	vshll.u32 v4, $0x4  }
0x20f: {  	v4 =	vor.u32 v1, v4  }
0x210: {  	[tilespmem:v2+s30+$0x0] =	vst.idx.msk $0xffff, v3;
	v2 =	vor.u32 s5, v4  }
0x211: {  	v3 =	vld [tilespmem:s6+$0x8220];
	v2 =	vor.u32 $0x8, v2  }
0x212: {  	s7 =	sor.u32 $0x30, s11  }
0x213: {  	v4 =	vmov s7  }
0x214: {  	v4 =	vshll.u32 v4, $0x4  }
0x215: {  	v4 =	vor.u32 v1, v4  }
0x216: {  	[tilespmem:v2+s30+$0x0] =	vst.idx.msk $0xffff, v3;
	v2 =	vor.u32 s5, v4  }
0x217: {  	v3 =	vld [tilespmem:s6+$0x8230];
	v2 =	vor.u32 $0x8, v2  }
0x218: {  	s7 =	sor.u32 $0x40, s11  }
0x219: {  	v4 =	vmov s7  }
0x21a: {  	v4 =	vshll.u32 v4, $0x4  }
0x21b: {  	v4 =	vor.u32 v1, v4  }
0x21c: {  	[tilespmem:v2+s30+$0x0] =	vst.idx.msk $0xffff, v3;
	v2 =	vor.u32 s5, v4  }
0x21d: {  	v3 =	vld [tilespmem:s6+$0x8240];
	v2 =	vor.u32 $0x8, v2  }
0x21e: {  	s7 =	sor.u32 $0x50, s11  }
0x21f: {  	v4 =	vmov s7  }
0x220: {  	v4 =	vshll.u32 v4, $0x4  }
0x221: {  	v4 =	vor.u32 v1, v4  }
0x222: {  	[tilespmem:v2+s30+$0x0] =	vst.idx.msk $0xffff, v3;
	v2 =	vor.u32 s5, v4  }
0x223: {  	v3 =	vld [tilespmem:s6+$0x8250];
	v2 =	vor.u32 $0x8, v2  }
0x224: {  	s7 =	sor.u32 $0x60, s11  }
0x225: {  	v4 =	vmov s7  }
0x226: {  	v4 =	vshll.u32 v4, $0x4  }
0x227: {  	v4 =	vor.u32 v1, v4  }
0x228: {  	[tilespmem:v2+s30+$0x0] =	vst.idx.msk $0xffff, v3;
	v2 =	vor.u32 s5, v4  }
0x229: {  	v3 =	vld [tilespmem:s6+$0x8260];
	v2 =	vor.u32 $0x8, v2  }
0x22a: {  	s7 =	sor.u32 $0x70, s11  }
.Ltmp6:
0x22b: {  	v4 =	vmov s7;
	(pc) =	sbr.rel @p1 .LBB2_10-.Ltmp6, $4  }
0x22c: {  	v4 =	vshll.u32 v4, $0x4  }
0x22d: {  	v4 =	vor.u32 v1, v4  }
0x22e: {  	[tilespmem:v2+s30+$0x0] =	vst.idx.msk $0xffff, v3;
	v3 =	vor.u32 s5, v4  }
0x22f: {  	s8 =	sadd.s32 $0x1, s8;
	s5 =	sshll.u32 s3, $0x4;
	v2 =	vld [tilespmem:s6+$0x8270];
	v3 =	vor.u32 $0x8, v3  }
0x230: {  	s6 =	sand.u32 $0xFFFFFF80, s5  }
0x231: {  	v4 =	vmov s6  }
0x232: {  	s5 =	sand.u32 $0x7, s3;
	s8 =	sshll.u32 s3, $0x7;
	v4 =	vshll.u32 v4, $0x4  }
0x233: {  	s3 =	sand.u32 $0x3FFFFC00, s8;
	s7 =	sshll.u32 s5, $0x7;
	v4 =	vor.u32 v1, v4  }
0x234: {  	s3 =	sor.u32 s7, s3;
	v4 =	vor.u32 s5, v4;
	[tilespmem:v3+s30+$0x0] =	vst.idx.msk $0xffff, v2  }
0x235: {  	v2 =	vld [tilespmem:s3+$0x8200];
	v3 =	vor.u32 $0x8, v4  }
0x236: {  	s9 =	sor.u32 $0x10, s6  }
0x237: {  	v4 =	vmov s9  }
0x238: {  	v4 =	vshll.u32 v4, $0x4  }
0x239: {  	v4 =	vor.u32 v1, v4  }
0x23a: {  	[tilespmem:v3+s30+$0x0] =	vst.idx.msk $0xffff, v2;
	v2 =	vor.u32 s5, v4  }
0x23b: {  	v3 =	vld [tilespmem:s3+$0x8210];
	v2 =	vor.u32 $0x8, v2  }
0x23c: {  	s11 =	sor.u32 $0x20, s6  }
0x23d: {  	v4 =	vmov s11  }
0x23e: {  	v4 =	vshll.u32 v4, $0x4  }
0x23f: {  	v4 =	vor.u32 v1, v4  }
0x240: {  	[tilespmem:v2+s30+$0x0] =	vst.idx.msk $0xffff, v3;
	v2 =	vor.u32 s5, v4  }
0x241: {  	v3 =	vld [tilespmem:s3+$0x8220];
	v2 =	vor.u32 $0x8, v2  }
0x242: {  	s12 =	sor.u32 $0x30, s6  }
0x243: {  	v4 =	vmov s12  }
0x244: {  	v4 =	vshll.u32 v4, $0x4  }
0x245: {  	v4 =	vor.u32 v1, v4  }
0x246: {  	[tilespmem:v2+s30+$0x0] =	vst.idx.msk $0xffff, v3;
	v2 =	vor.u32 s5, v4  }
0x247: {  	v3 =	vld [tilespmem:s3+$0x8230];
	v2 =	vor.u32 $0x8, v2  }
0x248: {  	s13 =	sor.u32 $0x40, s6  }
0x249: {  	v4 =	vmov s13  }
0x24a: {  	v4 =	vshll.u32 v4, $0x4  }
0x24b: {  	v4 =	vor.u32 v1, v4  }
0x24c: {  	[tilespmem:v2+s30+$0x0] =	vst.idx.msk $0xffff, v3;
	v2 =	vor.u32 s5, v4  }
0x24d: {  	v3 =	vld [tilespmem:s3+$0x8240];
	v2 =	vor.u32 $0x8, v2  }
0x24e: {  	s8 =	sor.u32 $0x50, s6  }
0x24f: {  	v4 =	vmov s8  }
0x250: {  	v4 =	vshll.u32 v4, $0x4  }
0x251: {  	v4 =	vor.u32 v1, v4  }
0x252: {  	[tilespmem:v2+s30+$0x0] =	vst.idx.msk $0xffff, v3;
	v2 =	vor.u32 s5, v4  }
0x253: {  	v3 =	vld [tilespmem:s3+$0x8250];
	v2 =	vor.u32 $0x8, v2  }
0x254: {  	s9 =	sor.u32 $0x60, s6  }
0x255: {  	v4 =	vmov s9  }
0x256: {  	v4 =	vshll.u32 v4, $0x4  }
0x257: {  	v4 =	vor.u32 v1, v4  }
0x258: {  	[tilespmem:v2+s30+$0x0] =	vst.idx.msk $0xffff, v3;
	v2 =	vor.u32 s5, v4  }
0x259: {  	v3 =	vld [tilespmem:s3+$0x8260];
	v2 =	vor.u32 $0x8, v2  }
0x25a: {  	s6 =	sor.u32 $0x70, s6  }
0x25b: {  	v4 =	vmov s6  }
0x25c: {  	v4 =	vshll.u32 v4, $0x4  }
0x25d: {  	v4 =	vor.u32 v1, v4  }
0x25e: {  	[tilespmem:v2+s30+$0x0] =	vst.idx.msk $0xffff, v3;
	v2 =	vor.u32 s5, v4  }
0x25f: {  	v3 =	vld [tilespmem:s3+$0x8270];
	v2 =	vor.u32 $0x8, v2;
	_ =	sdelay $0x4  }
0x260: {  	[tilespmem:v2+s30+$0x0] =	vst.idx.msk $0xffff, v3  }
0x261: {  	_ =	swait.ge [sflag:s31], $0x5000  }
0x262: {  	[sflag:s31] =	ssyncset.done $0x0  }
0x263: {  	s3 =	simm.s32 $0x0;
	s11 =	rddreg [dreg:$0x11];
	[sflag:s31] =	ssyncadd.s32 $0xFFFFB000  }
0x264: {  	[tilespmem:s3], [sflag:$0x1] =	stream.linear.gather [hbm4b:s11+s3], $0x500, $0x38;
	[tilespmem:$0x19A00] =	vst v63  }
0x265: {  	s13 =	simm.s32 $0xA00;
	s12 =	rddreg [dreg:$0x6]  }
0x266: {  	[tilespmem:s13], [sflag:$0x1] =	stream.linear.gather [hbm4b:s12+s3], $0x2800, $0x38;
	[tilespmem:$0x19A00] =	vst v63  }
0x267: {  	s8 =	simm.s32 $0x5A00;
	s7 =	rddreg [dreg:$0x12]  }
0x268: {  	[tilespmem:s8], [sflag:$0x1] =	stream.linear.gather [hbm4b:s7+s3], $0x2800, $0x38;
	[tilespmem:$0x19A00] =	vst v63  }
0x269: {  	_ = 	snop  }
0x26a: {  	[spmem:s10] =	stream.indirect.scatter.add.f32 [tilespmem:s30], [sflag:$0x3], $0x10, s0, s4, $0xb8;
	[tilespmem:$0x19A00] =	vst v63  }
0x26b: {  	s9 =	simm.s32 $0x580;
	s11 =	simm.s32 $0x10200  }
0x26c: {  	[spmem:s10] =	stream.indirect.scatter.add.f32 [tilespmem:s11], [sflag:$0x3], $0x10, s9, s4, $0xb8;
	[tilespmem:$0x19A00] =	vst v63  }
0x26d: {  	s12 =	simm.s32 $0x600;
	s13 =	simm.s32 $0x10A00  }
0x26e: {  	[spmem:s10] =	stream.indirect.scatter.add.f32 [tilespmem:s13], [sflag:$0x3], $0x10, s12, s4, $0xb8;
	[tilespmem:$0x19A00] =	vst v63  }
0x26f: {  	s7 =	simm.s32 $0x680;
	s8 =	simm.s32 $0x11200  }
0x270: {  	[spmem:s10] =	stream.indirect.scatter.add.f32 [tilespmem:s8], [sflag:$0x3], $0x10, s7, s4, $0xb8;
	[tilespmem:$0x19A00] =	vst v63  }
0x271: {  	s9 =	simm.s32 $0x700;
	s11 =	simm.s32 $0x11A00  }
0x272: {  	[spmem:s10] =	stream.indirect.scatter.add.f32 [tilespmem:s11], [sflag:$0x3], $0x10, s9, s4, $0xb8;
	[tilespmem:$0x19A00] =	vst v63  }
0x273: {  	s12 =	simm.s32 $0x780;
	s13 =	simm.s32 $0x12200  }
0x274: {  	[spmem:s10] =	stream.indirect.scatter.add.f32 [tilespmem:s13], [sflag:$0x3], $0x10, s12, s4, $0xb8;
	[tilespmem:$0x19A00] =	vst v63  }
0x275: {  	s7 =	simm.s32 $0x800;
	s8 =	simm.s32 $0x12A00  }
0x276: {  	[spmem:s10] =	stream.indirect.scatter.add.f32 [tilespmem:s8], [sflag:$0x3], $0x10, s7, s4, $0xb8;
	[tilespmem:$0x19A00] =	vst v63  }
0x277: {  	s9 =	simm.s32 $0x880;
	s11 =	simm.s32 $0x13200  }
0x278: {  	[spmem:s10] =	stream.indirect.scatter.add.f32 [tilespmem:s11], [sflag:$0x3], $0x10, s9, s4, $0xb8;
	[tilespmem:$0x19A00] =	vst v63  }
0x279: {  	s12 =	simm.s32 $0x900;
	s13 =	simm.s32 $0x13A00  }
0x27a: {  	[spmem:s10] =	stream.indirect.scatter.add.f32 [tilespmem:s13], [sflag:$0x3], $0x10, s12, s4, $0xb8;
	[tilespmem:$0x19A00] =	vst v63  }
0x27b: {  	s6 =	simm.s32 $0x980;
	s7 =	simm.s32 $0x14200  }
0x27c: {  	[spmem:s10] =	stream.indirect.scatter.add.f32 [tilespmem:s7], [sflag:$0x3], $0x10, s6, s4, $0xb8;
	[tilespmem:$0x19A00] =	vst v63  }
0x27d: {  	_ =	swait.ge [sflag:s28], $0x500  }
0x27e: {  	[sflag:s28] =	ssyncset.done $0x0  }
0x27f: {  	[sflag:s28] =	ssyncadd.s32 $0xFFFFFB00  }
0x280: {  	_ =	swait.ge [sflag:s28], $0x2800  }
0x281: {  	s8 =	simm.s32 $0x0;
	[sflag:s28] =	ssyncset.done $0x0  }
0x282: {  	s5 =	sand.u32 $0xFFFFFF80, s8;
	[sflag:s28] =	ssyncadd.s32 $0xFFFFD800  }
0x283: {  	s8 =	sand.u32 $0x7, s3;
	s9 =	simm.s32 $0x0;
	v2 =	vmov s5;
	_ =	swait.ge [sflag:s28], $0x2800  }
0x284: {  	s11 =	sshll.u32 s8, $0x7;
	s3 =	sand.u32 $0x3FFFFC00, s9;
	v2 =	vshll.u32 v2, $0x4;
	[sflag:s28] =	ssyncset.done $0x0  }
0x285: {  	s11 =	sor.u32 s11, s3;
	v2 =	vor.u32 v1, v2;
	[sflag:s28] =	ssyncadd.s32 $0xFFFFD800  }
0x286: {  	v2 =	vor.u32 s8, v2;
	v3 =	vld [tilespmem:s11+$0xA00];
	_ =	sdelay $0x1  }
0x287: {  	s12 =	sor.u32 $0x10, s5  }
0x288: {  	v4 =	vmov s12  }
0x289: {  	v4 =	vshll.u32 v4, $0x4  }
0x28a: {  	[tilespmem:v2+s29+$0x0] =	vst.idx.msk $0xffff, v3;
	v3 =	vor.u32 v1, v4  }
0x28b: {  	v4 =	vld [tilespmem:s11+$0xA10];
	v3 =	vor.u32 s8, v3;
	_ =	sdelay $0x1  }
0x28c: {  	s13 =	sor.u32 $0x20, s5  }
0x28d: {  	v5 =	vmov s13  }
0x28e: {  	v5 =	vshll.u32 v5, $0x4  }
0x28f: {  	[tilespmem:v3+s29+$0x0] =	vst.idx.msk $0xffff, v4;
	v4 =	vor.u32 v1, v5  }
0x290: {  	v5 =	vld [tilespmem:s11+$0xA20];
	v4 =	vor.u32 s8, v4;
	_ =	sdelay $0x1  }
0x291: {  	s6 =	sor.u32 $0x30, s5  }
0x292: {  	v6 =	vmov s6  }
0x293: {  	v6 =	vshll.u32 v6, $0x4  }
0x294: {  	[tilespmem:v4+s29+$0x0] =	vst.idx.msk $0xffff, v5;
	v5 =	vor.u32 v1, v6  }
0x295: {  	v6 =	vld [tilespmem:s11+$0xA30];
	v5 =	vor.u32 s8, v5;
	_ =	sdelay $0x1  }
0x296: {  	s7 =	sor.u32 $0x40, s5  }
0x297: {  	v7 =	vmov s7  }
0x298: {  	v7 =	vshll.u32 v7, $0x4  }
0x299: {  	[tilespmem:v5+s29+$0x0] =	vst.idx.msk $0xffff, v6;
	v6 =	vor.u32 v1, v7  }
0x29a: {  	v7 =	vld [tilespmem:s11+$0xA40];
	v6 =	vor.u32 s8, v6;
	_ =	sdelay $0x1  }
0x29b: {  	s9 =	sor.u32 $0x50, s5  }
0x29c: {  	v8 =	vmov s9  }
0x29d: {  	v8 =	vshll.u32 v8, $0x4  }
0x29e: {  	[tilespmem:v6+s29+$0x0] =	vst.idx.msk $0xffff, v7;
	v7 =	vor.u32 v1, v8  }
0x29f: {  	v8 =	vld [tilespmem:s11+$0xA50];
	v7 =	vor.u32 s8, v7;
	_ =	sdelay $0x1  }
0x2a0: {  	s12 =	sor.u32 $0x60, s5  }
0x2a1: {  	v9 =	vmov s12  }
0x2a2: {  	v9 =	vshll.u32 v9, $0x4  }
0x2a3: {  	[tilespmem:v7+s29+$0x0] =	vst.idx.msk $0xffff, v8;
	v8 =	vor.u32 v1, v9  }
0x2a4: {  	v9 =	vld [tilespmem:s11+$0xA60];
	v8 =	vor.u32 s8, v8;
	_ =	sdelay $0x1  }
0x2a5: {  	s13 =	sor.u32 $0x70, s5  }
0x2a6: {  	v10 =	vmov s13  }
0x2a7: {  	v10 =	vshll.u32 v10, $0x4  }
0x2a8: {  	[tilespmem:v8+s29+$0x0] =	vst.idx.msk $0xffff, v9;
	v9 =	vor.u32 v1, v10  }
0x2a9: {  	s3 =	simm.s32 $0x1;
	v10 =	vld [tilespmem:s11+$0xA70];
	v11 =	vor.u32 s8, v9  }
0x2aa: {  	s5 =	simm.s32 $0x1;
	s7 =	simm.s32 $0x10;
	s6 =	simm.s32 $0x2  }
.LBB2_12:
0x2ab: {  	p1 =	sne.s32 s6, $0x4F;
	s7 =	sand.u32 $0xFFFFFF80, s7  }
0x2ac: {  	s12 =	sand.u32 $0x7, s5;
	s9 =	sshll.u32 s5, $0x7;
	s5 =	smov.u32 s6;
	v12 =	vmov s7  }
0x2ad: {  	s9 =	sand.u32 $0x3FFFFC00, s9;
	s13 =	sshll.u32 s12, $0x7;
	v12 =	vshll.u32 v12, $0x4  }
0x2ae: {  	s9 =	sor.u32 s13, s9;
	v12 =	vor.u32 v1, v12;
	[tilespmem:v11+s29+$0x0] =	vst.idx.msk $0xffff, v10  }
0x2af: {  	v10 =	vld [tilespmem:s9+$0xA00];
	v11 =	vor.u32 s12, v12;
	_ =	sdelay $0x1  }
0x2b0: {  	s13 =	sor.u32 $0x10, s7  }
0x2b1: {  	v12 =	vmov s13  }
0x2b2: {  	v12 =	vshll.u32 v12, $0x4  }
0x2b3: {  	[tilespmem:v11+s29+$0x0] =	vst.idx.msk $0xffff, v10;
	v10 =	vor.u32 v1, v12  }
0x2b4: {  	v11 =	vld [tilespmem:s9+$0xA10];
	v10 =	vor.u32 s12, v10;
	_ =	sdelay $0x1  }
0x2b5: {  	s13 =	sor.u32 $0x20, s7  }
0x2b6: {  	v12 =	vmov s13  }
0x2b7: {  	v12 =	vshll.u32 v12, $0x4  }
0x2b8: {  	[tilespmem:v10+s29+$0x0] =	vst.idx.msk $0xffff, v11;
	v10 =	vor.u32 v1, v12  }
0x2b9: {  	v11 =	vld [tilespmem:s9+$0xA20];
	v10 =	vor.u32 s12, v10;
	_ =	sdelay $0x1  }
0x2ba: {  	s13 =	sor.u32 $0x30, s7  }
0x2bb: {  	v12 =	vmov s13  }
0x2bc: {  	v12 =	vshll.u32 v12, $0x4  }
0x2bd: {  	[tilespmem:v10+s29+$0x0] =	vst.idx.msk $0xffff, v11;
	v10 =	vor.u32 v1, v12  }
0x2be: {  	v11 =	vld [tilespmem:s9+$0xA30];
	v10 =	vor.u32 s12, v10;
	_ =	sdelay $0x1  }
0x2bf: {  	s13 =	sor.u32 $0x40, s7  }
0x2c0: {  	v12 =	vmov s13  }
0x2c1: {  	v12 =	vshll.u32 v12, $0x4  }
0x2c2: {  	[tilespmem:v10+s29+$0x0] =	vst.idx.msk $0xffff, v11;
	v10 =	vor.u32 v1, v12  }
0x2c3: {  	v11 =	vld [tilespmem:s9+$0xA40];
	v10 =	vor.u32 s12, v10;
	_ =	sdelay $0x1  }
0x2c4: {  	s13 =	sor.u32 $0x50, s7  }
0x2c5: {  	v12 =	vmov s13  }
0x2c6: {  	v12 =	vshll.u32 v12, $0x4  }
0x2c7: {  	[tilespmem:v10+s29+$0x0] =	vst.idx.msk $0xffff, v11;
	v10 =	vor.u32 v1, v12  }
0x2c8: {  	v11 =	vld [tilespmem:s9+$0xA50];
	v10 =	vor.u32 s12, v10;
	_ =	sdelay $0x1  }
0x2c9: {  	s13 =	sor.u32 $0x60, s7  }
0x2ca: {  	v12 =	vmov s13  }
0x2cb: {  	v12 =	vshll.u32 v12, $0x4  }
0x2cc: {  	[tilespmem:v10+s29+$0x0] =	vst.idx.msk $0xffff, v11;
	v10 =	vor.u32 v1, v12  }
0x2cd: {  	v11 =	vld [tilespmem:s9+$0xA60];
	v10 =	vor.u32 s12, v10;
	_ =	sdelay $0x1  }
0x2ce: {  	s7 =	sor.u32 $0x70, s7  }
.Ltmp7:
0x2cf: {  	v12 =	vmov s7;
	(pc) =	sbr.rel @p1 .LBB2_12-.Ltmp7, $4  }
0x2d0: {  	v12 =	vshll.u32 v12, $0x4  }
0x2d1: {  	[tilespmem:v10+s29+$0x0] =	vst.idx.msk $0xffff, v11;
	v11 =	vor.u32 v1, v12  }
0x2d2: {  	v10 =	vld [tilespmem:s9+$0xA70];
	v11 =	vor.u32 s12, v11  }
0x2d3: {  	s6 =	sadd.s32 $0x1, s6;
	s7 =	sshll.u32 s5, $0x4  }
0x2d4: {  	_ = 	snop  }
0x2d5: {  	s6 =	sand.u32 $0xFFFFFF80, s7  }
0x2d6: {  	s7 =	sand.u32 $0x7, s5;
	s9 =	sshll.u32 s5, $0x7;
	v12 =	vmov s6  }
0x2d7: {  	s5 =	sand.u32 $0x3FFFFC00, s9;
	s9 =	sshll.u32 s7, $0x7;
	v12 =	vshll.u32 v12, $0x4  }
0x2d8: {  	s5 =	sor.u32 s9, s5;
	v12 =	vor.u32 v1, v12;
	[tilespmem:v11+s29+$0x0] =	vst.idx.msk $0xffff, v10  }
0x2d9: {  	v10 =	vld [tilespmem:s5+$0xA00];
	v49 =	vor.u32 s7, v12;
	_ =	sdelay $0x1  }
0x2da: {  	s12 =	sor.u32 $0x10, s6  }
0x2db: {  	v50 =	vmov s12  }
0x2dc: {  	v12 =	vshll.u32 v50, $0x4  }
0x2dd: {  	v51 =	vor.u32 v1, v12;
	[tilespmem:v49+s29+$0x0] =	vst.idx.msk $0xffff, v10  }
0x2de: {  	v10 =	vor.u32 s7, v51;
	v11 =	vld [tilespmem:s5+$0xA10];
	_ =	sdelay $0x1  }
0x2df: {  	s13 =	sor.u32 $0x20, s6  }
0x2e0: {  	v52 =	vmov s13  }
0x2e1: {  	v12 =	vshll.u32 v52, $0x4  }
0x2e2: {  	v53 =	vor.u32 v1, v12;
	[tilespmem:v10+s29+$0x0] =	vst.idx.msk $0xffff, v11  }
0x2e3: {  	v10 =	vor.u32 s7, v53;
	v11 =	vld [tilespmem:s5+$0xA20];
	_ =	sdelay $0x1  }
0x2e4: {  	s12 =	sor.u32 $0x30, s6  }
0x2e5: {  	v54 =	vmov s12  }
0x2e6: {  	v12 =	vshll.u32 v54, $0x4  }
0x2e7: {  	v55 =	vor.u32 v1, v12;
	[tilespmem:v10+s29+$0x0] =	vst.idx.msk $0xffff, v11  }
0x2e8: {  	v10 =	vor.u32 s7, v55;
	v11 =	vld [tilespmem:s5+$0xA30];
	_ =	sdelay $0x1  }
0x2e9: {  	s13 =	sor.u32 $0x40, s6  }
0x2ea: {  	v56 =	vmov s13  }
0x2eb: {  	v12 =	vshll.u32 v56, $0x4  }
0x2ec: {  	v57 =	vor.u32 v1, v12;
	[tilespmem:v10+s29+$0x0] =	vst.idx.msk $0xffff, v11  }
0x2ed: {  	v10 =	vor.u32 s7, v57;
	v11 =	vld [tilespmem:s5+$0xA40];
	_ =	sdelay $0x1  }
0x2ee: {  	s12 =	sor.u32 $0x50, s6  }
0x2ef: {  	v58 =	vmov s12  }
0x2f0: {  	v12 =	vshll.u32 v58, $0x4  }
0x2f1: {  	v59 =	vor.u32 v1, v12;
	[tilespmem:v10+s29+$0x0] =	vst.idx.msk $0xffff, v11  }
0x2f2: {  	v10 =	vor.u32 s7, v59;
	v11 =	vld [tilespmem:s5+$0xA50];
	_ =	sdelay $0x1  }
0x2f3: {  	s13 =	sor.u32 $0x60, s6  }
0x2f4: {  	v60 =	vmov s13  }
0x2f5: {  	v12 =	vshll.u32 v60, $0x4  }
0x2f6: {  	v61 =	vor.u32 v1, v12;
	[tilespmem:v10+s29+$0x0] =	vst.idx.msk $0xffff, v11  }
0x2f7: {  	v10 =	vor.u32 s7, v61;
	v11 =	vld [tilespmem:s5+$0xA60];
	_ =	sdelay $0x1  }
0x2f8: {  	s6 =	sor.u32 $0x70, s6  }
0x2f9: {  	v62 =	vmov s6  }
0x2fa: {  	v12 =	vshll.u32 v62, $0x4  }
0x2fb: {  	v63 =	vor.u32 v1, v12;
	[tilespmem:v10+s29+$0x0] =	vst.idx.msk $0xffff, v11  }
0x2fc: {  	v10 =	vor.u32 s7, v63;
	v11 =	vld [tilespmem:s5+$0xA70];
	_ =	sdelay $0x4  }
0x2fd: {  	[tilespmem:v10+s29+$0x0] =	vst.idx.msk $0xffff, v11  }
0x2fe: {  	v2 =	vor.u32 $0x8, v2;
	v10 =	vld [tilespmem:s11+$0x5A00];
	_ =	sdelay $0x4  }
0x2ff: {  	[tilespmem:v2+s29+$0x0] =	vst.idx.msk $0xffff, v10  }
0x300: {  	v3 =	vor.u32 $0x8, v3;
	v2 =	vld [tilespmem:s11+$0x5A10];
	_ =	sdelay $0x4  }
0x301: {  	[tilespmem:v3+s29+$0x0] =	vst.idx.msk $0xffff, v2  }
0x302: {  	v3 =	vor.u32 $0x8, v4;
	v2 =	vld [tilespmem:s11+$0x5A20];
	_ =	sdelay $0x4  }
0x303: {  	[tilespmem:v3+s29+$0x0] =	vst.idx.msk $0xffff, v2  }
0x304: {  	v3 =	vor.u32 $0x8, v5;
	v2 =	vld [tilespmem:s11+$0x5A30];
	_ =	sdelay $0x4  }
0x305: {  	[tilespmem:v3+s29+$0x0] =	vst.idx.msk $0xffff, v2  }
0x306: {  	v3 =	vor.u32 $0x8, v6;
	v2 =	vld [tilespmem:s11+$0x5A40];
	_ =	sdelay $0x4  }
0x307: {  	[tilespmem:v3+s29+$0x0] =	vst.idx.msk $0xffff, v2  }
0x308: {  	v3 =	vor.u32 $0x8, v7;
	v2 =	vld [tilespmem:s11+$0x5A50];
	_ =	sdelay $0x4  }
0x309: {  	[tilespmem:v3+s29+$0x0] =	vst.idx.msk $0xffff, v2  }
0x30a: {  	v3 =	vor.u32 $0x8, v8;
	v2 =	vld [tilespmem:s11+$0x5A60];
	_ =	sdelay $0x4  }
0x30b: {  	[tilespmem:v3+s29+$0x0] =	vst.idx.msk $0xffff, v2;
	v3 =	vor.u32 s8, v9  }
0x30c: {  	s5 =	simm.s32 $0x10;
	s8 =	simm.s32 $0x2;
	v2 =	vld [tilespmem:s11+$0x5A70];
	v3 =	vor.u32 $0x8, v3  }
.LBB2_14:
0x30d: {  	p1 =	sne.s32 s8, $0x4F;
	s11 =	sand.u32 $0xFFFFFF80, s5  }
0x30e: {  	v4 =	vmov s11  }
0x30f: {  	s5 =	sand.u32 $0x7, s3;
	s6 =	sshll.u32 s3, $0x7;
	s3 =	smov.u32 s8;
	v4 =	vshll.u32 v4, $0x4  }
0x310: {  	s6 =	sand.u32 $0x3FFFFC00, s6;
	s7 =	sshll.u32 s5, $0x7;
	v4 =	vor.u32 v1, v4  }
0x311: {  	s6 =	sor.u32 s7, s6;
	v4 =	vor.u32 s5, v4;
	[tilespmem:v3+s29+$0x0] =	vst.idx.msk $0xffff, v2  }
0x312: {  	v2 =	vld [tilespmem:s6+$0x5A00];
	v3 =	vor.u32 $0x8, v4  }
0x313: {  	s7 =	sor.u32 $0x10, s11  }
0x314: {  	v4 =	vmov s7  }
0x315: {  	v4 =	vshll.u32 v4, $0x4  }
0x316: {  	v4 =	vor.u32 v1, v4  }
0x317: {  	[tilespmem:v3+s29+$0x0] =	vst.idx.msk $0xffff, v2;
	v2 =	vor.u32 s5, v4  }
0x318: {  	v3 =	vld [tilespmem:s6+$0x5A10];
	v2 =	vor.u32 $0x8, v2  }
0x319: {  	s7 =	sor.u32 $0x20, s11  }
0x31a: {  	v4 =	vmov s7  }
0x31b: {  	v4 =	vshll.u32 v4, $0x4  }
0x31c: {  	v4 =	vor.u32 v1, v4  }
0x31d: {  	[tilespmem:v2+s29+$0x0] =	vst.idx.msk $0xffff, v3;
	v2 =	vor.u32 s5, v4  }
0x31e: {  	v3 =	vld [tilespmem:s6+$0x5A20];
	v2 =	vor.u32 $0x8, v2  }
0x31f: {  	s7 =	sor.u32 $0x30, s11  }
0x320: {  	v4 =	vmov s7  }
0x321: {  	v4 =	vshll.u32 v4, $0x4  }
0x322: {  	v4 =	vor.u32 v1, v4  }
0x323: {  	[tilespmem:v2+s29+$0x0] =	vst.idx.msk $0xffff, v3;
	v2 =	vor.u32 s5, v4  }
0x324: {  	v3 =	vld [tilespmem:s6+$0x5A30];
	v2 =	vor.u32 $0x8, v2  }
0x325: {  	s7 =	sor.u32 $0x40, s11  }
0x326: {  	v4 =	vmov s7  }
0x327: {  	v4 =	vshll.u32 v4, $0x4  }
0x328: {  	v4 =	vor.u32 v1, v4  }
0x329: {  	[tilespmem:v2+s29+$0x0] =	vst.idx.msk $0xffff, v3;
	v2 =	vor.u32 s5, v4  }
0x32a: {  	v3 =	vld [tilespmem:s6+$0x5A40];
	v2 =	vor.u32 $0x8, v2  }
0x32b: {  	s7 =	sor.u32 $0x50, s11  }
0x32c: {  	v4 =	vmov s7  }
0x32d: {  	v4 =	vshll.u32 v4, $0x4  }
0x32e: {  	v4 =	vor.u32 v1, v4  }
0x32f: {  	[tilespmem:v2+s29+$0x0] =	vst.idx.msk $0xffff, v3;
	v2 =	vor.u32 s5, v4  }
0x330: {  	v3 =	vld [tilespmem:s6+$0x5A50];
	v2 =	vor.u32 $0x8, v2  }
0x331: {  	s7 =	sor.u32 $0x60, s11  }
0x332: {  	v4 =	vmov s7  }
0x333: {  	v4 =	vshll.u32 v4, $0x4  }
0x334: {  	v4 =	vor.u32 v1, v4  }
0x335: {  	[tilespmem:v2+s29+$0x0] =	vst.idx.msk $0xffff, v3;
	v2 =	vor.u32 s5, v4  }
0x336: {  	v3 =	vld [tilespmem:s6+$0x5A60];
	v2 =	vor.u32 $0x8, v2  }
0x337: {  	s7 =	sor.u32 $0x70, s11  }
.Ltmp8:
0x338: {  	v4 =	vmov s7;
	(pc) =	sbr.rel @p1 .LBB2_14-.Ltmp8, $4  }
0x339: {  	v4 =	vshll.u32 v4, $0x4  }
0x33a: {  	v4 =	vor.u32 v1, v4  }
0x33b: {  	[tilespmem:v2+s29+$0x0] =	vst.idx.msk $0xffff, v3;
	v3 =	vor.u32 s5, v4  }
0x33c: {  	s8 =	sadd.s32 $0x1, s8;
	s5 =	sshll.u32 s3, $0x4;
	v2 =	vld [tilespmem:s6+$0x5A70];
	v3 =	vor.u32 $0x8, v3  }
0x33d: {  	s6 =	sand.u32 $0xFFFFFF80, s5  }
0x33e: {  	v4 =	vmov s6  }
0x33f: {  	s5 =	sand.u32 $0x7, s3;
	s11 =	sshll.u32 s3, $0x7;
	v4 =	vshll.u32 v4, $0x4  }
0x340: {  	s3 =	sand.u32 $0x3FFFFC00, s11;
	s7 =	sshll.u32 s5, $0x7;
	v4 =	vor.u32 v1, v4  }
0x341: {  	s3 =	sor.u32 s7, s3;
	v4 =	vor.u32 s5, v4;
	[tilespmem:v3+s29+$0x0] =	vst.idx.msk $0xffff, v2  }
0x342: {  	v2 =	vld [tilespmem:s3+$0x5A00];
	v3 =	vor.u32 $0x8, v4  }
0x343: {  	s12 =	sor.u32 $0x10, s6  }
0x344: {  	v4 =	vmov s12  }
0x345: {  	v4 =	vshll.u32 v4, $0x4  }
0x346: {  	v4 =	vor.u32 v1, v4  }
0x347: {  	[tilespmem:v3+s29+$0x0] =	vst.idx.msk $0xffff, v2;
	v2 =	vor.u32 s5, v4  }
0x348: {  	v3 =	vld [tilespmem:s3+$0x5A10];
	v2 =	vor.u32 $0x8, v2  }
0x349: {  	s13 =	sor.u32 $0x20, s6  }
0x34a: {  	v4 =	vmov s13  }
0x34b: {  	v4 =	vshll.u32 v4, $0x4  }
0x34c: {  	v4 =	vor.u32 v1, v4  }
0x34d: {  	[tilespmem:v2+s29+$0x0] =	vst.idx.msk $0xffff, v3;
	v2 =	vor.u32 s5, v4  }
0x34e: {  	v3 =	vld [tilespmem:s3+$0x5A20];
	v2 =	vor.u32 $0x8, v2  }
0x34f: {  	s8 =	sor.u32 $0x30, s6  }
0x350: {  	v4 =	vmov s8  }
0x351: {  	v4 =	vshll.u32 v4, $0x4  }
0x352: {  	v4 =	vor.u32 v1, v4  }
0x353: {  	[tilespmem:v2+s29+$0x0] =	vst.idx.msk $0xffff, v3;
	v2 =	vor.u32 s5, v4  }
0x354: {  	v3 =	vld [tilespmem:s3+$0x5A30];
	v2 =	vor.u32 $0x8, v2  }
0x355: {  	s9 =	sor.u32 $0x40, s6  }
0x356: {  	v4 =	vmov s9  }
0x357: {  	v4 =	vshll.u32 v4, $0x4  }
0x358: {  	v4 =	vor.u32 v1, v4  }
0x359: {  	[tilespmem:v2+s29+$0x0] =	vst.idx.msk $0xffff, v3;
	v2 =	vor.u32 s5, v4  }
0x35a: {  	v3 =	vld [tilespmem:s3+$0x5A40];
	v2 =	vor.u32 $0x8, v2  }
0x35b: {  	s11 =	sor.u32 $0x50, s6  }
0x35c: {  	v4 =	vmov s11  }
0x35d: {  	v4 =	vshll.u32 v4, $0x4  }
0x35e: {  	v4 =	vor.u32 v1, v4  }
0x35f: {  	[tilespmem:v2+s29+$0x0] =	vst.idx.msk $0xffff, v3;
	v2 =	vor.u32 s5, v4  }
0x360: {  	v3 =	vld [tilespmem:s3+$0x5A50];
	v2 =	vor.u32 $0x8, v2  }
0x361: {  	s12 =	sor.u32 $0x60, s6  }
0x362: {  	v4 =	vmov s12  }
0x363: {  	v4 =	vshll.u32 v4, $0x4  }
0x364: {  	v4 =	vor.u32 v1, v4  }
0x365: {  	[tilespmem:v2+s29+$0x0] =	vst.idx.msk $0xffff, v3;
	v2 =	vor.u32 s5, v4  }
0x366: {  	v3 =	vld [tilespmem:s3+$0x5A60];
	v2 =	vor.u32 $0x8, v2  }
0x367: {  	s6 =	sor.u32 $0x70, s6  }
0x368: {  	v4 =	vmov s6  }
0x369: {  	v4 =	vshll.u32 v4, $0x4  }
0x36a: {  	v4 =	vor.u32 v1, v4  }
0x36b: {  	[tilespmem:v2+s29+$0x0] =	vst.idx.msk $0xffff, v3;
	v2 =	vor.u32 s5, v4  }
0x36c: {  	v3 =	vld [tilespmem:s3+$0x5A70];
	v2 =	vor.u32 $0x8, v2;
	_ =	sdelay $0x4  }
0x36d: {  	[tilespmem:v2+s29+$0x0] =	vst.idx.msk $0xffff, v3  }
0x36e: {  	_ =	swait.ge [sflag:s31], $0x5000  }
0x36f: {  	[sflag:s31] =	ssyncset.done $0x0  }
0x370: {  	s3 =	simm.s32 $0x0;
	s13 =	rddreg [dreg:$0x13];
	[sflag:s31] =	ssyncadd.s32 $0xFFFFB000  }
0x371: {  	[tilespmem:s0], [sflag:$0x2] =	stream.linear.gather [hbm4b:s13+s3], $0x500, $0x38;
	[tilespmem:$0x19A00] =	vst v63  }
0x372: {  	s7 =	simm.s32 $0x3200;
	s6 =	rddreg [dreg:$0x7]  }
0x373: {  	[tilespmem:s7], [sflag:$0x2] =	stream.linear.gather [hbm4b:s6+s3], $0x2800, $0x38;
	[tilespmem:$0x19A00] =	vst v63  }
0x374: {  	s9 =	simm.s32 $0x8200;
	s8 =	rddreg [dreg:$0x14]  }
0x375: {  	[tilespmem:s9], [sflag:$0x2] =	stream.linear.gather [hbm4b:s8+s3], $0x2800, $0x38;
	[tilespmem:$0x19A00] =	vst v63  }
0x376: {  	_ = 	snop  }
0x377: {  	[spmem:s10] =	stream.indirect.scatter.add.f32 [tilespmem:s29], [sflag:$0x3], $0x10, s3, s4, $0xb8;
	[tilespmem:$0x19A00] =	vst v63  }
0x378: {  	s11 =	simm.s32 $0xB200  }
0x379: {  	[spmem:s10] =	stream.indirect.scatter.add.f32 [tilespmem:s11], [sflag:$0x3], $0x10, s4, s4, $0xb8;
	[tilespmem:$0x19A00] =	vst v63  }
0x37a: {  	s12 =	simm.s32 $0x100;
	s13 =	simm.s32 $0xBA00  }
0x37b: {  	[spmem:s10] =	stream.indirect.scatter.add.f32 [tilespmem:s13], [sflag:$0x3], $0x10, s12, s4, $0xb8;
	[tilespmem:$0x19A00] =	vst v63  }
0x37c: {  	s6 =	simm.s32 $0x180;
	s7 =	simm.s32 $0xC200  }
0x37d: {  	[spmem:s10] =	stream.indirect.scatter.add.f32 [tilespmem:s7], [sflag:$0x3], $0x10, s6, s4, $0xb8;
	[tilespmem:$0x19A00] =	vst v63  }
0x37e: {  	_ = 	snop  }
0x37f: {  	[spmem:s10] =	stream.indirect.scatter.add.f32 [tilespmem:s15], [sflag:$0x3], $0x10, s14, s4, $0xb8;
	[tilespmem:$0x19A00] =	vst v63  }
0x380: {  	_ = 	snop  }
0x381: {  	[spmem:s10] =	stream.indirect.scatter.add.f32 [tilespmem:s17], [sflag:$0x3], $0x10, s16, s4, $0xb8;
	[tilespmem:$0x19A00] =	vst v63  }
0x382: {  	_ = 	snop  }
0x383: {  	[spmem:s10] =	stream.indirect.scatter.add.f32 [tilespmem:s19], [sflag:$0x3], $0x10, s18, s4, $0xb8;
	[tilespmem:$0x19A00] =	vst v63  }
0x384: {  	_ = 	snop  }
0x385: {  	[spmem:s10] =	stream.indirect.scatter.add.f32 [tilespmem:s21], [sflag:$0x3], $0x10, s20, s4, $0xb8;
	[tilespmem:$0x19A00] =	vst v63  }
0x386: {  	_ = 	snop  }
0x387: {  	[spmem:s10] =	stream.indirect.scatter.add.f32 [tilespmem:s23], [sflag:$0x3], $0x10, s22, s4, $0xb8;
	[tilespmem:$0x19A00] =	vst v63  }
0x388: {  	_ = 	snop  }
0x389: {  	[spmem:s10] =	stream.indirect.scatter.add.f32 [tilespmem:s25], [sflag:$0x3], $0x10, s24, s4, $0xb8;
	[tilespmem:$0x19A00] =	vst v63  }
0x38a: {  	_ =	swait.ge [sflag:s26], $0x500  }
0x38b: {  	[sflag:s26] =	ssyncset.done $0x0  }
0x38c: {  	[sflag:s26] =	ssyncadd.s32 $0xFFFFFB00  }
0x38d: {  	_ =	swait.ge [sflag:s26], $0x2800  }
0x38e: {  	s8 =	simm.s32 $0x0;
	[sflag:s26] =	ssyncset.done $0x0  }
0x38f: {  	s5 =	sand.u32 $0xFFFFFF80, s8;
	[sflag:s26] =	ssyncadd.s32 $0xFFFFD800  }
0x390: {  	s9 =	simm.s32 $0x0;
	s8 =	sand.u32 $0x7, s3;
	v2 =	vmov s5;
	_ =	swait.ge [sflag:s26], $0x2800  }
0x391: {  	s3 =	sand.u32 $0x3FFFFC00, s9;
	v2 =	vshll.u32 v2, $0x4;
	s11 =	sshll.u32 s8, $0x7;
	[sflag:s26] =	ssyncset.done $0x0  }
0x392: {  	v2 =	vor.u32 v1, v2;
	s11 =	sor.u32 s11, s3;
	[sflag:s26] =	ssyncadd.s32 $0xFFFFD800  }
0x393: {  	v2 =	vor.u32 s8, v2;
	v3 =	vld [tilespmem:s11+$0x3200];
	_ =	sdelay $0x1  }
0x394: {  	s12 =	sor.u32 $0x10, s5  }
0x395: {  	v4 =	vmov s12  }
0x396: {  	v4 =	vshll.u32 v4, $0x4  }
0x397: {  	[tilespmem:v2+s30+$0x0] =	vst.idx.msk $0xffff, v3;
	v3 =	vor.u32 v1, v4  }
0x398: {  	v4 =	vld [tilespmem:s11+$0x3210];
	v3 =	vor.u32 s8, v3;
	_ =	sdelay $0x1  }
0x399: {  	s13 =	sor.u32 $0x20, s5  }
0x39a: {  	v5 =	vmov s13  }
0x39b: {  	v5 =	vshll.u32 v5, $0x4  }
0x39c: {  	[tilespmem:v3+s30+$0x0] =	vst.idx.msk $0xffff, v4;
	v4 =	vor.u32 v1, v5  }
0x39d: {  	v5 =	vld [tilespmem:s11+$0x3220];
	v4 =	vor.u32 s8, v4;
	_ =	sdelay $0x1  }
0x39e: {  	s6 =	sor.u32 $0x30, s5  }
0x39f: {  	v6 =	vmov s6  }
0x3a0: {  	v6 =	vshll.u32 v6, $0x4  }
0x3a1: {  	[tilespmem:v4+s30+$0x0] =	vst.idx.msk $0xffff, v5;
	v5 =	vor.u32 v1, v6  }
0x3a2: {  	v6 =	vld [tilespmem:s11+$0x3230];
	v5 =	vor.u32 s8, v5;
	_ =	sdelay $0x1  }
0x3a3: {  	s7 =	sor.u32 $0x40, s5  }
0x3a4: {  	v7 =	vmov s7  }
0x3a5: {  	v7 =	vshll.u32 v7, $0x4  }
0x3a6: {  	[tilespmem:v5+s30+$0x0] =	vst.idx.msk $0xffff, v6;
	v6 =	vor.u32 v1, v7  }
0x3a7: {  	v7 =	vld [tilespmem:s11+$0x3240];
	v6 =	vor.u32 s8, v6;
	_ =	sdelay $0x1  }
0x3a8: {  	s9 =	sor.u32 $0x50, s5  }
0x3a9: {  	v8 =	vmov s9  }
0x3aa: {  	v8 =	vshll.u32 v8, $0x4  }
0x3ab: {  	[tilespmem:v6+s30+$0x0] =	vst.idx.msk $0xffff, v7;
	v7 =	vor.u32 v1, v8  }
0x3ac: {  	v8 =	vld [tilespmem:s11+$0x3250];
	v7 =	vor.u32 s8, v7;
	_ =	sdelay $0x1  }
0x3ad: {  	s12 =	sor.u32 $0x60, s5  }
0x3ae: {  	v9 =	vmov s12  }
0x3af: {  	v9 =	vshll.u32 v9, $0x4  }
0x3b0: {  	[tilespmem:v7+s30+$0x0] =	vst.idx.msk $0xffff, v8;
	v8 =	vor.u32 v1, v9  }
0x3b1: {  	v9 =	vld [tilespmem:s11+$0x3260];
	v8 =	vor.u32 s8, v8;
	_ =	sdelay $0x1  }
0x3b2: {  	s13 =	sor.u32 $0x70, s5  }
0x3b3: {  	v10 =	vmov s13  }
0x3b4: {  	v10 =	vshll.u32 v10, $0x4  }
0x3b5: {  	[tilespmem:v8+s30+$0x0] =	vst.idx.msk $0xffff, v9;
	v9 =	vor.u32 v1, v10  }
0x3b6: {  	s3 =	simm.s32 $0x1;
	v10 =	vld [tilespmem:s11+$0x3270];
	v11 =	vor.u32 s8, v9  }
0x3b7: {  	s5 =	simm.s32 $0x1;
	s7 =	simm.s32 $0x10;
	s6 =	simm.s32 $0x2  }
.LBB2_16:
0x3b8: {  	p1 =	sne.s32 s6, $0x4F;
	s7 =	sand.u32 $0xFFFFFF80, s7  }
0x3b9: {  	s12 =	sand.u32 $0x7, s5;
	s9 =	sshll.u32 s5, $0x7;
	s5 =	smov.u32 s6;
	v12 =	vmov s7  }
0x3ba: {  	s9 =	sand.u32 $0x3FFFFC00, s9;
	s13 =	sshll.u32 s12, $0x7;
	v12 =	vshll.u32 v12, $0x4  }
0x3bb: {  	s9 =	sor.u32 s13, s9;
	v12 =	vor.u32 v1, v12;
	[tilespmem:v11+s30+$0x0] =	vst.idx.msk $0xffff, v10  }
0x3bc: {  	v10 =	vld [tilespmem:s9+$0x3200];
	v11 =	vor.u32 s12, v12;
	_ =	sdelay $0x1  }
0x3bd: {  	s13 =	sor.u32 $0x10, s7  }
0x3be: {  	v12 =	vmov s13  }
0x3bf: {  	v12 =	vshll.u32 v12, $0x4  }
0x3c0: {  	[tilespmem:v11+s30+$0x0] =	vst.idx.msk $0xffff, v10;
	v10 =	vor.u32 v1, v12  }
0x3c1: {  	v11 =	vld [tilespmem:s9+$0x3210];
	v10 =	vor.u32 s12, v10;
	_ =	sdelay $0x1  }
0x3c2: {  	s13 =	sor.u32 $0x20, s7  }
0x3c3: {  	v12 =	vmov s13  }
0x3c4: {  	v12 =	vshll.u32 v12, $0x4  }
0x3c5: {  	[tilespmem:v10+s30+$0x0] =	vst.idx.msk $0xffff, v11;
	v10 =	vor.u32 v1, v12  }
0x3c6: {  	v11 =	vld [tilespmem:s9+$0x3220];
	v10 =	vor.u32 s12, v10;
	_ =	sdelay $0x1  }
0x3c7: {  	s13 =	sor.u32 $0x30, s7  }
0x3c8: {  	v12 =	vmov s13  }
0x3c9: {  	v12 =	vshll.u32 v12, $0x4  }
0x3ca: {  	[tilespmem:v10+s30+$0x0] =	vst.idx.msk $0xffff, v11;
	v10 =	vor.u32 v1, v12  }
0x3cb: {  	v11 =	vld [tilespmem:s9+$0x3230];
	v10 =	vor.u32 s12, v10;
	_ =	sdelay $0x1  }
0x3cc: {  	s13 =	sor.u32 $0x40, s7  }
0x3cd: {  	v12 =	vmov s13  }
0x3ce: {  	v12 =	vshll.u32 v12, $0x4  }
0x3cf: {  	[tilespmem:v10+s30+$0x0] =	vst.idx.msk $0xffff, v11;
	v10 =	vor.u32 v1, v12  }
0x3d0: {  	v11 =	vld [tilespmem:s9+$0x3240];
	v10 =	vor.u32 s12, v10;
	_ =	sdelay $0x1  }
0x3d1: {  	s13 =	sor.u32 $0x50, s7  }
0x3d2: {  	v12 =	vmov s13  }
0x3d3: {  	v12 =	vshll.u32 v12, $0x4  }
0x3d4: {  	[tilespmem:v10+s30+$0x0] =	vst.idx.msk $0xffff, v11;
	v10 =	vor.u32 v1, v12  }
0x3d5: {  	v11 =	vld [tilespmem:s9+$0x3250];
	v10 =	vor.u32 s12, v10;
	_ =	sdelay $0x1  }
0x3d6: {  	s13 =	sor.u32 $0x60, s7  }
0x3d7: {  	v12 =	vmov s13  }
0x3d8: {  	v12 =	vshll.u32 v12, $0x4  }
0x3d9: {  	[tilespmem:v10+s30+$0x0] =	vst.idx.msk $0xffff, v11;
	v10 =	vor.u32 v1, v12  }
0x3da: {  	v11 =	vld [tilespmem:s9+$0x3260];
	v10 =	vor.u32 s12, v10;
	_ =	sdelay $0x1  }
0x3db: {  	s7 =	sor.u32 $0x70, s7  }
.Ltmp9:
0x3dc: {  	v12 =	vmov s7;
	(pc) =	sbr.rel @p1 .LBB2_16-.Ltmp9, $4  }
0x3dd: {  	v12 =	vshll.u32 v12, $0x4  }
0x3de: {  	[tilespmem:v10+s30+$0x0] =	vst.idx.msk $0xffff, v11;
	v11 =	vor.u32 v1, v12  }
0x3df: {  	v10 =	vld [tilespmem:s9+$0x3270];
	v11 =	vor.u32 s12, v11  }
0x3e0: {  	s6 =	sadd.s32 $0x1, s6;
	s7 =	sshll.u32 s5, $0x4  }
0x3e1: {  	_ = 	snop  }
0x3e2: {  	s6 =	sand.u32 $0xFFFFFF80, s7  }
0x3e3: {  	s7 =	sand.u32 $0x7, s5;
	s9 =	sshll.u32 s5, $0x7;
	v12 =	vmov s6  }
0x3e4: {  	s5 =	sand.u32 $0x3FFFFC00, s9;
	s9 =	sshll.u32 s7, $0x7;
	v12 =	vshll.u32 v12, $0x4  }
0x3e5: {  	s5 =	sor.u32 s9, s5;
	v12 =	vor.u32 v1, v12;
	[tilespmem:v11+s30+$0x0] =	vst.idx.msk $0xffff, v10  }
0x3e6: {  	v10 =	vld [tilespmem:s5+$0x3200];
	v49 =	vor.u32 s7, v12;
	_ =	sdelay $0x1  }
0x3e7: {  	s12 =	sor.u32 $0x10, s6  }
0x3e8: {  	v50 =	vmov s12  }
0x3e9: {  	v12 =	vshll.u32 v50, $0x4  }
0x3ea: {  	v51 =	vor.u32 v1, v12;
	[tilespmem:v49+s30+$0x0] =	vst.idx.msk $0xffff, v10  }
0x3eb: {  	v10 =	vor.u32 s7, v51;
	v11 =	vld [tilespmem:s5+$0x3210];
	_ =	sdelay $0x1  }
0x3ec: {  	s13 =	sor.u32 $0x20, s6  }
0x3ed: {  	v52 =	vmov s13  }
0x3ee: {  	v12 =	vshll.u32 v52, $0x4  }
0x3ef: {  	v53 =	vor.u32 v1, v12;
	[tilespmem:v10+s30+$0x0] =	vst.idx.msk $0xffff, v11  }
0x3f0: {  	v10 =	vor.u32 s7, v53;
	v11 =	vld [tilespmem:s5+$0x3220];
	_ =	sdelay $0x1  }
0x3f1: {  	s12 =	sor.u32 $0x30, s6  }
0x3f2: {  	v54 =	vmov s12  }
0x3f3: {  	v12 =	vshll.u32 v54, $0x4  }
0x3f4: {  	v55 =	vor.u32 v1, v12;
	[tilespmem:v10+s30+$0x0] =	vst.idx.msk $0xffff, v11  }
0x3f5: {  	v10 =	vor.u32 s7, v55;
	v11 =	vld [tilespmem:s5+$0x3230];
	_ =	sdelay $0x1  }
0x3f6: {  	s13 =	sor.u32 $0x40, s6  }
0x3f7: {  	v56 =	vmov s13  }
0x3f8: {  	v12 =	vshll.u32 v56, $0x4  }
0x3f9: {  	v57 =	vor.u32 v1, v12;
	[tilespmem:v10+s30+$0x0] =	vst.idx.msk $0xffff, v11  }
0x3fa: {  	v10 =	vor.u32 s7, v57;
	v11 =	vld [tilespmem:s5+$0x3240];
	_ =	sdelay $0x1  }
0x3fb: {  	s12 =	sor.u32 $0x50, s6  }
0x3fc: {  	v58 =	vmov s12  }
0x3fd: {  	v12 =	vshll.u32 v58, $0x4  }
0x3fe: {  	v59 =	vor.u32 v1, v12;
	[tilespmem:v10+s30+$0x0] =	vst.idx.msk $0xffff, v11  }
0x3ff: {  	v10 =	vor.u32 s7, v59;
	v11 =	vld [tilespmem:s5+$0x3250];
	_ =	sdelay $0x1  }
0x400: {  	s13 =	sor.u32 $0x60, s6  }
0x401: {  	v60 =	vmov s13  }
0x402: {  	v12 =	vshll.u32 v60, $0x4  }
0x403: {  	v61 =	vor.u32 v1, v12;
	[tilespmem:v10+s30+$0x0] =	vst.idx.msk $0xffff, v11  }
0x404: {  	v10 =	vor.u32 s7, v61;
	v11 =	vld [tilespmem:s5+$0x3260];
	_ =	sdelay $0x1  }
0x405: {  	s6 =	sor.u32 $0x70, s6  }
0x406: {  	v62 =	vmov s6  }
0x407: {  	v12 =	vshll.u32 v62, $0x4  }
0x408: {  	v63 =	vor.u32 v1, v12;
	[tilespmem:v10+s30+$0x0] =	vst.idx.msk $0xffff, v11  }
0x409: {  	v10 =	vor.u32 s7, v63;
	v11 =	vld [tilespmem:s5+$0x3270];
	_ =	sdelay $0x4  }
0x40a: {  	[tilespmem:v10+s30+$0x0] =	vst.idx.msk $0xffff, v11  }
0x40b: {  	v2 =	vor.u32 $0x8, v2;
	v10 =	vld [tilespmem:s11+$0x8200];
	_ =	sdelay $0x4  }
0x40c: {  	[tilespmem:v2+s30+$0x0] =	vst.idx.msk $0xffff, v10  }
0x40d: {  	v3 =	vor.u32 $0x8, v3;
	v2 =	vld [tilespmem:s11+$0x8210];
	_ =	sdelay $0x4  }
0x40e: {  	[tilespmem:v3+s30+$0x0] =	vst.idx.msk $0xffff, v2  }
0x40f: {  	v3 =	vor.u32 $0x8, v4;
	v2 =	vld [tilespmem:s11+$0x8220];
	_ =	sdelay $0x4  }
0x410: {  	[tilespmem:v3+s30+$0x0] =	vst.idx.msk $0xffff, v2  }
0x411: {  	v3 =	vor.u32 $0x8, v5;
	v2 =	vld [tilespmem:s11+$0x8230];
	_ =	sdelay $0x4  }
0x412: {  	[tilespmem:v3+s30+$0x0] =	vst.idx.msk $0xffff, v2  }
0x413: {  	v3 =	vor.u32 $0x8, v6;
	v2 =	vld [tilespmem:s11+$0x8240];
	_ =	sdelay $0x4  }
0x414: {  	[tilespmem:v3+s30+$0x0] =	vst.idx.msk $0xffff, v2  }
0x415: {  	v3 =	vor.u32 $0x8, v7;
	v2 =	vld [tilespmem:s11+$0x8250];
	_ =	sdelay $0x4  }
0x416: {  	[tilespmem:v3+s30+$0x0] =	vst.idx.msk $0xffff, v2  }
0x417: {  	v3 =	vor.u32 $0x8, v8;
	v2 =	vld [tilespmem:s11+$0x8260];
	_ =	sdelay $0x4  }
0x418: {  	[tilespmem:v3+s30+$0x0] =	vst.idx.msk $0xffff, v2;
	v3 =	vor.u32 s8, v9  }
0x419: {  	s5 =	simm.s32 $0x10;
	s8 =	simm.s32 $0x2;
	v2 =	vld [tilespmem:s11+$0x8270];
	v3 =	vor.u32 $0x8, v3  }
.LBB2_18:
0x41a: {  	p1 =	sne.s32 s8, $0x4F;
	s11 =	sand.u32 $0xFFFFFF80, s5  }
0x41b: {  	v4 =	vmov s11  }
0x41c: {  	s5 =	sand.u32 $0x7, s3;
	s6 =	sshll.u32 s3, $0x7;
	s3 =	smov.u32 s8;
	v4 =	vshll.u32 v4, $0x4  }
0x41d: {  	s6 =	sand.u32 $0x3FFFFC00, s6;
	s7 =	sshll.u32 s5, $0x7;
	v4 =	vor.u32 v1, v4  }
0x41e: {  	s6 =	sor.u32 s7, s6;
	v4 =	vor.u32 s5, v4;
	[tilespmem:v3+s30+$0x0] =	vst.idx.msk $0xffff, v2  }
0x41f: {  	v2 =	vld [tilespmem:s6+$0x8200];
	v3 =	vor.u32 $0x8, v4  }
0x420: {  	s7 =	sor.u32 $0x10, s11  }
0x421: {  	v4 =	vmov s7  }
0x422: {  	v4 =	vshll.u32 v4, $0x4  }
0x423: {  	v4 =	vor.u32 v1, v4  }
0x424: {  	[tilespmem:v3+s30+$0x0] =	vst.idx.msk $0xffff, v2;
	v2 =	vor.u32 s5, v4  }
0x425: {  	v3 =	vld [tilespmem:s6+$0x8210];
	v2 =	vor.u32 $0x8, v2  }
0x426: {  	s7 =	sor.u32 $0x20, s11  }
0x427: {  	v4 =	vmov s7  }
0x428: {  	v4 =	vshll.u32 v4, $0x4  }
0x429: {  	v4 =	vor.u32 v1, v4  }
0x42a: {  	[tilespmem:v2+s30+$0x0] =	vst.idx.msk $0xffff, v3;
	v2 =	vor.u32 s5, v4  }
0x42b: {  	v3 =	vld [tilespmem:s6+$0x8220];
	v2 =	vor.u32 $0x8, v2  }
0x42c: {  	s7 =	sor.u32 $0x30, s11  }
0x42d: {  	v4 =	vmov s7  }
0x42e: {  	v4 =	vshll.u32 v4, $0x4  }
0x42f: {  	v4 =	vor.u32 v1, v4  }
0x430: {  	[tilespmem:v2+s30+$0x0] =	vst.idx.msk $0xffff, v3;
	v2 =	vor.u32 s5, v4  }
0x431: {  	v3 =	vld [tilespmem:s6+$0x8230];
	v2 =	vor.u32 $0x8, v2  }
0x432: {  	s7 =	sor.u32 $0x40, s11  }
0x433: {  	v4 =	vmov s7  }
0x434: {  	v4 =	vshll.u32 v4, $0x4  }
0x435: {  	v4 =	vor.u32 v1, v4  }
0x436: {  	[tilespmem:v2+s30+$0x0] =	vst.idx.msk $0xffff, v3;
	v2 =	vor.u32 s5, v4  }
0x437: {  	v3 =	vld [tilespmem:s6+$0x8240];
	v2 =	vor.u32 $0x8, v2  }
0x438: {  	s7 =	sor.u32 $0x50, s11  }
0x439: {  	v4 =	vmov s7  }
0x43a: {  	v4 =	vshll.u32 v4, $0x4  }
0x43b: {  	v4 =	vor.u32 v1, v4  }
0x43c: {  	[tilespmem:v2+s30+$0x0] =	vst.idx.msk $0xffff, v3;
	v2 =	vor.u32 s5, v4  }
0x43d: {  	v3 =	vld [tilespmem:s6+$0x8250];
	v2 =	vor.u32 $0x8, v2  }
0x43e: {  	s7 =	sor.u32 $0x60, s11  }
0x43f: {  	v4 =	vmov s7  }
0x440: {  	v4 =	vshll.u32 v4, $0x4  }
0x441: {  	v4 =	vor.u32 v1, v4  }
0x442: {  	[tilespmem:v2+s30+$0x0] =	vst.idx.msk $0xffff, v3;
	v2 =	vor.u32 s5, v4  }
0x443: {  	v3 =	vld [tilespmem:s6+$0x8260];
	v2 =	vor.u32 $0x8, v2  }
0x444: {  	s7 =	sor.u32 $0x70, s11  }
.Ltmp10:
0x445: {  	v4 =	vmov s7;
	(pc) =	sbr.rel @p1 .LBB2_18-.Ltmp10, $4  }
0x446: {  	v4 =	vshll.u32 v4, $0x4  }
0x447: {  	v4 =	vor.u32 v1, v4  }
0x448: {  	[tilespmem:v2+s30+$0x0] =	vst.idx.msk $0xffff, v3;
	v3 =	vor.u32 s5, v4  }
0x449: {  	s8 =	sadd.s32 $0x1, s8;
	s5 =	sshll.u32 s3, $0x4;
	v2 =	vld [tilespmem:s6+$0x8270];
	v3 =	vor.u32 $0x8, v3  }
0x44a: {  	s6 =	sand.u32 $0xFFFFFF80, s5  }
0x44b: {  	v4 =	vmov s6  }
0x44c: {  	s5 =	sand.u32 $0x7, s3;
	s8 =	sshll.u32 s3, $0x7;
	v4 =	vshll.u32 v4, $0x4  }
0x44d: {  	s3 =	sand.u32 $0x3FFFFC00, s8;
	s7 =	sshll.u32 s5, $0x7;
	v4 =	vor.u32 v1, v4  }
0x44e: {  	s3 =	sor.u32 s7, s3;
	v4 =	vor.u32 s5, v4;
	[tilespmem:v3+s30+$0x0] =	vst.idx.msk $0xffff, v2  }
0x44f: {  	v2 =	vld [tilespmem:s3+$0x8200];
	v3 =	vor.u32 $0x8, v4  }
0x450: {  	s9 =	sor.u32 $0x10, s6  }
0x451: {  	v4 =	vmov s9  }
0x452: {  	v4 =	vshll.u32 v4, $0x4  }
0x453: {  	v4 =	vor.u32 v1, v4  }
0x454: {  	[tilespmem:v3+s30+$0x0] =	vst.idx.msk $0xffff, v2;
	v2 =	vor.u32 s5, v4  }
0x455: {  	v3 =	vld [tilespmem:s3+$0x8210];
	v2 =	vor.u32 $0x8, v2  }
0x456: {  	s11 =	sor.u32 $0x20, s6  }
0x457: {  	v4 =	vmov s11  }
0x458: {  	v4 =	vshll.u32 v4, $0x4  }
0x459: {  	v4 =	vor.u32 v1, v4  }
0x45a: {  	[tilespmem:v2+s30+$0x0] =	vst.idx.msk $0xffff, v3;
	v2 =	vor.u32 s5, v4  }
0x45b: {  	v3 =	vld [tilespmem:s3+$0x8220];
	v2 =	vor.u32 $0x8, v2  }
0x45c: {  	s12 =	sor.u32 $0x30, s6  }
0x45d: {  	v4 =	vmov s12  }
0x45e: {  	v4 =	vshll.u32 v4, $0x4  }
0x45f: {  	v4 =	vor.u32 v1, v4  }
0x460: {  	[tilespmem:v2+s30+$0x0] =	vst.idx.msk $0xffff, v3;
	v2 =	vor.u32 s5, v4  }
0x461: {  	v3 =	vld [tilespmem:s3+$0x8230];
	v2 =	vor.u32 $0x8, v2  }
0x462: {  	s13 =	sor.u32 $0x40, s6  }
0x463: {  	v4 =	vmov s13  }
0x464: {  	v4 =	vshll.u32 v4, $0x4  }
0x465: {  	v4 =	vor.u32 v1, v4  }
0x466: {  	[tilespmem:v2+s30+$0x0] =	vst.idx.msk $0xffff, v3;
	v2 =	vor.u32 s5, v4  }
0x467: {  	v3 =	vld [tilespmem:s3+$0x8240];
	v2 =	vor.u32 $0x8, v2  }
0x468: {  	s8 =	sor.u32 $0x50, s6  }
0x469: {  	v4 =	vmov s8  }
0x46a: {  	v4 =	vshll.u32 v4, $0x4  }
0x46b: {  	v4 =	vor.u32 v1, v4  }
0x46c: {  	[tilespmem:v2+s30+$0x0] =	vst.idx.msk $0xffff, v3;
	v2 =	vor.u32 s5, v4  }
0x46d: {  	v3 =	vld [tilespmem:s3+$0x8250];
	v2 =	vor.u32 $0x8, v2  }
0x46e: {  	s9 =	sor.u32 $0x60, s6  }
0x46f: {  	v4 =	vmov s9  }
0x470: {  	v4 =	vshll.u32 v4, $0x4  }
0x471: {  	v4 =	vor.u32 v1, v4  }
0x472: {  	[tilespmem:v2+s30+$0x0] =	vst.idx.msk $0xffff, v3;
	v2 =	vor.u32 s5, v4  }
0x473: {  	v3 =	vld [tilespmem:s3+$0x8260];
	v2 =	vor.u32 $0x8, v2  }
0x474: {  	s6 =	sor.u32 $0x70, s6  }
0x475: {  	v4 =	vmov s6  }
0x476: {  	v4 =	vshll.u32 v4, $0x4  }
0x477: {  	v4 =	vor.u32 v1, v4  }
0x478: {  	[tilespmem:v2+s30+$0x0] =	vst.idx.msk $0xffff, v3;
	v2 =	vor.u32 s5, v4  }
0x479: {  	v3 =	vld [tilespmem:s3+$0x8270];
	v2 =	vor.u32 $0x8, v2;
	_ =	sdelay $0x4  }
0x47a: {  	[tilespmem:v2+s30+$0x0] =	vst.idx.msk $0xffff, v3  }
0x47b: {  	_ =	swait.ge [sflag:s31], $0x5000  }
0x47c: {  	[sflag:s31] =	ssyncset.done $0x0  }
0x47d: {  	s3 =	simm.s32 $0x0;
	s11 =	rddreg [dreg:$0x15];
	[sflag:s31] =	ssyncadd.s32 $0xFFFFB000  }
0x47e: {  	[tilespmem:s3], [sflag:$0x1] =	stream.linear.gather [hbm4b:s11+s3], $0x500, $0x38;
	[tilespmem:$0x19A00] =	vst v63  }
0x47f: {  	s13 =	simm.s32 $0xA00;
	s12 =	rddreg [dreg:$0x8]  }
0x480: {  	[tilespmem:s13], [sflag:$0x1] =	stream.linear.gather [hbm4b:s12+s3], $0x2800, $0x38;
	[tilespmem:$0x19A00] =	vst v63  }
0x481: {  	s8 =	simm.s32 $0x5A00;
	s7 =	rddreg [dreg:$0x16]  }
0x482: {  	[tilespmem:s8], [sflag:$0x1] =	stream.linear.gather [hbm4b:s7+s3], $0x2800, $0x38;
	[tilespmem:$0x19A00] =	vst v63  }
0x483: {  	_ = 	snop  }
0x484: {  	[spmem:s10] =	stream.indirect.scatter.add.f32 [tilespmem:s30], [sflag:$0x3], $0x10, s0, s4, $0xb8;
	[tilespmem:$0x19A00] =	vst v63  }
0x485: {  	s9 =	simm.s32 $0x580;
	s11 =	simm.s32 $0x10200  }
0x486: {  	[spmem:s10] =	stream.indirect.scatter.add.f32 [tilespmem:s11], [sflag:$0x3], $0x10, s9, s4, $0xb8;
	[tilespmem:$0x19A00] =	vst v63  }
0x487: {  	s12 =	simm.s32 $0x600;
	s13 =	simm.s32 $0x10A00  }
0x488: {  	[spmem:s10] =	stream.indirect.scatter.add.f32 [tilespmem:s13], [sflag:$0x3], $0x10, s12, s4, $0xb8;
	[tilespmem:$0x19A00] =	vst v63  }
0x489: {  	s7 =	simm.s32 $0x680;
	s8 =	simm.s32 $0x11200  }
0x48a: {  	[spmem:s10] =	stream.indirect.scatter.add.f32 [tilespmem:s8], [sflag:$0x3], $0x10, s7, s4, $0xb8;
	[tilespmem:$0x19A00] =	vst v63  }
0x48b: {  	s9 =	simm.s32 $0x700;
	s11 =	simm.s32 $0x11A00  }
0x48c: {  	[spmem:s10] =	stream.indirect.scatter.add.f32 [tilespmem:s11], [sflag:$0x3], $0x10, s9, s4, $0xb8;
	[tilespmem:$0x19A00] =	vst v63  }
0x48d: {  	s12 =	simm.s32 $0x780;
	s13 =	simm.s32 $0x12200  }
0x48e: {  	[spmem:s10] =	stream.indirect.scatter.add.f32 [tilespmem:s13], [sflag:$0x3], $0x10, s12, s4, $0xb8;
	[tilespmem:$0x19A00] =	vst v63  }
0x48f: {  	s7 =	simm.s32 $0x800;
	s8 =	simm.s32 $0x12A00  }
0x490: {  	[spmem:s10] =	stream.indirect.scatter.add.f32 [tilespmem:s8], [sflag:$0x3], $0x10, s7, s4, $0xb8;
	[tilespmem:$0x19A00] =	vst v63  }
0x491: {  	s9 =	simm.s32 $0x880;
	s11 =	simm.s32 $0x13200  }
0x492: {  	[spmem:s10] =	stream.indirect.scatter.add.f32 [tilespmem:s11], [sflag:$0x3], $0x10, s9, s4, $0xb8;
	[tilespmem:$0x19A00] =	vst v63  }
0x493: {  	s12 =	simm.s32 $0x900;
	s13 =	simm.s32 $0x13A00  }
0x494: {  	[spmem:s10] =	stream.indirect.scatter.add.f32 [tilespmem:s13], [sflag:$0x3], $0x10, s12, s4, $0xb8;
	[tilespmem:$0x19A00] =	vst v63  }
0x495: {  	s6 =	simm.s32 $0x980;
	s7 =	simm.s32 $0x14200  }
0x496: {  	[spmem:s10] =	stream.indirect.scatter.add.f32 [tilespmem:s7], [sflag:$0x3], $0x10, s6, s4, $0xb8;
	[tilespmem:$0x19A00] =	vst v63  }
0x497: {  	_ =	swait.ge [sflag:s28], $0x500  }
0x498: {  	[sflag:s28] =	ssyncset.done $0x0  }
0x499: {  	[sflag:s28] =	ssyncadd.s32 $0xFFFFFB00  }
0x49a: {  	_ =	swait.ge [sflag:s28], $0x2800  }
0x49b: {  	s8 =	simm.s32 $0x0;
	[sflag:s28] =	ssyncset.done $0x0  }
0x49c: {  	s5 =	sand.u32 $0xFFFFFF80, s8;
	[sflag:s28] =	ssyncadd.s32 $0xFFFFD800  }
0x49d: {  	s8 =	sand.u32 $0x7, s3;
	s9 =	simm.s32 $0x0;
	v2 =	vmov s5;
	_ =	swait.ge [sflag:s28], $0x2800  }
0x49e: {  	s11 =	sshll.u32 s8, $0x7;
	s3 =	sand.u32 $0x3FFFFC00, s9;
	v2 =	vshll.u32 v2, $0x4;
	[sflag:s28] =	ssyncset.done $0x0  }
0x49f: {  	s11 =	sor.u32 s11, s3;
	v2 =	vor.u32 v1, v2;
	[sflag:s28] =	ssyncadd.s32 $0xFFFFD800  }
0x4a0: {  	v2 =	vor.u32 s8, v2;
	v3 =	vld [tilespmem:s11+$0xA00];
	_ =	sdelay $0x1  }
0x4a1: {  	s12 =	sor.u32 $0x10, s5  }
0x4a2: {  	v4 =	vmov s12  }
0x4a3: {  	v4 =	vshll.u32 v4, $0x4  }
0x4a4: {  	[tilespmem:v2+s29+$0x0] =	vst.idx.msk $0xffff, v3;
	v3 =	vor.u32 v1, v4  }
0x4a5: {  	v4 =	vld [tilespmem:s11+$0xA10];
	v3 =	vor.u32 s8, v3;
	_ =	sdelay $0x1  }
0x4a6: {  	s13 =	sor.u32 $0x20, s5  }
0x4a7: {  	v5 =	vmov s13  }
0x4a8: {  	v5 =	vshll.u32 v5, $0x4  }
0x4a9: {  	[tilespmem:v3+s29+$0x0] =	vst.idx.msk $0xffff, v4;
	v4 =	vor.u32 v1, v5  }
0x4aa: {  	v5 =	vld [tilespmem:s11+$0xA20];
	v4 =	vor.u32 s8, v4;
	_ =	sdelay $0x1  }
0x4ab: {  	s6 =	sor.u32 $0x30, s5  }
0x4ac: {  	v6 =	vmov s6  }
0x4ad: {  	v6 =	vshll.u32 v6, $0x4  }
0x4ae: {  	[tilespmem:v4+s29+$0x0] =	vst.idx.msk $0xffff, v5;
	v5 =	vor.u32 v1, v6  }
0x4af: {  	v6 =	vld [tilespmem:s11+$0xA30];
	v5 =	vor.u32 s8, v5;
	_ =	sdelay $0x1  }
0x4b0: {  	s7 =	sor.u32 $0x40, s5  }
0x4b1: {  	v7 =	vmov s7  }
0x4b2: {  	v7 =	vshll.u32 v7, $0x4  }
0x4b3: {  	[tilespmem:v5+s29+$0x0] =	vst.idx.msk $0xffff, v6;
	v6 =	vor.u32 v1, v7  }
0x4b4: {  	v7 =	vld [tilespmem:s11+$0xA40];
	v6 =	vor.u32 s8, v6;
	_ =	sdelay $0x1  }
0x4b5: {  	s9 =	sor.u32 $0x50, s5  }
0x4b6: {  	v8 =	vmov s9  }
0x4b7: {  	v8 =	vshll.u32 v8, $0x4  }
0x4b8: {  	[tilespmem:v6+s29+$0x0] =	vst.idx.msk $0xffff, v7;
	v7 =	vor.u32 v1, v8  }
0x4b9: {  	v8 =	vld [tilespmem:s11+$0xA50];
	v7 =	vor.u32 s8, v7;
	_ =	sdelay $0x1  }
0x4ba: {  	s12 =	sor.u32 $0x60, s5  }
0x4bb: {  	v9 =	vmov s12  }
0x4bc: {  	v9 =	vshll.u32 v9, $0x4  }
0x4bd: {  	[tilespmem:v7+s29+$0x0] =	vst.idx.msk $0xffff, v8;
	v8 =	vor.u32 v1, v9  }
0x4be: {  	v9 =	vld [tilespmem:s11+$0xA60];
	v8 =	vor.u32 s8, v8;
	_ =	sdelay $0x1  }
0x4bf: {  	s13 =	sor.u32 $0x70, s5  }
0x4c0: {  	v10 =	vmov s13  }
0x4c1: {  	v10 =	vshll.u32 v10, $0x4  }
0x4c2: {  	[tilespmem:v8+s29+$0x0] =	vst.idx.msk $0xffff, v9;
	v9 =	vor.u32 v1, v10  }
0x4c3: {  	s3 =	simm.s32 $0x1;
	v10 =	vld [tilespmem:s11+$0xA70];
	v11 =	vor.u32 s8, v9  }
0x4c4: {  	s5 =	simm.s32 $0x1;
	s7 =	simm.s32 $0x10;
	s6 =	simm.s32 $0x2  }
.LBB2_20:
0x4c5: {  	p1 =	sne.s32 s6, $0x4F;
	s7 =	sand.u32 $0xFFFFFF80, s7  }
0x4c6: {  	s12 =	sand.u32 $0x7, s5;
	s9 =	sshll.u32 s5, $0x7;
	s5 =	smov.u32 s6;
	v12 =	vmov s7  }
0x4c7: {  	s9 =	sand.u32 $0x3FFFFC00, s9;
	s13 =	sshll.u32 s12, $0x7;
	v12 =	vshll.u32 v12, $0x4  }
0x4c8: {  	s9 =	sor.u32 s13, s9;
	v12 =	vor.u32 v1, v12;
	[tilespmem:v11+s29+$0x0] =	vst.idx.msk $0xffff, v10  }
0x4c9: {  	v10 =	vld [tilespmem:s9+$0xA00];
	v11 =	vor.u32 s12, v12;
	_ =	sdelay $0x1  }
0x4ca: {  	s13 =	sor.u32 $0x10, s7  }
0x4cb: {  	v12 =	vmov s13  }
0x4cc: {  	v12 =	vshll.u32 v12, $0x4  }
0x4cd: {  	[tilespmem:v11+s29+$0x0] =	vst.idx.msk $0xffff, v10;
	v10 =	vor.u32 v1, v12  }
0x4ce: {  	v11 =	vld [tilespmem:s9+$0xA10];
	v10 =	vor.u32 s12, v10;
	_ =	sdelay $0x1  }
0x4cf: {  	s13 =	sor.u32 $0x20, s7  }
0x4d0: {  	v12 =	vmov s13  }
0x4d1: {  	v12 =	vshll.u32 v12, $0x4  }
0x4d2: {  	[tilespmem:v10+s29+$0x0] =	vst.idx.msk $0xffff, v11;
	v10 =	vor.u32 v1, v12  }
0x4d3: {  	v11 =	vld [tilespmem:s9+$0xA20];
	v10 =	vor.u32 s12, v10;
	_ =	sdelay $0x1  }
0x4d4: {  	s13 =	sor.u32 $0x30, s7  }
0x4d5: {  	v12 =	vmov s13  }
0x4d6: {  	v12 =	vshll.u32 v12, $0x4  }
0x4d7: {  	[tilespmem:v10+s29+$0x0] =	vst.idx.msk $0xffff, v11;
	v10 =	vor.u32 v1, v12  }
0x4d8: {  	v11 =	vld [tilespmem:s9+$0xA30];
	v10 =	vor.u32 s12, v10;
	_ =	sdelay $0x1  }
0x4d9: {  	s13 =	sor.u32 $0x40, s7  }
0x4da: {  	v12 =	vmov s13  }
0x4db: {  	v12 =	vshll.u32 v12, $0x4  }
0x4dc: {  	[tilespmem:v10+s29+$0x0] =	vst.idx.msk $0xffff, v11;
	v10 =	vor.u32 v1, v12  }
0x4dd: {  	v11 =	vld [tilespmem:s9+$0xA40];
	v10 =	vor.u32 s12, v10;
	_ =	sdelay $0x1  }
0x4de: {  	s13 =	sor.u32 $0x50, s7  }
0x4df: {  	v12 =	vmov s13  }
0x4e0: {  	v12 =	vshll.u32 v12, $0x4  }
0x4e1: {  	[tilespmem:v10+s29+$0x0] =	vst.idx.msk $0xffff, v11;
	v10 =	vor.u32 v1, v12  }
0x4e2: {  	v11 =	vld [tilespmem:s9+$0xA50];
	v10 =	vor.u32 s12, v10;
	_ =	sdelay $0x1  }
0x4e3: {  	s13 =	sor.u32 $0x60, s7  }
0x4e4: {  	v12 =	vmov s13  }
0x4e5: {  	v12 =	vshll.u32 v12, $0x4  }
0x4e6: {  	[tilespmem:v10+s29+$0x0] =	vst.idx.msk $0xffff, v11;
	v10 =	vor.u32 v1, v12  }
0x4e7: {  	v11 =	vld [tilespmem:s9+$0xA60];
	v10 =	vor.u32 s12, v10;
	_ =	sdelay $0x1  }
0x4e8: {  	s7 =	sor.u32 $0x70, s7  }
.Ltmp11:
0x4e9: {  	v12 =	vmov s7;
	(pc) =	sbr.rel @p1 .LBB2_20-.Ltmp11, $4  }
0x4ea: {  	v12 =	vshll.u32 v12, $0x4  }
0x4eb: {  	[tilespmem:v10+s29+$0x0] =	vst.idx.msk $0xffff, v11;
	v11 =	vor.u32 v1, v12  }
0x4ec: {  	v10 =	vld [tilespmem:s9+$0xA70];
	v11 =	vor.u32 s12, v11  }
0x4ed: {  	s6 =	sadd.s32 $0x1, s6;
	s7 =	sshll.u32 s5, $0x4  }
0x4ee: {  	_ = 	snop  }
0x4ef: {  	s6 =	sand.u32 $0xFFFFFF80, s7  }
0x4f0: {  	s7 =	sand.u32 $0x7, s5;
	s9 =	sshll.u32 s5, $0x7;
	v12 =	vmov s6  }
0x4f1: {  	s5 =	sand.u32 $0x3FFFFC00, s9;
	s9 =	sshll.u32 s7, $0x7;
	v12 =	vshll.u32 v12, $0x4  }
0x4f2: {  	s5 =	sor.u32 s9, s5;
	v12 =	vor.u32 v1, v12;
	[tilespmem:v11+s29+$0x0] =	vst.idx.msk $0xffff, v10  }
0x4f3: {  	v10 =	vld [tilespmem:s5+$0xA00];
	v49 =	vor.u32 s7, v12;
	_ =	sdelay $0x1  }
0x4f4: {  	s12 =	sor.u32 $0x10, s6  }
0x4f5: {  	v50 =	vmov s12  }
0x4f6: {  	v12 =	vshll.u32 v50, $0x4  }
0x4f7: {  	v51 =	vor.u32 v1, v12;
	[tilespmem:v49+s29+$0x0] =	vst.idx.msk $0xffff, v10  }
0x4f8: {  	v10 =	vor.u32 s7, v51;
	v11 =	vld [tilespmem:s5+$0xA10];
	_ =	sdelay $0x1  }
0x4f9: {  	s13 =	sor.u32 $0x20, s6  }
0x4fa: {  	v52 =	vmov s13  }
0x4fb: {  	v12 =	vshll.u32 v52, $0x4  }
0x4fc: {  	v53 =	vor.u32 v1, v12;
	[tilespmem:v10+s29+$0x0] =	vst.idx.msk $0xffff, v11  }
0x4fd: {  	v10 =	vor.u32 s7, v53;
	v11 =	vld [tilespmem:s5+$0xA20];
	_ =	sdelay $0x1  }
0x4fe: {  	s12 =	sor.u32 $0x30, s6  }
0x4ff: {  	v54 =	vmov s12  }
0x500: {  	v12 =	vshll.u32 v54, $0x4  }
0x501: {  	v55 =	vor.u32 v1, v12;
	[tilespmem:v10+s29+$0x0] =	vst.idx.msk $0xffff, v11  }
0x502: {  	v10 =	vor.u32 s7, v55;
	v11 =	vld [tilespmem:s5+$0xA30];
	_ =	sdelay $0x1  }
0x503: {  	s13 =	sor.u32 $0x40, s6  }
0x504: {  	v56 =	vmov s13  }
0x505: {  	v12 =	vshll.u32 v56, $0x4  }
0x506: {  	v57 =	vor.u32 v1, v12;
	[tilespmem:v10+s29+$0x0] =	vst.idx.msk $0xffff, v11  }
0x507: {  	v10 =	vor.u32 s7, v57;
	v11 =	vld [tilespmem:s5+$0xA40];
	_ =	sdelay $0x1  }
0x508: {  	s12 =	sor.u32 $0x50, s6  }
0x509: {  	v58 =	vmov s12  }
0x50a: {  	v12 =	vshll.u32 v58, $0x4  }
0x50b: {  	v59 =	vor.u32 v1, v12;
	[tilespmem:v10+s29+$0x0] =	vst.idx.msk $0xffff, v11  }
0x50c: {  	v10 =	vor.u32 s7, v59;
	v11 =	vld [tilespmem:s5+$0xA50];
	_ =	sdelay $0x1  }
0x50d: {  	s13 =	sor.u32 $0x60, s6  }
0x50e: {  	v60 =	vmov s13  }
0x50f: {  	v12 =	vshll.u32 v60, $0x4  }
0x510: {  	v61 =	vor.u32 v1, v12;
	[tilespmem:v10+s29+$0x0] =	vst.idx.msk $0xffff, v11  }
0x511: {  	v10 =	vor.u32 s7, v61;
	v11 =	vld [tilespmem:s5+$0xA60];
	_ =	sdelay $0x1  }
0x512: {  	s6 =	sor.u32 $0x70, s6  }
0x513: {  	v62 =	vmov s6  }
0x514: {  	v12 =	vshll.u32 v62, $0x4  }
0x515: {  	v63 =	vor.u32 v1, v12;
	[tilespmem:v10+s29+$0x0] =	vst.idx.msk $0xffff, v11  }
0x516: {  	v10 =	vor.u32 s7, v63;
	v11 =	vld [tilespmem:s5+$0xA70];
	_ =	sdelay $0x4  }
0x517: {  	[tilespmem:v10+s29+$0x0] =	vst.idx.msk $0xffff, v11  }
0x518: {  	v2 =	vor.u32 $0x8, v2;
	v10 =	vld [tilespmem:s11+$0x5A00];
	_ =	sdelay $0x4  }
0x519: {  	[tilespmem:v2+s29+$0x0] =	vst.idx.msk $0xffff, v10  }
0x51a: {  	v3 =	vor.u32 $0x8, v3;
	v2 =	vld [tilespmem:s11+$0x5A10];
	_ =	sdelay $0x4  }
0x51b: {  	[tilespmem:v3+s29+$0x0] =	vst.idx.msk $0xffff, v2  }
0x51c: {  	v3 =	vor.u32 $0x8, v4;
	v2 =	vld [tilespmem:s11+$0x5A20];
	_ =	sdelay $0x4  }
0x51d: {  	[tilespmem:v3+s29+$0x0] =	vst.idx.msk $0xffff, v2  }
0x51e: {  	v3 =	vor.u32 $0x8, v5;
	v2 =	vld [tilespmem:s11+$0x5A30];
	_ =	sdelay $0x4  }
0x51f: {  	[tilespmem:v3+s29+$0x0] =	vst.idx.msk $0xffff, v2  }
0x520: {  	v3 =	vor.u32 $0x8, v6;
	v2 =	vld [tilespmem:s11+$0x5A40];
	_ =	sdelay $0x4  }
0x521: {  	[tilespmem:v3+s29+$0x0] =	vst.idx.msk $0xffff, v2  }
0x522: {  	v3 =	vor.u32 $0x8, v7;
	v2 =	vld [tilespmem:s11+$0x5A50];
	_ =	sdelay $0x4  }
0x523: {  	[tilespmem:v3+s29+$0x0] =	vst.idx.msk $0xffff, v2  }
0x524: {  	v3 =	vor.u32 $0x8, v8;
	v2 =	vld [tilespmem:s11+$0x5A60];
	_ =	sdelay $0x4  }
0x525: {  	[tilespmem:v3+s29+$0x0] =	vst.idx.msk $0xffff, v2;
	v3 =	vor.u32 s8, v9  }
0x526: {  	s5 =	simm.s32 $0x10;
	s8 =	simm.s32 $0x2;
	v2 =	vld [tilespmem:s11+$0x5A70];
	v3 =	vor.u32 $0x8, v3  }
.LBB2_22:
0x527: {  	p1 =	sne.s32 s8, $0x4F;
	s11 =	sand.u32 $0xFFFFFF80, s5  }
0x528: {  	v4 =	vmov s11  }
0x529: {  	s5 =	sand.u32 $0x7, s3;
	s6 =	sshll.u32 s3, $0x7;
	s3 =	smov.u32 s8;
	v4 =	vshll.u32 v4, $0x4  }
0x52a: {  	s6 =	sand.u32 $0x3FFFFC00, s6;
	s7 =	sshll.u32 s5, $0x7;
	v4 =	vor.u32 v1, v4  }
0x52b: {  	s6 =	sor.u32 s7, s6;
	v4 =	vor.u32 s5, v4;
	[tilespmem:v3+s29+$0x0] =	vst.idx.msk $0xffff, v2  }
0x52c: {  	v2 =	vld [tilespmem:s6+$0x5A00];
	v3 =	vor.u32 $0x8, v4  }
0x52d: {  	s7 =	sor.u32 $0x10, s11  }
0x52e: {  	v4 =	vmov s7  }
0x52f: {  	v4 =	vshll.u32 v4, $0x4  }
0x530: {  	v4 =	vor.u32 v1, v4  }
0x531: {  	[tilespmem:v3+s29+$0x0] =	vst.idx.msk $0xffff, v2;
	v2 =	vor.u32 s5, v4  }
0x532: {  	v3 =	vld [tilespmem:s6+$0x5A10];
	v2 =	vor.u32 $0x8, v2  }
0x533: {  	s7 =	sor.u32 $0x20, s11  }
0x534: {  	v4 =	vmov s7  }
0x535: {  	v4 =	vshll.u32 v4, $0x4  }
0x536: {  	v4 =	vor.u32 v1, v4  }
0x537: {  	[tilespmem:v2+s29+$0x0] =	vst.idx.msk $0xffff, v3;
	v2 =	vor.u32 s5, v4  }
0x538: {  	v3 =	vld [tilespmem:s6+$0x5A20];
	v2 =	vor.u32 $0x8, v2  }
0x539: {  	s7 =	sor.u32 $0x30, s11  }
0x53a: {  	v4 =	vmov s7  }
0x53b: {  	v4 =	vshll.u32 v4, $0x4  }
0x53c: {  	v4 =	vor.u32 v1, v4  }
0x53d: {  	[tilespmem:v2+s29+$0x0] =	vst.idx.msk $0xffff, v3;
	v2 =	vor.u32 s5, v4  }
0x53e: {  	v3 =	vld [tilespmem:s6+$0x5A30];
	v2 =	vor.u32 $0x8, v2  }
0x53f: {  	s7 =	sor.u32 $0x40, s11  }
0x540: {  	v4 =	vmov s7  }
0x541: {  	v4 =	vshll.u32 v4, $0x4  }
0x542: {  	v4 =	vor.u32 v1, v4  }
0x543: {  	[tilespmem:v2+s29+$0x0] =	vst.idx.msk $0xffff, v3;
	v2 =	vor.u32 s5, v4  }
0x544: {  	v3 =	vld [tilespmem:s6+$0x5A40];
	v2 =	vor.u32 $0x8, v2  }
0x545: {  	s7 =	sor.u32 $0x50, s11  }
0x546: {  	v4 =	vmov s7  }
0x547: {  	v4 =	vshll.u32 v4, $0x4  }
0x548: {  	v4 =	vor.u32 v1, v4  }
0x549: {  	[tilespmem:v2+s29+$0x0] =	vst.idx.msk $0xffff, v3;
	v2 =	vor.u32 s5, v4  }
0x54a: {  	v3 =	vld [tilespmem:s6+$0x5A50];
	v2 =	vor.u32 $0x8, v2  }
0x54b: {  	s7 =	sor.u32 $0x60, s11  }
0x54c: {  	v4 =	vmov s7  }
0x54d: {  	v4 =	vshll.u32 v4, $0x4  }
0x54e: {  	v4 =	vor.u32 v1, v4  }
0x54f: {  	[tilespmem:v2+s29+$0x0] =	vst.idx.msk $0xffff, v3;
	v2 =	vor.u32 s5, v4  }
0x550: {  	v3 =	vld [tilespmem:s6+$0x5A60];
	v2 =	vor.u32 $0x8, v2  }
0x551: {  	s7 =	sor.u32 $0x70, s11  }
.Ltmp12:
0x552: {  	v4 =	vmov s7;
	(pc) =	sbr.rel @p1 .LBB2_22-.Ltmp12, $4  }
0x553: {  	v4 =	vshll.u32 v4, $0x4  }
0x554: {  	v4 =	vor.u32 v1, v4  }
0x555: {  	[tilespmem:v2+s29+$0x0] =	vst.idx.msk $0xffff, v3;
	v3 =	vor.u32 s5, v4  }
0x556: {  	s8 =	sadd.s32 $0x1, s8;
	s5 =	sshll.u32 s3, $0x4;
	v2 =	vld [tilespmem:s6+$0x5A70];
	v3 =	vor.u32 $0x8, v3  }
0x557: {  	s6 =	sand.u32 $0xFFFFFF80, s5  }
0x558: {  	v4 =	vmov s6  }
0x559: {  	s5 =	sand.u32 $0x7, s3;
	s11 =	sshll.u32 s3, $0x7;
	v4 =	vshll.u32 v4, $0x4  }
0x55a: {  	s3 =	sand.u32 $0x3FFFFC00, s11;
	s7 =	sshll.u32 s5, $0x7;
	v4 =	vor.u32 v1, v4  }
0x55b: {  	s3 =	sor.u32 s7, s3;
	v4 =	vor.u32 s5, v4;
	[tilespmem:v3+s29+$0x0] =	vst.idx.msk $0xffff, v2  }
0x55c: {  	v2 =	vld [tilespmem:s3+$0x5A00];
	v3 =	vor.u32 $0x8, v4  }
0x55d: {  	s12 =	sor.u32 $0x10, s6  }
0x55e: {  	v4 =	vmov s12  }
0x55f: {  	v4 =	vshll.u32 v4, $0x4  }
0x560: {  	v4 =	vor.u32 v1, v4  }
0x561: {  	[tilespmem:v3+s29+$0x0] =	vst.idx.msk $0xffff, v2;
	v2 =	vor.u32 s5, v4  }
0x562: {  	v3 =	vld [tilespmem:s3+$0x5A10];
	v2 =	vor.u32 $0x8, v2  }
0x563: {  	s13 =	sor.u32 $0x20, s6  }
0x564: {  	v4 =	vmov s13  }
0x565: {  	v4 =	vshll.u32 v4, $0x4  }
0x566: {  	v4 =	vor.u32 v1, v4  }
0x567: {  	[tilespmem:v2+s29+$0x0] =	vst.idx.msk $0xffff, v3;
	v2 =	vor.u32 s5, v4  }
0x568: {  	v3 =	vld [tilespmem:s3+$0x5A20];
	v2 =	vor.u32 $0x8, v2  }
0x569: {  	s8 =	sor.u32 $0x30, s6  }
0x56a: {  	v4 =	vmov s8  }
0x56b: {  	v4 =	vshll.u32 v4, $0x4  }
0x56c: {  	v4 =	vor.u32 v1, v4  }
0x56d: {  	[tilespmem:v2+s29+$0x0] =	vst.idx.msk $0xffff, v3;
	v2 =	vor.u32 s5, v4  }
0x56e: {  	v3 =	vld [tilespmem:s3+$0x5A30];
	v2 =	vor.u32 $0x8, v2  }
0x56f: {  	s9 =	sor.u32 $0x40, s6  }
0x570: {  	v4 =	vmov s9  }
0x571: {  	v4 =	vshll.u32 v4, $0x4  }
0x572: {  	v4 =	vor.u32 v1, v4  }
0x573: {  	[tilespmem:v2+s29+$0x0] =	vst.idx.msk $0xffff, v3;
	v2 =	vor.u32 s5, v4  }
0x574: {  	v3 =	vld [tilespmem:s3+$0x5A40];
	v2 =	vor.u32 $0x8, v2  }
0x575: {  	s11 =	sor.u32 $0x50, s6  }
0x576: {  	v4 =	vmov s11  }
0x577: {  	v4 =	vshll.u32 v4, $0x4  }
0x578: {  	v4 =	vor.u32 v1, v4  }
0x579: {  	[tilespmem:v2+s29+$0x0] =	vst.idx.msk $0xffff, v3;
	v2 =	vor.u32 s5, v4  }
0x57a: {  	v3 =	vld [tilespmem:s3+$0x5A50];
	v2 =	vor.u32 $0x8, v2  }
0x57b: {  	s12 =	sor.u32 $0x60, s6  }
0x57c: {  	v4 =	vmov s12  }
0x57d: {  	v4 =	vshll.u32 v4, $0x4  }
0x57e: {  	v4 =	vor.u32 v1, v4  }
0x57f: {  	[tilespmem:v2+s29+$0x0] =	vst.idx.msk $0xffff, v3;
	v2 =	vor.u32 s5, v4  }
0x580: {  	v3 =	vld [tilespmem:s3+$0x5A60];
	v2 =	vor.u32 $0x8, v2  }
0x581: {  	s6 =	sor.u32 $0x70, s6  }
0x582: {  	v4 =	vmov s6  }
0x583: {  	v4 =	vshll.u32 v4, $0x4  }
0x584: {  	v4 =	vor.u32 v1, v4  }
0x585: {  	[tilespmem:v2+s29+$0x0] =	vst.idx.msk $0xffff, v3;
	v2 =	vor.u32 s5, v4  }
0x586: {  	v3 =	vld [tilespmem:s3+$0x5A70];
	v2 =	vor.u32 $0x8, v2;
	_ =	sdelay $0x4  }
0x587: {  	[tilespmem:v2+s29+$0x0] =	vst.idx.msk $0xffff, v3  }
0x588: {  	_ =	swait.ge [sflag:s31], $0x5000  }
0x589: {  	[sflag:s31] =	ssyncset.done $0x0  }
0x58a: {  	s3 =	simm.s32 $0x0;
	s13 =	rddreg [dreg:$0x17];
	[sflag:s31] =	ssyncadd.s32 $0xFFFFB000  }
0x58b: {  	[tilespmem:s0], [sflag:$0x2] =	stream.linear.gather [hbm4b:s13+s3], $0x500, $0x38;
	[tilespmem:$0x19A00] =	vst v63  }
0x58c: {  	s7 =	simm.s32 $0x3200;
	s6 =	rddreg [dreg:$0x9]  }
0x58d: {  	[tilespmem:s7], [sflag:$0x2] =	stream.linear.gather [hbm4b:s6+s3], $0x2800, $0x38;
	[tilespmem:$0x19A00] =	vst v63  }
0x58e: {  	s9 =	simm.s32 $0x8200;
	s8 =	rddreg [dreg:$0x18]  }
0x58f: {  	[tilespmem:s9], [sflag:$0x2] =	stream.linear.gather [hbm4b:s8+s3], $0x2800, $0x38;
	[tilespmem:$0x19A00] =	vst v63  }
0x590: {  	_ = 	snop  }
0x591: {  	[spmem:s10] =	stream.indirect.scatter.add.f32 [tilespmem:s29], [sflag:$0x3], $0x10, s3, s4, $0xb8;
	[tilespmem:$0x19A00] =	vst v63  }
0x592: {  	s11 =	simm.s32 $0xB200  }
0x593: {  	[spmem:s10] =	stream.indirect.scatter.add.f32 [tilespmem:s11], [sflag:$0x3], $0x10, s4, s4, $0xb8;
	[tilespmem:$0x19A00] =	vst v63  }
0x594: {  	s12 =	simm.s32 $0x100;
	s13 =	simm.s32 $0xBA00  }
0x595: {  	[spmem:s10] =	stream.indirect.scatter.add.f32 [tilespmem:s13], [sflag:$0x3], $0x10, s12, s4, $0xb8;
	[tilespmem:$0x19A00] =	vst v63  }
0x596: {  	s6 =	simm.s32 $0x180;
	s7 =	simm.s32 $0xC200  }
0x597: {  	[spmem:s10] =	stream.indirect.scatter.add.f32 [tilespmem:s7], [sflag:$0x3], $0x10, s6, s4, $0xb8;
	[tilespmem:$0x19A00] =	vst v63  }
0x598: {  	_ = 	snop  }
0x599: {  	[spmem:s10] =	stream.indirect.scatter.add.f32 [tilespmem:s15], [sflag:$0x3], $0x10, s14, s4, $0xb8;
	[tilespmem:$0x19A00] =	vst v63  }
0x59a: {  	_ = 	snop  }
0x59b: {  	[spmem:s10] =	stream.indirect.scatter.add.f32 [tilespmem:s17], [sflag:$0x3], $0x10, s16, s4, $0xb8;
	[tilespmem:$0x19A00] =	vst v63  }
0x59c: {  	_ = 	snop  }
0x59d: {  	[spmem:s10] =	stream.indirect.scatter.add.f32 [tilespmem:s19], [sflag:$0x3], $0x10, s18, s4, $0xb8;
	[tilespmem:$0x19A00] =	vst v63  }
0x59e: {  	_ = 	snop  }
0x59f: {  	[spmem:s10] =	stream.indirect.scatter.add.f32 [tilespmem:s21], [sflag:$0x3], $0x10, s20, s4, $0xb8;
	[tilespmem:$0x19A00] =	vst v63  }
0x5a0: {  	_ = 	snop  }
0x5a1: {  	[spmem:s10] =	stream.indirect.scatter.add.f32 [tilespmem:s23], [sflag:$0x3], $0x10, s22, s4, $0xb8;
	[tilespmem:$0x19A00] =	vst v63  }
0x5a2: {  	_ = 	snop  }
0x5a3: {  	[spmem:s10] =	stream.indirect.scatter.add.f32 [tilespmem:s25], [sflag:$0x3], $0x10, s24, s4, $0xb8;
	[tilespmem:$0x19A00] =	vst v63  }
0x5a4: {  	_ =	swait.ge [sflag:s26], $0x500  }
0x5a5: {  	[sflag:s26] =	ssyncset.done $0x0  }
0x5a6: {  	[sflag:s26] =	ssyncadd.s32 $0xFFFFFB00  }
0x5a7: {  	_ =	swait.ge [sflag:s26], $0x2800  }
0x5a8: {  	s8 =	simm.s32 $0x0;
	[sflag:s26] =	ssyncset.done $0x0  }
0x5a9: {  	s5 =	sand.u32 $0xFFFFFF80, s8;
	[sflag:s26] =	ssyncadd.s32 $0xFFFFD800  }
0x5aa: {  	s9 =	simm.s32 $0x0;
	s8 =	sand.u32 $0x7, s3;
	v2 =	vmov s5;
	_ =	swait.ge [sflag:s26], $0x2800  }
0x5ab: {  	s3 =	sand.u32 $0x3FFFFC00, s9;
	v2 =	vshll.u32 v2, $0x4;
	s11 =	sshll.u32 s8, $0x7;
	[sflag:s26] =	ssyncset.done $0x0  }
0x5ac: {  	v2 =	vor.u32 v1, v2;
	s11 =	sor.u32 s11, s3;
	[sflag:s26] =	ssyncadd.s32 $0xFFFFD800  }
0x5ad: {  	v2 =	vor.u32 s8, v2;
	v3 =	vld [tilespmem:s11+$0x3200];
	_ =	sdelay $0x1  }
0x5ae: {  	s12 =	sor.u32 $0x10, s5  }
0x5af: {  	v4 =	vmov s12  }
0x5b0: {  	v4 =	vshll.u32 v4, $0x4  }
0x5b1: {  	[tilespmem:v2+s30+$0x0] =	vst.idx.msk $0xffff, v3;
	v3 =	vor.u32 v1, v4  }
0x5b2: {  	v4 =	vld [tilespmem:s11+$0x3210];
	v3 =	vor.u32 s8, v3;
	_ =	sdelay $0x1  }
0x5b3: {  	s13 =	sor.u32 $0x20, s5  }
0x5b4: {  	v5 =	vmov s13  }
0x5b5: {  	v5 =	vshll.u32 v5, $0x4  }
0x5b6: {  	[tilespmem:v3+s30+$0x0] =	vst.idx.msk $0xffff, v4;
	v4 =	vor.u32 v1, v5  }
0x5b7: {  	v5 =	vld [tilespmem:s11+$0x3220];
	v4 =	vor.u32 s8, v4;
	_ =	sdelay $0x1  }
0x5b8: {  	s6 =	sor.u32 $0x30, s5  }
0x5b9: {  	v6 =	vmov s6  }
0x5ba: {  	v6 =	vshll.u32 v6, $0x4  }
0x5bb: {  	[tilespmem:v4+s30+$0x0] =	vst.idx.msk $0xffff, v5;
	v5 =	vor.u32 v1, v6  }
0x5bc: {  	v6 =	vld [tilespmem:s11+$0x3230];
	v5 =	vor.u32 s8, v5;
	_ =	sdelay $0x1  }
0x5bd: {  	s7 =	sor.u32 $0x40, s5  }
0x5be: {  	v7 =	vmov s7  }
0x5bf: {  	v7 =	vshll.u32 v7, $0x4  }
0x5c0: {  	[tilespmem:v5+s30+$0x0] =	vst.idx.msk $0xffff, v6;
	v6 =	vor.u32 v1, v7  }
0x5c1: {  	v7 =	vld [tilespmem:s11+$0x3240];
	v6 =	vor.u32 s8, v6;
	_ =	sdelay $0x1  }
0x5c2: {  	s9 =	sor.u32 $0x50, s5  }
0x5c3: {  	v8 =	vmov s9  }
0x5c4: {  	v8 =	vshll.u32 v8, $0x4  }
0x5c5: {  	[tilespmem:v6+s30+$0x0] =	vst.idx.msk $0xffff, v7;
	v7 =	vor.u32 v1, v8  }
0x5c6: {  	v8 =	vld [tilespmem:s11+$0x3250];
	v7 =	vor.u32 s8, v7;
	_ =	sdelay $0x1  }
0x5c7: {  	s12 =	sor.u32 $0x60, s5  }
0x5c8: {  	v9 =	vmov s12  }
0x5c9: {  	v9 =	vshll.u32 v9, $0x4  }
0x5ca: {  	[tilespmem:v7+s30+$0x0] =	vst.idx.msk $0xffff, v8;
	v8 =	vor.u32 v1, v9  }
0x5cb: {  	v9 =	vld [tilespmem:s11+$0x3260];
	v8 =	vor.u32 s8, v8;
	_ =	sdelay $0x1  }
0x5cc: {  	s13 =	sor.u32 $0x70, s5  }
0x5cd: {  	v10 =	vmov s13  }
0x5ce: {  	v10 =	vshll.u32 v10, $0x4  }
0x5cf: {  	[tilespmem:v8+s30+$0x0] =	vst.idx.msk $0xffff, v9;
	v9 =	vor.u32 v1, v10  }
0x5d0: {  	s3 =	simm.s32 $0x1;
	v10 =	vld [tilespmem:s11+$0x3270];
	v11 =	vor.u32 s8, v9  }
0x5d1: {  	s5 =	simm.s32 $0x1;
	s7 =	simm.s32 $0x10;
	s6 =	simm.s32 $0x2  }
.LBB2_24:
0x5d2: {  	p1 =	sne.s32 s6, $0x4F;
	s7 =	sand.u32 $0xFFFFFF80, s7  }
0x5d3: {  	s12 =	sand.u32 $0x7, s5;
	s9 =	sshll.u32 s5, $0x7;
	s5 =	smov.u32 s6;
	v12 =	vmov s7  }
0x5d4: {  	s9 =	sand.u32 $0x3FFFFC00, s9;
	s13 =	sshll.u32 s12, $0x7;
	v12 =	vshll.u32 v12, $0x4  }
0x5d5: {  	s9 =	sor.u32 s13, s9;
	v12 =	vor.u32 v1, v12;
	[tilespmem:v11+s30+$0x0] =	vst.idx.msk $0xffff, v10  }
0x5d6: {  	v10 =	vld [tilespmem:s9+$0x3200];
	v11 =	vor.u32 s12, v12;
	_ =	sdelay $0x1  }
0x5d7: {  	s13 =	sor.u32 $0x10, s7  }
0x5d8: {  	v12 =	vmov s13  }
0x5d9: {  	v12 =	vshll.u32 v12, $0x4  }
0x5da: {  	[tilespmem:v11+s30+$0x0] =	vst.idx.msk $0xffff, v10;
	v10 =	vor.u32 v1, v12  }
0x5db: {  	v11 =	vld [tilespmem:s9+$0x3210];
	v10 =	vor.u32 s12, v10;
	_ =	sdelay $0x1  }
0x5dc: {  	s13 =	sor.u32 $0x20, s7  }
0x5dd: {  	v12 =	vmov s13  }
0x5de: {  	v12 =	vshll.u32 v12, $0x4  }
0x5df: {  	[tilespmem:v10+s30+$0x0] =	vst.idx.msk $0xffff, v11;
	v10 =	vor.u32 v1, v12  }
0x5e0: {  	v11 =	vld [tilespmem:s9+$0x3220];
	v10 =	vor.u32 s12, v10;
	_ =	sdelay $0x1  }
0x5e1: {  	s13 =	sor.u32 $0x30, s7  }
0x5e2: {  	v12 =	vmov s13  }
0x5e3: {  	v12 =	vshll.u32 v12, $0x4  }
0x5e4: {  	[tilespmem:v10+s30+$0x0] =	vst.idx.msk $0xffff, v11;
	v10 =	vor.u32 v1, v12  }
0x5e5: {  	v11 =	vld [tilespmem:s9+$0x3230];
	v10 =	vor.u32 s12, v10;
	_ =	sdelay $0x1  }
0x5e6: {  	s13 =	sor.u32 $0x40, s7  }
0x5e7: {  	v12 =	vmov s13  }
0x5e8: {  	v12 =	vshll.u32 v12, $0x4  }
0x5e9: {  	[tilespmem:v10+s30+$0x0] =	vst.idx.msk $0xffff, v11;
	v10 =	vor.u32 v1, v12  }
0x5ea: {  	v11 =	vld [tilespmem:s9+$0x3240];
	v10 =	vor.u32 s12, v10;
	_ =	sdelay $0x1  }
0x5eb: {  	s13 =	sor.u32 $0x50, s7  }
0x5ec: {  	v12 =	vmov s13  }
0x5ed: {  	v12 =	vshll.u32 v12, $0x4  }
0x5ee: {  	[tilespmem:v10+s30+$0x0] =	vst.idx.msk $0xffff, v11;
	v10 =	vor.u32 v1, v12  }
0x5ef: {  	v11 =	vld [tilespmem:s9+$0x3250];
	v10 =	vor.u32 s12, v10;
	_ =	sdelay $0x1  }
0x5f0: {  	s13 =	sor.u32 $0x60, s7  }
0x5f1: {  	v12 =	vmov s13  }
0x5f2: {  	v12 =	vshll.u32 v12, $0x4  }
0x5f3: {  	[tilespmem:v10+s30+$0x0] =	vst.idx.msk $0xffff, v11;
	v10 =	vor.u32 v1, v12  }
0x5f4: {  	v11 =	vld [tilespmem:s9+$0x3260];
	v10 =	vor.u32 s12, v10;
	_ =	sdelay $0x1  }
0x5f5: {  	s7 =	sor.u32 $0x70, s7  }
.Ltmp13:
0x5f6: {  	v12 =	vmov s7;
	(pc) =	sbr.rel @p1 .LBB2_24-.Ltmp13, $4  }
0x5f7: {  	v12 =	vshll.u32 v12, $0x4  }
0x5f8: {  	[tilespmem:v10+s30+$0x0] =	vst.idx.msk $0xffff, v11;
	v11 =	vor.u32 v1, v12  }
0x5f9: {  	v10 =	vld [tilespmem:s9+$0x3270];
	v11 =	vor.u32 s12, v11  }
0x5fa: {  	s6 =	sadd.s32 $0x1, s6;
	s7 =	sshll.u32 s5, $0x4  }
0x5fb: {  	_ = 	snop  }
0x5fc: {  	s6 =	sand.u32 $0xFFFFFF80, s7  }
0x5fd: {  	s7 =	sand.u32 $0x7, s5;
	s9 =	sshll.u32 s5, $0x7;
	v12 =	vmov s6  }
0x5fe: {  	s5 =	sand.u32 $0x3FFFFC00, s9;
	s9 =	sshll.u32 s7, $0x7;
	v12 =	vshll.u32 v12, $0x4  }
0x5ff: {  	s5 =	sor.u32 s9, s5;
	v12 =	vor.u32 v1, v12;
	[tilespmem:v11+s30+$0x0] =	vst.idx.msk $0xffff, v10  }
0x600: {  	v10 =	vld [tilespmem:s5+$0x3200];
	v49 =	vor.u32 s7, v12;
	_ =	sdelay $0x1  }
0x601: {  	s12 =	sor.u32 $0x10, s6  }
0x602: {  	v50 =	vmov s12  }
0x603: {  	v12 =	vshll.u32 v50, $0x4  }
0x604: {  	v51 =	vor.u32 v1, v12;
	[tilespmem:v49+s30+$0x0] =	vst.idx.msk $0xffff, v10  }
0x605: {  	v10 =	vor.u32 s7, v51;
	v11 =	vld [tilespmem:s5+$0x3210];
	_ =	sdelay $0x1  }
0x606: {  	s13 =	sor.u32 $0x20, s6  }
0x607: {  	v52 =	vmov s13  }
0x608: {  	v12 =	vshll.u32 v52, $0x4  }
0x609: {  	v53 =	vor.u32 v1, v12;
	[tilespmem:v10+s30+$0x0] =	vst.idx.msk $0xffff, v11  }
0x60a: {  	v10 =	vor.u32 s7, v53;
	v11 =	vld [tilespmem:s5+$0x3220];
	_ =	sdelay $0x1  }
0x60b: {  	s12 =	sor.u32 $0x30, s6  }
0x60c: {  	v54 =	vmov s12  }
0x60d: {  	v12 =	vshll.u32 v54, $0x4  }
0x60e: {  	v55 =	vor.u32 v1, v12;
	[tilespmem:v10+s30+$0x0] =	vst.idx.msk $0xffff, v11  }
0x60f: {  	v10 =	vor.u32 s7, v55;
	v11 =	vld [tilespmem:s5+$0x3230];
	_ =	sdelay $0x1  }
0x610: {  	s13 =	sor.u32 $0x40, s6  }
0x611: {  	v56 =	vmov s13  }
0x612: {  	v12 =	vshll.u32 v56, $0x4  }
0x613: {  	v57 =	vor.u32 v1, v12;
	[tilespmem:v10+s30+$0x0] =	vst.idx.msk $0xffff, v11  }
0x614: {  	v10 =	vor.u32 s7, v57;
	v11 =	vld [tilespmem:s5+$0x3240];
	_ =	sdelay $0x1  }
0x615: {  	s12 =	sor.u32 $0x50, s6  }
0x616: {  	v58 =	vmov s12  }
0x617: {  	v12 =	vshll.u32 v58, $0x4  }
0x618: {  	v59 =	vor.u32 v1, v12;
	[tilespmem:v10+s30+$0x0] =	vst.idx.msk $0xffff, v11  }
0x619: {  	v10 =	vor.u32 s7, v59;
	v11 =	vld [tilespmem:s5+$0x3250];
	_ =	sdelay $0x1  }
0x61a: {  	s13 =	sor.u32 $0x60, s6  }
0x61b: {  	v60 =	vmov s13  }
0x61c: {  	v12 =	vshll.u32 v60, $0x4  }
0x61d: {  	v61 =	vor.u32 v1, v12;
	[tilespmem:v10+s30+$0x0] =	vst.idx.msk $0xffff, v11  }
0x61e: {  	v10 =	vor.u32 s7, v61;
	v11 =	vld [tilespmem:s5+$0x3260];
	_ =	sdelay $0x1  }
0x61f: {  	s6 =	sor.u32 $0x70, s6  }
0x620: {  	v62 =	vmov s6  }
0x621: {  	v12 =	vshll.u32 v62, $0x4  }
0x622: {  	v63 =	vor.u32 v1, v12;
	[tilespmem:v10+s30+$0x0] =	vst.idx.msk $0xffff, v11  }
0x623: {  	v10 =	vor.u32 s7, v63;
	v11 =	vld [tilespmem:s5+$0x3270];
	_ =	sdelay $0x4  }
0x624: {  	[tilespmem:v10+s30+$0x0] =	vst.idx.msk $0xffff, v11  }
0x625: {  	v2 =	vor.u32 $0x8, v2;
	v10 =	vld [tilespmem:s11+$0x8200];
	_ =	sdelay $0x4  }
0x626: {  	[tilespmem:v2+s30+$0x0] =	vst.idx.msk $0xffff, v10  }
0x627: {  	v3 =	vor.u32 $0x8, v3;
	v2 =	vld [tilespmem:s11+$0x8210];
	_ =	sdelay $0x4  }
0x628: {  	[tilespmem:v3+s30+$0x0] =	vst.idx.msk $0xffff, v2  }
0x629: {  	v3 =	vor.u32 $0x8, v4;
	v2 =	vld [tilespmem:s11+$0x8220];
	_ =	sdelay $0x4  }
0x62a: {  	[tilespmem:v3+s30+$0x0] =	vst.idx.msk $0xffff, v2  }
0x62b: {  	v3 =	vor.u32 $0x8, v5;
	v2 =	vld [tilespmem:s11+$0x8230];
	_ =	sdelay $0x4  }
0x62c: {  	[tilespmem:v3+s30+$0x0] =	vst.idx.msk $0xffff, v2  }
0x62d: {  	v3 =	vor.u32 $0x8, v6;
	v2 =	vld [tilespmem:s11+$0x8240];
	_ =	sdelay $0x4  }
0x62e: {  	[tilespmem:v3+s30+$0x0] =	vst.idx.msk $0xffff, v2  }
0x62f: {  	v3 =	vor.u32 $0x8, v7;
	v2 =	vld [tilespmem:s11+$0x8250];
	_ =	sdelay $0x4  }
0x630: {  	[tilespmem:v3+s30+$0x0] =	vst.idx.msk $0xffff, v2  }
0x631: {  	v3 =	vor.u32 $0x8, v8;
	v2 =	vld [tilespmem:s11+$0x8260];
	_ =	sdelay $0x4  }
0x632: {  	[tilespmem:v3+s30+$0x0] =	vst.idx.msk $0xffff, v2;
	v3 =	vor.u32 s8, v9  }
0x633: {  	s5 =	simm.s32 $0x10;
	s8 =	simm.s32 $0x2;
	v2 =	vld [tilespmem:s11+$0x8270];
	v3 =	vor.u32 $0x8, v3  }
.LBB2_26:
0x634: {  	p1 =	sne.s32 s8, $0x4F;
	s11 =	sand.u32 $0xFFFFFF80, s5  }
0x635: {  	v4 =	vmov s11  }
0x636: {  	s5 =	sand.u32 $0x7, s3;
	s6 =	sshll.u32 s3, $0x7;
	s3 =	smov.u32 s8;
	v4 =	vshll.u32 v4, $0x4  }
0x637: {  	s6 =	sand.u32 $0x3FFFFC00, s6;
	s7 =	sshll.u32 s5, $0x7;
	v4 =	vor.u32 v1, v4  }
0x638: {  	s6 =	sor.u32 s7, s6;
	v4 =	vor.u32 s5, v4;
	[tilespmem:v3+s30+$0x0] =	vst.idx.msk $0xffff, v2  }
0x639: {  	v2 =	vld [tilespmem:s6+$0x8200];
	v3 =	vor.u32 $0x8, v4  }
0x63a: {  	s7 =	sor.u32 $0x10, s11  }
0x63b: {  	v4 =	vmov s7  }
0x63c: {  	v4 =	vshll.u32 v4, $0x4  }
0x63d: {  	v4 =	vor.u32 v1, v4  }
0x63e: {  	[tilespmem:v3+s30+$0x0] =	vst.idx.msk $0xffff, v2;
	v2 =	vor.u32 s5, v4  }
0x63f: {  	v3 =	vld [tilespmem:s6+$0x8210];
	v2 =	vor.u32 $0x8, v2  }
0x640: {  	s7 =	sor.u32 $0x20, s11  }
0x641: {  	v4 =	vmov s7  }
0x642: {  	v4 =	vshll.u32 v4, $0x4  }
0x643: {  	v4 =	vor.u32 v1, v4  }
0x644: {  	[tilespmem:v2+s30+$0x0] =	vst.idx.msk $0xffff, v3;
	v2 =	vor.u32 s5, v4  }
0x645: {  	v3 =	vld [tilespmem:s6+$0x8220];
	v2 =	vor.u32 $0x8, v2  }
0x646: {  	s7 =	sor.u32 $0x30, s11  }
0x647: {  	v4 =	vmov s7  }
0x648: {  	v4 =	vshll.u32 v4, $0x4  }
0x649: {  	v4 =	vor.u32 v1, v4  }
0x64a: {  	[tilespmem:v2+s30+$0x0] =	vst.idx.msk $0xffff, v3;
	v2 =	vor.u32 s5, v4  }
0x64b: {  	v3 =	vld [tilespmem:s6+$0x8230];
	v2 =	vor.u32 $0x8, v2  }
0x64c: {  	s7 =	sor.u32 $0x40, s11  }
0x64d: {  	v4 =	vmov s7  }
0x64e: {  	v4 =	vshll.u32 v4, $0x4  }
0x64f: {  	v4 =	vor.u32 v1, v4  }
0x650: {  	[tilespmem:v2+s30+$0x0] =	vst.idx.msk $0xffff, v3;
	v2 =	vor.u32 s5, v4  }
0x651: {  	v3 =	vld [tilespmem:s6+$0x8240];
	v2 =	vor.u32 $0x8, v2  }
0x652: {  	s7 =	sor.u32 $0x50, s11  }
0x653: {  	v4 =	vmov s7  }
0x654: {  	v4 =	vshll.u32 v4, $0x4  }
0x655: {  	v4 =	vor.u32 v1, v4  }
0x656: {  	[tilespmem:v2+s30+$0x0] =	vst.idx.msk $0xffff, v3;
	v2 =	vor.u32 s5, v4  }
0x657: {  	v3 =	vld [tilespmem:s6+$0x8250];
	v2 =	vor.u32 $0x8, v2  }
0x658: {  	s7 =	sor.u32 $0x60, s11  }
0x659: {  	v4 =	vmov s7  }
0x65a: {  	v4 =	vshll.u32 v4, $0x4  }
0x65b: {  	v4 =	vor.u32 v1, v4  }
0x65c: {  	[tilespmem:v2+s30+$0x0] =	vst.idx.msk $0xffff, v3;
	v2 =	vor.u32 s5, v4  }
0x65d: {  	v3 =	vld [tilespmem:s6+$0x8260];
	v2 =	vor.u32 $0x8, v2  }
0x65e: {  	s7 =	sor.u32 $0x70, s11  }
.Ltmp14:
0x65f: {  	v4 =	vmov s7;
	(pc) =	sbr.rel @p1 .LBB2_26-.Ltmp14, $4  }
0x660: {  	v4 =	vshll.u32 v4, $0x4  }
0x661: {  	v4 =	vor.u32 v1, v4  }
0x662: {  	[tilespmem:v2+s30+$0x0] =	vst.idx.msk $0xffff, v3;
	v3 =	vor.u32 s5, v4  }
0x663: {  	s8 =	sadd.s32 $0x1, s8;
	s5 =	sshll.u32 s3, $0x4;
	v2 =	vld [tilespmem:s6+$0x8270];
	v3 =	vor.u32 $0x8, v3  }
0x664: {  	s6 =	sand.u32 $0xFFFFFF80, s5  }
0x665: {  	v4 =	vmov s6  }
0x666: {  	s5 =	sand.u32 $0x7, s3;
	s8 =	sshll.u32 s3, $0x7;
	v4 =	vshll.u32 v4, $0x4  }
0x667: {  	s3 =	sand.u32 $0x3FFFFC00, s8;
	s7 =	sshll.u32 s5, $0x7;
	v4 =	vor.u32 v1, v4  }
0x668: {  	s3 =	sor.u32 s7, s3;
	v4 =	vor.u32 s5, v4;
	[tilespmem:v3+s30+$0x0] =	vst.idx.msk $0xffff, v2  }
0x669: {  	v2 =	vld [tilespmem:s3+$0x8200];
	v3 =	vor.u32 $0x8, v4  }
0x66a: {  	s9 =	sor.u32 $0x10, s6  }
0x66b: {  	v4 =	vmov s9  }
0x66c: {  	v4 =	vshll.u32 v4, $0x4  }
0x66d: {  	v4 =	vor.u32 v1, v4  }
0x66e: {  	[tilespmem:v3+s30+$0x0] =	vst.idx.msk $0xffff, v2;
	v2 =	vor.u32 s5, v4  }
0x66f: {  	v3 =	vld [tilespmem:s3+$0x8210];
	v2 =	vor.u32 $0x8, v2  }
0x670: {  	s11 =	sor.u32 $0x20, s6  }
0x671: {  	v4 =	vmov s11  }
0x672: {  	v4 =	vshll.u32 v4, $0x4  }
0x673: {  	v4 =	vor.u32 v1, v4  }
0x674: {  	[tilespmem:v2+s30+$0x0] =	vst.idx.msk $0xffff, v3;
	v2 =	vor.u32 s5, v4  }
0x675: {  	v3 =	vld [tilespmem:s3+$0x8220];
	v2 =	vor.u32 $0x8, v2  }
0x676: {  	s12 =	sor.u32 $0x30, s6  }
0x677: {  	v4 =	vmov s12  }
0x678: {  	v4 =	vshll.u32 v4, $0x4  }
0x679: {  	v4 =	vor.u32 v1, v4  }
0x67a: {  	[tilespmem:v2+s30+$0x0] =	vst.idx.msk $0xffff, v3;
	v2 =	vor.u32 s5, v4  }
0x67b: {  	v3 =	vld [tilespmem:s3+$0x8230];
	v2 =	vor.u32 $0x8, v2  }
0x67c: {  	s13 =	sor.u32 $0x40, s6  }
0x67d: {  	v4 =	vmov s13  }
0x67e: {  	v4 =	vshll.u32 v4, $0x4  }
0x67f: {  	v4 =	vor.u32 v1, v4  }
0x680: {  	[tilespmem:v2+s30+$0x0] =	vst.idx.msk $0xffff, v3;
	v2 =	vor.u32 s5, v4  }
0x681: {  	v3 =	vld [tilespmem:s3+$0x8240];
	v2 =	vor.u32 $0x8, v2  }
0x682: {  	s8 =	sor.u32 $0x50, s6  }
0x683: {  	v4 =	vmov s8  }
0x684: {  	v4 =	vshll.u32 v4, $0x4  }
0x685: {  	v4 =	vor.u32 v1, v4  }
0x686: {  	[tilespmem:v2+s30+$0x0] =	vst.idx.msk $0xffff, v3;
	v2 =	vor.u32 s5, v4  }
0x687: {  	v3 =	vld [tilespmem:s3+$0x8250];
	v2 =	vor.u32 $0x8, v2  }
0x688: {  	s9 =	sor.u32 $0x60, s6  }
0x689: {  	v4 =	vmov s9  }
0x68a: {  	v4 =	vshll.u32 v4, $0x4  }
0x68b: {  	v4 =	vor.u32 v1, v4  }
0x68c: {  	[tilespmem:v2+s30+$0x0] =	vst.idx.msk $0xffff, v3;
	v2 =	vor.u32 s5, v4  }
0x68d: {  	v3 =	vld [tilespmem:s3+$0x8260];
	v2 =	vor.u32 $0x8, v2  }
0x68e: {  	s6 =	sor.u32 $0x70, s6  }
0x68f: {  	v4 =	vmov s6  }
0x690: {  	v4 =	vshll.u32 v4, $0x4  }
0x691: {  	v4 =	vor.u32 v1, v4  }
0x692: {  	[tilespmem:v2+s30+$0x0] =	vst.idx.msk $0xffff, v3;
	v2 =	vor.u32 s5, v4  }
0x693: {  	v3 =	vld [tilespmem:s3+$0x8270];
	v2 =	vor.u32 $0x8, v2;
	_ =	sdelay $0x4  }
0x694: {  	[tilespmem:v2+s30+$0x0] =	vst.idx.msk $0xffff, v3  }
0x695: {  	_ =	swait.ge [sflag:s31], $0x5000  }
0x696: {  	[sflag:s31] =	ssyncset.done $0x0  }
0x697: {  	s3 =	simm.s32 $0x0;
	s11 =	rddreg [dreg:$0x19];
	[sflag:s31] =	ssyncadd.s32 $0xFFFFB000  }
0x698: {  	[tilespmem:s3], [sflag:$0x1] =	stream.linear.gather [hbm4b:s11+s3], $0x500, $0x38;
	[tilespmem:$0x19A00] =	vst v63  }
0x699: {  	s13 =	simm.s32 $0xA00;
	s12 =	rddreg [dreg:$0xa]  }
0x69a: {  	[tilespmem:s13], [sflag:$0x1] =	stream.linear.gather [hbm4b:s12+s3], $0x2800, $0x38;
	[tilespmem:$0x19A00] =	vst v63  }
0x69b: {  	s8 =	simm.s32 $0x5A00;
	s7 =	rddreg [dreg:$0x1a]  }
0x69c: {  	[tilespmem:s8], [sflag:$0x1] =	stream.linear.gather [hbm4b:s7+s3], $0x2800, $0x38;
	[tilespmem:$0x19A00] =	vst v63  }
0x69d: {  	_ = 	snop  }
0x69e: {  	[spmem:s10] =	stream.indirect.scatter.add.f32 [tilespmem:s30], [sflag:$0x3], $0x10, s0, s4, $0xb8;
	[tilespmem:$0x19A00] =	vst v63  }
0x69f: {  	s9 =	simm.s32 $0x580;
	s11 =	simm.s32 $0x10200  }
0x6a0: {  	[spmem:s10] =	stream.indirect.scatter.add.f32 [tilespmem:s11], [sflag:$0x3], $0x10, s9, s4, $0xb8;
	[tilespmem:$0x19A00] =	vst v63  }
0x6a1: {  	s12 =	simm.s32 $0x600;
	s13 =	simm.s32 $0x10A00  }
0x6a2: {  	[spmem:s10] =	stream.indirect.scatter.add.f32 [tilespmem:s13], [sflag:$0x3], $0x10, s12, s4, $0xb8;
	[tilespmem:$0x19A00] =	vst v63  }
0x6a3: {  	s7 =	simm.s32 $0x680;
	s8 =	simm.s32 $0x11200  }
0x6a4: {  	[spmem:s10] =	stream.indirect.scatter.add.f32 [tilespmem:s8], [sflag:$0x3], $0x10, s7, s4, $0xb8;
	[tilespmem:$0x19A00] =	vst v63  }
0x6a5: {  	s9 =	simm.s32 $0x700;
	s11 =	simm.s32 $0x11A00  }
0x6a6: {  	[spmem:s10] =	stream.indirect.scatter.add.f32 [tilespmem:s11], [sflag:$0x3], $0x10, s9, s4, $0xb8;
	[tilespmem:$0x19A00] =	vst v63  }
0x6a7: {  	s12 =	simm.s32 $0x780;
	s13 =	simm.s32 $0x12200  }
0x6a8: {  	[spmem:s10] =	stream.indirect.scatter.add.f32 [tilespmem:s13], [sflag:$0x3], $0x10, s12, s4, $0xb8;
	[tilespmem:$0x19A00] =	vst v63  }
0x6a9: {  	s7 =	simm.s32 $0x800;
	s8 =	simm.s32 $0x12A00  }
0x6aa: {  	[spmem:s10] =	stream.indirect.scatter.add.f32 [tilespmem:s8], [sflag:$0x3], $0x10, s7, s4, $0xb8;
	[tilespmem:$0x19A00] =	vst v63  }
0x6ab: {  	s9 =	simm.s32 $0x880;
	s11 =	simm.s32 $0x13200  }
0x6ac: {  	[spmem:s10] =	stream.indirect.scatter.add.f32 [tilespmem:s11], [sflag:$0x3], $0x10, s9, s4, $0xb8;
	[tilespmem:$0x19A00] =	vst v63  }
0x6ad: {  	s12 =	simm.s32 $0x900;
	s13 =	simm.s32 $0x13A00  }
0x6ae: {  	[spmem:s10] =	stream.indirect.scatter.add.f32 [tilespmem:s13], [sflag:$0x3], $0x10, s12, s4, $0xb8;
	[tilespmem:$0x19A00] =	vst v63  }
0x6af: {  	s6 =	simm.s32 $0x980;
	s7 =	simm.s32 $0x14200  }
0x6b0: {  	[spmem:s10] =	stream.indirect.scatter.add.f32 [tilespmem:s7], [sflag:$0x3], $0x10, s6, s4, $0xb8;
	[tilespmem:$0x19A00] =	vst v63  }
0x6b1: {  	_ =	swait.ge [sflag:s28], $0x500  }
0x6b2: {  	[sflag:s28] =	ssyncset.done $0x0  }
0x6b3: {  	[sflag:s28] =	ssyncadd.s32 $0xFFFFFB00  }
0x6b4: {  	_ =	swait.ge [sflag:s28], $0x2800  }
0x6b5: {  	s8 =	simm.s32 $0x0;
	[sflag:s28] =	ssyncset.done $0x0  }
0x6b6: {  	s5 =	sand.u32 $0xFFFFFF80, s8;
	[sflag:s28] =	ssyncadd.s32 $0xFFFFD800  }
0x6b7: {  	s8 =	sand.u32 $0x7, s3;
	s9 =	simm.s32 $0x0;
	v2 =	vmov s5;
	_ =	swait.ge [sflag:s28], $0x2800  }
0x6b8: {  	s11 =	sshll.u32 s8, $0x7;
	s3 =	sand.u32 $0x3FFFFC00, s9;
	v2 =	vshll.u32 v2, $0x4;
	[sflag:s28] =	ssyncset.done $0x0  }
0x6b9: {  	s11 =	sor.u32 s11, s3;
	v2 =	vor.u32 v1, v2;
	[sflag:s28] =	ssyncadd.s32 $0xFFFFD800  }
0x6ba: {  	v2 =	vor.u32 s8, v2;
	v3 =	vld [tilespmem:s11+$0xA00];
	_ =	sdelay $0x1  }
0x6bb: {  	s12 =	sor.u32 $0x10, s5  }
0x6bc: {  	v4 =	vmov s12  }
0x6bd: {  	v4 =	vshll.u32 v4, $0x4  }
0x6be: {  	[tilespmem:v2+s29+$0x0] =	vst.idx.msk $0xffff, v3;
	v3 =	vor.u32 v1, v4  }
0x6bf: {  	v4 =	vld [tilespmem:s11+$0xA10];
	v3 =	vor.u32 s8, v3;
	_ =	sdelay $0x1  }
0x6c0: {  	s13 =	sor.u32 $0x20, s5  }
0x6c1: {  	v5 =	vmov s13  }
0x6c2: {  	v5 =	vshll.u32 v5, $0x4  }
0x6c3: {  	[tilespmem:v3+s29+$0x0] =	vst.idx.msk $0xffff, v4;
	v4 =	vor.u32 v1, v5  }
0x6c4: {  	v5 =	vld [tilespmem:s11+$0xA20];
	v4 =	vor.u32 s8, v4;
	_ =	sdelay $0x1  }
0x6c5: {  	s6 =	sor.u32 $0x30, s5  }
0x6c6: {  	v6 =	vmov s6  }
0x6c7: {  	v6 =	vshll.u32 v6, $0x4  }
0x6c8: {  	[tilespmem:v4+s29+$0x0] =	vst.idx.msk $0xffff, v5;
	v5 =	vor.u32 v1, v6  }
0x6c9: {  	v6 =	vld [tilespmem:s11+$0xA30];
	v5 =	vor.u32 s8, v5;
	_ =	sdelay $0x1  }
0x6ca: {  	s7 =	sor.u32 $0x40, s5  }
0x6cb: {  	v7 =	vmov s7  }
0x6cc: {  	v7 =	vshll.u32 v7, $0x4  }
0x6cd: {  	[tilespmem:v5+s29+$0x0] =	vst.idx.msk $0xffff, v6;
	v6 =	vor.u32 v1, v7  }
0x6ce: {  	v7 =	vld [tilespmem:s11+$0xA40];
	v6 =	vor.u32 s8, v6;
	_ =	sdelay $0x1  }
0x6cf: {  	s9 =	sor.u32 $0x50, s5  }
0x6d0: {  	v8 =	vmov s9  }
0x6d1: {  	v8 =	vshll.u32 v8, $0x4  }
0x6d2: {  	[tilespmem:v6+s29+$0x0] =	vst.idx.msk $0xffff, v7;
	v7 =	vor.u32 v1, v8  }
0x6d3: {  	v8 =	vld [tilespmem:s11+$0xA50];
	v7 =	vor.u32 s8, v7;
	_ =	sdelay $0x1  }
0x6d4: {  	s12 =	sor.u32 $0x60, s5  }
0x6d5: {  	v9 =	vmov s12  }
0x6d6: {  	v9 =	vshll.u32 v9, $0x4  }
0x6d7: {  	[tilespmem:v7+s29+$0x0] =	vst.idx.msk $0xffff, v8;
	v8 =	vor.u32 v1, v9  }
0x6d8: {  	v9 =	vld [tilespmem:s11+$0xA60];
	v8 =	vor.u32 s8, v8;
	_ =	sdelay $0x1  }
0x6d9: {  	s13 =	sor.u32 $0x70, s5  }
0x6da: {  	v10 =	vmov s13  }
0x6db: {  	v10 =	vshll.u32 v10, $0x4  }
0x6dc: {  	[tilespmem:v8+s29+$0x0] =	vst.idx.msk $0xffff, v9;
	v9 =	vor.u32 v1, v10  }
0x6dd: {  	s3 =	simm.s32 $0x1;
	v10 =	vld [tilespmem:s11+$0xA70];
	v11 =	vor.u32 s8, v9  }
0x6de: {  	s5 =	simm.s32 $0x1;
	s7 =	simm.s32 $0x10;
	s6 =	simm.s32 $0x2  }
.LBB2_28:
0x6df: {  	p1 =	sne.s32 s6, $0x4F;
	s7 =	sand.u32 $0xFFFFFF80, s7  }
0x6e0: {  	s12 =	sand.u32 $0x7, s5;
	s9 =	sshll.u32 s5, $0x7;
	s5 =	smov.u32 s6;
	v12 =	vmov s7  }
0x6e1: {  	s9 =	sand.u32 $0x3FFFFC00, s9;
	s13 =	sshll.u32 s12, $0x7;
	v12 =	vshll.u32 v12, $0x4  }
0x6e2: {  	s9 =	sor.u32 s13, s9;
	v12 =	vor.u32 v1, v12;
	[tilespmem:v11+s29+$0x0] =	vst.idx.msk $0xffff, v10  }
0x6e3: {  	v10 =	vld [tilespmem:s9+$0xA00];
	v11 =	vor.u32 s12, v12;
	_ =	sdelay $0x1  }
0x6e4: {  	s13 =	sor.u32 $0x10, s7  }
0x6e5: {  	v12 =	vmov s13  }
0x6e6: {  	v12 =	vshll.u32 v12, $0x4  }
0x6e7: {  	[tilespmem:v11+s29+$0x0] =	vst.idx.msk $0xffff, v10;
	v10 =	vor.u32 v1, v12  }
0x6e8: {  	v11 =	vld [tilespmem:s9+$0xA10];
	v10 =	vor.u32 s12, v10;
	_ =	sdelay $0x1  }
0x6e9: {  	s13 =	sor.u32 $0x20, s7  }
0x6ea: {  	v12 =	vmov s13  }
0x6eb: {  	v12 =	vshll.u32 v12, $0x4  }
0x6ec: {  	[tilespmem:v10+s29+$0x0] =	vst.idx.msk $0xffff, v11;
	v10 =	vor.u32 v1, v12  }
0x6ed: {  	v11 =	vld [tilespmem:s9+$0xA20];
	v10 =	vor.u32 s12, v10;
	_ =	sdelay $0x1  }
0x6ee: {  	s13 =	sor.u32 $0x30, s7  }
0x6ef: {  	v12 =	vmov s13  }
0x6f0: {  	v12 =	vshll.u32 v12, $0x4  }
0x6f1: {  	[tilespmem:v10+s29+$0x0] =	vst.idx.msk $0xffff, v11;
	v10 =	vor.u32 v1, v12  }
0x6f2: {  	v11 =	vld [tilespmem:s9+$0xA30];
	v10 =	vor.u32 s12, v10;
	_ =	sdelay $0x1  }
0x6f3: {  	s13 =	sor.u32 $0x40, s7  }
0x6f4: {  	v12 =	vmov s13  }
0x6f5: {  	v12 =	vshll.u32 v12, $0x4  }
0x6f6: {  	[tilespmem:v10+s29+$0x0] =	vst.idx.msk $0xffff, v11;
	v10 =	vor.u32 v1, v12  }
0x6f7: {  	v11 =	vld [tilespmem:s9+$0xA40];
	v10 =	vor.u32 s12, v10;
	_ =	sdelay $0x1  }
0x6f8: {  	s13 =	sor.u32 $0x50, s7  }
0x6f9: {  	v12 =	vmov s13  }
0x6fa: {  	v12 =	vshll.u32 v12, $0x4  }
0x6fb: {  	[tilespmem:v10+s29+$0x0] =	vst.idx.msk $0xffff, v11;
	v10 =	vor.u32 v1, v12  }
0x6fc: {  	v11 =	vld [tilespmem:s9+$0xA50];
	v10 =	vor.u32 s12, v10;
	_ =	sdelay $0x1  }
0x6fd: {  	s13 =	sor.u32 $0x60, s7  }
0x6fe: {  	v12 =	vmov s13  }
0x6ff: {  	v12 =	vshll.u32 v12, $0x4  }
0x700: {  	[tilespmem:v10+s29+$0x0] =	vst.idx.msk $0xffff, v11;
	v10 =	vor.u32 v1, v12  }
0x701: {  	v11 =	vld [tilespmem:s9+$0xA60];
	v10 =	vor.u32 s12, v10;
	_ =	sdelay $0x1  }
0x702: {  	s7 =	sor.u32 $0x70, s7  }
.Ltmp15:
0x703: {  	v12 =	vmov s7;
	(pc) =	sbr.rel @p1 .LBB2_28-.Ltmp15, $4  }
0x704: {  	v12 =	vshll.u32 v12, $0x4  }
0x705: {  	[tilespmem:v10+s29+$0x0] =	vst.idx.msk $0xffff, v11;
	v11 =	vor.u32 v1, v12  }
0x706: {  	v10 =	vld [tilespmem:s9+$0xA70];
	v11 =	vor.u32 s12, v11  }
0x707: {  	s6 =	sadd.s32 $0x1, s6;
	s7 =	sshll.u32 s5, $0x4  }
0x708: {  	_ = 	snop  }
0x709: {  	s6 =	sand.u32 $0xFFFFFF80, s7  }
0x70a: {  	s7 =	sand.u32 $0x7, s5;
	s9 =	sshll.u32 s5, $0x7;
	v12 =	vmov s6  }
0x70b: {  	s5 =	sand.u32 $0x3FFFFC00, s9;
	s9 =	sshll.u32 s7, $0x7;
	v12 =	vshll.u32 v12, $0x4  }
0x70c: {  	s5 =	sor.u32 s9, s5;
	v12 =	vor.u32 v1, v12;
	[tilespmem:v11+s29+$0x0] =	vst.idx.msk $0xffff, v10  }
0x70d: {  	v10 =	vld [tilespmem:s5+$0xA00];
	v49 =	vor.u32 s7, v12;
	_ =	sdelay $0x1  }
0x70e: {  	s12 =	sor.u32 $0x10, s6  }
0x70f: {  	v50 =	vmov s12  }
0x710: {  	v12 =	vshll.u32 v50, $0x4  }
0x711: {  	v51 =	vor.u32 v1, v12;
	[tilespmem:v49+s29+$0x0] =	vst.idx.msk $0xffff, v10  }
0x712: {  	v10 =	vor.u32 s7, v51;
	v11 =	vld [tilespmem:s5+$0xA10];
	_ =	sdelay $0x1  }
0x713: {  	s13 =	sor.u32 $0x20, s6  }
0x714: {  	v52 =	vmov s13  }
0x715: {  	v12 =	vshll.u32 v52, $0x4  }
0x716: {  	v53 =	vor.u32 v1, v12;
	[tilespmem:v10+s29+$0x0] =	vst.idx.msk $0xffff, v11  }
0x717: {  	v10 =	vor.u32 s7, v53;
	v11 =	vld [tilespmem:s5+$0xA20];
	_ =	sdelay $0x1  }
0x718: {  	s12 =	sor.u32 $0x30, s6  }
0x719: {  	v54 =	vmov s12  }
0x71a: {  	v12 =	vshll.u32 v54, $0x4  }
0x71b: {  	v55 =	vor.u32 v1, v12;
	[tilespmem:v10+s29+$0x0] =	vst.idx.msk $0xffff, v11  }
0x71c: {  	v10 =	vor.u32 s7, v55;
	v11 =	vld [tilespmem:s5+$0xA30];
	_ =	sdelay $0x1  }
0x71d: {  	s13 =	sor.u32 $0x40, s6  }
0x71e: {  	v56 =	vmov s13  }
0x71f: {  	v12 =	vshll.u32 v56, $0x4  }
0x720: {  	v57 =	vor.u32 v1, v12;
	[tilespmem:v10+s29+$0x0] =	vst.idx.msk $0xffff, v11  }
0x721: {  	v10 =	vor.u32 s7, v57;
	v11 =	vld [tilespmem:s5+$0xA40];
	_ =	sdelay $0x1  }
0x722: {  	s12 =	sor.u32 $0x50, s6  }
0x723: {  	v58 =	vmov s12  }
0x724: {  	v12 =	vshll.u32 v58, $0x4  }
0x725: {  	v59 =	vor.u32 v1, v12;
	[tilespmem:v10+s29+$0x0] =	vst.idx.msk $0xffff, v11  }
0x726: {  	v10 =	vor.u32 s7, v59;
	v11 =	vld [tilespmem:s5+$0xA50];
	_ =	sdelay $0x1  }
0x727: {  	s13 =	sor.u32 $0x60, s6  }
0x728: {  	v60 =	vmov s13  }
0x729: {  	v12 =	vshll.u32 v60, $0x4  }
0x72a: {  	v61 =	vor.u32 v1, v12;
	[tilespmem:v10+s29+$0x0] =	vst.idx.msk $0xffff, v11  }
0x72b: {  	v10 =	vor.u32 s7, v61;
	v11 =	vld [tilespmem:s5+$0xA60];
	_ =	sdelay $0x1  }
0x72c: {  	s6 =	sor.u32 $0x70, s6  }
0x72d: {  	v62 =	vmov s6  }
0x72e: {  	v12 =	vshll.u32 v62, $0x4  }
0x72f: {  	v63 =	vor.u32 v1, v12;
	[tilespmem:v10+s29+$0x0] =	vst.idx.msk $0xffff, v11  }
0x730: {  	v10 =	vor.u32 s7, v63;
	v11 =	vld [tilespmem:s5+$0xA70];
	_ =	sdelay $0x4  }
0x731: {  	[tilespmem:v10+s29+$0x0] =	vst.idx.msk $0xffff, v11  }
0x732: {  	v2 =	vor.u32 $0x8, v2;
	v10 =	vld [tilespmem:s11+$0x5A00];
	_ =	sdelay $0x4  }
0x733: {  	[tilespmem:v2+s29+$0x0] =	vst.idx.msk $0xffff, v10  }
0x734: {  	v3 =	vor.u32 $0x8, v3;
	v2 =	vld [tilespmem:s11+$0x5A10];
	_ =	sdelay $0x4  }
0x735: {  	[tilespmem:v3+s29+$0x0] =	vst.idx.msk $0xffff, v2  }
0x736: {  	v3 =	vor.u32 $0x8, v4;
	v2 =	vld [tilespmem:s11+$0x5A20];
	_ =	sdelay $0x4  }
0x737: {  	[tilespmem:v3+s29+$0x0] =	vst.idx.msk $0xffff, v2  }
0x738: {  	v3 =	vor.u32 $0x8, v5;
	v2 =	vld [tilespmem:s11+$0x5A30];
	_ =	sdelay $0x4  }
0x739: {  	[tilespmem:v3+s29+$0x0] =	vst.idx.msk $0xffff, v2  }
0x73a: {  	v3 =	vor.u32 $0x8, v6;
	v2 =	vld [tilespmem:s11+$0x5A40];
	_ =	sdelay $0x4  }
0x73b: {  	[tilespmem:v3+s29+$0x0] =	vst.idx.msk $0xffff, v2  }
0x73c: {  	v3 =	vor.u32 $0x8, v7;
	v2 =	vld [tilespmem:s11+$0x5A50];
	_ =	sdelay $0x4  }
0x73d: {  	[tilespmem:v3+s29+$0x0] =	vst.idx.msk $0xffff, v2  }
0x73e: {  	v3 =	vor.u32 $0x8, v8;
	v2 =	vld [tilespmem:s11+$0x5A60];
	_ =	sdelay $0x4  }
0x73f: {  	[tilespmem:v3+s29+$0x0] =	vst.idx.msk $0xffff, v2;
	v3 =	vor.u32 s8, v9  }
0x740: {  	s5 =	simm.s32 $0x10;
	s8 =	simm.s32 $0x2;
	v2 =	vld [tilespmem:s11+$0x5A70];
	v3 =	vor.u32 $0x8, v3  }
.LBB2_30:
0x741: {  	p1 =	sne.s32 s8, $0x4F;
	s11 =	sand.u32 $0xFFFFFF80, s5  }
0x742: {  	v4 =	vmov s11  }
0x743: {  	s5 =	sand.u32 $0x7, s3;
	s6 =	sshll.u32 s3, $0x7;
	s3 =	smov.u32 s8;
	v4 =	vshll.u32 v4, $0x4  }
0x744: {  	s6 =	sand.u32 $0x3FFFFC00, s6;
	s7 =	sshll.u32 s5, $0x7;
	v4 =	vor.u32 v1, v4  }
0x745: {  	s6 =	sor.u32 s7, s6;
	v4 =	vor.u32 s5, v4;
	[tilespmem:v3+s29+$0x0] =	vst.idx.msk $0xffff, v2  }
0x746: {  	v2 =	vld [tilespmem:s6+$0x5A00];
	v3 =	vor.u32 $0x8, v4  }
0x747: {  	s7 =	sor.u32 $0x10, s11  }
0x748: {  	v4 =	vmov s7  }
0x749: {  	v4 =	vshll.u32 v4, $0x4  }
0x74a: {  	v4 =	vor.u32 v1, v4  }
0x74b: {  	[tilespmem:v3+s29+$0x0] =	vst.idx.msk $0xffff, v2;
	v2 =	vor.u32 s5, v4  }
0x74c: {  	v3 =	vld [tilespmem:s6+$0x5A10];
	v2 =	vor.u32 $0x8, v2  }
0x74d: {  	s7 =	sor.u32 $0x20, s11  }
0x74e: {  	v4 =	vmov s7  }
0x74f: {  	v4 =	vshll.u32 v4, $0x4  }
0x750: {  	v4 =	vor.u32 v1, v4  }
0x751: {  	[tilespmem:v2+s29+$0x0] =	vst.idx.msk $0xffff, v3;
	v2 =	vor.u32 s5, v4  }
0x752: {  	v3 =	vld [tilespmem:s6+$0x5A20];
	v2 =	vor.u32 $0x8, v2  }
0x753: {  	s7 =	sor.u32 $0x30, s11  }
0x754: {  	v4 =	vmov s7  }
0x755: {  	v4 =	vshll.u32 v4, $0x4  }
0x756: {  	v4 =	vor.u32 v1, v4  }
0x757: {  	[tilespmem:v2+s29+$0x0] =	vst.idx.msk $0xffff, v3;
	v2 =	vor.u32 s5, v4  }
0x758: {  	v3 =	vld [tilespmem:s6+$0x5A30];
	v2 =	vor.u32 $0x8, v2  }
0x759: {  	s7 =	sor.u32 $0x40, s11  }
0x75a: {  	v4 =	vmov s7  }
0x75b: {  	v4 =	vshll.u32 v4, $0x4  }
0x75c: {  	v4 =	vor.u32 v1, v4  }
0x75d: {  	[tilespmem:v2+s29+$0x0] =	vst.idx.msk $0xffff, v3;
	v2 =	vor.u32 s5, v4  }
0x75e: {  	v3 =	vld [tilespmem:s6+$0x5A40];
	v2 =	vor.u32 $0x8, v2  }
0x75f: {  	s7 =	sor.u32 $0x50, s11  }
0x760: {  	v4 =	vmov s7  }
0x761: {  	v4 =	vshll.u32 v4, $0x4  }
0x762: {  	v4 =	vor.u32 v1, v4  }
0x763: {  	[tilespmem:v2+s29+$0x0] =	vst.idx.msk $0xffff, v3;
	v2 =	vor.u32 s5, v4  }
0x764: {  	v3 =	vld [tilespmem:s6+$0x5A50];
	v2 =	vor.u32 $0x8, v2  }
0x765: {  	s7 =	sor.u32 $0x60, s11  }
0x766: {  	v4 =	vmov s7  }
0x767: {  	v4 =	vshll.u32 v4, $0x4  }
0x768: {  	v4 =	vor.u32 v1, v4  }
0x769: {  	[tilespmem:v2+s29+$0x0] =	vst.idx.msk $0xffff, v3;
	v2 =	vor.u32 s5, v4  }
0x76a: {  	v3 =	vld [tilespmem:s6+$0x5A60];
	v2 =	vor.u32 $0x8, v2  }
0x76b: {  	s7 =	sor.u32 $0x70, s11  }
.Ltmp16:
0x76c: {  	v4 =	vmov s7;
	(pc) =	sbr.rel @p1 .LBB2_30-.Ltmp16, $4  }
0x76d: {  	v4 =	vshll.u32 v4, $0x4  }
0x76e: {  	v4 =	vor.u32 v1, v4  }
0x76f: {  	[tilespmem:v2+s29+$0x0] =	vst.idx.msk $0xffff, v3;
	v3 =	vor.u32 s5, v4  }
0x770: {  	s8 =	sadd.s32 $0x1, s8;
	s5 =	sshll.u32 s3, $0x4;
	v2 =	vld [tilespmem:s6+$0x5A70];
	v3 =	vor.u32 $0x8, v3  }
0x771: {  	s6 =	sand.u32 $0xFFFFFF80, s5  }
0x772: {  	v4 =	vmov s6  }
0x773: {  	s5 =	sand.u32 $0x7, s3;
	s12 =	sshll.u32 s3, $0x7;
	v4 =	vshll.u32 v4, $0x4  }
0x774: {  	s3 =	sand.u32 $0x3FFFFC00, s12;
	s7 =	sshll.u32 s5, $0x7;
	v4 =	vor.u32 v1, v4  }
0x775: {  	s3 =	sor.u32 s7, s3;
	v4 =	vor.u32 s5, v4;
	[tilespmem:v3+s29+$0x0] =	vst.idx.msk $0xffff, v2  }
0x776: {  	v2 =	vld [tilespmem:s3+$0x5A00];
	v3 =	vor.u32 $0x8, v4  }
0x777: {  	s13 =	sor.u32 $0x10, s6  }
0x778: {  	v57 =	vmov s13  }
0x779: {  	v4 =	vshll.u32 v57, $0x4  }
0x77a: {  	v4 =	vor.u32 v1, v4  }
0x77b: {  	[tilespmem:v3+s29+$0x0] =	vst.idx.msk $0xffff, v2;
	v2 =	vor.u32 s5, v4  }
0x77c: {  	v3 =	vld [tilespmem:s3+$0x5A10];
	v2 =	vor.u32 $0x8, v2  }
0x77d: {  	s8 =	sor.u32 $0x20, s6  }
0x77e: {  	v58 =	vmov s8  }
0x77f: {  	v4 =	vshll.u32 v58, $0x4  }
0x780: {  	v4 =	vor.u32 v1, v4  }
0x781: {  	[tilespmem:v2+s29+$0x0] =	vst.idx.msk $0xffff, v3;
	v2 =	vor.u32 s5, v4  }
0x782: {  	v3 =	vld [tilespmem:s3+$0x5A20];
	v2 =	vor.u32 $0x8, v2  }
0x783: {  	s9 =	sor.u32 $0x30, s6  }
0x784: {  	v59 =	vmov s9  }
0x785: {  	v4 =	vshll.u32 v59, $0x4  }
0x786: {  	v4 =	vor.u32 v1, v4  }
0x787: {  	[tilespmem:v2+s29+$0x0] =	vst.idx.msk $0xffff, v3;
	v2 =	vor.u32 s5, v4  }
0x788: {  	v3 =	vld [tilespmem:s3+$0x5A30];
	v2 =	vor.u32 $0x8, v2  }
0x789: {  	s11 =	sor.u32 $0x40, s6  }
0x78a: {  	v60 =	vmov s11  }
0x78b: {  	v4 =	vshll.u32 v60, $0x4  }
0x78c: {  	v4 =	vor.u32 v1, v4  }
0x78d: {  	[tilespmem:v2+s29+$0x0] =	vst.idx.msk $0xffff, v3;
	v2 =	vor.u32 s5, v4  }
0x78e: {  	v3 =	vld [tilespmem:s3+$0x5A40];
	v2 =	vor.u32 $0x8, v2  }
0x78f: {  	s12 =	sor.u32 $0x50, s6  }
0x790: {  	v61 =	vmov s12  }
0x791: {  	v4 =	vshll.u32 v61, $0x4  }
0x792: {  	v4 =	vor.u32 v1, v4  }
0x793: {  	[tilespmem:v2+s29+$0x0] =	vst.idx.msk $0xffff, v3;
	v2 =	vor.u32 s5, v4  }
0x794: {  	v3 =	vld [tilespmem:s3+$0x5A50];
	v2 =	vor.u32 $0x8, v2  }
0x795: {  	s13 =	sor.u32 $0x60, s6  }
0x796: {  	v62 =	vmov s13  }
0x797: {  	v4 =	vshll.u32 v62, $0x4  }
0x798: {  	v4 =	vor.u32 v1, v4  }
0x799: {  	[tilespmem:v2+s29+$0x0] =	vst.idx.msk $0xffff, v3;
	v2 =	vor.u32 s5, v4  }
0x79a: {  	v3 =	vld [tilespmem:s3+$0x5A60];
	v2 =	vor.u32 $0x8, v2  }
0x79b: {  	s6 =	sor.u32 $0x70, s6  }
0x79c: {  	v63 =	vmov s6  }
0x79d: {  	v4 =	vshll.u32 v63, $0x4  }
0x79e: {  	v4 =	vor.u32 v1, v4  }
0x79f: {  	[tilespmem:v2+s29+$0x0] =	vst.idx.msk $0xffff, v3;
	v2 =	vor.u32 s5, v4  }
0x7a0: {  	v3 =	vld [tilespmem:s3+$0x5A70];
	v2 =	vor.u32 $0x8, v2;
	_ =	sdelay $0x3  }
.Ltmp17:
0x7a1: {  	_ = 	snop;
	(pc) =	sbr.rel @p0 .LBB2_37-.Ltmp17, $4  }
0x7a2: {  	[tilespmem:v2+s29+$0x0] =	vst.idx.msk $0xffff, v3  }
0x7a3: {  	_ =	swait.ge [sflag:s31], $0x5000  }
0x7a4: {  	[sflag:s31] =	ssyncset.done $0x0  }
0x7a5: {  	s3 =	simm.s32 $0x0;
	[sflag:s31] =	ssyncadd.s32 $0xFFFFB000  }
0x7a6: {  	s5 =	rddreg [dreg:$0x1b]  }
0x7a7: {  	[tilespmem:s0], [sflag:$0x2] =	stream.linear.gather [hbm4b:s5+s3], $0x500, $0x38;
	[tilespmem:$0x19A00] =	vst v63  }
0x7a8: {  	s7 =	rddreg [dreg:$0xb];
	s6 =	simm.s32 $0x3200  }
0x7a9: {  	[tilespmem:s6], [sflag:$0x2] =	stream.linear.gather [hbm4b:s7+s3], $0x2800, $0x38;
	[tilespmem:$0x19A00] =	vst v63  }
0x7aa: {  	s8 =	rddreg [dreg:$0x1c];
	s9 =	simm.s32 $0x8200  }
0x7ab: {  	[tilespmem:s9], [sflag:$0x2] =	stream.linear.gather [hbm4b:s8+s3], $0x2800, $0x38;
	[tilespmem:$0x19A00] =	vst v63  }
0x7ac: {  	_ = 	snop  }
0x7ad: {  	[spmem:s10] =	stream.indirect.scatter.add.f32 [tilespmem:s29], [sflag:$0x3], $0x10, s3, s4, $0xb8;
	[tilespmem:$0x19A00] =	vst v63  }
0x7ae: {  	s11 =	simm.s32 $0xB200  }
0x7af: {  	[spmem:s10] =	stream.indirect.scatter.add.f32 [tilespmem:s11], [sflag:$0x3], $0x10, s4, s4, $0xb8;
	[tilespmem:$0x19A00] =	vst v63  }
0x7b0: {  	s12 =	simm.s32 $0x100;
	s13 =	simm.s32 $0xBA00  }
0x7b1: {  	[spmem:s10] =	stream.indirect.scatter.add.f32 [tilespmem:s13], [sflag:$0x3], $0x10, s12, s4, $0xb8;
	[tilespmem:$0x19A00] =	vst v63  }
0x7b2: {  	s6 =	simm.s32 $0x180;
	s7 =	simm.s32 $0xC200  }
0x7b3: {  	[spmem:s10] =	stream.indirect.scatter.add.f32 [tilespmem:s7], [sflag:$0x3], $0x10, s6, s4, $0xb8;
	[tilespmem:$0x19A00] =	vst v63  }
0x7b4: {  	_ = 	snop  }
0x7b5: {  	[spmem:s10] =	stream.indirect.scatter.add.f32 [tilespmem:s15], [sflag:$0x3], $0x10, s14, s4, $0xb8;
	[tilespmem:$0x19A00] =	vst v63  }
0x7b6: {  	_ = 	snop  }
0x7b7: {  	[spmem:s10] =	stream.indirect.scatter.add.f32 [tilespmem:s17], [sflag:$0x3], $0x10, s16, s4, $0xb8;
	[tilespmem:$0x19A00] =	vst v63  }
0x7b8: {  	_ = 	snop  }
0x7b9: {  	[spmem:s10] =	stream.indirect.scatter.add.f32 [tilespmem:s19], [sflag:$0x3], $0x10, s18, s4, $0xb8;
	[tilespmem:$0x19A00] =	vst v63  }
0x7ba: {  	_ = 	snop  }
0x7bb: {  	[spmem:s10] =	stream.indirect.scatter.add.f32 [tilespmem:s21], [sflag:$0x3], $0x10, s20, s4, $0xb8;
	[tilespmem:$0x19A00] =	vst v63  }
0x7bc: {  	_ = 	snop  }
0x7bd: {  	[spmem:s10] =	stream.indirect.scatter.add.f32 [tilespmem:s23], [sflag:$0x3], $0x10, s22, s4, $0xb8;
	[tilespmem:$0x19A00] =	vst v63  }
0x7be: {  	_ = 	snop  }
0x7bf: {  	[spmem:s10] =	stream.indirect.scatter.add.f32 [tilespmem:s25], [sflag:$0x3], $0x10, s24, s4, $0xb8;
	[tilespmem:$0x19A00] =	vst v63  }
0x7c0: {  	_ =	swait.ge [sflag:s26], $0x500  }
0x7c1: {  	[sflag:s26] =	ssyncset.done $0x0  }
0x7c2: {  	[sflag:s26] =	ssyncadd.s32 $0xFFFFFB00  }
0x7c3: {  	_ =	swait.ge [sflag:s26], $0x2800  }
0x7c4: {  	s8 =	simm.s32 $0x0;
	[sflag:s26] =	ssyncset.done $0x0  }
0x7c5: {  	s5 =	sand.u32 $0xFFFFFF80, s8;
	[sflag:s26] =	ssyncadd.s32 $0xFFFFD800  }
0x7c6: {  	s9 =	simm.s32 $0x0;
	s8 =	sand.u32 $0x7, s3;
	v2 =	vmov s5;
	_ =	swait.ge [sflag:s26], $0x2800  }
0x7c7: {  	s3 =	sand.u32 $0x3FFFFC00, s9;
	v2 =	vshll.u32 v2, $0x4;
	s11 =	sshll.u32 s8, $0x7;
	[sflag:s26] =	ssyncset.done $0x0  }
0x7c8: {  	v2 =	vor.u32 v1, v2;
	s11 =	sor.u32 s11, s3;
	[sflag:s26] =	ssyncadd.s32 $0xFFFFD800  }
0x7c9: {  	v2 =	vor.u32 s8, v2;
	v3 =	vld [tilespmem:s11+$0x3200];
	_ =	sdelay $0x1  }
0x7ca: {  	s12 =	sor.u32 $0x10, s5  }
0x7cb: {  	v4 =	vmov s12  }
0x7cc: {  	v4 =	vshll.u32 v4, $0x4  }
0x7cd: {  	[tilespmem:v2+s30+$0x0] =	vst.idx.msk $0xffff, v3;
	v3 =	vor.u32 v1, v4  }
0x7ce: {  	v4 =	vld [tilespmem:s11+$0x3210];
	v3 =	vor.u32 s8, v3;
	_ =	sdelay $0x1  }
0x7cf: {  	s13 =	sor.u32 $0x20, s5  }
0x7d0: {  	v5 =	vmov s13  }
0x7d1: {  	v5 =	vshll.u32 v5, $0x4  }
0x7d2: {  	[tilespmem:v3+s30+$0x0] =	vst.idx.msk $0xffff, v4;
	v4 =	vor.u32 v1, v5  }
0x7d3: {  	v5 =	vld [tilespmem:s11+$0x3220];
	v4 =	vor.u32 s8, v4;
	_ =	sdelay $0x1  }
0x7d4: {  	s6 =	sor.u32 $0x30, s5  }
0x7d5: {  	v6 =	vmov s6  }
0x7d6: {  	v6 =	vshll.u32 v6, $0x4  }
0x7d7: {  	[tilespmem:v4+s30+$0x0] =	vst.idx.msk $0xffff, v5;
	v5 =	vor.u32 v1, v6  }
0x7d8: {  	v6 =	vld [tilespmem:s11+$0x3230];
	v5 =	vor.u32 s8, v5;
	_ =	sdelay $0x1  }
0x7d9: {  	s7 =	sor.u32 $0x40, s5  }
0x7da: {  	v7 =	vmov s7  }
0x7db: {  	v7 =	vshll.u32 v7, $0x4  }
0x7dc: {  	[tilespmem:v5+s30+$0x0] =	vst.idx.msk $0xffff, v6;
	v6 =	vor.u32 v1, v7  }
0x7dd: {  	v7 =	vld [tilespmem:s11+$0x3240];
	v6 =	vor.u32 s8, v6;
	_ =	sdelay $0x1  }
0x7de: {  	s9 =	sor.u32 $0x50, s5  }
0x7df: {  	v8 =	vmov s9  }
0x7e0: {  	v8 =	vshll.u32 v8, $0x4  }
0x7e1: {  	[tilespmem:v6+s30+$0x0] =	vst.idx.msk $0xffff, v7;
	v7 =	vor.u32 v1, v8  }
0x7e2: {  	v8 =	vld [tilespmem:s11+$0x3250];
	v7 =	vor.u32 s8, v7;
	_ =	sdelay $0x1  }
0x7e3: {  	s12 =	sor.u32 $0x60, s5  }
0x7e4: {  	v9 =	vmov s12  }
0x7e5: {  	v9 =	vshll.u32 v9, $0x4  }
0x7e6: {  	[tilespmem:v7+s30+$0x0] =	vst.idx.msk $0xffff, v8;
	v8 =	vor.u32 v1, v9  }
0x7e7: {  	v9 =	vld [tilespmem:s11+$0x3260];
	v8 =	vor.u32 s8, v8;
	_ =	sdelay $0x1  }
0x7e8: {  	s13 =	sor.u32 $0x70, s5  }
0x7e9: {  	v10 =	vmov s13  }
0x7ea: {  	v10 =	vshll.u32 v10, $0x4  }
0x7eb: {  	[tilespmem:v8+s30+$0x0] =	vst.idx.msk $0xffff, v9;
	v9 =	vor.u32 v1, v10  }
0x7ec: {  	s3 =	simm.s32 $0x1;
	v10 =	vld [tilespmem:s11+$0x3270];
	v11 =	vor.u32 s8, v9  }
0x7ed: {  	s5 =	simm.s32 $0x1;
	s7 =	simm.s32 $0x10;
	s6 =	simm.s32 $0x2  }
.LBB2_33:
0x7ee: {  	p1 =	sne.s32 s6, $0x4F;
	s7 =	sand.u32 $0xFFFFFF80, s7  }
0x7ef: {  	s12 =	sand.u32 $0x7, s5;
	s9 =	sshll.u32 s5, $0x7;
	s5 =	smov.u32 s6;
	v12 =	vmov s7  }
0x7f0: {  	s9 =	sand.u32 $0x3FFFFC00, s9;
	s13 =	sshll.u32 s12, $0x7;
	v12 =	vshll.u32 v12, $0x4  }
0x7f1: {  	s9 =	sor.u32 s13, s9;
	v12 =	vor.u32 v1, v12;
	[tilespmem:v11+s30+$0x0] =	vst.idx.msk $0xffff, v10  }
0x7f2: {  	v10 =	vld [tilespmem:s9+$0x3200];
	v11 =	vor.u32 s12, v12;
	_ =	sdelay $0x1  }
0x7f3: {  	s13 =	sor.u32 $0x10, s7  }
0x7f4: {  	v12 =	vmov s13  }
0x7f5: {  	v12 =	vshll.u32 v12, $0x4  }
0x7f6: {  	[tilespmem:v11+s30+$0x0] =	vst.idx.msk $0xffff, v10;
	v10 =	vor.u32 v1, v12  }
0x7f7: {  	v11 =	vld [tilespmem:s9+$0x3210];
	v10 =	vor.u32 s12, v10;
	_ =	sdelay $0x1  }
0x7f8: {  	s13 =	sor.u32 $0x20, s7  }
0x7f9: {  	v12 =	vmov s13  }
0x7fa: {  	v12 =	vshll.u32 v12, $0x4  }
0x7fb: {  	[tilespmem:v10+s30+$0x0] =	vst.idx.msk $0xffff, v11;
	v10 =	vor.u32 v1, v12  }
0x7fc: {  	v11 =	vld [tilespmem:s9+$0x3220];
	v10 =	vor.u32 s12, v10;
	_ =	sdelay $0x1  }
0x7fd: {  	s13 =	sor.u32 $0x30, s7  }
0x7fe: {  	v12 =	vmov s13  }
0x7ff: {  	v12 =	vshll.u32 v12, $0x4  }
0x800: {  	[tilespmem:v10+s30+$0x0] =	vst.idx.msk $0xffff, v11;
	v10 =	vor.u32 v1, v12  }
0x801: {  	v11 =	vld [tilespmem:s9+$0x3230];
	v10 =	vor.u32 s12, v10;
	_ =	sdelay $0x1  }
0x802: {  	s13 =	sor.u32 $0x40, s7  }
0x803: {  	v12 =	vmov s13  }
0x804: {  	v12 =	vshll.u32 v12, $0x4  }
0x805: {  	[tilespmem:v10+s30+$0x0] =	vst.idx.msk $0xffff, v11;
	v10 =	vor.u32 v1, v12  }
0x806: {  	v11 =	vld [tilespmem:s9+$0x3240];
	v10 =	vor.u32 s12, v10;
	_ =	sdelay $0x1  }
0x807: {  	s13 =	sor.u32 $0x50, s7  }
0x808: {  	v12 =	vmov s13  }
0x809: {  	v12 =	vshll.u32 v12, $0x4  }
0x80a: {  	[tilespmem:v10+s30+$0x0] =	vst.idx.msk $0xffff, v11;
	v10 =	vor.u32 v1, v12  }
0x80b: {  	v11 =	vld [tilespmem:s9+$0x3250];
	v10 =	vor.u32 s12, v10;
	_ =	sdelay $0x1  }
0x80c: {  	s13 =	sor.u32 $0x60, s7  }
0x80d: {  	v12 =	vmov s13  }
0x80e: {  	v12 =	vshll.u32 v12, $0x4  }
0x80f: {  	[tilespmem:v10+s30+$0x0] =	vst.idx.msk $0xffff, v11;
	v10 =	vor.u32 v1, v12  }
0x810: {  	v11 =	vld [tilespmem:s9+$0x3260];
	v10 =	vor.u32 s12, v10;
	_ =	sdelay $0x1  }
0x811: {  	s7 =	sor.u32 $0x70, s7  }
.Ltmp18:
0x812: {  	v12 =	vmov s7;
	(pc) =	sbr.rel @p1 .LBB2_33-.Ltmp18, $4  }
0x813: {  	v12 =	vshll.u32 v12, $0x4  }
0x814: {  	[tilespmem:v10+s30+$0x0] =	vst.idx.msk $0xffff, v11;
	v11 =	vor.u32 v1, v12  }
0x815: {  	v10 =	vld [tilespmem:s9+$0x3270];
	v11 =	vor.u32 s12, v11  }
0x816: {  	s6 =	sadd.s32 $0x1, s6;
	s7 =	sshll.u32 s5, $0x4  }
0x817: {  	_ = 	snop  }
0x818: {  	s6 =	sand.u32 $0xFFFFFF80, s7  }
0x819: {  	s7 =	sand.u32 $0x7, s5;
	s9 =	sshll.u32 s5, $0x7;
	v12 =	vmov s6  }
0x81a: {  	s5 =	sand.u32 $0x3FFFFC00, s9;
	s9 =	sshll.u32 s7, $0x7;
	v12 =	vshll.u32 v12, $0x4  }
0x81b: {  	s5 =	sor.u32 s9, s5;
	v12 =	vor.u32 v1, v12;
	[tilespmem:v11+s30+$0x0] =	vst.idx.msk $0xffff, v10  }
0x81c: {  	v10 =	vld [tilespmem:s5+$0x3200];
	v49 =	vor.u32 s7, v12;
	_ =	sdelay $0x1  }
0x81d: {  	s12 =	sor.u32 $0x10, s6  }
0x81e: {  	v50 =	vmov s12  }
0x81f: {  	v12 =	vshll.u32 v50, $0x4  }
0x820: {  	v51 =	vor.u32 v1, v12;
	[tilespmem:v49+s30+$0x0] =	vst.idx.msk $0xffff, v10  }
0x821: {  	v10 =	vor.u32 s7, v51;
	v11 =	vld [tilespmem:s5+$0x3210];
	_ =	sdelay $0x1  }
0x822: {  	s13 =	sor.u32 $0x20, s6  }
0x823: {  	v52 =	vmov s13  }
0x824: {  	v12 =	vshll.u32 v52, $0x4  }
0x825: {  	v53 =	vor.u32 v1, v12;
	[tilespmem:v10+s30+$0x0] =	vst.idx.msk $0xffff, v11  }
0x826: {  	v10 =	vor.u32 s7, v53;
	v11 =	vld [tilespmem:s5+$0x3220];
	_ =	sdelay $0x1  }
0x827: {  	s12 =	sor.u32 $0x30, s6  }
0x828: {  	v54 =	vmov s12  }
0x829: {  	v12 =	vshll.u32 v54, $0x4  }
0x82a: {  	v55 =	vor.u32 v1, v12;
	[tilespmem:v10+s30+$0x0] =	vst.idx.msk $0xffff, v11  }
0x82b: {  	v10 =	vor.u32 s7, v55;
	v11 =	vld [tilespmem:s5+$0x3230];
	_ =	sdelay $0x1  }
0x82c: {  	s13 =	sor.u32 $0x40, s6  }
0x82d: {  	v56 =	vmov s13  }
0x82e: {  	v12 =	vshll.u32 v56, $0x4  }
0x82f: {  	v57 =	vor.u32 v1, v12;
	[tilespmem:v10+s30+$0x0] =	vst.idx.msk $0xffff, v11  }
0x830: {  	v10 =	vor.u32 s7, v57;
	v11 =	vld [tilespmem:s5+$0x3240];
	_ =	sdelay $0x1  }
0x831: {  	s12 =	sor.u32 $0x50, s6  }
0x832: {  	v58 =	vmov s12  }
0x833: {  	v12 =	vshll.u32 v58, $0x4  }
0x834: {  	v59 =	vor.u32 v1, v12;
	[tilespmem:v10+s30+$0x0] =	vst.idx.msk $0xffff, v11  }
0x835: {  	v10 =	vor.u32 s7, v59;
	v11 =	vld [tilespmem:s5+$0x3250];
	_ =	sdelay $0x1  }
0x836: {  	s13 =	sor.u32 $0x60, s6  }
0x837: {  	v60 =	vmov s13  }
0x838: {  	v12 =	vshll.u32 v60, $0x4  }
0x839: {  	v61 =	vor.u32 v1, v12;
	[tilespmem:v10+s30+$0x0] =	vst.idx.msk $0xffff, v11  }
0x83a: {  	v10 =	vor.u32 s7, v61;
	v11 =	vld [tilespmem:s5+$0x3260];
	_ =	sdelay $0x1  }
0x83b: {  	s6 =	sor.u32 $0x70, s6  }
0x83c: {  	v62 =	vmov s6  }
0x83d: {  	v12 =	vshll.u32 v62, $0x4  }
0x83e: {  	v63 =	vor.u32 v1, v12;
	[tilespmem:v10+s30+$0x0] =	vst.idx.msk $0xffff, v11  }
0x83f: {  	v10 =	vor.u32 s7, v63;
	v11 =	vld [tilespmem:s5+$0x3270];
	_ =	sdelay $0x4  }
0x840: {  	[tilespmem:v10+s30+$0x0] =	vst.idx.msk $0xffff, v11  }
0x841: {  	v2 =	vor.u32 $0x8, v2;
	v10 =	vld [tilespmem:s11+$0x8200];
	_ =	sdelay $0x4  }
0x842: {  	[tilespmem:v2+s30+$0x0] =	vst.idx.msk $0xffff, v10  }
0x843: {  	v3 =	vor.u32 $0x8, v3;
	v2 =	vld [tilespmem:s11+$0x8210];
	_ =	sdelay $0x4  }
0x844: {  	[tilespmem:v3+s30+$0x0] =	vst.idx.msk $0xffff, v2  }
0x845: {  	v3 =	vor.u32 $0x8, v4;
	v2 =	vld [tilespmem:s11+$0x8220];
	_ =	sdelay $0x4  }
0x846: {  	[tilespmem:v3+s30+$0x0] =	vst.idx.msk $0xffff, v2  }
0x847: {  	v3 =	vor.u32 $0x8, v5;
	v2 =	vld [tilespmem:s11+$0x8230];
	_ =	sdelay $0x4  }
0x848: {  	[tilespmem:v3+s30+$0x0] =	vst.idx.msk $0xffff, v2  }
0x849: {  	v3 =	vor.u32 $0x8, v6;
	v2 =	vld [tilespmem:s11+$0x8240];
	_ =	sdelay $0x4  }
0x84a: {  	[tilespmem:v3+s30+$0x0] =	vst.idx.msk $0xffff, v2  }
0x84b: {  	v3 =	vor.u32 $0x8, v7;
	v2 =	vld [tilespmem:s11+$0x8250];
	_ =	sdelay $0x4  }
0x84c: {  	[tilespmem:v3+s30+$0x0] =	vst.idx.msk $0xffff, v2  }
0x84d: {  	v3 =	vor.u32 $0x8, v8;
	v2 =	vld [tilespmem:s11+$0x8260];
	_ =	sdelay $0x4  }
0x84e: {  	[tilespmem:v3+s30+$0x0] =	vst.idx.msk $0xffff, v2;
	v3 =	vor.u32 s8, v9  }
0x84f: {  	s5 =	simm.s32 $0x10;
	s8 =	simm.s32 $0x2;
	v2 =	vld [tilespmem:s11+$0x8270];
	v3 =	vor.u32 $0x8, v3  }
.LBB2_35:
0x850: {  	p1 =	sne.s32 s8, $0x4F;
	s11 =	sand.u32 $0xFFFFFF80, s5  }
0x851: {  	v4 =	vmov s11  }
0x852: {  	s5 =	sand.u32 $0x7, s3;
	s6 =	sshll.u32 s3, $0x7;
	s3 =	smov.u32 s8;
	v4 =	vshll.u32 v4, $0x4  }
0x853: {  	s6 =	sand.u32 $0x3FFFFC00, s6;
	s7 =	sshll.u32 s5, $0x7;
	v4 =	vor.u32 v1, v4  }
0x854: {  	s6 =	sor.u32 s7, s6;
	v4 =	vor.u32 s5, v4;
	[tilespmem:v3+s30+$0x0] =	vst.idx.msk $0xffff, v2  }
0x855: {  	v2 =	vld [tilespmem:s6+$0x8200];
	v3 =	vor.u32 $0x8, v4  }
0x856: {  	s7 =	sor.u32 $0x10, s11  }
0x857: {  	v4 =	vmov s7  }
0x858: {  	v4 =	vshll.u32 v4, $0x4  }
0x859: {  	v4 =	vor.u32 v1, v4  }
0x85a: {  	[tilespmem:v3+s30+$0x0] =	vst.idx.msk $0xffff, v2;
	v2 =	vor.u32 s5, v4  }
0x85b: {  	v3 =	vld [tilespmem:s6+$0x8210];
	v2 =	vor.u32 $0x8, v2  }
0x85c: {  	s7 =	sor.u32 $0x20, s11  }
0x85d: {  	v4 =	vmov s7  }
0x85e: {  	v4 =	vshll.u32 v4, $0x4  }
0x85f: {  	v4 =	vor.u32 v1, v4  }
0x860: {  	[tilespmem:v2+s30+$0x0] =	vst.idx.msk $0xffff, v3;
	v2 =	vor.u32 s5, v4  }
0x861: {  	v3 =	vld [tilespmem:s6+$0x8220];
	v2 =	vor.u32 $0x8, v2  }
0x862: {  	s7 =	sor.u32 $0x30, s11  }
0x863: {  	v4 =	vmov s7  }
0x864: {  	v4 =	vshll.u32 v4, $0x4  }
0x865: {  	v4 =	vor.u32 v1, v4  }
0x866: {  	[tilespmem:v2+s30+$0x0] =	vst.idx.msk $0xffff, v3;
	v2 =	vor.u32 s5, v4  }
0x867: {  	v3 =	vld [tilespmem:s6+$0x8230];
	v2 =	vor.u32 $0x8, v2  }
0x868: {  	s7 =	sor.u32 $0x40, s11  }
0x869: {  	v4 =	vmov s7  }
0x86a: {  	v4 =	vshll.u32 v4, $0x4  }
0x86b: {  	v4 =	vor.u32 v1, v4  }
0x86c: {  	[tilespmem:v2+s30+$0x0] =	vst.idx.msk $0xffff, v3;
	v2 =	vor.u32 s5, v4  }
0x86d: {  	v3 =	vld [tilespmem:s6+$0x8240];
	v2 =	vor.u32 $0x8, v2  }
0x86e: {  	s7 =	sor.u32 $0x50, s11  }
0x86f: {  	v4 =	vmov s7  }
0x870: {  	v4 =	vshll.u32 v4, $0x4  }
0x871: {  	v4 =	vor.u32 v1, v4  }
0x872: {  	[tilespmem:v2+s30+$0x0] =	vst.idx.msk $0xffff, v3;
	v2 =	vor.u32 s5, v4  }
0x873: {  	v3 =	vld [tilespmem:s6+$0x8250];
	v2 =	vor.u32 $0x8, v2  }
0x874: {  	s7 =	sor.u32 $0x60, s11  }
0x875: {  	v4 =	vmov s7  }
0x876: {  	v4 =	vshll.u32 v4, $0x4  }
0x877: {  	v4 =	vor.u32 v1, v4  }
0x878: {  	[tilespmem:v2+s30+$0x0] =	vst.idx.msk $0xffff, v3;
	v2 =	vor.u32 s5, v4  }
0x879: {  	v3 =	vld [tilespmem:s6+$0x8260];
	v2 =	vor.u32 $0x8, v2  }
0x87a: {  	s7 =	sor.u32 $0x70, s11  }
.Ltmp19:
0x87b: {  	v4 =	vmov s7;
	(pc) =	sbr.rel @p1 .LBB2_35-.Ltmp19, $4  }
0x87c: {  	v4 =	vshll.u32 v4, $0x4  }
0x87d: {  	v4 =	vor.u32 v1, v4  }
0x87e: {  	[tilespmem:v2+s30+$0x0] =	vst.idx.msk $0xffff, v3;
	v3 =	vor.u32 s5, v4  }
0x87f: {  	s8 =	sadd.s32 $0x1, s8;
	s5 =	sshll.u32 s3, $0x4;
	v2 =	vld [tilespmem:s6+$0x8270];
	v3 =	vor.u32 $0x8, v3  }
0x880: {  	s6 =	sand.u32 $0xFFFFFF80, s5  }
0x881: {  	v4 =	vmov s6  }
0x882: {  	s5 =	sand.u32 $0x7, s3;
	s9 =	sshll.u32 s3, $0x7;
	v4 =	vshll.u32 v4, $0x4  }
0x883: {  	s3 =	sand.u32 $0x3FFFFC00, s9;
	s7 =	sshll.u32 s5, $0x7;
	v4 =	vor.u32 v1, v4  }
0x884: {  	s3 =	sor.u32 s7, s3;
	v4 =	vor.u32 s5, v4;
	[tilespmem:v3+s30+$0x0] =	vst.idx.msk $0xffff, v2  }
0x885: {  	v2 =	vld [tilespmem:s3+$0x8200];
	v3 =	vor.u32 $0x8, v4  }
0x886: {  	s11 =	sor.u32 $0x10, s6  }
0x887: {  	v57 =	vmov s11  }
0x888: {  	v4 =	vshll.u32 v57, $0x4  }
0x889: {  	v4 =	vor.u32 v1, v4  }
0x88a: {  	[tilespmem:v3+s30+$0x0] =	vst.idx.msk $0xffff, v2;
	v2 =	vor.u32 s5, v4  }
0x88b: {  	v3 =	vld [tilespmem:s3+$0x8210];
	v2 =	vor.u32 $0x8, v2  }
0x88c: {  	s12 =	sor.u32 $0x20, s6  }
0x88d: {  	v58 =	vmov s12  }
0x88e: {  	v4 =	vshll.u32 v58, $0x4  }
0x88f: {  	v4 =	vor.u32 v1, v4  }
0x890: {  	[tilespmem:v2+s30+$0x0] =	vst.idx.msk $0xffff, v3;
	v2 =	vor.u32 s5, v4  }
0x891: {  	v3 =	vld [tilespmem:s3+$0x8220];
	v2 =	vor.u32 $0x8, v2  }
0x892: {  	s13 =	sor.u32 $0x30, s6  }
0x893: {  	v59 =	vmov s13  }
0x894: {  	v4 =	vshll.u32 v59, $0x4  }
0x895: {  	v4 =	vor.u32 v1, v4  }
0x896: {  	[tilespmem:v2+s30+$0x0] =	vst.idx.msk $0xffff, v3;
	v2 =	vor.u32 s5, v4  }
0x897: {  	v3 =	vld [tilespmem:s3+$0x8230];
	v2 =	vor.u32 $0x8, v2  }
0x898: {  	s8 =	sor.u32 $0x40, s6  }
0x899: {  	v60 =	vmov s8  }
0x89a: {  	v4 =	vshll.u32 v60, $0x4  }
0x89b: {  	v4 =	vor.u32 v1, v4  }
0x89c: {  	[tilespmem:v2+s30+$0x0] =	vst.idx.msk $0xffff, v3;
	v2 =	vor.u32 s5, v4  }
0x89d: {  	v3 =	vld [tilespmem:s3+$0x8240];
	v2 =	vor.u32 $0x8, v2  }
0x89e: {  	s9 =	sor.u32 $0x50, s6  }
0x89f: {  	v61 =	vmov s9  }
0x8a0: {  	v4 =	vshll.u32 v61, $0x4  }
0x8a1: {  	v4 =	vor.u32 v1, v4  }
0x8a2: {  	[tilespmem:v2+s30+$0x0] =	vst.idx.msk $0xffff, v3;
	v2 =	vor.u32 s5, v4  }
0x8a3: {  	v3 =	vld [tilespmem:s3+$0x8250];
	v2 =	vor.u32 $0x8, v2  }
0x8a4: {  	s11 =	sor.u32 $0x60, s6  }
0x8a5: {  	v62 =	vmov s11  }
0x8a6: {  	v4 =	vshll.u32 v62, $0x4  }
0x8a7: {  	v4 =	vor.u32 v1, v4  }
0x8a8: {  	[tilespmem:v2+s30+$0x0] =	vst.idx.msk $0xffff, v3;
	v2 =	vor.u32 s5, v4  }
0x8a9: {  	v3 =	vld [tilespmem:s3+$0x8260];
	v2 =	vor.u32 $0x8, v2  }
0x8aa: {  	s6 =	sor.u32 $0x70, s6  }
0x8ab: {  	v63 =	vmov s6  }
0x8ac: {  	v4 =	vshll.u32 v63, $0x4  }
0x8ad: {  	v4 =	vor.u32 v1, v4  }
0x8ae: {  	v4 =	vor.u32 s5, v4;
	[tilespmem:v2+s30+$0x0] =	vst.idx.msk $0xffff, v3  }
0x8af: {  	v3 =	vor.u32 $0x8, v4;
	v2 =	vld [tilespmem:s3+$0x8270];
	_ =	sdelay $0x4  }
0x8b0: {  	[tilespmem:v3+s30+$0x0] =	vst.idx.msk $0xffff, v2  }
0x8b1: {  	_ =	swait.ge [sflag:s31], $0x5000  }
0x8b2: {  	[sflag:s31] =	ssyncset.done $0x0  }
0x8b3: {  	[sflag:s31] =	ssyncadd.s32 $0xFFFFB000  }
0x8b4: {  	[spmem:s10] =	stream.indirect.scatter.add.f32 [tilespmem:s30], [sflag:$0x3], $0x10, s0, s4, $0xb8;
	[tilespmem:$0x19A00] =	vst v63  }
0x8b5: {  	s12 =	simm.s32 $0x580;
	s13 =	simm.s32 $0x10200  }
0x8b6: {  	[spmem:s10] =	stream.indirect.scatter.add.f32 [tilespmem:s13], [sflag:$0x3], $0x10, s12, s4, $0xb8;
	[tilespmem:$0x19A00] =	vst v63  }
0x8b7: {  	s6 =	simm.s32 $0x10A00;
	s5 =	simm.s32 $0x600  }
0x8b8: {  	[spmem:s10] =	stream.indirect.scatter.add.f32 [tilespmem:s6], [sflag:$0x3], $0x10, s5, s4, $0xb8;
	[tilespmem:$0x19A00] =	vst v63  }
0x8b9: {  	s7 =	simm.s32 $0x680;
	s8 =	simm.s32 $0x11200  }
0x8ba: {  	[spmem:s10] =	stream.indirect.scatter.add.f32 [tilespmem:s8], [sflag:$0x3], $0x10, s7, s4, $0xb8;
	[tilespmem:$0x19A00] =	vst v63  }
0x8bb: {  	s9 =	simm.s32 $0x700;
	s11 =	simm.s32 $0x11A00  }
0x8bc: {  	[spmem:s10] =	stream.indirect.scatter.add.f32 [tilespmem:s11], [sflag:$0x3], $0x10, s9, s4, $0xb8;
	[tilespmem:$0x19A00] =	vst v63  }
0x8bd: {  	s12 =	simm.s32 $0x780;
	s13 =	simm.s32 $0x12200  }
0x8be: {  	[spmem:s10] =	stream.indirect.scatter.add.f32 [tilespmem:s13], [sflag:$0x3], $0x10, s12, s4, $0xb8;
	[tilespmem:$0x19A00] =	vst v63  }
0x8bf: {  	s5 =	simm.s32 $0x800;
	s6 =	simm.s32 $0x12A00  }
0x8c0: {  	[spmem:s10] =	stream.indirect.scatter.add.f32 [tilespmem:s6], [sflag:$0x3], $0x10, s5, s4, $0xb8;
	[tilespmem:$0x19A00] =	vst v63  }
0x8c1: {  	s7 =	simm.s32 $0x880;
	s8 =	simm.s32 $0x13200  }
0x8c2: {  	[spmem:s10] =	stream.indirect.scatter.add.f32 [tilespmem:s8], [sflag:$0x3], $0x10, s7, s4, $0xb8;
	[tilespmem:$0x19A00] =	vst v63  }
.Ltmp20:
0x8c3: {  	_ = 	snop;
	(pc) =	sbr.rel .LBB2_38-.Ltmp20, $4  }
0x8c4: {  	s9 =	simm.s32 $0x900;
	s11 =	simm.s32 $0x13A00  }
0x8c5: {  	[spmem:s10] =	stream.indirect.scatter.add.f32 [tilespmem:s11], [sflag:$0x3], $0x10, s9, s4, $0xb8;
	[tilespmem:$0x19A00] =	vst v63  }
0x8c6: {  	s12 =	simm.s32 $0x980;
	s13 =	simm.s32 $0x14200  }
0x8c7: {  	[spmem:s10] =	stream.indirect.scatter.add.f32 [tilespmem:s13], [sflag:$0x3], $0x10, s12, s4, $0xb8;
	[tilespmem:$0x19A00] =	vst v63  }
.LBB2_39:
0x8c8: {  	_ =	sfence.sel $0x180000  }
0x8c9: {  	[bflag:$0x0] =	sbarrier.arrive $0xFFFF  }
0x8ca: {  	_ =	strace $0x90000047  }
0x8cb: {  	s0 =	stileid.u32;
	[bflag:$0x2] =	sbarrier.arrive $0xFFFF  }
0x8cc: {  	p0 =	sne.s32 s0, $0x0;
	s0 =	rddreg [dreg:$0x3]  }
0x8cd: {  	s0 =	sadd.s32 @!p0 $0x100000, s0  }
0x8ce: {  	[sflag:s0] =	ssyncadd.tile.s32 @!p0 $0x1;
	_ =	shalt  }
.Lfunc_end2:
_tile_overlayer_lowered:
.L_overlay_start_2:
0x8cf: {  	(tag) =	ssettag $0x2  }
0x8d0: {  	s0 =	rddreg [dreg:$0x0];
	s2 =	stileid.u32  }
0x8d1: {  	s1 =	rddreg [dreg:$0x1];
	p0 =	sne.s32 s2, $0x0  }
0x8d2: {  	s3 =	rddreg [dreg:$0x2];
	[bflag:$0x3] =	sbarrier.arrive $0xFFFF;
	s2 =	simm.s32 @!p0 $0x1C04  }
0x8d3: {  	[timem:s3], [sflag:s2] =	dma.local @!p0 [hbm:s0], s1  }
0x8d4: {  	s0 =	simm.s32 @!p0 $0x4  }
0x8d5: {  	_ =	swait.ge @!p0 [sflag:s0], s1  }
0x8d6: {  	s1 =	ssub.s32 @!p0 $0x0, s1;
	[sflag:s0] =	ssyncset.done @!p0 $0x0  }
0x8d7: {  	[sflag:s0] =	ssyncadd.s32 @!p0 s1  }
0x8d8: {  	[bflag:$0x3] =	sbarrier.arrive $0xFFFF  }
0x8d9: {  	_ =	shalt  }

// kernel: kernel.7.cloned.1.call-start
scs
__scs_entry_jumppad:
0x0: {  	(pc) =	sbr.rel $0x88, $3  }
0x1: {  	(tag) =	ssettag $0x0;
	lr =	simm.s32 $0x1  }
0x2: {  	[smem:$0x3F9F] =	sst lr;
	_ =	strace $0xD0000000  }
0x3: {  	_ = 	snop  }
0x4: {  	_ = 	snop  }
0x5: {  	_ = 	snop  }
0x6: {  	_ = 	snop  }
0x7: {  	_ = 	snop  }
__scs_overlays_trampoline_lowered:
0x8: {  	[smem:$0x3FAE] =	sst s0  }
0x9: {  	[smem:$0x3FAF] =	sst s1  }
0xa: {  	[smem:$0x3FB0] =	sst s2  }
0xb: {  	[smem:$0x3FB1] =	sst s3  }
0xc: {  	[smem:$0x3FB2] =	sst s4  }
0xd: {  	[smem:$0x3FB3] =	sst s5  }
0xe: {  	[smem:$0x3FB4] =	sst s6  }
0xf: {  	[smem:$0x3FB5] =	sst s7  }
0x10: {  	[smem:$0x3FB6] =	sst s8  }
0x11: {  	[smem:$0x3FB7] =	sst s9;
	s0 =	simm.s32 @!p0 $0x0  }
0x12: {  	s1 =	sld [smem:$0x3F9D];
	s0 =	simm.s32 @p0 $0x1  }
0x13: {  	[smem:$0x3FB8] =	sst s0;
	s0 =	simm.s32 @!p1 $0x0  }
0x14: {  	s2 =	sld [smem:$0x3F9C];
	s0 =	simm.s32 @p1 $0x1  }
0x15: {  	[smem:$0x3FB9] =	sst s0;
	s0 =	simm.s32 @!p2 $0x0  }
0x16: {  	s3 =	sld [smem:$0x3FDB];
	s0 =	simm.s32 @p2 $0x1  }
0x17: {  	s4 =	simm.s32 $0x1BF5;
	[smem:$0x3FBB] =	sst s0  }
0x18: {  	s0 =	sld [smem:$0x3F9E];
	_ =	swait.ge [sflag:s4], $0x0  }
0x19: {  	s7 =	sld [smem:$0x3F9F]  }
0x1a: {  	s8 =	sadd.s32 $0xFFFFE003, lr  }
0x1b: {  	s9 =	sadd.s32 $0xFFFFFEF7, lr;
	s5 =	simm.s32 $0xFFFFFFFF;
	p2 =	slt.u32 s8, $0xFFFFF086  }
0x1c: {  	p1 =	slt.u32 s9, $0xF7A;
	s5 =	simm.s32 @!p2 $0x0  }
0x1d: {  	s5 =	simm.s32 @p1 $0x1;
	p0 =	seq.s32 s7, s2  }
0x1e: {  	s7 =	smul.u32 @!p0 $0xF7A, s2;
	p2 =	seq.s32 @!p0 s5, $0x0  }
0x1f: {  	s9 =	smul.u32 $0xF7A, s1;
	s8 =	simm.s32 @!p0 $0x1BF5;
	p2 =	por !p2, p0  }
0x20: {  	[sflag:s8] =	ssyncset.s32 @!p0 $0xFFFFF086;
	s6 =	sadd.s32 @!p0 s3, s7;
	s7 =	simm.s32 @!p0 $0x108  }
0x21: {  	s3 =	sadd.s32 s3, s9;
	s6 =	sadd.s32 @!p0 $0x88, s6;
	s7 =	simm.s32 @p2 $0x1082  }
0x22: {  	[simem:s7], [sflag:s8] =	dma.local @!p0 [hbm:s6], $0xF7A  }
0x23: {  	s9 =	sor.u32 $0xD0000000, s2;
	s6 =	simm.s32 $0x108;
	_ =	swait.ge @!p0 [sflag:s8], $0x0  }
0x24: {  	s3 =	sadd.s32 $0x88, s3;
	s6 =	simm.s32 @!p1 $0x1082;
	[sflag:s4] =	ssyncset.s32 $0xFFFFF086  }
0x25: {  	[simem:s6], [sflag:s4] =	dma.local [hbm:s3], $0xF7A  }
0x26: {  	[smem:$0x3F9F] =	sst s1;
	(tag) =	ssettag s2;
	_ =	strace s9  }
0x27: {  	s1 =	sld [smem:$0x3FAF]  }
0x28: {  	s2 =	sld [smem:$0x3FB0]  }
0x29: {  	s4 =	sld [smem:$0x3FB2]  }
0x2a: {  	p0 =	seq.s32 s5, $0x0;
	s5 =	sld [smem:$0x3FB3]  }
0x2b: {  	s6 =	sld [smem:$0x3FB4]  }
0x2c: {  	s7 =	sld [smem:$0x3FB5]  }
0x2d: {  	s3 =	simm.s32 $0x108;
	s8 =	sld [smem:$0x3FB6]  }
0x2e: {  	s3 =	simm.s32 @!p0 $0x1082;
	s9 =	sld [smem:$0x3FB7]  }
0x2f: {  	lr =	sadd.s32 s0, s3;
	s0 =	sld [smem:$0x3FAE]  }
0x30: {  	s3 =	sld [smem:$0x3FB1]  }
0x31: {  	[smem:$0x3FBA] =	sst s10  }
0x32: {  	s10 =	sld [smem:$0x3FB8];
	_ =	sdelay $0x3  }
0x33: {  	p0 =	seq.s32 s10, $0x1;
	s10 =	sld [smem:$0x3FBA];
	_ =	sdelay $0x3  }
0x34: {  	[smem:$0x3FBA] =	sst s10  }
0x35: {  	s10 =	sld [smem:$0x3FB9];
	_ =	sdelay $0x3  }
0x36: {  	p1 =	seq.s32 s10, $0x1;
	s10 =	sld [smem:$0x3FBA];
	_ =	sdelay $0x3  }
0x37: {  	[smem:$0x3FBA] =	sst s10  }
0x38: {  	s10 =	sld [smem:$0x3FBB]  }
0x39: {  	_ = 	snop;
	(pc) =	sbr.ind lr, $3  }
0x3a: {  	_ = 	snop  }
0x3b: {  	_ = 	snop  }
0x3c: {  	p2 =	seq.s32 s10, $0x1;
	s10 =	sld [smem:$0x3FBA]  }
0x3d: {  	_ =	shalt  }
0x3e: {  	_ =	shalt  }
0x3f: {  	_ =	shalt  }
0x40: {  	_ =	shalt  }
0x41: {  	_ =	shalt  }
0x42: {  	_ =	shalt  }
0x43: {  	_ =	shalt  }
0x44: {  	_ =	shalt  }
0x45: {  	_ =	shalt  }
0x46: {  	_ =	shalt  }
0x47: {  	_ =	shalt  }
0x48: {  	_ =	shalt  }
0x49: {  	_ =	shalt  }
0x4a: {  	_ =	shalt  }
0x4b: {  	_ =	shalt  }
0x4c: {  	_ =	shalt  }
0x4d: {  	_ =	shalt  }
0x4e: {  	_ =	shalt  }
0x4f: {  	_ =	shalt  }
0x50: {  	_ =	shalt  }
0x51: {  	_ =	shalt  }
0x52: {  	_ =	shalt  }
0x53: {  	_ =	shalt  }
0x54: {  	_ =	shalt  }
0x55: {  	_ =	shalt  }
0x56: {  	_ =	shalt  }
0x57: {  	_ =	shalt  }
0x58: {  	_ =	shalt  }
0x59: {  	_ =	shalt  }
0x5a: {  	_ =	shalt  }
0x5b: {  	_ =	shalt  }
0x5c: {  	_ =	shalt  }
0x5d: {  	_ =	shalt  }
0x5e: {  	_ =	shalt  }
0x5f: {  	_ =	shalt  }
0x60: {  	_ =	shalt  }
0x61: {  	_ =	shalt  }
0x62: {  	_ =	shalt  }
0x63: {  	_ =	shalt  }
0x64: {  	_ =	shalt  }
0x65: {  	_ =	shalt  }
0x66: {  	_ =	shalt  }
0x67: {  	_ =	shalt  }
0x68: {  	_ =	shalt  }
0x69: {  	_ =	shalt  }
0x6a: {  	_ =	shalt  }
0x6b: {  	_ =	shalt  }
0x6c: {  	_ =	shalt  }
0x6d: {  	_ =	shalt  }
0x6e: {  	_ =	shalt  }
0x6f: {  	_ =	shalt  }
0x70: {  	_ =	shalt  }
0x71: {  	_ =	shalt  }
0x72: {  	_ =	shalt  }
0x73: {  	_ =	shalt  }
0x74: {  	_ =	shalt  }
0x75: {  	_ =	shalt  }
0x76: {  	_ =	shalt  }
0x77: {  	_ =	shalt  }
0x78: {  	_ =	shalt  }
0x79: {  	_ =	shalt  }
0x7a: {  	_ =	shalt  }
0x7b: {  	_ =	shalt  }
0x7c: {  	_ =	shalt  }
0x7d: {  	_ =	shalt  }
0x7e: {  	_ =	shalt  }
0x7f: {  	_ =	shalt  }
0x80: {  	_ =	shalt  }
0x81: {  	_ =	shalt  }
0x82: {  	_ =	shalt  }
0x83: {  	_ =	shalt  }
0x84: {  	_ =	shalt  }
0x85: {  	_ =	shalt  }
0x86: {  	_ =	shalt  }
0x87: {  	_ =	shalt  }
.Lfunc_end0:
.L_simem_size_0:
called_computation.1_lowered:
.L_overlay_start_0:
0x88: {  	s2 =	sld [smem:$0x3FD9]  }
0x89: {  	s3 =	sld [smem:$0x3FFE];
	_ =	sdelay $0x1  }
0x8a: {  	s1 =	srdreg.scid  }
0x8b: {  	s0 =	sand.u32 $0x1, s1  }
0x8c: {  	s17 =	sshll.u32 s0, $0xA;
	s2 =	sadd.s32 s3, s2  }
0x8d: {  	s2 =	sadd.s32 s2, s17  }
0x8e: {  	[smem:$0x3FC6] =	sst s2  }
0x8f: {  	_ = 	snop  }
0x90: {  	s2 =	sld [smem:$0x3FD0];
	(tm) =	ssettm $0x1  }
0x91: {  	s18 =	sld [smem:$0x3FFB];
	_ =	sdelay $0x3  }
0x92: {  	_ =	strace s18  }
0x93: {  	s3 =	sld [smem:$0x3FFC];
	_ =	sdelay $0x3  }
0x94: {  	_ =	strace s3  }
0x95: {  	s3 =	sld [smem:$0x3FFD];
	_ =	sdelay $0x3  }
0x96: {  	_ =	strace s3  }
0x97: {  	_ =	strace $0x8FFFFFFF  }
0x98: {  	s19 =	sld [smem:$0x3FDB];
	_ =	sdelay $0x1  }
0x99: {  	s4 =	simm.s32 $_scs_section_size  }
0x9a: {  	s5 =	simm.s32 $_size__tile_overlayer_lowered;
	s6 =	simm.s32 $_tile_overlayer_lowered  }
0x9b: {  	s22 =	simm.s32 $0x1BFF;
	s21 =	sshll.u32 s6, $0x1;
	s3 =	sadd.s32 s4, s19  }
0x9c: {  	s7 =	simm.s32 $0x0;
	s20 =	sshll.u32 s5, $0x1;
	s5 =	sadd.s32 s21, s3  }
0x9d: {  	[timem:s7], [sflag:s22] =	dma.local [hbm:s5], s20  }
0x9e: {  	_ =	swait.ge [sflag:s22], s20  }
0x9f: {  	s4 =	ssub.s32 $0x0, s20;
	[sflag:s22] =	ssyncset.done $0x0  }
0xa0: {  	[sflag:s22] =	ssyncadd.s32 s4;
	_ =	sdelay $0x1  }
0xa1: {  	s23 =	simm.s32 $0x1B8B  }
0xa2: {  	_ =	swait.ge [sflag:s23], $0x1  }
0xa3: {  	[sflag:s23] =	ssyncset.done $0x0  }
0xa4: {  	s25 =	simm.s32 $0x1B8E;
	s24 =	sld [smem:$0x3FFE];
	[sflag:s23] =	ssyncadd.s32 $0xFFFFFFFF  }
0xa5: {  	s26 =	simm.s32 $execute0_lowered;
	[smem:$0x3FD2] =	sst s25  }
0xa6: {  	s5 =	sshll.u32 s26, $0x1;
	_ =	strace $0x80000049;
	[dreg:$0x1] =	wrdreg $0xFFFFFFFF  }
0xa7: {  	s28 =	simm.s32 $_size_execute0_lowered;
	s3 =	sadd.s32 s3, s5;
	[dreg:$0x0] =	wrdreg $0x0  }
0xa8: {  	s5 =	sshll.u32 s28, $0x1;
	[dreg:$0x2] =	wrdreg s3  }
0xa9: {  	[dreg:$0x3] =	wrdreg s5  }
0xaa: {  	[dreg:$0x4] =	wrdreg $0xC0  }
0xab: {  	_ =	task [dreg:s7], $0x5FFFF  }
0xac: {  	[dreg:$0x1] =	wrdreg $0xFFFFFFFF  }
0xad: {  	[dreg:$0x0] =	wrdreg $0x60  }
0xae: {  	[dreg:$0x2] =	wrdreg s24  }
0xaf: {  	[dreg:$0x3] =	wrdreg s2  }
0xb0: {  	[dreg:$0x4] =	wrdreg $0x9  }
0xb1: {  	_ =	task.clear_ibuf [dreg:s7], $0x5FFFF;
	_ =	strace $0x90000049  }
0xb2: {  	s29 =	simm.s32 $0x9;
	_ =	strace $0x8000004B  }
0xb3: {  	_ =	swait.ge [sflag:s29], $0x1  }
0xb4: {  	[sflag:s29] =	ssyncadd.s32 $0xFFFFFFFF  }
0xb5: {  	_ =	strace $0x9000004B  }
0xb6: {  	_ =	sfence  }
0xb7: {  	s30 =	sld [smem:$0x0];
	_ =	sdelay $0x2  }
0xb8: {  	s31 =	sshll.u32 s1, $0xD;
	s1 =	sshrl.u32 s1, $0x2  }
0xb9: {  	s3 =	sand.u32 $0x4000, s31;
	s1 =	sadd.s32 s1, s30  }
0xba: {  	s0 =	sor.u32 s3, s0;
	s1 =	sshll.u32 s1, $0x11  }
0xbb: {  	s0 =	sor.u32 s1, s0  }
0xbc: {  	s0 =	sadd.s32 $0x8F2B, s0  }
0xbd: {  	[sflag:s0] =	ssyncadd.remote.s32 $0x1  }
0xbe: {  	_ =	sfence.sel $0xFFFF  }
0xbf: {  	[dreg:$0x0] =	wrdreg $0xFFFFFFFF;
	(pc) =	sbr.abs _section_cstart, $3  }
0xc0: {  	[dreg:$0x1] =	wrdreg $0xFFFFFFFF  }
0xc1: {  	_ =	task.clear_ibuf [dreg:s7], $0x2FFFF;
	_ =	strace $0x9FFFFFFF  }
0xc2: {  	(tm) =	ssettm $0x7FFFFFFF  }
0xc3: {  	_ =	shalt  }
tec
execute0_lowered:
.L_overlay_start_1:
0x0: {  	(tag) =	ssettag $0x1  }
0x1: {  	s1 =	srdreg.scid;
	s0 =	stileid.u32  }
0x2: {  	s5 =	sand.u32 $0x1, s1;
	s6 =	sshll.u32 s0, $0x1  }
0x3: {  	s6 =	sor.u32 s5, s6  }
0x4: {  	p0 =	sgt.u32 s6, $0x18  }
.Ltmp0:
0x5: {  	_ = 	snop;
	(pc) =	sbr.rel @p0 .LBB2_5-.Ltmp0, $4  }
0x6: {  	s3 =	rddreg [dreg:$0x0]  }
0x7: {  	s4 =	rddreg [dreg:$0x1];
	s2 =	simm.s32 $0x0  }
0x8: {  	[smem:$0x7FF] =	sst s2  }
0x9: {  	s1 =	rddreg [dreg:$0x2];
	_ =	strace $0x8000004A  }
0xa: {  	s6 =	smul.u32 $0x1900, s6;
	s5 =	ssub.s32 $0x2, s5  }
0xb: {  	s7 =	sadd.s32 $0x14200, s3;
	s9 =	simm.s32 $0x2;
	s8 =	sshrl.u32 s5, $0x1  }
0xc: {  	s10 =	simm.s32 $0x0;
	s6 =	sshrl.u32 s6, $0x3;
	s8 =	ssub.s32 s5, s8  }
0xd: {  	s3 =	sadd.s32 s4, s6;
	s4 =	sadd.s32 s7, s6;
	s6 =	smax.u32 s8, $0x1  }
0xe: {  	s7 =	simm.s32 $0x1900;
	s8 =	simm.s32 $0x1;
	s5 =	sadd.s32 $0x5000, s4  }
.LBB2_2:
0xf: {  	s11 =	simm.s32 $0x0  }
0x10: {  	[tilespmem:s11], [sflag:$0x1] =	stream.linear.gather [hbm4b:s4+s11], $0x1900, $0x38;
	[tilespmem:$0x3200] =	vst v63  }
0x11: {  	_ = 	snop  }
0x12: {  	[tilespmem:s7], [sflag:$0x1] =	stream.linear.gather [hbm4b:s5+s11], $0x1900, $0x38;
	[tilespmem:$0x3200] =	vst v63  }
0x13: {  	_ =	swait.ge [sflag:s8], $0x1900  }
0x14: {  	[sflag:s8] =	ssyncset.done $0x0  }
0x15: {  	[sflag:s8] =	ssyncadd.s32 $0xFFFFE700  }
0x16: {  	_ =	swait.ge [sflag:s8], $0x1900  }
0x17: {  	[sflag:s8] =	ssyncset.done $0x0  }
0x18: {  	s11 =	simm.s32 $0x0;
	[sflag:s8] =	ssyncadd.s32 $0xFFFFE700  }
0x19: {  	s12 =	simm.s32 $0x40;
	v0 =	vld [tilespmem:s11+$0x1900]  }
.LBB2_3:
0x1a: {  	p0 =	sne.s32 s12, $0x63C0;
	v1 =	vld [tilespmem:s11+$0x0];
	_ =	sdelay $0x2  }
.Ltmp1:
0x1b: {  	(pc) =	sbr.rel @p0 .LBB2_3-.Ltmp1, $4  }
0x1c: {  	_ = 	snop  }
0x1d: {  	v1 =	vadd.f32 v0, v1  }
0x1e: {  	s13 =	sshra.s32 s12, $0x2  }
0x1f: {  	s12 =	sadd.s32 $0x40, s12;
	v0 =	vld [tilespmem:s13+$0x1900];
	[tilespmem:s11+$0x0] =	vst v1;
	s11 =	smov.u32 s13  }
0x20: {  	v1 =	vld [tilespmem:s11+$0x0];
	_ =	sdelay $0x4  }
0x21: {  	s10 =	sadd.s32 $0x1, s10;
	v0 =	vadd.f32 v0, v1  }
0x22: {  	p0 =	sne.s32 s10, s6  }
.Ltmp2:
0x23: {  	[tilespmem:s11+$0x0] =	vst v0;
	(pc) =	sbr.rel @p0 .LBB2_2-.Ltmp2, $4  }
0x24: {  	[hbm4b:s3+s2] =	stream.linear.scatter [tilespmem:s2], [sflag:$0x2], $0x1900, $0x38;
	[tilespmem:$0x3200] =	vst v63  }
0x25: {  	_ =	swait.ge [sflag:s9], $0x1900  }
0x26: {  	[sflag:s9] =	ssyncset.done $0x0  }
0x27: {  	[sflag:s9] =	ssyncadd.s32 $0xFFFFE700  }
.LBB2_5:
0x28: {  	_ =	sfence.sel $0x180000  }
0x29: {  	[bflag:$0x0] =	sbarrier.arrive $0xFFFF  }
0x2a: {  	p0 =	sne.s32 s0, $0x0;
	_ =	strace $0x9000004A  }
0x2b: {  	s0 =	sadd.s32 @!p0 $0x100000, s1;
	[bflag:$0x2] =	sbarrier.arrive $0xFFFF  }
0x2c: {  	[sflag:s0] =	ssyncadd.tile.s32 @!p0 $0x1;
	_ =	shalt  }
.Lfunc_end2:
_tile_overlayer_lowered:
.L_overlay_start_2:
0x2d: {  	(tag) =	ssettag $0x2  }
0x2e: {  	s0 =	rddreg [dreg:$0x0];
	s2 =	stileid.u32  }
0x2f: {  	s1 =	rddreg [dreg:$0x1];
	p0 =	sne.s32 s2, $0x0  }
0x30: {  	s3 =	rddreg [dreg:$0x2];
	[bflag:$0x3] =	sbarrier.arrive $0xFFFF;
	s2 =	simm.s32 @!p0 $0x1C02  }
0x31: {  	[timem:s3], [sflag:s2] =	dma.local @!p0 [hbm:s0], s1  }
0x32: {  	s0 =	simm.s32 @!p0 $0x2  }
0x33: {  	_ =	swait.ge @!p0 [sflag:s0], s1  }
0x34: {  	s1 =	ssub.s32 @!p0 $0x0, s1;
	[sflag:s0] =	ssyncset.done @!p0 $0x0  }
0x35: {  	[sflag:s0] =	ssyncadd.s32 @!p0 s1  }
0x36: {  	[bflag:$0x3] =	sbarrier.arrive $0xFFFF  }
0x37: {  	_ =	shalt  }

</sc_bundles>
